<compile_context>
chip_gen: v7x
topology: tpu7x:2x2x1
jax: 0.10.2.dev20260603
libtpu: 0.0.44.dev20260713+nightly
codegen_flags: <defaults>
</compile_context>

<pallas_src>
import jax
import jax.numpy as jnp
from jax import lax
from jax.experimental import pallas as pl
from jax.experimental.pallas import tpu as pltpu
from jax.experimental.pallas import tpu_sc as plsc

L = 16
NW = 32
D = 32
B = 16384
BPW = B // NW
CH = 128
NCH = BPW // CH
Q = 4


def _body(user_hbm, item_hbm, uft_hbm, ift_hbm, ub_hbm, ib_hbm, gb_hbm, out_hbm,
          uidx_v, iidx_v, upan, ipan, ubuf, ibuf, ubias_v, ibias_v,
          gb_v, out_v, sem0, sem1, bsem):
    c = lax.axis_index("c")
    s = lax.axis_index("s")
    wid = s * 2 + c
    base = wid * BPW

    pltpu.sync_copy(user_hbm.at[pl.ds(base, BPW)], uidx_v)
    pltpu.sync_copy(item_hbm.at[pl.ds(base, BPW)], iidx_v)
    pltpu.sync_copy(gb_hbm, gb_v)

    bias_cps = []
    for k in range(NCH):
        dst = pl.ds(k * CH, CH)
        bias_cps.append(
            pltpu.async_copy(ub_hbm.at[uidx_v.at[dst]], ubias_v.at[dst], bsem))
        bias_cps.append(
            pltpu.async_copy(ib_hbm.at[iidx_v.at[dst]], ibias_v.at[dst], bsem))

    d_all = pl.ds(0, D)
    jlo = lax.iota(jnp.int32, L)
    jhi = jlo + L
    sems = (sem0, sem1)

    def issue(e_vec, lane, slot, k):
        u = e_vec[0][lane]
        t = e_vec[1][lane]
        qu = pl.multiple_of((u >> 7) << 7, 128)
        qt = pl.multiple_of((t >> 7) << 7, 128)
        pltpu.async_copy(uft_hbm.at[d_all, pl.ds(qu, CH)],
                         upan.at[slot * Q + k], sems[slot])
        pltpu.async_copy(ift_hbm.at[d_all, pl.ds(qt, CH)],
                         ipan.at[slot * Q + k], sems[slot])

    def drain(slot):
        for k in range(Q):
            pltpu.make_async_copy(uft_hbm.at[d_all, pl.ds(0, CH)],
                                  upan.at[slot * Q + k], sems[slot]).wait()
            pltpu.make_async_copy(uft_hbm.at[d_all, pl.ds(0, CH)],
                                  ipan.at[slot * Q + k], sems[slot]).wait()

    def extract(e_vec, lane, slot, k, r):
        mu = jnp.full((L,), e_vec[0][lane] & 127, jnp.int32)
        mt = jnp.full((L,), e_vec[1][lane] & 127, jnp.int32)
        up = upan.at[slot * Q + k]
        ip = ipan.at[slot * Q + k]
        ubuf[pl.ds(r, L)] = plsc.load_gather(up, [jlo, mu])
        ubuf[pl.ds(r + L, L)] = plsc.load_gather(up, [jhi, mu])
        ibuf[pl.ds(r, L)] = plsc.load_gather(ip, [jlo, mt])
        ibuf[pl.ds(r + L, L)] = plsc.load_gather(ip, [jhi, mt])

    def pipe(p, carry):
        pvu, pvi = carry
        vu = uidx_v[pl.ds(p * L, L)]
        vi = iidx_v[pl.ds(p * L, L)]
        cur = (vu, vi)
        prev = (pvu, pvi)
        for qq in range(4):
            slot = qq % 2
            for k in range(Q):
                issue(cur, qq * Q + k, slot, k)
            pslot = (qq + 1) % 2
            if qq == 0:
                @pl.when(p > 0)
                def _():
                    drain(pslot)
                    for k in range(Q):
                        r = ((p - 1) * L + 3 * Q + k) * D
                        extract(prev, 3 * Q + k, pslot, k, r)
            else:
                drain(pslot)
                for k in range(Q):
                    r = (p * L + (qq - 1) * Q + k) * D
                    extract(cur, (qq - 1) * Q + k, pslot, k, r)
        return cur

    zero16 = jnp.zeros((L,), jnp.int32)
    lvu, lvi = lax.fori_loop(0, BPW // L, pipe, (zero16, zero16))
    drain(1)
    last = (lvu, lvi)
    for k in range(Q):
        r = ((BPW // L - 1) * L + 3 * Q + k) * D
        extract(last, 3 * Q + k, 1, k, r)
    for cp in bias_cps:
        cp.wait()

    gb_vec = gb_v[...]
    lane32 = lax.iota(jnp.int32, L) * D

    def group(g, carry):
        l0 = g * L
        acc = gb_vec + ubias_v[pl.ds(l0, L)] + ibias_v[pl.ds(l0, L)]
        for j in range(D):
            idx = lane32 + (g * (L * D) + j)
            acc = acc + plsc.load_gather(ubuf, [idx]) * plsc.load_gather(ibuf, [idx])
        out_v[pl.ds(l0, L)] = acc
        return carry

    lax.fori_loop(0, BPW // L, group, 0)
    pltpu.sync_copy(out_v, out_hbm.at[pl.ds(base, BPW)])


def kernel(user, item, user_factors, item_factors, user_bias, item_bias, global_bias):
    uft = user_factors.T
    ift = item_factors.T
    ub_flat = user_bias.reshape(-1)
    ib_flat = item_bias.reshape(-1)
    gb16 = jnp.broadcast_to(global_bias.astype(jnp.float32), (L,))
    mesh = plsc.VectorSubcoreMesh(core_axis_name="c", subcore_axis_name="s")
    k = pl.kernel(
        _body,
        mesh=mesh,
        out_type=jax.ShapeDtypeStruct((B,), jnp.float32),
        compiler_params=pltpu.CompilerParams(needs_layout_passes=False),
        scratch_types=[
            pltpu.VMEM((BPW,), jnp.int32),
            pltpu.VMEM((BPW,), jnp.int32),
            pltpu.VMEM((2 * Q, D, CH), jnp.float32),
            pltpu.VMEM((2 * Q, D, CH), jnp.float32),
            pltpu.VMEM((BPW * D,), jnp.float32),
            pltpu.VMEM((BPW * D,), jnp.float32),
            pltpu.VMEM((BPW,), jnp.float32),
            pltpu.VMEM((BPW,), jnp.float32),
            pltpu.VMEM((L,), jnp.float32),
            pltpu.VMEM((BPW,), jnp.float32),
            pltpu.SemaphoreType.DMA,
            pltpu.SemaphoreType.DMA,
            pltpu.SemaphoreType.DMA,
        ],
    )
    return k(user.astype(jnp.int32), item.astype(jnp.int32), uft, ift,
             ub_flat, ib_flat, gb16)

# --- scband reference (transcript-rebuilt; emitter-appended) ---
"""Pipeline reference for scband-matrix-factorization-32804960206929 (READ-ONLY COPY).

The authoritative reference and input builder live on the scoring server;
editing this copy changes nothing except your own understanding.
"""

import jax, jax.numpy as jnp
import numpy as np

NUM_USERS = 1000000
NUM_ITEMS = 1000000
N_FACTORS = 32
BATCH = 16384

def setup_inputs(seed: int = 0) -> dict:
    key = jax.random.key(seed)
    k1, k2, k3, k4 = jax.random.split(key, 4)
    user = jax.random.randint(k1, (BATCH,), 0, NUM_USERS, dtype=jnp.int64 if jax.config.jax_enable_x64 else jnp.int32)
    item = jax.random.randint(k2, (BATCH,), 0, NUM_ITEMS, dtype=jnp.int64 if jax.config.jax_enable_x64 else jnp.int32)
    user_factors = jax.random.normal(k3, (NUM_USERS, N_FACTORS), dtype=jnp.float32) * 0.01
    item_factors = jax.random.normal(k4, (NUM_ITEMS, N_FACTORS), dtype=jnp.float32) * 0.01
    user_bias = jnp.zeros((NUM_USERS, 1), dtype=jnp.float32)
    item_bias = jnp.zeros((NUM_ITEMS, 1), dtype=jnp.float32)
    global_bias = jnp.zeros((1,), dtype=jnp.float32)
    return {"user": user, "item": item, "user_factors": user_factors, "item_factors": item_factors, "user_bias": user_bias, "item_bias": item_bias, "global_bias": global_bias}

def reference(user, item, user_factors, item_factors, user_bias, item_bias, global_bias):
    user_embedding = jnp.take(user_factors, user, axis=0)
    item_embedding = jnp.take(item_factors, item, axis=0)
    ub = jnp.take(user_bias, user, axis=0).squeeze(-1)
    ib = jnp.take(item_bias, item, axis=0).squeeze(-1)
    rating = jnp.sum(user_embedding * item_embedding, axis=1) + ub + ib + global_bias
    return rating

if __name__ == "__main__":
    import jax
    _d = setup_inputs()
    print(jax.jit(kernel)(*tuple(_d.values())))

</pallas_src>

<mosaic_0001>
#map = affine_map<(d0, d1) -> (0)>
#map1 = affine_map<(d0, d1) -> (0, 0)>
module attributes {stable_mosaic.version = 14 : i64} {
  func.func @_body(%arg0: i32, %arg1: i32, %arg2: memref<16384xi32, #tpu.memory_space<hbm>>, %arg3: memref<16384xi32, #tpu.memory_space<hbm>>, %arg4: memref<32x1000000xf32, #tpu.memory_space<hbm>>, %arg5: memref<32x1000000xf32, #tpu.memory_space<hbm>>, %arg6: memref<1000000xf32, #tpu.memory_space<hbm>>, %arg7: memref<1000000xf32, #tpu.memory_space<hbm>>, %arg8: memref<16xf32, #tpu.memory_space<hbm>>, %arg9: memref<16384xf32, #tpu.memory_space<hbm>>, %arg10: memref<512xi32, #tpu.memory_space<vmem>>, %arg11: memref<512xi32, #tpu.memory_space<vmem>>, %arg12: memref<8x32x128xf32, #tpu.memory_space<vmem>>, %arg13: memref<8x32x128xf32, #tpu.memory_space<vmem>>, %arg14: memref<16384xf32, #tpu.memory_space<vmem>>, %arg15: memref<16384xf32, #tpu.memory_space<vmem>>, %arg16: memref<512xf32, #tpu.memory_space<vmem>>, %arg17: memref<512xf32, #tpu.memory_space<vmem>>, %arg18: memref<16xf32, #tpu.memory_space<vmem>>, %arg19: memref<512xf32, #tpu.memory_space<vmem>>, %arg20: memref<!tpu.dma_semaphore, #tpu.memory_space<semaphore_mem>>, %arg21: memref<!tpu.dma_semaphore, #tpu.memory_space<semaphore_mem>>, %arg22: memref<!tpu.dma_semaphore, #tpu.memory_space<semaphore_mem>>) attributes {dimension_semantics = [#tpu.dimension_semantics<core_parallel>, #tpu.dimension_semantics<subcore_parallel>], iteration_bounds = array<i64: 2, 16>, scalar_prefetch = 0 : i64, scratch_operands = 13 : i64, tpu.core_type = #tpu.core_type<sc_vector_subcore>, window_params = [{transform_indices = #map}, {transform_indices = #map}, {transform_indices = #map1}, {transform_indices = #map1}, {transform_indices = #map}, {transform_indices = #map}, {transform_indices = #map}, {transform_indices = #map}]} {
    %mul3A = arith.constant 2 : i32
    %mul3A_0 = arith.muli %arg1, %mul3A : i32
    %add3A = arith.addi %mul3A_0, %arg0 : i32
    %mul3A_1 = arith.constant 512 : i32
    %mul3A_2 = arith.muli %add3A, %mul3A_1 : i32
    "tpu.region"() ({
      %run_scoped3A = tpu.sem_alloc : memref<!tpu.dma_semaphore, #tpu.memory_space<semaphore_mem>>
      %dma_start3A_400 = tpu.memref_slice %arg2[%mul3A_2] : memref<16384xi32, #tpu.memory_space<hbm>> -> memref<512xi32, #tpu.memory_space<hbm>>
      %dma_start3A_401 = tpu.memref_slice %arg2[%mul3A_2] : memref<16384xi32, #tpu.memory_space<hbm>> -> memref<512xi32, #tpu.memory_space<hbm>>
      tpu.enqueue_dma source(%dma_start3A_401 : memref<512xi32, #tpu.memory_space<hbm>>) target(%arg10 : memref<512xi32, #tpu.memory_space<vmem>>) target_semaphore(%run_scoped3A : memref<!tpu.dma_semaphore, #tpu.memory_space<semaphore_mem>>)
      %dma_wait3A_402 = tpu.memref_slice %arg2[%mul3A_2] : memref<16384xi32, #tpu.memory_space<hbm>> -> memref<512xi32, #tpu.memory_space<hbm>>
      %dma_wait3A_403 = tpu.memref_slice %arg2[%mul3A_2] : memref<16384xi32, #tpu.memory_space<hbm>> -> memref<512xi32, #tpu.memory_space<hbm>>
      tpu.wait_dma2 semaphore(%run_scoped3A : memref<!tpu.dma_semaphore, #tpu.memory_space<semaphore_mem>>) src(%dma_wait3A_403 : memref<512xi32, #tpu.memory_space<hbm>>) dst(%arg10 : memref<512xi32, #tpu.memory_space<vmem>>)
      tpu.yield
    }) : () -> ()
    "tpu.region"() ({
      %run_scoped3A = tpu.sem_alloc : memref<!tpu.dma_semaphore, #tpu.memory_space<semaphore_mem>>
      %dma_start3A_400 = tpu.memref_slice %arg3[%mul3A_2] : memref<16384xi32, #tpu.memory_space<hbm>> -> memref<512xi32, #tpu.memory_space<hbm>>
      %dma_start3A_401 = tpu.memref_slice %arg3[%mul3A_2] : memref<16384xi32, #tpu.memory_space<hbm>> -> memref<512xi32, #tpu.memory_space<hbm>>
      tpu.enqueue_dma source(%dma_start3A_401 : memref<512xi32, #tpu.memory_space<hbm>>) target(%arg11 : memref<512xi32, #tpu.memory_space<vmem>>) target_semaphore(%run_scoped3A : memref<!tpu.dma_semaphore, #tpu.memory_space<semaphore_mem>>)
      %dma_wait3A_402 = tpu.memref_slice %arg3[%mul3A_2] : memref<16384xi32, #tpu.memory_space<hbm>> -> memref<512xi32, #tpu.memory_space<hbm>>
      %dma_wait3A_403 = tpu.memref_slice %arg3[%mul3A_2] : memref<16384xi32, #tpu.memory_space<hbm>> -> memref<512xi32, #tpu.memory_space<hbm>>
      tpu.wait_dma2 semaphore(%run_scoped3A : memref<!tpu.dma_semaphore, #tpu.memory_space<semaphore_mem>>) src(%dma_wait3A_403 : memref<512xi32, #tpu.memory_space<hbm>>) dst(%arg11 : memref<512xi32, #tpu.memory_space<vmem>>)
      tpu.yield
    }) : () -> ()
    "tpu.region"() ({
      %run_scoped3A = tpu.sem_alloc : memref<!tpu.dma_semaphore, #tpu.memory_space<semaphore_mem>>
      tpu.enqueue_dma source(%arg8 : memref<16xf32, #tpu.memory_space<hbm>>) target(%arg18 : memref<16xf32, #tpu.memory_space<vmem>>) target_semaphore(%run_scoped3A : memref<!tpu.dma_semaphore, #tpu.memory_space<semaphore_mem>>)
      tpu.wait_dma2 semaphore(%run_scoped3A : memref<!tpu.dma_semaphore, #tpu.memory_space<semaphore_mem>>) src(%arg8 : memref<16xf32, #tpu.memory_space<hbm>>) dst(%arg18 : memref<16xf32, #tpu.memory_space<vmem>>)
      tpu.yield
    }) : () -> ()
    %dma_start3A = arith.constant 0 : i32
    %dma_start3A_3 = tpu.memref_slice %arg16[%dma_start3A] : memref<512xf32, #tpu.memory_space<vmem>> -> memref<128xf32, #tpu.memory_space<vmem>>
    %dma_start3A_4 = arith.constant 0 : i32
    %dma_start3A_5 = tpu.memref_slice %arg10[%dma_start3A_4] : memref<512xi32, #tpu.memory_space<vmem>> -> memref<128xi32, #tpu.memory_space<vmem>>
    %dma_start3A_6 = arith.constant 0 : i32
    %dma_start3A_7 = tpu.memref_slice %arg6[%dma_start3A_6] : memref<1000000xf32, #tpu.memory_space<hbm>> -> memref<1000000xf32, #tpu.memory_space<hbm>>
    tpu.enqueue_indirect_dma source(%dma_start3A_7 : memref<1000000xf32, #tpu.memory_space<hbm>>) target(%dma_start3A_3 : memref<128xf32, #tpu.memory_space<vmem>>) offsets(%dma_start3A_5 : memref<128xi32, #tpu.memory_space<vmem>>) semaphore(%arg22 : memref<!tpu.dma_semaphore, #tpu.memory_space<semaphore_mem>>)
    %dma_start3A_8 = arith.constant 0 : i32
    %dma_start3A_9 = tpu.memref_slice %arg17[%dma_start3A_8] : memref<512xf32, #tpu.memory_space<vmem>> -> memref<128xf32, #tpu.memory_space<vmem>>
    %dma_start3A_10 = arith.constant 0 : i32
    %dma_start3A_11 = tpu.memref_slice %arg11[%dma_start3A_10] : memref<512xi32, #tpu.memory_space<vmem>> -> memref<128xi32, #tpu.memory_space<vmem>>
    %dma_start3A_12 = arith.constant 0 : i32
    %dma_start3A_13 = tpu.memref_slice %arg7[%dma_start3A_12] : memref<1000000xf32, #tpu.memory_space<hbm>> -> memref<1000000xf32, #tpu.memory_space<hbm>>
    tpu.enqueue_indirect_dma source(%dma_start3A_13 : memref<1000000xf32, #tpu.memory_space<hbm>>) target(%dma_start3A_9 : memref<128xf32, #tpu.memory_space<vmem>>) offsets(%dma_start3A_11 : memref<128xi32, #tpu.memory_space<vmem>>) semaphore(%arg22 : memref<!tpu.dma_semaphore, #tpu.memory_space<semaphore_mem>>)
    %dma_start3A_14 = arith.constant 128 : i32
    %dma_start3A_15 = tpu.memref_slice %arg16[%dma_start3A_14] : memref<512xf32, #tpu.memory_space<vmem>> -> memref<128xf32, #tpu.memory_space<vmem>>
    %dma_start3A_16 = arith.constant 128 : i32
    %dma_start3A_17 = tpu.memref_slice %arg10[%dma_start3A_16] : memref<512xi32, #tpu.memory_space<vmem>> -> memref<128xi32, #tpu.memory_space<vmem>>
    %dma_start3A_18 = arith.constant 0 : i32
    %dma_start3A_19 = tpu.memref_slice %arg6[%dma_start3A_18] : memref<1000000xf32, #tpu.memory_space<hbm>> -> memref<1000000xf32, #tpu.memory_space<hbm>>
    tpu.enqueue_indirect_dma source(%dma_start3A_19 : memref<1000000xf32, #tpu.memory_space<hbm>>) target(%dma_start3A_15 : memref<128xf32, #tpu.memory_space<vmem>>) offsets(%dma_start3A_17 : memref<128xi32, #tpu.memory_space<vmem>>) semaphore(%arg22 : memref<!tpu.dma_semaphore, #tpu.memory_space<semaphore_mem>>)
    %dma_start3A_20 = arith.constant 128 : i32
    %dma_start3A_21 = tpu.memref_slice %arg17[%dma_start3A_20] : memref<512xf32, #tpu.memory_space<vmem>> -> memref<128xf32, #tpu.memory_space<vmem>>
    %dma_start3A_22 = arith.constant 128 : i32
    %dma_start3A_23 = tpu.memref_slice %arg11[%dma_start3A_22] : memref<512xi32, #tpu.memory_space<vmem>> -> memref<128xi32, #tpu.memory_space<vmem>>
    %dma_start3A_24 = arith.constant 0 : i32
    %dma_start3A_25 = tpu.memref_slice %arg7[%dma_start3A_24] : memref<1000000xf32, #tpu.memory_space<hbm>> -> memref<1000000xf32, #tpu.memory_space<hbm>>
    tpu.enqueue_indirect_dma source(%dma_start3A_25 : memref<1000000xf32, #tpu.memory_space<hbm>>) target(%dma_start3A_21 : memref<128xf32, #tpu.memory_space<vmem>>) offsets(%dma_start3A_23 : memref<128xi32, #tpu.memory_space<vmem>>) semaphore(%arg22 : memref<!tpu.dma_semaphore, #tpu.memory_space<semaphore_mem>>)
    %dma_start3A_26 = arith.constant 256 : i32
    %dma_start3A_27 = tpu.memref_slice %arg16[%dma_start3A_26] : memref<512xf32, #tpu.memory_space<vmem>> -> memref<128xf32, #tpu.memory_space<vmem>>
    %dma_start3A_28 = arith.constant 256 : i32
    %dma_start3A_29 = tpu.memref_slice %arg10[%dma_start3A_28] : memref<512xi32, #tpu.memory_space<vmem>> -> memref<128xi32, #tpu.memory_space<vmem>>
    %dma_start3A_30 = arith.constant 0 : i32
    %dma_start3A_31 = tpu.memref_slice %arg6[%dma_start3A_30] : memref<1000000xf32, #tpu.memory_space<hbm>> -> memref<1000000xf32, #tpu.memory_space<hbm>>
    tpu.enqueue_indirect_dma source(%dma_start3A_31 : memref<1000000xf32, #tpu.memory_space<hbm>>) target(%dma_start3A_27 : memref<128xf32, #tpu.memory_space<vmem>>) offsets(%dma_start3A_29 : memref<128xi32, #tpu.memory_space<vmem>>) semaphore(%arg22 : memref<!tpu.dma_semaphore, #tpu.memory_space<semaphore_mem>>)
    %dma_start3A_32 = arith.constant 256 : i32
    %dma_start3A_33 = tpu.memref_slice %arg17[%dma_start3A_32] : memref<512xf32, #tpu.memory_space<vmem>> -> memref<128xf32, #tpu.memory_space<vmem>>
    %dma_start3A_34 = arith.constant 256 : i32
    %dma_start3A_35 = tpu.memref_slice %arg11[%dma_start3A_34] : memref<512xi32, #tpu.memory_space<vmem>> -> memref<128xi32, #tpu.memory_space<vmem>>
    %dma_start3A_36 = arith.constant 0 : i32
    %dma_start3A_37 = tpu.memref_slice %arg7[%dma_start3A_36] : memref<1000000xf32, #tpu.memory_space<hbm>> -> memref<1000000xf32, #tpu.memory_space<hbm>>
    tpu.enqueue_indirect_dma source(%dma_start3A_37 : memref<1000000xf32, #tpu.memory_space<hbm>>) target(%dma_start3A_33 : memref<128xf32, #tpu.memory_space<vmem>>) offsets(%dma_start3A_35 : memref<128xi32, #tpu.memory_space<vmem>>) semaphore(%arg22 : memref<!tpu.dma_semaphore, #tpu.memory_space<semaphore_mem>>)
    %dma_start3A_38 = arith.constant 384 : i32
    %dma_start3A_39 = tpu.memref_slice %arg16[%dma_start3A_38] : memref<512xf32, #tpu.memory_space<vmem>> -> memref<128xf32, #tpu.memory_space<vmem>>
    %dma_start3A_40 = arith.constant 384 : i32
    %dma_start3A_41 = tpu.memref_slice %arg10[%dma_start3A_40] : memref<512xi32, #tpu.memory_space<vmem>> -> memref<128xi32, #tpu.memory_space<vmem>>
    %dma_start3A_42 = arith.constant 0 : i32
    %dma_start3A_43 = tpu.memref_slice %arg6[%dma_start3A_42] : memref<1000000xf32, #tpu.memory_space<hbm>> -> memref<1000000xf32, #tpu.memory_space<hbm>>
    tpu.enqueue_indirect_dma source(%dma_start3A_43 : memref<1000000xf32, #tpu.memory_space<hbm>>) target(%dma_start3A_39 : memref<128xf32, #tpu.memory_space<vmem>>) offsets(%dma_start3A_41 : memref<128xi32, #tpu.memory_space<vmem>>) semaphore(%arg22 : memref<!tpu.dma_semaphore, #tpu.memory_space<semaphore_mem>>)
    %dma_start3A_44 = arith.constant 384 : i32
    %dma_start3A_45 = tpu.memref_slice %arg17[%dma_start3A_44] : memref<512xf32, #tpu.memory_space<vmem>> -> memref<128xf32, #tpu.memory_space<vmem>>
    %dma_start3A_46 = arith.constant 384 : i32
    %dma_start3A_47 = tpu.memref_slice %arg11[%dma_start3A_46] : memref<512xi32, #tpu.memory_space<vmem>> -> memref<128xi32, #tpu.memory_space<vmem>>
    %dma_start3A_48 = arith.constant 0 : i32
    %dma_start3A_49 = tpu.memref_slice %arg7[%dma_start3A_48] : memref<1000000xf32, #tpu.memory_space<hbm>> -> memref<1000000xf32, #tpu.memory_space<hbm>>
    tpu.enqueue_indirect_dma source(%dma_start3A_49 : memref<1000000xf32, #tpu.memory_space<hbm>>) target(%dma_start3A_45 : memref<128xf32, #tpu.memory_space<vmem>>) offsets(%dma_start3A_47 : memref<128xi32, #tpu.memory_space<vmem>>) semaphore(%arg22 : memref<!tpu.dma_semaphore, #tpu.memory_space<semaphore_mem>>)
    %iota3A = tpu.iota {dimensions = array<i32: 0>} : vector<16xi32>
    %add3A_50 = arith.constant 16 : i32
    %add3A_51 = vector.broadcast %add3A_50 : i32 to vector<16xi32>
    %add3A_52 = arith.addi %iota3A, %add3A_51 : vector<16xi32>
    %broadcast_in_dim3A = arith.constant 0 : i32
    %broadcast_in_dim3A_53 = vector.broadcast %broadcast_in_dim3A : i32 to vector<16xi32>
    %scan3A = arith.constant 0 : i32
    %scan3A_54 = arith.constant 32 : i32
    %scan3A_55 = arith.addi %scan3A, %scan3A_54 : i32
    %scan3A_56 = arith.constant 1 : i32
    %scan3A_57:2 = scf.for %scan3A_400 = %scan3A to %scan3A_55 step %scan3A_56 iter_args(%scan3A_401 = %broadcast_in_dim3A_53, %scan3A_402 = %broadcast_in_dim3A_53) -> (vector<16xi32>, vector<16xi32>)  : i32 {
      %mul3A_403 = arith.constant 16 : i32
      %mul3A_404 = arith.muli %scan3A_400, %mul3A_403 : i32
      %get3A_405 = arith.index_cast %mul3A_404 : i32 to index
      %get3A_406 = tpu.vector_load %arg10[%get3A_405] {strides = array<i32>} : memref<512xi32, #tpu.memory_space<vmem>>, vector<16xi32>,
      %mul3A_407 = arith.constant 16 : i32
      %mul3A_408 = arith.muli %scan3A_400, %mul3A_407 : i32
      %get3A_409 = arith.index_cast %mul3A_408 : i32 to index
      %get3A_410 = tpu.vector_load %arg11[%get3A_409] {strides = array<i32>} : memref<512xi32, #tpu.memory_space<vmem>>, vector<16xi32>,
      %slice3A_411 = vector.extract_strided_slice %get3A_406 {offsets = [0], sizes = [1], strides = [1]} : vector<16xi32> to vector<1xi32>
      %squeeze3A_412 = vector.extract %slice3A_411[0] : i32 from vector<1xi32>
      %slice3A_413 = vector.extract_strided_slice %get3A_410 {offsets = [0], sizes = [1], strides = [1]} : vector<16xi32> to vector<1xi32>
      %squeeze3A_414 = vector.extract %slice3A_413[0] : i32 from vector<1xi32>
      %shift_right_arithmetic3A = arith.constant 7 : i32
      %shift_right_arithmetic3A_415 = arith.shrsi %squeeze3A_412, %shift_right_arithmetic3A : i32
      %shift_left3A = arith.constant 7 : i32
      %shift_left3A_416 = arith.shli %shift_right_arithmetic3A_415, %shift_left3A : i32
      %multiple_of3A = tpu.assume_multiple %shift_left3A_416, 128 : i32
      %shift_right_arithmetic3A_417 = arith.constant 7 : i32
      %shift_right_arithmetic3A_418 = arith.shrsi %squeeze3A_414, %shift_right_arithmetic3A_417 : i32
      %shift_left3A_419 = arith.constant 7 : i32
      %shift_left3A_420 = arith.shli %shift_right_arithmetic3A_418, %shift_left3A_419 : i32
      %multiple_of3A_421 = tpu.assume_multiple %shift_left3A_420, 128 : i32
      %dma_start3A_422 = arith.constant 0 : i32
      %dma_start3A_423 = arith.constant 0 : i32
      %dma_start3A_424 = arith.constant 0 : i32
      %dma_start3A_425 = tpu.memref_slice %arg12[%dma_start3A_422, %dma_start3A_423, %dma_start3A_424] : memref<8x32x128xf32, #tpu.memory_space<vmem>> -> memref<1x32x128xf32, #tpu.memory_space<vmem>>
      %dma_start3A_426 = tpu.memref_squeeze %dma_start3A_425 : memref<1x32x128xf32, #tpu.memory_space<vmem>> -> memref<32x128xf32, #tpu.memory_space<vmem>>
      %dma_start3A_427 = arith.constant 0 : i32
      %dma_start3A_428 = tpu.memref_slice %arg4[%dma_start3A_427, %multiple_of3A] : memref<32x1000000xf32, #tpu.memory_space<hbm>> -> memref<32x128xf32, #tpu.memory_space<hbm>>
      %dma_start3A_429 = arith.constant 0 : i32
      %dma_start3A_430 = arith.constant 0 : i32
      %dma_start3A_431 = tpu.memref_slice %arg12[%dma_start3A_422, %dma_start3A_429, %dma_start3A_430] : memref<8x32x128xf32, #tpu.memory_space<vmem>> -> memref<1x32x128xf32, #tpu.memory_space<vmem>>
      %dma_start3A_432 = tpu.memref_squeeze %dma_start3A_431 : memref<1x32x128xf32, #tpu.memory_space<vmem>> -> memref<32x128xf32, #tpu.memory_space<vmem>>
      %dma_start3A_433 = arith.constant 0 : i32
      %dma_start3A_434 = tpu.memref_slice %arg4[%dma_start3A_433, %multiple_of3A] : memref<32x1000000xf32, #tpu.memory_space<hbm>> -> memref<32x128xf32, #tpu.memory_space<hbm>>
      tpu.enqueue_dma source(%dma_start3A_434 : memref<32x128xf32, #tpu.memory_space<hbm>>) target(%dma_start3A_432 : memref<32x128xf32, #tpu.memory_space<vmem>>) target_semaphore(%arg20 : memref<!tpu.dma_semaphore, #tpu.memory_space<semaphore_mem>>)
      %dma_start3A_435 = arith.constant 0 : i32
      %dma_start3A_436 = arith.constant 0 : i32
      %dma_start3A_437 = arith.constant 0 : i32
      %dma_start3A_438 = tpu.memref_slice %arg13[%dma_start3A_435, %dma_start3A_436, %dma_start3A_437] : memref<8x32x128xf32, #tpu.memory_space<vmem>> -> memref<1x32x128xf32, #tpu.memory_space<vmem>>
      %dma_start3A_439 = tpu.memref_squeeze %dma_start3A_438 : memref<1x32x128xf32, #tpu.memory_space<vmem>> -> memref<32x128xf32, #tpu.memory_space<vmem>>
      %dma_start3A_440 = arith.constant 0 : i32
      %dma_start3A_441 = tpu.memref_slice %arg5[%dma_start3A_440, %multiple_of3A_421] : memref<32x1000000xf32, #tpu.memory_space<hbm>> -> memref<32x128xf32, #tpu.memory_space<hbm>>
      %dma_start3A_442 = arith.constant 0 : i32
      %dma_start3A_443 = arith.constant 0 : i32
      %dma_start3A_444 = tpu.memref_slice %arg13[%dma_start3A_435, %dma_start3A_442, %dma_start3A_443] : memref<8x32x128xf32, #tpu.memory_space<vmem>> -> memref<1x32x128xf32, #tpu.memory_space<vmem>>
      %dma_start3A_445 = tpu.memref_squeeze %dma_start3A_444 : memref<1x32x128xf32, #tpu.memory_space<vmem>> -> memref<32x128xf32, #tpu.memory_space<vmem>>
      %dma_start3A_446 = arith.constant 0 : i32
      %dma_start3A_447 = tpu.memref_slice %arg5[%dma_start3A_446, %multiple_of3A_421] : memref<32x1000000xf32, #tpu.memory_space<hbm>> -> memref<32x128xf32, #tpu.memory_space<hbm>>
      tpu.enqueue_dma source(%dma_start3A_447 : memref<32x128xf32, #tpu.memory_space<hbm>>) target(%dma_start3A_445 : memref<32x128xf32, #tpu.memory_space<vmem>>) target_semaphore(%arg20 : memref<!tpu.dma_semaphore, #tpu.memory_space<semaphore_mem>>)
      %slice3A_448 = vector.extract_strided_slice %get3A_406 {offsets = [1], sizes = [1], strides = [1]} : vector<16xi32> to vector<1xi32>
      %squeeze3A_449 = vector.extract %slice3A_448[0] : i32 from vector<1xi32>
      %slice3A_450 = vector.extract_strided_slice %get3A_410 {offsets = [1], sizes = [1], strides = [1]} : vector<16xi32> to vector<1xi32>
      %squeeze3A_451 = vector.extract %slice3A_450[0] : i32 from vector<1xi32>
      %shift_right_arithmetic3A_452 = arith.constant 7 : i32
      %shift_right_arithmetic3A_453 = arith.shrsi %squeeze3A_449, %shift_right_arithmetic3A_452 : i32
      %shift_left3A_454 = arith.constant 7 : i32
      %shift_left3A_455 = arith.shli %shift_right_arithmetic3A_453, %shift_left3A_454 : i32
      %multiple_of3A_456 = tpu.assume_multiple %shift_left3A_455, 128 : i32
      %shift_right_arithmetic3A_457 = arith.constant 7 : i32
      %shift_right_arithmetic3A_458 = arith.shrsi %squeeze3A_451, %shift_right_arithmetic3A_457 : i32
      %shift_left3A_459 = arith.constant 7 : i32
      %shift_left3A_460 = arith.shli %shift_right_arithmetic3A_458, %shift_left3A_459 : i32
      %multiple_of3A_461 = tpu.assume_multiple %shift_left3A_460, 128 : i32
      %dma_start3A_462 = arith.constant 1 : i32
      %dma_start3A_463 = arith.constant 0 : i32
      %dma_start3A_464 = arith.constant 0 : i32
      %dma_start3A_465 = tpu.memref_slice %arg12[%dma_start3A_462, %dma_start3A_463, %dma_start3A_464] : memref<8x32x128xf32, #tpu.memory_space<vmem>> -> memref<1x32x128xf32, #tpu.memory_space<vmem>>
      %dma_start3A_466 = tpu.memref_squeeze %dma_start3A_465 : memref<1x32x128xf32, #tpu.memory_space<vmem>> -> memref<32x128xf32, #tpu.memory_space<vmem>>
      %dma_start3A_467 = arith.constant 0 : i32
      %dma_start3A_468 = tpu.memref_slice %arg4[%dma_start3A_467, %multiple_of3A_456] : memref<32x1000000xf32, #tpu.memory_space<hbm>> -> memref<32x128xf32, #tpu.memory_space<hbm>>
      %dma_start3A_469 = arith.constant 0 : i32
      %dma_start3A_470 = arith.constant 0 : i32
      %dma_start3A_471 = tpu.memref_slice %arg12[%dma_start3A_462, %dma_start3A_469, %dma_start3A_470] : memref<8x32x128xf32, #tpu.memory_space<vmem>> -> memref<1x32x128xf32, #tpu.memory_space<vmem>>
      %dma_start3A_472 = tpu.memref_squeeze %dma_start3A_471 : memref<1x32x128xf32, #tpu.memory_space<vmem>> -> memref<32x128xf32, #tpu.memory_space<vmem>>
      %dma_start3A_473 = arith.constant 0 : i32
      %dma_start3A_474 = tpu.memref_slice %arg4[%dma_start3A_473, %multiple_of3A_456] : memref<32x1000000xf32, #tpu.memory_space<hbm>> -> memref<32x128xf32, #tpu.memory_space<hbm>>
      tpu.enqueue_dma source(%dma_start3A_474 : memref<32x128xf32, #tpu.memory_space<hbm>>) target(%dma_start3A_472 : memref<32x128xf32, #tpu.memory_space<vmem>>) target_semaphore(%arg20 : memref<!tpu.dma_semaphore, #tpu.memory_space<semaphore_mem>>)
      %dma_start3A_475 = arith.constant 1 : i32
      %dma_start3A_476 = arith.constant 0 : i32
      %dma_start3A_477 = arith.constant 0 : i32
      %dma_start3A_478 = tpu.memref_slice %arg13[%dma_start3A_475, %dma_start3A_476, %dma_start3A_477] : memref<8x32x128xf32, #tpu.memory_space<vmem>> -> memref<1x32x128xf32, #tpu.memory_space<vmem>>
      %dma_start3A_479 = tpu.memref_squeeze %dma_start3A_478 : memref<1x32x128xf32, #tpu.memory_space<vmem>> -> memref<32x128xf32, #tpu.memory_space<vmem>>
      %dma_start3A_480 = arith.constant 0 : i32
      %dma_start3A_481 = tpu.memref_slice %arg5[%dma_start3A_480, %multiple_of3A_461] : memref<32x1000000xf32, #tpu.memory_space<hbm>> -> memref<32x128xf32, #tpu.memory_space<hbm>>
      %dma_start3A_482 = arith.constant 0 : i32
      %dma_start3A_483 = arith.constant 0 : i32
      %dma_start3A_484 = tpu.memref_slice %arg13[%dma_start3A_475, %dma_start3A_482, %dma_start3A_483] : memref<8x32x128xf32, #tpu.memory_space<vmem>> -> memref<1x32x128xf32, #tpu.memory_space<vmem>>
      %dma_start3A_485 = tpu.memref_squeeze %dma_start3A_484 : memref<1x32x128xf32, #tpu.memory_space<vmem>> -> memref<32x128xf32, #tpu.memory_space<vmem>>
      %dma_start3A_486 = arith.constant 0 : i32
      %dma_start3A_487 = tpu.memref_slice %arg5[%dma_start3A_486, %multiple_of3A_461] : memref<32x1000000xf32, #tpu.memory_space<hbm>> -> memref<32x128xf32, #tpu.memory_space<hbm>>
      tpu.enqueue_dma source(%dma_start3A_487 : memref<32x128xf32, #tpu.memory_space<hbm>>) target(%dma_start3A_485 : memref<32x128xf32, #tpu.memory_space<vmem>>) target_semaphore(%arg20 : memref<!tpu.dma_semaphore, #tpu.memory_space<semaphore_mem>>)
      %slice3A_488 = vector.extract_strided_slice %get3A_406 {offsets = [2], sizes = [1], strides = [1]} : vector<16xi32> to vector<1xi32>
      %squeeze3A_489 = vector.extract %slice3A_488[0] : i32 from vector<1xi32>
      %slice3A_490 = vector.extract_strided_slice %get3A_410 {offsets = [2], sizes = [1], strides = [1]} : vector<16xi32> to vector<1xi32>
      %squeeze3A_491 = vector.extract %slice3A_490[0] : i32 from vector<1xi32>
      %shift_right_arithmetic3A_492 = arith.constant 7 : i32
      %shift_right_arithmetic3A_493 = arith.shrsi %squeeze3A_489, %shift_right_arithmetic3A_492 : i32
      %shift_left3A_494 = arith.constant 7 : i32
      %shift_left3A_495 = arith.shli %shift_right_arithmetic3A_493, %shift_left3A_494 : i32
      %multiple_of3A_496 = tpu.assume_multiple %shift_left3A_495, 128 : i32
      %shift_right_arithmetic3A_497 = arith.constant 7 : i32
      %shift_right_arithmetic3A_498 = arith.shrsi %squeeze3A_491, %shift_right_arithmetic3A_497 : i32
      %shift_left3A_499 = arith.constant 7 : i32
      %shift_left3A_500 = arith.shli %shift_right_arithmetic3A_498, %shift_left3A_499 : i32
      %multiple_of3A_501 = tpu.assume_multiple %shift_left3A_500, 128 : i32
      %dma_start3A_502 = arith.constant 2 : i32
      %dma_start3A_503 = arith.constant 0 : i32
      %dma_start3A_504 = arith.constant 0 : i32
      %dma_start3A_505 = tpu.memref_slice %arg12[%dma_start3A_502, %dma_start3A_503, %dma_start3A_504] : memref<8x32x128xf32, #tpu.memory_space<vmem>> -> memref<1x32x128xf32, #tpu.memory_space<vmem>>
      %dma_start3A_506 = tpu.memref_squeeze %dma_start3A_505 : memref<1x32x128xf32, #tpu.memory_space<vmem>> -> memref<32x128xf32, #tpu.memory_space<vmem>>
      %dma_start3A_507 = arith.constant 0 : i32
      %dma_start3A_508 = tpu.memref_slice %arg4[%dma_start3A_507, %multiple_of3A_496] : memref<32x1000000xf32, #tpu.memory_space<hbm>> -> memref<32x128xf32, #tpu.memory_space<hbm>>
      %dma_start3A_509 = arith.constant 0 : i32
      %dma_start3A_510 = arith.constant 0 : i32
      %dma_start3A_511 = tpu.memref_slice %arg12[%dma_start3A_502, %dma_start3A_509, %dma_start3A_510] : memref<8x32x128xf32, #tpu.memory_space<vmem>> -> memref<1x32x128xf32, #tpu.memory_space<vmem>>
      %dma_start3A_512 = tpu.memref_squeeze %dma_start3A_511 : memref<1x32x128xf32, #tpu.memory_space<vmem>> -> memref<32x128xf32, #tpu.memory_space<vmem>>
      %dma_start3A_513 = arith.constant 0 : i32
      %dma_start3A_514 = tpu.memref_slice %arg4[%dma_start3A_513, %multiple_of3A_496] : memref<32x1000000xf32, #tpu.memory_space<hbm>> -> memref<32x128xf32, #tpu.memory_space<hbm>>
      tpu.enqueue_dma source(%dma_start3A_514 : memref<32x128xf32, #tpu.memory_space<hbm>>) target(%dma_start3A_512 : memref<32x128xf32, #tpu.memory_space<vmem>>) target_semaphore(%arg20 : memref<!tpu.dma_semaphore, #tpu.memory_space<semaphore_mem>>)
      %dma_start3A_515 = arith.constant 2 : i32
      %dma_start3A_516 = arith.constant 0 : i32
      %dma_start3A_517 = arith.constant 0 : i32
      %dma_start3A_518 = tpu.memref_slice %arg13[%dma_start3A_515, %dma_start3A_516, %dma_start3A_517] : memref<8x32x128xf32, #tpu.memory_space<vmem>> -> memref<1x32x128xf32, #tpu.memory_space<vmem>>
      %dma_start3A_519 = tpu.memref_squeeze %dma_start3A_518 : memref<1x32x128xf32, #tpu.memory_space<vmem>> -> memref<32x128xf32, #tpu.memory_space<vmem>>
      %dma_start3A_520 = arith.constant 0 : i32
      %dma_start3A_521 = tpu.memref_slice %arg5[%dma_start3A_520, %multiple_of3A_501] : memref<32x1000000xf32, #tpu.memory_space<hbm>> -> memref<32x128xf32, #tpu.memory_space<hbm>>
      %dma_start3A_522 = arith.constant 0 : i32
      %dma_start3A_523 = arith.constant 0 : i32
      %dma_start3A_524 = tpu.memref_slice %arg13[%dma_start3A_515, %dma_start3A_522, %dma_start3A_523] : memref<8x32x128xf32, #tpu.memory_space<vmem>> -> memref<1x32x128xf32, #tpu.memory_space<vmem>>
      %dma_start3A_525 = tpu.memref_squeeze %dma_start3A_524 : memref<1x32x128xf32, #tpu.memory_space<vmem>> -> memref<32x128xf32, #tpu.memory_space<vmem>>
      %dma_start3A_526 = arith.constant 0 : i32
      %dma_start3A_527 = tpu.memref_slice %arg5[%dma_start3A_526, %multiple_of3A_501] : memref<32x1000000xf32, #tpu.memory_space<hbm>> -> memref<32x128xf32, #tpu.memory_space<hbm>>
      tpu.enqueue_dma source(%dma_start3A_527 : memref<32x128xf32, #tpu.memory_space<hbm>>) target(%dma_start3A_525 : memref<32x128xf32, #tpu.memory_space<vmem>>) target_semaphore(%arg20 : memref<!tpu.dma_semaphore, #tpu.memory_space<semaphore_mem>>)
      %slice3A_528 = vector.extract_strided_slice %get3A_406 {offsets = [3], sizes = [1], strides = [1]} : vector<16xi32> to vector<1xi32>
      %squeeze3A_529 = vector.extract %slice3A_528[0] : i32 from vector<1xi32>
      %slice3A_530 = vector.extract_strided_slice %get3A_410 {offsets = [3], sizes = [1], strides = [1]} : vector<16xi32> to vector<1xi32>
      %squeeze3A_531 = vector.extract %slice3A_530[0] : i32 from vector<1xi32>
      %shift_right_arithmetic3A_532 = arith.constant 7 : i32
      %shift_right_arithmetic3A_533 = arith.shrsi %squeeze3A_529, %shift_right_arithmetic3A_532 : i32
      %shift_left3A_534 = arith.constant 7 : i32
      %shift_left3A_535 = arith.shli %shift_right_arithmetic3A_533, %shift_left3A_534 : i32
      %multiple_of3A_536 = tpu.assume_multiple %shift_left3A_535, 128 : i32
      %shift_right_arithmetic3A_537 = arith.constant 7 : i32
      %shift_right_arithmetic3A_538 = arith.shrsi %squeeze3A_531, %shift_right_arithmetic3A_537 : i32
      %shift_left3A_539 = arith.constant 7 : i32
      %shift_left3A_540 = arith.shli %shift_right_arithmetic3A_538, %shift_left3A_539 : i32
      %multiple_of3A_541 = tpu.assume_multiple %shift_left3A_540, 128 : i32
      %dma_start3A_542 = arith.constant 3 : i32
      %dma_start3A_543 = arith.constant 0 : i32
      %dma_start3A_544 = arith.constant 0 : i32
      %dma_start3A_545 = tpu.memref_slice %arg12[%dma_start3A_542, %dma_start3A_543, %dma_start3A_544] : memref<8x32x128xf32, #tpu.memory_space<vmem>> -> memref<1x32x128xf32, #tpu.memory_space<vmem>>
      %dma_start3A_546 = tpu.memref_squeeze %dma_start3A_545 : memref<1x32x128xf32, #tpu.memory_space<vmem>> -> memref<32x128xf32, #tpu.memory_space<vmem>>
      %dma_start3A_547 = arith.constant 0 : i32
      %dma_start3A_548 = tpu.memref_slice %arg4[%dma_start3A_547, %multiple_of3A_536] : memref<32x1000000xf32, #tpu.memory_space<hbm>> -> memref<32x128xf32, #tpu.memory_space<hbm>>
      %dma_start3A_549 = arith.constant 0 : i32
      %dma_start3A_550 = arith.constant 0 : i32
      %dma_start3A_551 = tpu.memref_slice %arg12[%dma_start3A_542, %dma_start3A_549, %dma_start3A_550] : memref<8x32x128xf32, #tpu.memory_space<vmem>> -> memref<1x32x128xf32, #tpu.memory_space<vmem>>
      %dma_start3A_552 = tpu.memref_squeeze %dma_start3A_551 : memref<1x32x128xf32, #tpu.memory_space<vmem>> -> memref<32x128xf32, #tpu.memory_space<vmem>>
      %dma_start3A_553 = arith.constant 0 : i32
      %dma_start3A_554 = tpu.memref_slice %arg4[%dma_start3A_553, %multiple_of3A_536] : memref<32x1000000xf32, #tpu.memory_space<hbm>> -> memref<32x128xf32, #tpu.memory_space<hbm>>
      tpu.enqueue_dma source(%dma_start3A_554 : memref<32x128xf32, #tpu.memory_space<hbm>>) target(%dma_start3A_552 : memref<32x128xf32, #tpu.memory_space<vmem>>) target_semaphore(%arg20 : memref<!tpu.dma_semaphore, #tpu.memory_space<semaphore_mem>>)
      %dma_start3A_555 = arith.constant 3 : i32
      %dma_start3A_556 = arith.constant 0 : i32
      %dma_start3A_557 = arith.constant 0 : i32
      %dma_start3A_558 = tpu.memref_slice %arg13[%dma_start3A_555, %dma_start3A_556, %dma_start3A_557] : memref<8x32x128xf32, #tpu.memory_space<vmem>> -> memref<1x32x128xf32, #tpu.memory_space<vmem>>
      %dma_start3A_559 = tpu.memref_squeeze %dma_start3A_558 : memref<1x32x128xf32, #tpu.memory_space<vmem>> -> memref<32x128xf32, #tpu.memory_space<vmem>>
      %dma_start3A_560 = arith.constant 0 : i32
      %dma_start3A_561 = tpu.memref_slice %arg5[%dma_start3A_560, %multiple_of3A_541] : memref<32x1000000xf32, #tpu.memory_space<hbm>> -> memref<32x128xf32, #tpu.memory_space<hbm>>
      %dma_start3A_562 = arith.constant 0 : i32
      %dma_start3A_563 = arith.constant 0 : i32
      %dma_start3A_564 = tpu.memref_slice %arg13[%dma_start3A_555, %dma_start3A_562, %dma_start3A_563] : memref<8x32x128xf32, #tpu.memory_space<vmem>> -> memref<1x32x128xf32, #tpu.memory_space<vmem>>
      %dma_start3A_565 = tpu.memref_squeeze %dma_start3A_564 : memref<1x32x128xf32, #tpu.memory_space<vmem>> -> memref<32x128xf32, #tpu.memory_space<vmem>>
      %dma_start3A_566 = arith.constant 0 : i32
      %dma_start3A_567 = tpu.memref_slice %arg5[%dma_start3A_566, %multiple_of3A_541] : memref<32x1000000xf32, #tpu.memory_space<hbm>> -> memref<32x128xf32, #tpu.memory_space<hbm>>
      tpu.enqueue_dma source(%dma_start3A_567 : memref<32x128xf32, #tpu.memory_space<hbm>>) target(%dma_start3A_565 : memref<32x128xf32, #tpu.memory_space<vmem>>) target_semaphore(%arg20 : memref<!tpu.dma_semaphore, #tpu.memory_space<semaphore_mem>>)
      %gt3A = arith.constant 0 : i32
      %gt3A_568 = arith.cmpi sgt, %scan3A_400, %gt3A : i32
      %convert_element_type3A = arith.extui %gt3A_568 : i1 to i32
      %cond3A = arith.constant 0 : i32
      %cond3A_569 = arith.cmpi ne, %convert_element_type3A, %cond3A : i32
      scf.if %cond3A_569 {
        %dma_wait3A_2058 = arith.constant 4 : i32
        %dma_wait3A_2059 = arith.constant 0 : i32
        %dma_wait3A_2060 = arith.constant 0 : i32
        %dma_wait3A_2061 = tpu.memref_slice %arg12[%dma_wait3A_2058, %dma_wait3A_2059, %dma_wait3A_2060] : memref<8x32x128xf32, #tpu.memory_space<vmem>> -> memref<1x32x128xf32, #tpu.memory_space<vmem>>
        %dma_wait3A_2062 = tpu.memref_squeeze %dma_wait3A_2061 : memref<1x32x128xf32, #tpu.memory_space<vmem>> -> memref<32x128xf32, #tpu.memory_space<vmem>>
        %dma_wait3A_2063 = arith.constant 0 : i32
        %dma_wait3A_2064 = arith.constant 0 : i32
        %dma_wait3A_2065 = tpu.memref_slice %arg4[%dma_wait3A_2063, %dma_wait3A_2064] : memref<32x1000000xf32, #tpu.memory_space<hbm>> -> memref<32x128xf32, #tpu.memory_space<hbm>>
        %dma_wait3A_2066 = arith.constant 0 : i32
        %dma_wait3A_2067 = arith.constant 0 : i32
        %dma_wait3A_2068 = tpu.memref_slice %arg12[%dma_wait3A_2058, %dma_wait3A_2066, %dma_wait3A_2067] : memref<8x32x128xf32, #tpu.memory_space<vmem>> -> memref<1x32x128xf32, #tpu.memory_space<vmem>>
        %dma_wait3A_2069 = tpu.memref_squeeze %dma_wait3A_2068 : memref<1x32x128xf32, #tpu.memory_space<vmem>> -> memref<32x128xf32, #tpu.memory_space<vmem>>
        %dma_wait3A_2070 = arith.constant 0 : i32
        %dma_wait3A_2071 = arith.constant 0 : i32
        %dma_wait3A_2072 = tpu.memref_slice %arg4[%dma_wait3A_2070, %dma_wait3A_2071] : memref<32x1000000xf32, #tpu.memory_space<hbm>> -> memref<32x128xf32, #tpu.memory_space<hbm>>
        tpu.wait_dma2 semaphore(%arg21 : memref<!tpu.dma_semaphore, #tpu.memory_space<semaphore_mem>>) src(%dma_wait3A_2072 : memref<32x128xf32, #tpu.memory_space<hbm>>) dst(%dma_wait3A_2069 : memref<32x128xf32, #tpu.memory_space<vmem>>)
        %dma_wait3A_2073 = arith.constant 4 : i32
        %dma_wait3A_2074 = arith.constant 0 : i32
        %dma_wait3A_2075 = arith.constant 0 : i32
        %dma_wait3A_2076 = tpu.memref_slice %arg13[%dma_wait3A_2073, %dma_wait3A_2074, %dma_wait3A_2075] : memref<8x32x128xf32, #tpu.memory_space<vmem>> -> memref<1x32x128xf32, #tpu.memory_space<vmem>>
        %dma_wait3A_2077 = tpu.memref_squeeze %dma_wait3A_2076 : memref<1x32x128xf32, #tpu.memory_space<vmem>> -> memref<32x128xf32, #tpu.memory_space<vmem>>
        %dma_wait3A_2078 = arith.constant 0 : i32
        %dma_wait3A_2079 = arith.constant 0 : i32
        %dma_wait3A_2080 = tpu.memref_slice %arg4[%dma_wait3A_2078, %dma_wait3A_2079] : memref<32x1000000xf32, #tpu.memory_space<hbm>> -> memref<32x128xf32, #tpu.memory_space<hbm>>
        %dma_wait3A_2081 = arith.constant 0 : i32
        %dma_wait3A_2082 = arith.constant 0 : i32
        %dma_wait3A_2083 = tpu.memref_slice %arg13[%dma_wait3A_2073, %dma_wait3A_2081, %dma_wait3A_2082] : memref<8x32x128xf32, #tpu.memory_space<vmem>> -> memref<1x32x128xf32, #tpu.memory_space<vmem>>
        %dma_wait3A_2084 = tpu.memref_squeeze %dma_wait3A_2083 : memref<1x32x128xf32, #tpu.memory_space<vmem>> -> memref<32x128xf32, #tpu.memory_space<vmem>>
        %dma_wait3A_2085 = arith.constant 0 : i32
        %dma_wait3A_2086 = arith.constant 0 : i32
        %dma_wait3A_2087 = tpu.memref_slice %arg4[%dma_wait3A_2085, %dma_wait3A_2086] : memref<32x1000000xf32, #tpu.memory_space<hbm>> -> memref<32x128xf32, #tpu.memory_space<hbm>>
        tpu.wait_dma2 semaphore(%arg21 : memref<!tpu.dma_semaphore, #tpu.memory_space<semaphore_mem>>) src(%dma_wait3A_2087 : memref<32x128xf32, #tpu.memory_space<hbm>>) dst(%dma_wait3A_2084 : memref<32x128xf32, #tpu.memory_space<vmem>>)
        %dma_wait3A_2088 = arith.constant 5 : i32
        %dma_wait3A_2089 = arith.constant 0 : i32
        %dma_wait3A_2090 = arith.constant 0 : i32
        %dma_wait3A_2091 = tpu.memref_slice %arg12[%dma_wait3A_2088, %dma_wait3A_2089, %dma_wait3A_2090] : memref<8x32x128xf32, #tpu.memory_space<vmem>> -> memref<1x32x128xf32, #tpu.memory_space<vmem>>
        %dma_wait3A_2092 = tpu.memref_squeeze %dma_wait3A_2091 : memref<1x32x128xf32, #tpu.memory_space<vmem>> -> memref<32x128xf32, #tpu.memory_space<vmem>>
        %dma_wait3A_2093 = arith.constant 0 : i32
        %dma_wait3A_2094 = arith.constant 0 : i32
        %dma_wait3A_2095 = tpu.memref_slice %arg4[%dma_wait3A_2093, %dma_wait3A_2094] : memref<32x1000000xf32, #tpu.memory_space<hbm>> -> memref<32x128xf32, #tpu.memory_space<hbm>>
        %dma_wait3A_2096 = arith.constant 0 : i32
        %dma_wait3A_2097 = arith.constant 0 : i32
        %dma_wait3A_2098 = tpu.memref_slice %arg12[%dma_wait3A_2088, %dma_wait3A_2096, %dma_wait3A_2097] : memref<8x32x128xf32, #tpu.memory_space<vmem>> -> memref<1x32x128xf32, #tpu.memory_space<vmem>>
        %dma_wait3A_2099 = tpu.memref_squeeze %dma_wait3A_2098 : memref<1x32x128xf32, #tpu.memory_space<vmem>> -> memref<32x128xf32, #tpu.memory_space<vmem>>
        %dma_wait3A_2100 = arith.constant 0 : i32
        %dma_wait3A_2101 = arith.constant 0 : i32
        %dma_wait3A_2102 = tpu.memref_slice %arg4[%dma_wait3A_2100, %dma_wait3A_2101] : memref<32x1000000xf32, #tpu.memory_space<hbm>> -> memref<32x128xf32, #tpu.memory_space<hbm>>
        tpu.wait_dma2 semaphore(%arg21 : memref<!tpu.dma_semaphore, #tpu.memory_space<semaphore_mem>>) src(%dma_wait3A_2102 : memref<32x128xf32, #tpu.memory_space<hbm>>) dst(%dma_wait3A_2099 : memref<32x128xf32, #tpu.memory_space<vmem>>)
        %dma_wait3A_2103 = arith.constant 5 : i32
        %dma_wait3A_2104 = arith.constant 0 : i32
        %dma_wait3A_2105 = arith.constant 0 : i32
        %dma_wait3A_2106 = tpu.memref_slice %arg13[%dma_wait3A_2103, %dma_wait3A_2104, %dma_wait3A_2105] : memref<8x32x128xf32, #tpu.memory_space<vmem>> -> memref<1x32x128xf32, #tpu.memory_space<vmem>>
        %dma_wait3A_2107 = tpu.memref_squeeze %dma_wait3A_2106 : memref<1x32x128xf32, #tpu.memory_space<vmem>> -> memref<32x128xf32, #tpu.memory_space<vmem>>
        %dma_wait3A_2108 = arith.constant 0 : i32
        %dma_wait3A_2109 = arith.constant 0 : i32
        %dma_wait3A_2110 = tpu.memref_slice %arg4[%dma_wait3A_2108, %dma_wait3A_2109] : memref<32x1000000xf32, #tpu.memory_space<hbm>> -> memref<32x128xf32, #tpu.memory_space<hbm>>
        %dma_wait3A_2111 = arith.constant 0 : i32
        %dma_wait3A_2112 = arith.constant 0 : i32
        %dma_wait3A_2113 = tpu.memref_slice %arg13[%dma_wait3A_2103, %dma_wait3A_2111, %dma_wait3A_2112] : memref<8x32x128xf32, #tpu.memory_space<vmem>> -> memref<1x32x128xf32, #tpu.memory_space<vmem>>
        %dma_wait3A_2114 = tpu.memref_squeeze %dma_wait3A_2113 : memref<1x32x128xf32, #tpu.memory_space<vmem>> -> memref<32x128xf32, #tpu.memory_space<vmem>>
        %dma_wait3A_2115 = arith.constant 0 : i32
        %dma_wait3A_2116 = arith.constant 0 : i32
        %dma_wait3A_2117 = tpu.memref_slice %arg4[%dma_wait3A_2115, %dma_wait3A_2116] : memref<32x1000000xf32, #tpu.memory_space<hbm>> -> memref<32x128xf32, #tpu.memory_space<hbm>>
        tpu.wait_dma2 semaphore(%arg21 : memref<!tpu.dma_semaphore, #tpu.memory_space<semaphore_mem>>) src(%dma_wait3A_2117 : memref<32x128xf32, #tpu.memory_space<hbm>>) dst(%dma_wait3A_2114 : memref<32x128xf32, #tpu.memory_space<vmem>>)
        %dma_wait3A_2118 = arith.constant 6 : i32
        %dma_wait3A_2119 = arith.constant 0 : i32
        %dma_wait3A_2120 = arith.constant 0 : i32
        %dma_wait3A_2121 = tpu.memref_slice %arg12[%dma_wait3A_2118, %dma_wait3A_2119, %dma_wait3A_2120] : memref<8x32x128xf32, #tpu.memory_space<vmem>> -> memref<1x32x128xf32, #tpu.memory_space<vmem>>
        %dma_wait3A_2122 = tpu.memref_squeeze %dma_wait3A_2121 : memref<1x32x128xf32, #tpu.memory_space<vmem>> -> memref<32x128xf32, #tpu.memory_space<vmem>>
        %dma_wait3A_2123 = arith.constant 0 : i32
        %dma_wait3A_2124 = arith.constant 0 : i32
        %dma_wait3A_2125 = tpu.memref_slice %arg4[%dma_wait3A_2123, %dma_wait3A_2124] : memref<32x1000000xf32, #tpu.memory_space<hbm>> -> memref<32x128xf32, #tpu.memory_space<hbm>>
        %dma_wait3A_2126 = arith.constant 0 : i32
        %dma_wait3A_2127 = arith.constant 0 : i32
        %dma_wait3A_2128 = tpu.memref_slice %arg12[%dma_wait3A_2118, %dma_wait3A_2126, %dma_wait3A_2127] : memref<8x32x128xf32, #tpu.memory_space<vmem>> -> memref<1x32x128xf32, #tpu.memory_space<vmem>>
        %dma_wait3A_2129 = tpu.memref_squeeze %dma_wait3A_2128 : memref<1x32x128xf32, #tpu.memory_space<vmem>> -> memref<32x128xf32, #tpu.memory_space<vmem>>
        %dma_wait3A_2130 = arith.constant 0 : i32
        %dma_wait3A_2131 = arith.constant 0 : i32
        %dma_wait3A_2132 = tpu.memref_slice %arg4[%dma_wait3A_2130, %dma_wait3A_2131] : memref<32x1000000xf32, #tpu.memory_space<hbm>> -> memref<32x128xf32, #tpu.memory_space<hbm>>
        tpu.wait_dma2 semaphore(%arg21 : memref<!tpu.dma_semaphore, #tpu.memory_space<semaphore_mem>>) src(%dma_wait3A_2132 : memref<32x128xf32, #tpu.memory_space<hbm>>) dst(%dma_wait3A_2129 : memref<32x128xf32, #tpu.memory_space<vmem>>)
        %dma_wait3A_2133 = arith.constant 6 : i32
        %dma_wait3A_2134 = arith.constant 0 : i32
        %dma_wait3A_2135 = arith.constant 0 : i32
        %dma_wait3A_2136 = tpu.memref_slice %arg13[%dma_wait3A_2133, %dma_wait3A_2134, %dma_wait3A_2135] : memref<8x32x128xf32, #tpu.memory_space<vmem>> -> memref<1x32x128xf32, #tpu.memory_space<vmem>>
        %dma_wait3A_2137 = tpu.memref_squeeze %dma_wait3A_2136 : memref<1x32x128xf32, #tpu.memory_space<vmem>> -> memref<32x128xf32, #tpu.memory_space<vmem>>
        %dma_wait3A_2138 = arith.constant 0 : i32
        %dma_wait3A_2139 = arith.constant 0 : i32
        %dma_wait3A_2140 = tpu.memref_slice %arg4[%dma_wait3A_2138, %dma_wait3A_2139] : memref<32x1000000xf32, #tpu.memory_space<hbm>> -> memref<32x128xf32, #tpu.memory_space<hbm>>
        %dma_wait3A_2141 = arith.constant 0 : i32
        %dma_wait3A_2142 = arith.constant 0 : i32
        %dma_wait3A_2143 = tpu.memref_slice %arg13[%dma_wait3A_2133, %dma_wait3A_2141, %dma_wait3A_2142] : memref<8x32x128xf32, #tpu.memory_space<vmem>> -> memref<1x32x128xf32, #tpu.memory_space<vmem>>
        %dma_wait3A_2144 = tpu.memref_squeeze %dma_wait3A_2143 : memref<1x32x128xf32, #tpu.memory_space<vmem>> -> memref<32x128xf32, #tpu.memory_space<vmem>>
        %dma_wait3A_2145 = arith.constant 0 : i32
        %dma_wait3A_2146 = arith.constant 0 : i32
        %dma_wait3A_2147 = tpu.memref_slice %arg4[%dma_wait3A_2145, %dma_wait3A_2146] : memref<32x1000000xf32, #tpu.memory_space<hbm>> -> memref<32x128xf32, #tpu.memory_space<hbm>>
        tpu.wait_dma2 semaphore(%arg21 : memref<!tpu.dma_semaphore, #tpu.memory_space<semaphore_mem>>) src(%dma_wait3A_2147 : memref<32x128xf32, #tpu.memory_space<hbm>>) dst(%dma_wait3A_2144 : memref<32x128xf32, #tpu.memory_space<vmem>>)
        %dma_wait3A_2148 = arith.constant 7 : i32
        %dma_wait3A_2149 = arith.constant 0 : i32
        %dma_wait3A_2150 = arith.constant 0 : i32
        %dma_wait3A_2151 = tpu.memref_slice %arg12[%dma_wait3A_2148, %dma_wait3A_2149, %dma_wait3A_2150] : memref<8x32x128xf32, #tpu.memory_space<vmem>> -> memref<1x32x128xf32, #tpu.memory_space<vmem>>
        %dma_wait3A_2152 = tpu.memref_squeeze %dma_wait3A_2151 : memref<1x32x128xf32, #tpu.memory_space<vmem>> -> memref<32x128xf32, #tpu.memory_space<vmem>>
        %dma_wait3A_2153 = arith.constant 0 : i32
        %dma_wait3A_2154 = arith.constant 0 : i32
        %dma_wait3A_2155 = tpu.memref_slice %arg4[%dma_wait3A_2153, %dma_wait3A_2154] : memref<32x1000000xf32, #tpu.memory_space<hbm>> -> memref<32x128xf32, #tpu.memory_space<hbm>>
        %dma_wait3A_2156 = arith.constant 0 : i32
        %dma_wait3A_2157 = arith.constant 0 : i32
        %dma_wait3A_2158 = tpu.memref_slice %arg12[%dma_wait3A_2148, %dma_wait3A_2156, %dma_wait3A_2157] : memref<8x32x128xf32, #tpu.memory_space<vmem>> -> memref<1x32x128xf32, #tpu.memory_space<vmem>>
        %dma_wait3A_2159 = tpu.memref_squeeze %dma_wait3A_2158 : memref<1x32x128xf32, #tpu.memory_space<vmem>> -> memref<32x128xf32, #tpu.memory_space<vmem>>
        %dma_wait3A_2160 = arith.constant 0 : i32
        %dma_wait3A_2161 = arith.constant 0 : i32
        %dma_wait3A_2162 = tpu.memref_slice %arg4[%dma_wait3A_2160, %dma_wait3A_2161] : memref<32x1000000xf32, #tpu.memory_space<hbm>> -> memref<32x128xf32, #tpu.memory_space<hbm>>
        tpu.wait_dma2 semaphore(%arg21 : memref<!tpu.dma_semaphore, #tpu.memory_space<semaphore_mem>>) src(%dma_wait3A_2162 : memref<32x128xf32, #tpu.memory_space<hbm>>) dst(%dma_wait3A_2159 : memref<32x128xf32, #tpu.memory_space<vmem>>)
        %dma_wait3A_2163 = arith.constant 7 : i32
        %dma_wait3A_2164 = arith.constant 0 : i32
        %dma_wait3A_2165 = arith.constant 0 : i32
        %dma_wait3A_2166 = tpu.memref_slice %arg13[%dma_wait3A_2163, %dma_wait3A_2164, %dma_wait3A_2165] : memref<8x32x128xf32, #tpu.memory_space<vmem>> -> memref<1x32x128xf32, #tpu.memory_space<vmem>>
        %dma_wait3A_2167 = tpu.memref_squeeze %dma_wait3A_2166 : memref<1x32x128xf32, #tpu.memory_space<vmem>> -> memref<32x128xf32, #tpu.memory_space<vmem>>
        %dma_wait3A_2168 = arith.constant 0 : i32
        %dma_wait3A_2169 = arith.constant 0 : i32
        %dma_wait3A_2170 = tpu.memref_slice %arg4[%dma_wait3A_2168, %dma_wait3A_2169] : memref<32x1000000xf32, #tpu.memory_space<hbm>> -> memref<32x128xf32, #tpu.memory_space<hbm>>
        %dma_wait3A_2171 = arith.constant 0 : i32
        %dma_wait3A_2172 = arith.constant 0 : i32
        %dma_wait3A_2173 = tpu.memref_slice %arg13[%dma_wait3A_2163, %dma_wait3A_2171, %dma_wait3A_2172] : memref<8x32x128xf32, #tpu.memory_space<vmem>> -> memref<1x32x128xf32, #tpu.memory_space<vmem>>
        %dma_wait3A_2174 = tpu.memref_squeeze %dma_wait3A_2173 : memref<1x32x128xf32, #tpu.memory_space<vmem>> -> memref<32x128xf32, #tpu.memory_space<vmem>>
        %dma_wait3A_2175 = arith.constant 0 : i32
        %dma_wait3A_2176 = arith.constant 0 : i32
        %dma_wait3A_2177 = tpu.memref_slice %arg4[%dma_wait3A_2175, %dma_wait3A_2176] : memref<32x1000000xf32, #tpu.memory_space<hbm>> -> memref<32x128xf32, #tpu.memory_space<hbm>>
        tpu.wait_dma2 semaphore(%arg21 : memref<!tpu.dma_semaphore, #tpu.memory_space<semaphore_mem>>) src(%dma_wait3A_2177 : memref<32x128xf32, #tpu.memory_space<hbm>>) dst(%dma_wait3A_2174 : memref<32x128xf32, #tpu.memory_space<vmem>>)
        %sub3A = arith.constant 1 : i32
        %sub3A_2178 = arith.subi %scan3A_400, %sub3A : i32
        %mul3A_2179 = arith.constant 16 : i32
        %mul3A_2180 = arith.muli %sub3A_2178, %mul3A_2179 : i32
        %add3A_2181 = arith.constant 12 : i32
        %add3A_2182 = arith.addi %mul3A_2180, %add3A_2181 : i32
        %add3A_2183 = arith.constant 0 : i32
        %add3A_2184 = arith.addi %add3A_2182, %add3A_2183 : i32
        %mul3A_2185 = arith.constant 32 : i32
        %mul3A_2186 = arith.muli %add3A_2184, %mul3A_2185 : i32
        %slice3A_2187 = vector.extract_strided_slice %scan3A_401 {offsets = [12], sizes = [1], strides = [1]} : vector<16xi32> to vector<1xi32>
        %squeeze3A_2188 = vector.extract %slice3A_2187[0] : i32 from vector<1xi32>
        %and3A_2189 = arith.constant 127 : i32
        %and3A_2190 = arith.andi %squeeze3A_2188, %and3A_2189 : i32
        %broadcast_in_dim3A_2191 = vector.broadcast %and3A_2190 : i32 to vector<16xi32>
        %slice3A_2192 = vector.extract_strided_slice %scan3A_402 {offsets = [12], sizes = [1], strides = [1]} : vector<16xi32> to vector<1xi32>
        %squeeze3A_2193 = vector.extract %slice3A_2192[0] : i32 from vector<1xi32>
        %and3A_2194 = arith.constant 127 : i32
        %and3A_2195 = arith.andi %squeeze3A_2193, %and3A_2194 : i32
        %broadcast_in_dim3A_2196 = vector.broadcast %and3A_2195 : i32 to vector<16xi32>
        %gather3A_2197 = arith.constant 4 : i32
        %gather3A_2198 = arith.constant 0 : i32
        %gather3A_2199 = arith.constant 0 : i32
        %gather3A_2200 = tpu.memref_slice %arg12[%gather3A_2197, %gather3A_2198, %gather3A_2199] : memref<8x32x128xf32, #tpu.memory_space<vmem>> -> memref<1x32x128xf32, #tpu.memory_space<vmem>>
        %gather3A_2201 = tpu.memref_squeeze %gather3A_2200 : memref<1x32x128xf32, #tpu.memory_space<vmem>> -> memref<32x128xf32, #tpu.memory_space<vmem>>
        %gather3A_2202 = tpu.vector_load_idx %gather3A_2201[%iota3A, %broadcast_in_dim3A_2191] : memref<32x128xf32, #tpu.memory_space<vmem>>[vector<16xi32>, vector<16xi32>], vector<16xf32>,
        %swap3A_2203 = arith.index_cast %mul3A_2186 : i32 to index
        %swap3A_2204 = tpu.vector_load %arg14[%swap3A_2203] {strides = array<i32>} : memref<16384xf32, #tpu.memory_space<vmem>>, vector<16xf32>,
        tpu.vector_store %arg14[%swap3A_2203], %gather3A_2202 {strides = array<i32>} : memref<16384xf32, #tpu.memory_space<vmem>>, vector<16xf32>,
        %gather3A_2205 = arith.constant 4 : i32
        %gather3A_2206 = arith.constant 0 : i32
        %gather3A_2207 = arith.constant 0 : i32
        %gather3A_2208 = tpu.memref_slice %arg12[%gather3A_2205, %gather3A_2206, %gather3A_2207] : memref<8x32x128xf32, #tpu.memory_space<vmem>> -> memref<1x32x128xf32, #tpu.memory_space<vmem>>
        %gather3A_2209 = tpu.memref_squeeze %gather3A_2208 : memref<1x32x128xf32, #tpu.memory_space<vmem>> -> memref<32x128xf32, #tpu.memory_space<vmem>>
        %gather3A_2210 = tpu.vector_load_idx %gather3A_2209[%add3A_52, %broadcast_in_dim3A_2191] : memref<32x128xf32, #tpu.memory_space<vmem>>[vector<16xi32>, vector<16xi32>], vector<16xf32>,
        %add3A_2211 = arith.constant 16 : i32
        %add3A_2212 = arith.addi %mul3A_2186, %add3A_2211 : i32
        %swap3A_2213 = arith.index_cast %add3A_2212 : i32 to index
        %swap3A_2214 = tpu.vector_load %arg14[%swap3A_2213] {strides = array<i32>} : memref<16384xf32, #tpu.memory_space<vmem>>, vector<16xf32>,
        tpu.vector_store %arg14[%swap3A_2213], %gather3A_2210 {strides = array<i32>} : memref<16384xf32, #tpu.memory_space<vmem>>, vector<16xf32>,
        %gather3A_2215 = arith.constant 4 : i32
        %gather3A_2216 = arith.constant 0 : i32
        %gather3A_2217 = arith.constant 0 : i32
        %gather3A_2218 = tpu.memref_slice %arg13[%gather3A_2215, %gather3A_2216, %gather3A_2217] : memref<8x32x128xf32, #tpu.memory_space<vmem>> -> memref<1x32x128xf32, #tpu.memory_space<vmem>>
        %gather3A_2219 = tpu.memref_squeeze %gather3A_2218 : memref<1x32x128xf32, #tpu.memory_space<vmem>> -> memref<32x128xf32, #tpu.memory_space<vmem>>
        %gather3A_2220 = tpu.vector_load_idx %gather3A_2219[%iota3A, %broadcast_in_dim3A_2196] : memref<32x128xf32, #tpu.memory_space<vmem>>[vector<16xi32>, vector<16xi32>], vector<16xf32>,
        %swap3A_2221 = arith.index_cast %mul3A_2186 : i32 to index
        %swap3A_2222 = tpu.vector_load %arg15[%swap3A_2221] {strides = array<i32>} : memref<16384xf32, #tpu.memory_space<vmem>>, vector<16xf32>,
        tpu.vector_store %arg15[%swap3A_2221], %gather3A_2220 {strides = array<i32>} : memref<16384xf32, #tpu.memory_space<vmem>>, vector<16xf32>,
        %gather3A_2223 = arith.constant 4 : i32
        %gather3A_2224 = arith.constant 0 : i32
        %gather3A_2225 = arith.constant 0 : i32
        %gather3A_2226 = tpu.memref_slice %arg13[%gather3A_2223, %gather3A_2224, %gather3A_2225] : memref<8x32x128xf32, #tpu.memory_space<vmem>> -> memref<1x32x128xf32, #tpu.memory_space<vmem>>
        %gather3A_2227 = tpu.memref_squeeze %gather3A_2226 : memref<1x32x128xf32, #tpu.memory_space<vmem>> -> memref<32x128xf32, #tpu.memory_space<vmem>>
        %gather3A_2228 = tpu.vector_load_idx %gather3A_2227[%add3A_52, %broadcast_in_dim3A_2196] : memref<32x128xf32, #tpu.memory_space<vmem>>[vector<16xi32>, vector<16xi32>], vector<16xf32>,
        %add3A_2229 = arith.constant 16 : i32
        %add3A_2230 = arith.addi %mul3A_2186, %add3A_2229 : i32
        %swap3A_2231 = arith.index_cast %add3A_2230 : i32 to index
        %swap3A_2232 = tpu.vector_load %arg15[%swap3A_2231] {strides = array<i32>} : memref<16384xf32, #tpu.memory_space<vmem>>, vector<16xf32>,
        tpu.vector_store %arg15[%swap3A_2231], %gather3A_2228 {strides = array<i32>} : memref<16384xf32, #tpu.memory_space<vmem>>, vector<16xf32>,
        %sub3A_2233 = arith.constant 1 : i32
        %sub3A_2234 = arith.subi %scan3A_400, %sub3A_2233 : i32
        %mul3A_2235 = arith.constant 16 : i32
        %mul3A_2236 = arith.muli %sub3A_2234, %mul3A_2235 : i32
        %add3A_2237 = arith.constant 12 : i32
        %add3A_2238 = arith.addi %mul3A_2236, %add3A_2237 : i32
        %add3A_2239 = arith.constant 1 : i32
        %add3A_2240 = arith.addi %add3A_2238, %add3A_2239 : i32
        %mul3A_2241 = arith.constant 32 : i32
        %mul3A_2242 = arith.muli %add3A_2240, %mul3A_2241 : i32
        %slice3A_2243 = vector.extract_strided_slice %scan3A_401 {offsets = [13], sizes = [1], strides = [1]} : vector<16xi32> to vector<1xi32>
        %squeeze3A_2244 = vector.extract %slice3A_2243[0] : i32 from vector<1xi32>
        %and3A_2245 = arith.constant 127 : i32
        %and3A_2246 = arith.andi %squeeze3A_2244, %and3A_2245 : i32
        %broadcast_in_dim3A_2247 = vector.broadcast %and3A_2246 : i32 to vector<16xi32>
        %slice3A_2248 = vector.extract_strided_slice %scan3A_402 {offsets = [13], sizes = [1], strides = [1]} : vector<16xi32> to vector<1xi32>
        %squeeze3A_2249 = vector.extract %slice3A_2248[0] : i32 from vector<1xi32>
        %and3A_2250 = arith.constant 127 : i32
        %and3A_2251 = arith.andi %squeeze3A_2249, %and3A_2250 : i32
        %broadcast_in_dim3A_2252 = vector.broadcast %and3A_2251 : i32 to vector<16xi32>
        %gather3A_2253 = arith.constant 5 : i32
        %gather3A_2254 = arith.constant 0 : i32
        %gather3A_2255 = arith.constant 0 : i32
        %gather3A_2256 = tpu.memref_slice %arg12[%gather3A_2253, %gather3A_2254, %gather3A_2255] : memref<8x32x128xf32, #tpu.memory_space<vmem>> -> memref<1x32x128xf32, #tpu.memory_space<vmem>>
        %gather3A_2257 = tpu.memref_squeeze %gather3A_2256 : memref<1x32x128xf32, #tpu.memory_space<vmem>> -> memref<32x128xf32, #tpu.memory_space<vmem>>
        %gather3A_2258 = tpu.vector_load_idx %gather3A_2257[%iota3A, %broadcast_in_dim3A_2247] : memref<32x128xf32, #tpu.memory_space<vmem>>[vector<16xi32>, vector<16xi32>], vector<16xf32>,
        %swap3A_2259 = arith.index_cast %mul3A_2242 : i32 to index
        %swap3A_2260 = tpu.vector_load %arg14[%swap3A_2259] {strides = array<i32>} : memref<16384xf32, #tpu.memory_space<vmem>>, vector<16xf32>,
        tpu.vector_store %arg14[%swap3A_2259], %gather3A_2258 {strides = array<i32>} : memref<16384xf32, #tpu.memory_space<vmem>>, vector<16xf32>,
        %gather3A_2261 = arith.constant 5 : i32
        %gather3A_2262 = arith.constant 0 : i32
        %gather3A_2263 = arith.constant 0 : i32
        %gather3A_2264 = tpu.memref_slice %arg12[%gather3A_2261, %gather3A_2262, %gather3A_2263] : memref<8x32x128xf32, #tpu.memory_space<vmem>> -> memref<1x32x128xf32, #tpu.memory_space<vmem>>
        %gather3A_2265 = tpu.memref_squeeze %gather3A_2264 : memref<1x32x128xf32, #tpu.memory_space<vmem>> -> memref<32x128xf32, #tpu.memory_space<vmem>>
        %gather3A_2266 = tpu.vector_load_idx %gather3A_2265[%add3A_52, %broadcast_in_dim3A_2247] : memref<32x128xf32, #tpu.memory_space<vmem>>[vector<16xi32>, vector<16xi32>], vector<16xf32>,
        %add3A_2267 = arith.constant 16 : i32
        %add3A_2268 = arith.addi %mul3A_2242, %add3A_2267 : i32
        %swap3A_2269 = arith.index_cast %add3A_2268 : i32 to index
        %swap3A_2270 = tpu.vector_load %arg14[%swap3A_2269] {strides = array<i32>} : memref<16384xf32, #tpu.memory_space<vmem>>, vector<16xf32>,
        tpu.vector_store %arg14[%swap3A_2269], %gather3A_2266 {strides = array<i32>} : memref<16384xf32, #tpu.memory_space<vmem>>, vector<16xf32>,
        %gather3A_2271 = arith.constant 5 : i32
        %gather3A_2272 = arith.constant 0 : i32
        %gather3A_2273 = arith.constant 0 : i32
        %gather3A_2274 = tpu.memref_slice %arg13[%gather3A_2271, %gather3A_2272, %gather3A_2273] : memref<8x32x128xf32, #tpu.memory_space<vmem>> -> memref<1x32x128xf32, #tpu.memory_space<vmem>>
        %gather3A_2275 = tpu.memref_squeeze %gather3A_2274 : memref<1x32x128xf32, #tpu.memory_space<vmem>> -> memref<32x128xf32, #tpu.memory_space<vmem>>
        %gather3A_2276 = tpu.vector_load_idx %gather3A_2275[%iota3A, %broadcast_in_dim3A_2252] : memref<32x128xf32, #tpu.memory_space<vmem>>[vector<16xi32>, vector<16xi32>], vector<16xf32>,
        %swap3A_2277 = arith.index_cast %mul3A_2242 : i32 to index
        %swap3A_2278 = tpu.vector_load %arg15[%swap3A_2277] {strides = array<i32>} : memref<16384xf32, #tpu.memory_space<vmem>>, vector<16xf32>,
        tpu.vector_store %arg15[%swap3A_2277], %gather3A_2276 {strides = array<i32>} : memref<16384xf32, #tpu.memory_space<vmem>>, vector<16xf32>,
        %gather3A_2279 = arith.constant 5 : i32
        %gather3A_2280 = arith.constant 0 : i32
        %gather3A_2281 = arith.constant 0 : i32
        %gather3A_2282 = tpu.memref_slice %arg13[%gather3A_2279, %gather3A_2280, %gather3A_2281] : memref<8x32x128xf32, #tpu.memory_space<vmem>> -> memref<1x32x128xf32, #tpu.memory_space<vmem>>
        %gather3A_2283 = tpu.memref_squeeze %gather3A_2282 : memref<1x32x128xf32, #tpu.memory_space<vmem>> -> memref<32x128xf32, #tpu.memory_space<vmem>>
        %gather3A_2284 = tpu.vector_load_idx %gather3A_2283[%add3A_52, %broadcast_in_dim3A_2252] : memref<32x128xf32, #tpu.memory_space<vmem>>[vector<16xi32>, vector<16xi32>], vector<16xf32>,
        %add3A_2285 = arith.constant 16 : i32
        %add3A_2286 = arith.addi %mul3A_2242, %add3A_2285 : i32
        %swap3A_2287 = arith.index_cast %add3A_2286 : i32 to index
        %swap3A_2288 = tpu.vector_load %arg15[%swap3A_2287] {strides = array<i32>} : memref<16384xf32, #tpu.memory_space<vmem>>, vector<16xf32>,
        tpu.vector_store %arg15[%swap3A_2287], %gather3A_2284 {strides = array<i32>} : memref<16384xf32, #tpu.memory_space<vmem>>, vector<16xf32>,
        %sub3A_2289 = arith.constant 1 : i32
        %sub3A_2290 = arith.subi %scan3A_400, %sub3A_2289 : i32
        %mul3A_2291 = arith.constant 16 : i32
        %mul3A_2292 = arith.muli %sub3A_2290, %mul3A_2291 : i32
        %add3A_2293 = arith.constant 12 : i32
        %add3A_2294 = arith.addi %mul3A_2292, %add3A_2293 : i32
        %add3A_2295 = arith.constant 2 : i32
        %add3A_2296 = arith.addi %add3A_2294, %add3A_2295 : i32
        %mul3A_2297 = arith.constant 32 : i32
        %mul3A_2298 = arith.muli %add3A_2296, %mul3A_2297 : i32
        %slice3A_2299 = vector.extract_strided_slice %scan3A_401 {offsets = [14], sizes = [1], strides = [1]} : vector<16xi32> to vector<1xi32>
        %squeeze3A_2300 = vector.extract %slice3A_2299[0] : i32 from vector<1xi32>
        %and3A_2301 = arith.constant 127 : i32
        %and3A_2302 = arith.andi %squeeze3A_2300, %and3A_2301 : i32
        %broadcast_in_dim3A_2303 = vector.broadcast %and3A_2302 : i32 to vector<16xi32>
        %slice3A_2304 = vector.extract_strided_slice %scan3A_402 {offsets = [14], sizes = [1], strides = [1]} : vector<16xi32> to vector<1xi32>
        %squeeze3A_2305 = vector.extract %slice3A_2304[0] : i32 from vector<1xi32>
        %and3A_2306 = arith.constant 127 : i32
        %and3A_2307 = arith.andi %squeeze3A_2305, %and3A_2306 : i32
        %broadcast_in_dim3A_2308 = vector.broadcast %and3A_2307 : i32 to vector<16xi32>
        %gather3A_2309 = arith.constant 6 : i32
        %gather3A_2310 = arith.constant 0 : i32
        %gather3A_2311 = arith.constant 0 : i32
        %gather3A_2312 = tpu.memref_slice %arg12[%gather3A_2309, %gather3A_2310, %gather3A_2311] : memref<8x32x128xf32, #tpu.memory_space<vmem>> -> memref<1x32x128xf32, #tpu.memory_space<vmem>>
        %gather3A_2313 = tpu.memref_squeeze %gather3A_2312 : memref<1x32x128xf32, #tpu.memory_space<vmem>> -> memref<32x128xf32, #tpu.memory_space<vmem>>
        %gather3A_2314 = tpu.vector_load_idx %gather3A_2313[%iota3A, %broadcast_in_dim3A_2303] : memref<32x128xf32, #tpu.memory_space<vmem>>[vector<16xi32>, vector<16xi32>], vector<16xf32>,
        %swap3A_2315 = arith.index_cast %mul3A_2298 : i32 to index
        %swap3A_2316 = tpu.vector_load %arg14[%swap3A_2315] {strides = array<i32>} : memref<16384xf32, #tpu.memory_space<vmem>>, vector<16xf32>,
        tpu.vector_store %arg14[%swap3A_2315], %gather3A_2314 {strides = array<i32>} : memref<16384xf32, #tpu.memory_space<vmem>>, vector<16xf32>,
        %gather3A_2317 = arith.constant 6 : i32
        %gather3A_2318 = arith.constant 0 : i32
        %gather3A_2319 = arith.constant 0 : i32
        %gather3A_2320 = tpu.memref_slice %arg12[%gather3A_2317, %gather3A_2318, %gather3A_2319] : memref<8x32x128xf32, #tpu.memory_space<vmem>> -> memref<1x32x128xf32, #tpu.memory_space<vmem>>
        %gather3A_2321 = tpu.memref_squeeze %gather3A_2320 : memref<1x32x128xf32, #tpu.memory_space<vmem>> -> memref<32x128xf32, #tpu.memory_space<vmem>>
        %gather3A_2322 = tpu.vector_load_idx %gather3A_2321[%add3A_52, %broadcast_in_dim3A_2303] : memref<32x128xf32, #tpu.memory_space<vmem>>[vector<16xi32>, vector<16xi32>], vector<16xf32>,
        %add3A_2323 = arith.constant 16 : i32
        %add3A_2324 = arith.addi %mul3A_2298, %add3A_2323 : i32
        %swap3A_2325 = arith.index_cast %add3A_2324 : i32 to index
        %swap3A_2326 = tpu.vector_load %arg14[%swap3A_2325] {strides = array<i32>} : memref<16384xf32, #tpu.memory_space<vmem>>, vector<16xf32>,
        tpu.vector_store %arg14[%swap3A_2325], %gather3A_2322 {strides = array<i32>} : memref<16384xf32, #tpu.memory_space<vmem>>, vector<16xf32>,
        %gather3A_2327 = arith.constant 6 : i32
        %gather3A_2328 = arith.constant 0 : i32
        %gather3A_2329 = arith.constant 0 : i32
        %gather3A_2330 = tpu.memref_slice %arg13[%gather3A_2327, %gather3A_2328, %gather3A_2329] : memref<8x32x128xf32, #tpu.memory_space<vmem>> -> memref<1x32x128xf32, #tpu.memory_space<vmem>>
        %gather3A_2331 = tpu.memref_squeeze %gather3A_2330 : memref<1x32x128xf32, #tpu.memory_space<vmem>> -> memref<32x128xf32, #tpu.memory_space<vmem>>
        %gather3A_2332 = tpu.vector_load_idx %gather3A_2331[%iota3A, %broadcast_in_dim3A_2308] : memref<32x128xf32, #tpu.memory_space<vmem>>[vector<16xi32>, vector<16xi32>], vector<16xf32>,
        %swap3A_2333 = arith.index_cast %mul3A_2298 : i32 to index
        %swap3A_2334 = tpu.vector_load %arg15[%swap3A_2333] {strides = array<i32>} : memref<16384xf32, #tpu.memory_space<vmem>>, vector<16xf32>,
        tpu.vector_store %arg15[%swap3A_2333], %gather3A_2332 {strides = array<i32>} : memref<16384xf32, #tpu.memory_space<vmem>>, vector<16xf32>,
        %gather3A_2335 = arith.constant 6 : i32
        %gather3A_2336 = arith.constant 0 : i32
        %gather3A_2337 = arith.constant 0 : i32
        %gather3A_2338 = tpu.memref_slice %arg13[%gather3A_2335, %gather3A_2336, %gather3A_2337] : memref<8x32x128xf32, #tpu.memory_space<vmem>> -> memref<1x32x128xf32, #tpu.memory_space<vmem>>
        %gather3A_2339 = tpu.memref_squeeze %gather3A_2338 : memref<1x32x128xf32, #tpu.memory_space<vmem>> -> memref<32x128xf32, #tpu.memory_space<vmem>>
        %gather3A_2340 = tpu.vector_load_idx %gather3A_2339[%add3A_52, %broadcast_in_dim3A_2308] : memref<32x128xf32, #tpu.memory_space<vmem>>[vector<16xi32>, vector<16xi32>], vector<16xf32>,
        %add3A_2341 = arith.constant 16 : i32
        %add3A_2342 = arith.addi %mul3A_2298, %add3A_2341 : i32
        %swap3A_2343 = arith.index_cast %add3A_2342 : i32 to index
        %swap3A_2344 = tpu.vector_load %arg15[%swap3A_2343] {strides = array<i32>} : memref<16384xf32, #tpu.memory_space<vmem>>, vector<16xf32>,
        tpu.vector_store %arg15[%swap3A_2343], %gather3A_2340 {strides = array<i32>} : memref<16384xf32, #tpu.memory_space<vmem>>, vector<16xf32>,
        %sub3A_2345 = arith.constant 1 : i32
        %sub3A_2346 = arith.subi %scan3A_400, %sub3A_2345 : i32
        %mul3A_2347 = arith.constant 16 : i32
        %mul3A_2348 = arith.muli %sub3A_2346, %mul3A_2347 : i32
        %add3A_2349 = arith.constant 12 : i32
        %add3A_2350 = arith.addi %mul3A_2348, %add3A_2349 : i32
        %add3A_2351 = arith.constant 3 : i32
        %add3A_2352 = arith.addi %add3A_2350, %add3A_2351 : i32
        %mul3A_2353 = arith.constant 32 : i32
        %mul3A_2354 = arith.muli %add3A_2352, %mul3A_2353 : i32
        %slice3A_2355 = vector.extract_strided_slice %scan3A_401 {offsets = [15], sizes = [1], strides = [1]} : vector<16xi32> to vector<1xi32>
        %squeeze3A_2356 = vector.extract %slice3A_2355[0] : i32 from vector<1xi32>
        %and3A_2357 = arith.constant 127 : i32
        %and3A_2358 = arith.andi %squeeze3A_2356, %and3A_2357 : i32
        %broadcast_in_dim3A_2359 = vector.broadcast %and3A_2358 : i32 to vector<16xi32>
        %slice3A_2360 = vector.extract_strided_slice %scan3A_402 {offsets = [15], sizes = [1], strides = [1]} : vector<16xi32> to vector<1xi32>
        %squeeze3A_2361 = vector.extract %slice3A_2360[0] : i32 from vector<1xi32>
        %and3A_2362 = arith.constant 127 : i32
        %and3A_2363 = arith.andi %squeeze3A_2361, %and3A_2362 : i32
        %broadcast_in_dim3A_2364 = vector.broadcast %and3A_2363 : i32 to vector<16xi32>
        %gather3A_2365 = arith.constant 7 : i32
        %gather3A_2366 = arith.constant 0 : i32
        %gather3A_2367 = arith.constant 0 : i32
        %gather3A_2368 = tpu.memref_slice %arg12[%gather3A_2365, %gather3A_2366, %gather3A_2367] : memref<8x32x128xf32, #tpu.memory_space<vmem>> -> memref<1x32x128xf32, #tpu.memory_space<vmem>>
        %gather3A_2369 = tpu.memref_squeeze %gather3A_2368 : memref<1x32x128xf32, #tpu.memory_space<vmem>> -> memref<32x128xf32, #tpu.memory_space<vmem>>
        %gather3A_2370 = tpu.vector_load_idx %gather3A_2369[%iota3A, %broadcast_in_dim3A_2359] : memref<32x128xf32, #tpu.memory_space<vmem>>[vector<16xi32>, vector<16xi32>], vector<16xf32>,
        %swap3A_2371 = arith.index_cast %mul3A_2354 : i32 to index
        %swap3A_2372 = tpu.vector_load %arg14[%swap3A_2371] {strides = array<i32>} : memref<16384xf32, #tpu.memory_space<vmem>>, vector<16xf32>,
        tpu.vector_store %arg14[%swap3A_2371], %gather3A_2370 {strides = array<i32>} : memref<16384xf32, #tpu.memory_space<vmem>>, vector<16xf32>,
        %gather3A_2373 = arith.constant 7 : i32
        %gather3A_2374 = arith.constant 0 : i32
        %gather3A_2375 = arith.constant 0 : i32
        %gather3A_2376 = tpu.memref_slice %arg12[%gather3A_2373, %gather3A_2374, %gather3A_2375] : memref<8x32x128xf32, #tpu.memory_space<vmem>> -> memref<1x32x128xf32, #tpu.memory_space<vmem>>
        %gather3A_2377 = tpu.memref_squeeze %gather3A_2376 : memref<1x32x128xf32, #tpu.memory_space<vmem>> -> memref<32x128xf32, #tpu.memory_space<vmem>>
        %gather3A_2378 = tpu.vector_load_idx %gather3A_2377[%add3A_52, %broadcast_in_dim3A_2359] : memref<32x128xf32, #tpu.memory_space<vmem>>[vector<16xi32>, vector<16xi32>], vector<16xf32>,
        %add3A_2379 = arith.constant 16 : i32
        %add3A_2380 = arith.addi %mul3A_2354, %add3A_2379 : i32
        %swap3A_2381 = arith.index_cast %add3A_2380 : i32 to index
        %swap3A_2382 = tpu.vector_load %arg14[%swap3A_2381] {strides = array<i32>} : memref<16384xf32, #tpu.memory_space<vmem>>, vector<16xf32>,
        tpu.vector_store %arg14[%swap3A_2381], %gather3A_2378 {strides = array<i32>} : memref<16384xf32, #tpu.memory_space<vmem>>, vector<16xf32>,
        %gather3A_2383 = arith.constant 7 : i32
        %gather3A_2384 = arith.constant 0 : i32
        %gather3A_2385 = arith.constant 0 : i32
        %gather3A_2386 = tpu.memref_slice %arg13[%gather3A_2383, %gather3A_2384, %gather3A_2385] : memref<8x32x128xf32, #tpu.memory_space<vmem>> -> memref<1x32x128xf32, #tpu.memory_space<vmem>>
        %gather3A_2387 = tpu.memref_squeeze %gather3A_2386 : memref<1x32x128xf32, #tpu.memory_space<vmem>> -> memref<32x128xf32, #tpu.memory_space<vmem>>
        %gather3A_2388 = tpu.vector_load_idx %gather3A_2387[%iota3A, %broadcast_in_dim3A_2364] : memref<32x128xf32, #tpu.memory_space<vmem>>[vector<16xi32>, vector<16xi32>], vector<16xf32>,
        %swap3A_2389 = arith.index_cast %mul3A_2354 : i32 to index
        %swap3A_2390 = tpu.vector_load %arg15[%swap3A_2389] {strides = array<i32>} : memref<16384xf32, #tpu.memory_space<vmem>>, vector<16xf32>,
        tpu.vector_store %arg15[%swap3A_2389], %gather3A_2388 {strides = array<i32>} : memref<16384xf32, #tpu.memory_space<vmem>>, vector<16xf32>,
        %gather3A_2391 = arith.constant 7 : i32
        %gather3A_2392 = arith.constant 0 : i32
        %gather3A_2393 = arith.constant 0 : i32
        %gather3A_2394 = tpu.memref_slice %arg13[%gather3A_2391, %gather3A_2392, %gather3A_2393] : memref<8x32x128xf32, #tpu.memory_space<vmem>> -> memref<1x32x128xf32, #tpu.memory_space<vmem>>
        %gather3A_2395 = tpu.memref_squeeze %gather3A_2394 : memref<1x32x128xf32, #tpu.memory_space<vmem>> -> memref<32x128xf32, #tpu.memory_space<vmem>>
        %gather3A_2396 = tpu.vector_load_idx %gather3A_2395[%add3A_52, %broadcast_in_dim3A_2364] : memref<32x128xf32, #tpu.memory_space<vmem>>[vector<16xi32>, vector<16xi32>], vector<16xf32>,
        %add3A_2397 = arith.constant 16 : i32
        %add3A_2398 = arith.addi %mul3A_2354, %add3A_2397 : i32
        %swap3A_2399 = arith.index_cast %add3A_2398 : i32 to index
        %swap3A_2400 = tpu.vector_load %arg15[%swap3A_2399] {strides = array<i32>} : memref<16384xf32, #tpu.memory_space<vmem>>, vector<16xf32>,
        tpu.vector_store %arg15[%swap3A_2399], %gather3A_2396 {strides = array<i32>} : memref<16384xf32, #tpu.memory_space<vmem>>, vector<16xf32>,
      } else {
      }
      %slice3A_570 = vector.extract_strided_slice %get3A_406 {offsets = [4], sizes = [1], strides = [1]} : vector<16xi32> to vector<1xi32>
      %squeeze3A_571 = vector.extract %slice3A_570[0] : i32 from vector<1xi32>
      %slice3A_572 = vector.extract_strided_slice %get3A_410 {offsets = [4], sizes = [1], strides = [1]} : vector<16xi32> to vector<1xi32>
      %squeeze3A_573 = vector.extract %slice3A_572[0] : i32 from vector<1xi32>
      %shift_right_arithmetic3A_574 = arith.constant 7 : i32
      %shift_right_arithmetic3A_575 = arith.shrsi %squeeze3A_571, %shift_right_arithmetic3A_574 : i32
      %shift_left3A_576 = arith.constant 7 : i32
      %shift_left3A_577 = arith.shli %shift_right_arithmetic3A_575, %shift_left3A_576 : i32
      %multiple_of3A_578 = tpu.assume_multiple %shift_left3A_577, 128 : i32
      %shift_right_arithmetic3A_579 = arith.constant 7 : i32
      %shift_right_arithmetic3A_580 = arith.shrsi %squeeze3A_573, %shift_right_arithmetic3A_579 : i32
      %shift_left3A_581 = arith.constant 7 : i32
      %shift_left3A_582 = arith.shli %shift_right_arithmetic3A_580, %shift_left3A_581 : i32
      %multiple_of3A_583 = tpu.assume_multiple %shift_left3A_582, 128 : i32
      %dma_start3A_584 = arith.constant 4 : i32
      %dma_start3A_585 = arith.constant 0 : i32
      %dma_start3A_586 = arith.constant 0 : i32
      %dma_start3A_587 = tpu.memref_slice %arg12[%dma_start3A_584, %dma_start3A_585, %dma_start3A_586] : memref<8x32x128xf32, #tpu.memory_space<vmem>> -> memref<1x32x128xf32, #tpu.memory_space<vmem>>
      %dma_start3A_588 = tpu.memref_squeeze %dma_start3A_587 : memref<1x32x128xf32, #tpu.memory_space<vmem>> -> memref<32x128xf32, #tpu.memory_space<vmem>>
      %dma_start3A_589 = arith.constant 0 : i32
      %dma_start3A_590 = tpu.memref_slice %arg4[%dma_start3A_589, %multiple_of3A_578] : memref<32x1000000xf32, #tpu.memory_space<hbm>> -> memref<32x128xf32, #tpu.memory_space<hbm>>
      %dma_start3A_591 = arith.constant 0 : i32
      %dma_start3A_592 = arith.constant 0 : i32
      %dma_start3A_593 = tpu.memref_slice %arg12[%dma_start3A_584, %dma_start3A_591, %dma_start3A_592] : memref<8x32x128xf32, #tpu.memory_space<vmem>> -> memref<1x32x128xf32, #tpu.memory_space<vmem>>
      %dma_start3A_594 = tpu.memref_squeeze %dma_start3A_593 : memref<1x32x128xf32, #tpu.memory_space<vmem>> -> memref<32x128xf32, #tpu.memory_space<vmem>>
      %dma_start3A_595 = arith.constant 0 : i32
      %dma_start3A_596 = tpu.memref_slice %arg4[%dma_start3A_595, %multiple_of3A_578] : memref<32x1000000xf32, #tpu.memory_space<hbm>> -> memref<32x128xf32, #tpu.memory_space<hbm>>
      tpu.enqueue_dma source(%dma_start3A_596 : memref<32x128xf32, #tpu.memory_space<hbm>>) target(%dma_start3A_594 : memref<32x128xf32, #tpu.memory_space<vmem>>) target_semaphore(%arg21 : memref<!tpu.dma_semaphore, #tpu.memory_space<semaphore_mem>>)
      %dma_start3A_597 = arith.constant 4 : i32
      %dma_start3A_598 = arith.constant 0 : i32
      %dma_start3A_599 = arith.constant 0 : i32
      %dma_start3A_600 = tpu.memref_slice %arg13[%dma_start3A_597, %dma_start3A_598, %dma_start3A_599] : memref<8x32x128xf32, #tpu.memory_space<vmem>> -> memref<1x32x128xf32, #tpu.memory_space<vmem>>
      %dma_start3A_601 = tpu.memref_squeeze %dma_start3A_600 : memref<1x32x128xf32, #tpu.memory_space<vmem>> -> memref<32x128xf32, #tpu.memory_space<vmem>>
      %dma_start3A_602 = arith.constant 0 : i32
      %dma_start3A_603 = tpu.memref_slice %arg5[%dma_start3A_602, %multiple_of3A_583] : memref<32x1000000xf32, #tpu.memory_space<hbm>> -> memref<32x128xf32, #tpu.memory_space<hbm>>
      %dma_start3A_604 = arith.constant 0 : i32
      %dma_start3A_605 = arith.constant 0 : i32
      %dma_start3A_606 = tpu.memref_slice %arg13[%dma_start3A_597, %dma_start3A_604, %dma_start3A_605] : memref<8x32x128xf32, #tpu.memory_space<vmem>> -> memref<1x32x128xf32, #tpu.memory_space<vmem>>
      %dma_start3A_607 = tpu.memref_squeeze %dma_start3A_606 : memref<1x32x128xf32, #tpu.memory_space<vmem>> -> memref<32x128xf32, #tpu.memory_space<vmem>>
      %dma_start3A_608 = arith.constant 0 : i32
      %dma_start3A_609 = tpu.memref_slice %arg5[%dma_start3A_608, %multiple_of3A_583] : memref<32x1000000xf32, #tpu.memory_space<hbm>> -> memref<32x128xf32, #tpu.memory_space<hbm>>
      tpu.enqueue_dma source(%dma_start3A_609 : memref<32x128xf32, #tpu.memory_space<hbm>>) target(%dma_start3A_607 : memref<32x128xf32, #tpu.memory_space<vmem>>) target_semaphore(%arg21 : memref<!tpu.dma_semaphore, #tpu.memory_space<semaphore_mem>>)
      %slice3A_610 = vector.extract_strided_slice %get3A_406 {offsets = [5], sizes = [1], strides = [1]} : vector<16xi32> to vector<1xi32>
      %squeeze3A_611 = vector.extract %slice3A_610[0] : i32 from vector<1xi32>
      %slice3A_612 = vector.extract_strided_slice %get3A_410 {offsets = [5], sizes = [1], strides = [1]} : vector<16xi32> to vector<1xi32>
      %squeeze3A_613 = vector.extract %slice3A_612[0] : i32 from vector<1xi32>
      %shift_right_arithmetic3A_614 = arith.constant 7 : i32
      %shift_right_arithmetic3A_615 = arith.shrsi %squeeze3A_611, %shift_right_arithmetic3A_614 : i32
      %shift_left3A_616 = arith.constant 7 : i32
      %shift_left3A_617 = arith.shli %shift_right_arithmetic3A_615, %shift_left3A_616 : i32
      %multiple_of3A_618 = tpu.assume_multiple %shift_left3A_617, 128 : i32
      %shift_right_arithmetic3A_619 = arith.constant 7 : i32
      %shift_right_arithmetic3A_620 = arith.shrsi %squeeze3A_613, %shift_right_arithmetic3A_619 : i32
      %shift_left3A_621 = arith.constant 7 : i32
      %shift_left3A_622 = arith.shli %shift_right_arithmetic3A_620, %shift_left3A_621 : i32
      %multiple_of3A_623 = tpu.assume_multiple %shift_left3A_622, 128 : i32
      %dma_start3A_624 = arith.constant 5 : i32
      %dma_start3A_625 = arith.constant 0 : i32
      %dma_start3A_626 = arith.constant 0 : i32
      %dma_start3A_627 = tpu.memref_slice %arg12[%dma_start3A_624, %dma_start3A_625, %dma_start3A_626] : memref<8x32x128xf32, #tpu.memory_space<vmem>> -> memref<1x32x128xf32, #tpu.memory_space<vmem>>
      %dma_start3A_628 = tpu.memref_squeeze %dma_start3A_627 : memref<1x32x128xf32, #tpu.memory_space<vmem>> -> memref<32x128xf32, #tpu.memory_space<vmem>>
      %dma_start3A_629 = arith.constant 0 : i32
      %dma_start3A_630 = tpu.memref_slice %arg4[%dma_start3A_629, %multiple_of3A_618] : memref<32x1000000xf32, #tpu.memory_space<hbm>> -> memref<32x128xf32, #tpu.memory_space<hbm>>
      %dma_start3A_631 = arith.constant 0 : i32
      %dma_start3A_632 = arith.constant 0 : i32
      %dma_start3A_633 = tpu.memref_slice %arg12[%dma_start3A_624, %dma_start3A_631, %dma_start3A_632] : memref<8x32x128xf32, #tpu.memory_space<vmem>> -> memref<1x32x128xf32, #tpu.memory_space<vmem>>
      %dma_start3A_634 = tpu.memref_squeeze %dma_start3A_633 : memref<1x32x128xf32, #tpu.memory_space<vmem>> -> memref<32x128xf32, #tpu.memory_space<vmem>>
      %dma_start3A_635 = arith.constant 0 : i32
      %dma_start3A_636 = tpu.memref_slice %arg4[%dma_start3A_635, %multiple_of3A_618] : memref<32x1000000xf32, #tpu.memory_space<hbm>> -> memref<32x128xf32, #tpu.memory_space<hbm>>
      tpu.enqueue_dma source(%dma_start3A_636 : memref<32x128xf32, #tpu.memory_space<hbm>>) target(%dma_start3A_634 : memref<32x128xf32, #tpu.memory_space<vmem>>) target_semaphore(%arg21 : memref<!tpu.dma_semaphore, #tpu.memory_space<semaphore_mem>>)
      %dma_start3A_637 = arith.constant 5 : i32
      %dma_start3A_638 = arith.constant 0 : i32
      %dma_start3A_639 = arith.constant 0 : i32
      %dma_start3A_640 = tpu.memref_slice %arg13[%dma_start3A_637, %dma_start3A_638, %dma_start3A_639] : memref<8x32x128xf32, #tpu.memory_space<vmem>> -> memref<1x32x128xf32, #tpu.memory_space<vmem>>
      %dma_start3A_641 = tpu.memref_squeeze %dma_start3A_640 : memref<1x32x128xf32, #tpu.memory_space<vmem>> -> memref<32x128xf32, #tpu.memory_space<vmem>>
      %dma_start3A_642 = arith.constant 0 : i32
      %dma_start3A_643 = tpu.memref_slice %arg5[%dma_start3A_642, %multiple_of3A_623] : memref<32x1000000xf32, #tpu.memory_space<hbm>> -> memref<32x128xf32, #tpu.memory_space<hbm>>
      %dma_start3A_644 = arith.constant 0 : i32
      %dma_start3A_645 = arith.constant 0 : i32
      %dma_start3A_646 = tpu.memref_slice %arg13[%dma_start3A_637, %dma_start3A_644, %dma_start3A_645] : memref<8x32x128xf32, #tpu.memory_space<vmem>> -> memref<1x32x128xf32, #tpu.memory_space<vmem>>
      %dma_start3A_647 = tpu.memref_squeeze %dma_start3A_646 : memref<1x32x128xf32, #tpu.memory_space<vmem>> -> memref<32x128xf32, #tpu.memory_space<vmem>>
      %dma_start3A_648 = arith.constant 0 : i32
      %dma_start3A_649 = tpu.memref_slice %arg5[%dma_start3A_648, %multiple_of3A_623] : memref<32x1000000xf32, #tpu.memory_space<hbm>> -> memref<32x128xf32, #tpu.memory_space<hbm>>
      tpu.enqueue_dma source(%dma_start3A_649 : memref<32x128xf32, #tpu.memory_space<hbm>>) target(%dma_start3A_647 : memref<32x128xf32, #tpu.memory_space<vmem>>) target_semaphore(%arg21 : memref<!tpu.dma_semaphore, #tpu.memory_space<semaphore_mem>>)
      %slice3A_650 = vector.extract_strided_slice %get3A_406 {offsets = [6], sizes = [1], strides = [1]} : vector<16xi32> to vector<1xi32>
      %squeeze3A_651 = vector.extract %slice3A_650[0] : i32 from vector<1xi32>
      %slice3A_652 = vector.extract_strided_slice %get3A_410 {offsets = [6], sizes = [1], strides = [1]} : vector<16xi32> to vector<1xi32>
      %squeeze3A_653 = vector.extract %slice3A_652[0] : i32 from vector<1xi32>
      %shift_right_arithmetic3A_654 = arith.constant 7 : i32
      %shift_right_arithmetic3A_655 = arith.shrsi %squeeze3A_651, %shift_right_arithmetic3A_654 : i32
      %shift_left3A_656 = arith.constant 7 : i32
      %shift_left3A_657 = arith.shli %shift_right_arithmetic3A_655, %shift_left3A_656 : i32
      %multiple_of3A_658 = tpu.assume_multiple %shift_left3A_657, 128 : i32
      %shift_right_arithmetic3A_659 = arith.constant 7 : i32
      %shift_right_arithmetic3A_660 = arith.shrsi %squeeze3A_653, %shift_right_arithmetic3A_659 : i32
      %shift_left3A_661 = arith.constant 7 : i32
      %shift_left3A_662 = arith.shli %shift_right_arithmetic3A_660, %shift_left3A_661 : i32
      %multiple_of3A_663 = tpu.assume_multiple %shift_left3A_662, 128 : i32
      %dma_start3A_664 = arith.constant 6 : i32
      %dma_start3A_665 = arith.constant 0 : i32
      %dma_start3A_666 = arith.constant 0 : i32
      %dma_start3A_667 = tpu.memref_slice %arg12[%dma_start3A_664, %dma_start3A_665, %dma_start3A_666] : memref<8x32x128xf32, #tpu.memory_space<vmem>> -> memref<1x32x128xf32, #tpu.memory_space<vmem>>
      %dma_start3A_668 = tpu.memref_squeeze %dma_start3A_667 : memref<1x32x128xf32, #tpu.memory_space<vmem>> -> memref<32x128xf32, #tpu.memory_space<vmem>>
      %dma_start3A_669 = arith.constant 0 : i32
      %dma_start3A_670 = tpu.memref_slice %arg4[%dma_start3A_669, %multiple_of3A_658] : memref<32x1000000xf32, #tpu.memory_space<hbm>> -> memref<32x128xf32, #tpu.memory_space<hbm>>
      %dma_start3A_671 = arith.constant 0 : i32
      %dma_start3A_672 = arith.constant 0 : i32
      %dma_start3A_673 = tpu.memref_slice %arg12[%dma_start3A_664, %dma_start3A_671, %dma_start3A_672] : memref<8x32x128xf32, #tpu.memory_space<vmem>> -> memref<1x32x128xf32, #tpu.memory_space<vmem>>
      %dma_start3A_674 = tpu.memref_squeeze %dma_start3A_673 : memref<1x32x128xf32, #tpu.memory_space<vmem>> -> memref<32x128xf32, #tpu.memory_space<vmem>>
      %dma_start3A_675 = arith.constant 0 : i32
      %dma_start3A_676 = tpu.memref_slice %arg4[%dma_start3A_675, %multiple_of3A_658] : memref<32x1000000xf32, #tpu.memory_space<hbm>> -> memref<32x128xf32, #tpu.memory_space<hbm>>
      tpu.enqueue_dma source(%dma_start3A_676 : memref<32x128xf32, #tpu.memory_space<hbm>>) target(%dma_start3A_674 : memref<32x128xf32, #tpu.memory_space<vmem>>) target_semaphore(%arg21 : memref<!tpu.dma_semaphore, #tpu.memory_space<semaphore_mem>>)
      %dma_start3A_677 = arith.constant 6 : i32
      %dma_start3A_678 = arith.constant 0 : i32
      %dma_start3A_679 = arith.constant 0 : i32
      %dma_start3A_680 = tpu.memref_slice %arg13[%dma_start3A_677, %dma_start3A_678, %dma_start3A_679] : memref<8x32x128xf32, #tpu.memory_space<vmem>> -> memref<1x32x128xf32, #tpu.memory_space<vmem>>
      %dma_start3A_681 = tpu.memref_squeeze %dma_start3A_680 : memref<1x32x128xf32, #tpu.memory_space<vmem>> -> memref<32x128xf32, #tpu.memory_space<vmem>>
      %dma_start3A_682 = arith.constant 0 : i32
      %dma_start3A_683 = tpu.memref_slice %arg5[%dma_start3A_682, %multiple_of3A_663] : memref<32x1000000xf32, #tpu.memory_space<hbm>> -> memref<32x128xf32, #tpu.memory_space<hbm>>
      %dma_start3A_684 = arith.constant 0 : i32
      %dma_start3A_685 = arith.constant 0 : i32
      %dma_start3A_686 = tpu.memref_slice %arg13[%dma_start3A_677, %dma_start3A_684, %dma_start3A_685] : memref<8x32x128xf32, #tpu.memory_space<vmem>> -> memref<1x32x128xf32, #tpu.memory_space<vmem>>
      %dma_start3A_687 = tpu.memref_squeeze %dma_start3A_686 : memref<1x32x128xf32, #tpu.memory_space<vmem>> -> memref<32x128xf32, #tpu.memory_space<vmem>>
      %dma_start3A_688 = arith.constant 0 : i32
      %dma_start3A_689 = tpu.memref_slice %arg5[%dma_start3A_688, %multiple_of3A_663] : memref<32x1000000xf32, #tpu.memory_space<hbm>> -> memref<32x128xf32, #tpu.memory_space<hbm>>
      tpu.enqueue_dma source(%dma_start3A_689 : memref<32x128xf32, #tpu.memory_space<hbm>>) target(%dma_start3A_687 : memref<32x128xf32, #tpu.memory_space<vmem>>) target_semaphore(%arg21 : memref<!tpu.dma_semaphore, #tpu.memory_space<semaphore_mem>>)
      %slice3A_690 = vector.extract_strided_slice %get3A_406 {offsets = [7], sizes = [1], strides = [1]} : vector<16xi32> to vector<1xi32>
      %squeeze3A_691 = vector.extract %slice3A_690[0] : i32 from vector<1xi32>
      %slice3A_692 = vector.extract_strided_slice %get3A_410 {offsets = [7], sizes = [1], strides = [1]} : vector<16xi32> to vector<1xi32>
      %squeeze3A_693 = vector.extract %slice3A_692[0] : i32 from vector<1xi32>
      %shift_right_arithmetic3A_694 = arith.constant 7 : i32
      %shift_right_arithmetic3A_695 = arith.shrsi %squeeze3A_691, %shift_right_arithmetic3A_694 : i32
      %shift_left3A_696 = arith.constant 7 : i32
      %shift_left3A_697 = arith.shli %shift_right_arithmetic3A_695, %shift_left3A_696 : i32
      %multiple_of3A_698 = tpu.assume_multiple %shift_left3A_697, 128 : i32
      %shift_right_arithmetic3A_699 = arith.constant 7 : i32
      %shift_right_arithmetic3A_700 = arith.shrsi %squeeze3A_693, %shift_right_arithmetic3A_699 : i32
      %shift_left3A_701 = arith.constant 7 : i32
      %shift_left3A_702 = arith.shli %shift_right_arithmetic3A_700, %shift_left3A_701 : i32
      %multiple_of3A_703 = tpu.assume_multiple %shift_left3A_702, 128 : i32
      %dma_start3A_704 = arith.constant 7 : i32
      %dma_start3A_705 = arith.constant 0 : i32
      %dma_start3A_706 = arith.constant 0 : i32
      %dma_start3A_707 = tpu.memref_slice %arg12[%dma_start3A_704, %dma_start3A_705, %dma_start3A_706] : memref<8x32x128xf32, #tpu.memory_space<vmem>> -> memref<1x32x128xf32, #tpu.memory_space<vmem>>
      %dma_start3A_708 = tpu.memref_squeeze %dma_start3A_707 : memref<1x32x128xf32, #tpu.memory_space<vmem>> -> memref<32x128xf32, #tpu.memory_space<vmem>>
      %dma_start3A_709 = arith.constant 0 : i32
      %dma_start3A_710 = tpu.memref_slice %arg4[%dma_start3A_709, %multiple_of3A_698] : memref<32x1000000xf32, #tpu.memory_space<hbm>> -> memref<32x128xf32, #tpu.memory_space<hbm>>
      %dma_start3A_711 = arith.constant 0 : i32
      %dma_start3A_712 = arith.constant 0 : i32
      %dma_start3A_713 = tpu.memref_slice %arg12[%dma_start3A_704, %dma_start3A_711, %dma_start3A_712] : memref<8x32x128xf32, #tpu.memory_space<vmem>> -> memref<1x32x128xf32, #tpu.memory_space<vmem>>
      %dma_start3A_714 = tpu.memref_squeeze %dma_start3A_713 : memref<1x32x128xf32, #tpu.memory_space<vmem>> -> memref<32x128xf32, #tpu.memory_space<vmem>>
      %dma_start3A_715 = arith.constant 0 : i32
      %dma_start3A_716 = tpu.memref_slice %arg4[%dma_start3A_715, %multiple_of3A_698] : memref<32x1000000xf32, #tpu.memory_space<hbm>> -> memref<32x128xf32, #tpu.memory_space<hbm>>
      tpu.enqueue_dma source(%dma_start3A_716 : memref<32x128xf32, #tpu.memory_space<hbm>>) target(%dma_start3A_714 : memref<32x128xf32, #tpu.memory_space<vmem>>) target_semaphore(%arg21 : memref<!tpu.dma_semaphore, #tpu.memory_space<semaphore_mem>>)
      %dma_start3A_717 = arith.constant 7 : i32
      %dma_start3A_718 = arith.constant 0 : i32
      %dma_start3A_719 = arith.constant 0 : i32
      %dma_start3A_720 = tpu.memref_slice %arg13[%dma_start3A_717, %dma_start3A_718, %dma_start3A_719] : memref<8x32x128xf32, #tpu.memory_space<vmem>> -> memref<1x32x128xf32, #tpu.memory_space<vmem>>
      %dma_start3A_721 = tpu.memref_squeeze %dma_start3A_720 : memref<1x32x128xf32, #tpu.memory_space<vmem>> -> memref<32x128xf32, #tpu.memory_space<vmem>>
      %dma_start3A_722 = arith.constant 0 : i32
      %dma_start3A_723 = tpu.memref_slice %arg5[%dma_start3A_722, %multiple_of3A_703] : memref<32x1000000xf32, #tpu.memory_space<hbm>> -> memref<32x128xf32, #tpu.memory_space<hbm>>
      %dma_start3A_724 = arith.constant 0 : i32
      %dma_start3A_725 = arith.constant 0 : i32
      %dma_start3A_726 = tpu.memref_slice %arg13[%dma_start3A_717, %dma_start3A_724, %dma_start3A_725] : memref<8x32x128xf32, #tpu.memory_space<vmem>> -> memref<1x32x128xf32, #tpu.memory_space<vmem>>
      %dma_start3A_727 = tpu.memref_squeeze %dma_start3A_726 : memref<1x32x128xf32, #tpu.memory_space<vmem>> -> memref<32x128xf32, #tpu.memory_space<vmem>>
      %dma_start3A_728 = arith.constant 0 : i32
      %dma_start3A_729 = tpu.memref_slice %arg5[%dma_start3A_728, %multiple_of3A_703] : memref<32x1000000xf32, #tpu.memory_space<hbm>> -> memref<32x128xf32, #tpu.memory_space<hbm>>
      tpu.enqueue_dma source(%dma_start3A_729 : memref<32x128xf32, #tpu.memory_space<hbm>>) target(%dma_start3A_727 : memref<32x128xf32, #tpu.memory_space<vmem>>) target_semaphore(%arg21 : memref<!tpu.dma_semaphore, #tpu.memory_space<semaphore_mem>>)
      %dma_wait3A_730 = arith.constant 0 : i32
      %dma_wait3A_731 = arith.constant 0 : i32
      %dma_wait3A_732 = arith.constant 0 : i32
      %dma_wait3A_733 = tpu.memref_slice %arg12[%dma_wait3A_730, %dma_wait3A_731, %dma_wait3A_732] : memref<8x32x128xf32, #tpu.memory_space<vmem>> -> memref<1x32x128xf32, #tpu.memory_space<vmem>>
      %dma_wait3A_734 = tpu.memref_squeeze %dma_wait3A_733 : memref<1x32x128xf32, #tpu.memory_space<vmem>> -> memref<32x128xf32, #tpu.memory_space<vmem>>
      %dma_wait3A_735 = arith.constant 0 : i32
      %dma_wait3A_736 = arith.constant 0 : i32
      %dma_wait3A_737 = tpu.memref_slice %arg4[%dma_wait3A_735, %dma_wait3A_736] : memref<32x1000000xf32, #tpu.memory_space<hbm>> -> memref<32x128xf32, #tpu.memory_space<hbm>>
      %dma_wait3A_738 = arith.constant 0 : i32
      %dma_wait3A_739 = arith.constant 0 : i32
      %dma_wait3A_740 = tpu.memref_slice %arg12[%dma_wait3A_730, %dma_wait3A_738, %dma_wait3A_739] : memref<8x32x128xf32, #tpu.memory_space<vmem>> -> memref<1x32x128xf32, #tpu.memory_space<vmem>>
      %dma_wait3A_741 = tpu.memref_squeeze %dma_wait3A_740 : memref<1x32x128xf32, #tpu.memory_space<vmem>> -> memref<32x128xf32, #tpu.memory_space<vmem>>
      %dma_wait3A_742 = arith.constant 0 : i32
      %dma_wait3A_743 = arith.constant 0 : i32
      %dma_wait3A_744 = tpu.memref_slice %arg4[%dma_wait3A_742, %dma_wait3A_743] : memref<32x1000000xf32, #tpu.memory_space<hbm>> -> memref<32x128xf32, #tpu.memory_space<hbm>>
      tpu.wait_dma2 semaphore(%arg20 : memref<!tpu.dma_semaphore, #tpu.memory_space<semaphore_mem>>) src(%dma_wait3A_744 : memref<32x128xf32, #tpu.memory_space<hbm>>) dst(%dma_wait3A_741 : memref<32x128xf32, #tpu.memory_space<vmem>>)
      %dma_wait3A_745 = arith.constant 0 : i32
      %dma_wait3A_746 = arith.constant 0 : i32
      %dma_wait3A_747 = arith.constant 0 : i32
      %dma_wait3A_748 = tpu.memref_slice %arg13[%dma_wait3A_745, %dma_wait3A_746, %dma_wait3A_747] : memref<8x32x128xf32, #tpu.memory_space<vmem>> -> memref<1x32x128xf32, #tpu.memory_space<vmem>>
      %dma_wait3A_749 = tpu.memref_squeeze %dma_wait3A_748 : memref<1x32x128xf32, #tpu.memory_space<vmem>> -> memref<32x128xf32, #tpu.memory_space<vmem>>
      %dma_wait3A_750 = arith.constant 0 : i32
      %dma_wait3A_751 = arith.constant 0 : i32
      %dma_wait3A_752 = tpu.memref_slice %arg4[%dma_wait3A_750, %dma_wait3A_751] : memref<32x1000000xf32, #tpu.memory_space<hbm>> -> memref<32x128xf32, #tpu.memory_space<hbm>>
      %dma_wait3A_753 = arith.constant 0 : i32
      %dma_wait3A_754 = arith.constant 0 : i32
      %dma_wait3A_755 = tpu.memref_slice %arg13[%dma_wait3A_745, %dma_wait3A_753, %dma_wait3A_754] : memref<8x32x128xf32, #tpu.memory_space<vmem>> -> memref<1x32x128xf32, #tpu.memory_space<vmem>>
      %dma_wait3A_756 = tpu.memref_squeeze %dma_wait3A_755 : memref<1x32x128xf32, #tpu.memory_space<vmem>> -> memref<32x128xf32, #tpu.memory_space<vmem>>
      %dma_wait3A_757 = arith.constant 0 : i32
      %dma_wait3A_758 = arith.constant 0 : i32
      %dma_wait3A_759 = tpu.memref_slice %arg4[%dma_wait3A_757, %dma_wait3A_758] : memref<32x1000000xf32, #tpu.memory_space<hbm>> -> memref<32x128xf32, #tpu.memory_space<hbm>>
      tpu.wait_dma2 semaphore(%arg20 : memref<!tpu.dma_semaphore, #tpu.memory_space<semaphore_mem>>) src(%dma_wait3A_759 : memref<32x128xf32, #tpu.memory_space<hbm>>) dst(%dma_wait3A_756 : memref<32x128xf32, #tpu.memory_space<vmem>>)
      %dma_wait3A_760 = arith.constant 1 : i32
      %dma_wait3A_761 = arith.constant 0 : i32
      %dma_wait3A_762 = arith.constant 0 : i32
      %dma_wait3A_763 = tpu.memref_slice %arg12[%dma_wait3A_760, %dma_wait3A_761, %dma_wait3A_762] : memref<8x32x128xf32, #tpu.memory_space<vmem>> -> memref<1x32x128xf32, #tpu.memory_space<vmem>>
      %dma_wait3A_764 = tpu.memref_squeeze %dma_wait3A_763 : memref<1x32x128xf32, #tpu.memory_space<vmem>> -> memref<32x128xf32, #tpu.memory_space<vmem>>
      %dma_wait3A_765 = arith.constant 0 : i32
      %dma_wait3A_766 = arith.constant 0 : i32
      %dma_wait3A_767 = tpu.memref_slice %arg4[%dma_wait3A_765, %dma_wait3A_766] : memref<32x1000000xf32, #tpu.memory_space<hbm>> -> memref<32x128xf32, #tpu.memory_space<hbm>>
      %dma_wait3A_768 = arith.constant 0 : i32
      %dma_wait3A_769 = arith.constant 0 : i32
      %dma_wait3A_770 = tpu.memref_slice %arg12[%dma_wait3A_760, %dma_wait3A_768, %dma_wait3A_769] : memref<8x32x128xf32, #tpu.memory_space<vmem>> -> memref<1x32x128xf32, #tpu.memory_space<vmem>>
      %dma_wait3A_771 = tpu.memref_squeeze %dma_wait3A_770 : memref<1x32x128xf32, #tpu.memory_space<vmem>> -> memref<32x128xf32, #tpu.memory_space<vmem>>
      %dma_wait3A_772 = arith.constant 0 : i32
      %dma_wait3A_773 = arith.constant 0 : i32
      %dma_wait3A_774 = tpu.memref_slice %arg4[%dma_wait3A_772, %dma_wait3A_773] : memref<32x1000000xf32, #tpu.memory_space<hbm>> -> memref<32x128xf32, #tpu.memory_space<hbm>>
      tpu.wait_dma2 semaphore(%arg20 : memref<!tpu.dma_semaphore, #tpu.memory_space<semaphore_mem>>) src(%dma_wait3A_774 : memref<32x128xf32, #tpu.memory_space<hbm>>) dst(%dma_wait3A_771 : memref<32x128xf32, #tpu.memory_space<vmem>>)
      %dma_wait3A_775 = arith.constant 1 : i32
      %dma_wait3A_776 = arith.constant 0 : i32
      %dma_wait3A_777 = arith.constant 0 : i32
      %dma_wait3A_778 = tpu.memref_slice %arg13[%dma_wait3A_775, %dma_wait3A_776, %dma_wait3A_777] : memref<8x32x128xf32, #tpu.memory_space<vmem>> -> memref<1x32x128xf32, #tpu.memory_space<vmem>>
      %dma_wait3A_779 = tpu.memref_squeeze %dma_wait3A_778 : memref<1x32x128xf32, #tpu.memory_space<vmem>> -> memref<32x128xf32, #tpu.memory_space<vmem>>
      %dma_wait3A_780 = arith.constant 0 : i32
      %dma_wait3A_781 = arith.constant 0 : i32
      %dma_wait3A_782 = tpu.memref_slice %arg4[%dma_wait3A_780, %dma_wait3A_781] : memref<32x1000000xf32, #tpu.memory_space<hbm>> -> memref<32x128xf32, #tpu.memory_space<hbm>>
      %dma_wait3A_783 = arith.constant 0 : i32
      %dma_wait3A_784 = arith.constant 0 : i32
      %dma_wait3A_785 = tpu.memref_slice %arg13[%dma_wait3A_775, %dma_wait3A_783, %dma_wait3A_784] : memref<8x32x128xf32, #tpu.memory_space<vmem>> -> memref<1x32x128xf32, #tpu.memory_space<vmem>>
      %dma_wait3A_786 = tpu.memref_squeeze %dma_wait3A_785 : memref<1x32x128xf32, #tpu.memory_space<vmem>> -> memref<32x128xf32, #tpu.memory_space<vmem>>
      %dma_wait3A_787 = arith.constant 0 : i32
      %dma_wait3A_788 = arith.constant 0 : i32
      %dma_wait3A_789 = tpu.memref_slice %arg4[%dma_wait3A_787, %dma_wait3A_788] : memref<32x1000000xf32, #tpu.memory_space<hbm>> -> memref<32x128xf32, #tpu.memory_space<hbm>>
      tpu.wait_dma2 semaphore(%arg20 : memref<!tpu.dma_semaphore, #tpu.memory_space<semaphore_mem>>) src(%dma_wait3A_789 : memref<32x128xf32, #tpu.memory_space<hbm>>) dst(%dma_wait3A_786 : memref<32x128xf32, #tpu.memory_space<vmem>>)
      %dma_wait3A_790 = arith.constant 2 : i32
      %dma_wait3A_791 = arith.constant 0 : i32
      %dma_wait3A_792 = arith.constant 0 : i32
      %dma_wait3A_793 = tpu.memref_slice %arg12[%dma_wait3A_790, %dma_wait3A_791, %dma_wait3A_792] : memref<8x32x128xf32, #tpu.memory_space<vmem>> -> memref<1x32x128xf32, #tpu.memory_space<vmem>>
      %dma_wait3A_794 = tpu.memref_squeeze %dma_wait3A_793 : memref<1x32x128xf32, #tpu.memory_space<vmem>> -> memref<32x128xf32, #tpu.memory_space<vmem>>
      %dma_wait3A_795 = arith.constant 0 : i32
      %dma_wait3A_796 = arith.constant 0 : i32
      %dma_wait3A_797 = tpu.memref_slice %arg4[%dma_wait3A_795, %dma_wait3A_796] : memref<32x1000000xf32, #tpu.memory_space<hbm>> -> memref<32x128xf32, #tpu.memory_space<hbm>>
      %dma_wait3A_798 = arith.constant 0 : i32
      %dma_wait3A_799 = arith.constant 0 : i32
      %dma_wait3A_800 = tpu.memref_slice %arg12[%dma_wait3A_790, %dma_wait3A_798, %dma_wait3A_799] : memref<8x32x128xf32, #tpu.memory_space<vmem>> -> memref<1x32x128xf32, #tpu.memory_space<vmem>>
      %dma_wait3A_801 = tpu.memref_squeeze %dma_wait3A_800 : memref<1x32x128xf32, #tpu.memory_space<vmem>> -> memref<32x128xf32, #tpu.memory_space<vmem>>
      %dma_wait3A_802 = arith.constant 0 : i32
      %dma_wait3A_803 = arith.constant 0 : i32
      %dma_wait3A_804 = tpu.memref_slice %arg4[%dma_wait3A_802, %dma_wait3A_803] : memref<32x1000000xf32, #tpu.memory_space<hbm>> -> memref<32x128xf32, #tpu.memory_space<hbm>>
      tpu.wait_dma2 semaphore(%arg20 : memref<!tpu.dma_semaphore, #tpu.memory_space<semaphore_mem>>) src(%dma_wait3A_804 : memref<32x128xf32, #tpu.memory_space<hbm>>) dst(%dma_wait3A_801 : memref<32x128xf32, #tpu.memory_space<vmem>>)
      %dma_wait3A_805 = arith.constant 2 : i32
      %dma_wait3A_806 = arith.constant 0 : i32
      %dma_wait3A_807 = arith.constant 0 : i32
      %dma_wait3A_808 = tpu.memref_slice %arg13[%dma_wait3A_805, %dma_wait3A_806, %dma_wait3A_807] : memref<8x32x128xf32, #tpu.memory_space<vmem>> -> memref<1x32x128xf32, #tpu.memory_space<vmem>>
      %dma_wait3A_809 = tpu.memref_squeeze %dma_wait3A_808 : memref<1x32x128xf32, #tpu.memory_space<vmem>> -> memref<32x128xf32, #tpu.memory_space<vmem>>
      %dma_wait3A_810 = arith.constant 0 : i32
      %dma_wait3A_811 = arith.constant 0 : i32
      %dma_wait3A_812 = tpu.memref_slice %arg4[%dma_wait3A_810, %dma_wait3A_811] : memref<32x1000000xf32, #tpu.memory_space<hbm>> -> memref<32x128xf32, #tpu.memory_space<hbm>>
      %dma_wait3A_813 = arith.constant 0 : i32
      %dma_wait3A_814 = arith.constant 0 : i32
      %dma_wait3A_815 = tpu.memref_slice %arg13[%dma_wait3A_805, %dma_wait3A_813, %dma_wait3A_814] : memref<8x32x128xf32, #tpu.memory_space<vmem>> -> memref<1x32x128xf32, #tpu.memory_space<vmem>>
      %dma_wait3A_816 = tpu.memref_squeeze %dma_wait3A_815 : memref<1x32x128xf32, #tpu.memory_space<vmem>> -> memref<32x128xf32, #tpu.memory_space<vmem>>
      %dma_wait3A_817 = arith.constant 0 : i32
      %dma_wait3A_818 = arith.constant 0 : i32
      %dma_wait3A_819 = tpu.memref_slice %arg4[%dma_wait3A_817, %dma_wait3A_818] : memref<32x1000000xf32, #tpu.memory_space<hbm>> -> memref<32x128xf32, #tpu.memory_space<hbm>>
      tpu.wait_dma2 semaphore(%arg20 : memref<!tpu.dma_semaphore, #tpu.memory_space<semaphore_mem>>) src(%dma_wait3A_819 : memref<32x128xf32, #tpu.memory_space<hbm>>) dst(%dma_wait3A_816 : memref<32x128xf32, #tpu.memory_space<vmem>>)
      %dma_wait3A_820 = arith.constant 3 : i32
      %dma_wait3A_821 = arith.constant 0 : i32
      %dma_wait3A_822 = arith.constant 0 : i32
      %dma_wait3A_823 = tpu.memref_slice %arg12[%dma_wait3A_820, %dma_wait3A_821, %dma_wait3A_822] : memref<8x32x128xf32, #tpu.memory_space<vmem>> -> memref<1x32x128xf32, #tpu.memory_space<vmem>>
      %dma_wait3A_824 = tpu.memref_squeeze %dma_wait3A_823 : memref<1x32x128xf32, #tpu.memory_space<vmem>> -> memref<32x128xf32, #tpu.memory_space<vmem>>
      %dma_wait3A_825 = arith.constant 0 : i32
      %dma_wait3A_826 = arith.constant 0 : i32
      %dma_wait3A_827 = tpu.memref_slice %arg4[%dma_wait3A_825, %dma_wait3A_826] : memref<32x1000000xf32, #tpu.memory_space<hbm>> -> memref<32x128xf32, #tpu.memory_space<hbm>>
      %dma_wait3A_828 = arith.constant 0 : i32
      %dma_wait3A_829 = arith.constant 0 : i32
      %dma_wait3A_830 = tpu.memref_slice %arg12[%dma_wait3A_820, %dma_wait3A_828, %dma_wait3A_829] : memref<8x32x128xf32, #tpu.memory_space<vmem>> -> memref<1x32x128xf32, #tpu.memory_space<vmem>>
      %dma_wait3A_831 = tpu.memref_squeeze %dma_wait3A_830 : memref<1x32x128xf32, #tpu.memory_space<vmem>> -> memref<32x128xf32, #tpu.memory_space<vmem>>
      %dma_wait3A_832 = arith.constant 0 : i32
      %dma_wait3A_833 = arith.constant 0 : i32
      %dma_wait3A_834 = tpu.memref_slice %arg4[%dma_wait3A_832, %dma_wait3A_833] : memref<32x1000000xf32, #tpu.memory_space<hbm>> -> memref<32x128xf32, #tpu.memory_space<hbm>>
      tpu.wait_dma2 semaphore(%arg20 : memref<!tpu.dma_semaphore, #tpu.memory_space<semaphore_mem>>) src(%dma_wait3A_834 : memref<32x128xf32, #tpu.memory_space<hbm>>) dst(%dma_wait3A_831 : memref<32x128xf32, #tpu.memory_space<vmem>>)
      %dma_wait3A_835 = arith.constant 3 : i32
      %dma_wait3A_836 = arith.constant 0 : i32
      %dma_wait3A_837 = arith.constant 0 : i32
      %dma_wait3A_838 = tpu.memref_slice %arg13[%dma_wait3A_835, %dma_wait3A_836, %dma_wait3A_837] : memref<8x32x128xf32, #tpu.memory_space<vmem>> -> memref<1x32x128xf32, #tpu.memory_space<vmem>>
      %dma_wait3A_839 = tpu.memref_squeeze %dma_wait3A_838 : memref<1x32x128xf32, #tpu.memory_space<vmem>> -> memref<32x128xf32, #tpu.memory_space<vmem>>
      %dma_wait3A_840 = arith.constant 0 : i32
      %dma_wait3A_841 = arith.constant 0 : i32
      %dma_wait3A_842 = tpu.memref_slice %arg4[%dma_wait3A_840, %dma_wait3A_841] : memref<32x1000000xf32, #tpu.memory_space<hbm>> -> memref<32x128xf32, #tpu.memory_space<hbm>>
      %dma_wait3A_843 = arith.constant 0 : i32
      %dma_wait3A_844 = arith.constant 0 : i32
      %dma_wait3A_845 = tpu.memref_slice %arg13[%dma_wait3A_835, %dma_wait3A_843, %dma_wait3A_844] : memref<8x32x128xf32, #tpu.memory_space<vmem>> -> memref<1x32x128xf32, #tpu.memory_space<vmem>>
      %dma_wait3A_846 = tpu.memref_squeeze %dma_wait3A_845 : memref<1x32x128xf32, #tpu.memory_space<vmem>> -> memref<32x128xf32, #tpu.memory_space<vmem>>
      %dma_wait3A_847 = arith.constant 0 : i32
      %dma_wait3A_848 = arith.constant 0 : i32
      %dma_wait3A_849 = tpu.memref_slice %arg4[%dma_wait3A_847, %dma_wait3A_848] : memref<32x1000000xf32, #tpu.memory_space<hbm>> -> memref<32x128xf32, #tpu.memory_space<hbm>>
      tpu.wait_dma2 semaphore(%arg20 : memref<!tpu.dma_semaphore, #tpu.memory_space<semaphore_mem>>) src(%dma_wait3A_849 : memref<32x128xf32, #tpu.memory_space<hbm>>) dst(%dma_wait3A_846 : memref<32x128xf32, #tpu.memory_space<vmem>>)
      %mul3A_850 = arith.constant 16 : i32
      %mul3A_851 = arith.muli %scan3A_400, %mul3A_850 : i32
      %add3A_852 = arith.constant 0 : i32
      %add3A_853 = arith.addi %mul3A_851, %add3A_852 : i32
      %add3A_854 = arith.constant 0 : i32
      %add3A_855 = arith.addi %add3A_853, %add3A_854 : i32
      %mul3A_856 = arith.constant 32 : i32
      %mul3A_857 = arith.muli %add3A_855, %mul3A_856 : i32
      %slice3A_858 = vector.extract_strided_slice %get3A_406 {offsets = [0], sizes = [1], strides = [1]} : vector<16xi32> to vector<1xi32>
      %squeeze3A_859 = vector.extract %slice3A_858[0] : i32 from vector<1xi32>
      %and3A_860 = arith.constant 127 : i32
      %and3A_861 = arith.andi %squeeze3A_859, %and3A_860 : i32
      %broadcast_in_dim3A_862 = vector.broadcast %and3A_861 : i32 to vector<16xi32>
      %slice3A_863 = vector.extract_strided_slice %get3A_410 {offsets = [0], sizes = [1], strides = [1]} : vector<16xi32> to vector<1xi32>
      %squeeze3A_864 = vector.extract %slice3A_863[0] : i32 from vector<1xi32>
      %and3A_865 = arith.constant 127 : i32
      %and3A_866 = arith.andi %squeeze3A_864, %and3A_865 : i32
      %broadcast_in_dim3A_867 = vector.broadcast %and3A_866 : i32 to vector<16xi32>
      %gather3A_868 = arith.constant 0 : i32
      %gather3A_869 = arith.constant 0 : i32
      %gather3A_870 = arith.constant 0 : i32
      %gather3A_871 = tpu.memref_slice %arg12[%gather3A_868, %gather3A_869, %gather3A_870] : memref<8x32x128xf32, #tpu.memory_space<vmem>> -> memref<1x32x128xf32, #tpu.memory_space<vmem>>
      %gather3A_872 = tpu.memref_squeeze %gather3A_871 : memref<1x32x128xf32, #tpu.memory_space<vmem>> -> memref<32x128xf32, #tpu.memory_space<vmem>>
      %gather3A_873 = tpu.vector_load_idx %gather3A_872[%iota3A, %broadcast_in_dim3A_862] : memref<32x128xf32, #tpu.memory_space<vmem>>[vector<16xi32>, vector<16xi32>], vector<16xf32>,
      %swap3A_874 = arith.index_cast %mul3A_857 : i32 to index
      %swap3A_875 = tpu.vector_load %arg14[%swap3A_874] {strides = array<i32>} : memref<16384xf32, #tpu.memory_space<vmem>>, vector<16xf32>,
      tpu.vector_store %arg14[%swap3A_874], %gather3A_873 {strides = array<i32>} : memref<16384xf32, #tpu.memory_space<vmem>>, vector<16xf32>,
      %gather3A_876 = arith.constant 0 : i32
      %gather3A_877 = arith.constant 0 : i32
      %gather3A_878 = arith.constant 0 : i32
      %gather3A_879 = tpu.memref_slice %arg12[%gather3A_876, %gather3A_877, %gather3A_878] : memref<8x32x128xf32, #tpu.memory_space<vmem>> -> memref<1x32x128xf32, #tpu.memory_space<vmem>>
      %gather3A_880 = tpu.memref_squeeze %gather3A_879 : memref<1x32x128xf32, #tpu.memory_space<vmem>> -> memref<32x128xf32, #tpu.memory_space<vmem>>
      %gather3A_881 = tpu.vector_load_idx %gather3A_880[%add3A_52, %broadcast_in_dim3A_862] : memref<32x128xf32, #tpu.memory_space<vmem>>[vector<16xi32>, vector<16xi32>], vector<16xf32>,
      %add3A_882 = arith.constant 16 : i32
      %add3A_883 = arith.addi %mul3A_857, %add3A_882 : i32
      %swap3A_884 = arith.index_cast %add3A_883 : i32 to index
      %swap3A_885 = tpu.vector_load %arg14[%swap3A_884] {strides = array<i32>} : memref<16384xf32, #tpu.memory_space<vmem>>, vector<16xf32>,
      tpu.vector_store %arg14[%swap3A_884], %gather3A_881 {strides = array<i32>} : memref<16384xf32, #tpu.memory_space<vmem>>, vector<16xf32>,
      %gather3A_886 = arith.constant 0 : i32
      %gather3A_887 = arith.constant 0 : i32
      %gather3A_888 = arith.constant 0 : i32
      %gather3A_889 = tpu.memref_slice %arg13[%gather3A_886, %gather3A_887, %gather3A_888] : memref<8x32x128xf32, #tpu.memory_space<vmem>> -> memref<1x32x128xf32, #tpu.memory_space<vmem>>
      %gather3A_890 = tpu.memref_squeeze %gather3A_889 : memref<1x32x128xf32, #tpu.memory_space<vmem>> -> memref<32x128xf32, #tpu.memory_space<vmem>>
      %gather3A_891 = tpu.vector_load_idx %gather3A_890[%iota3A, %broadcast_in_dim3A_867] : memref<32x128xf32, #tpu.memory_space<vmem>>[vector<16xi32>, vector<16xi32>], vector<16xf32>,
      %swap3A_892 = arith.index_cast %mul3A_857 : i32 to index
      %swap3A_893 = tpu.vector_load %arg15[%swap3A_892] {strides = array<i32>} : memref<16384xf32, #tpu.memory_space<vmem>>, vector<16xf32>,
      tpu.vector_store %arg15[%swap3A_892], %gather3A_891 {strides = array<i32>} : memref<16384xf32, #tpu.memory_space<vmem>>, vector<16xf32>,
      %gather3A_894 = arith.constant 0 : i32
      %gather3A_895 = arith.constant 0 : i32
      %gather3A_896 = arith.constant 0 : i32
      %gather3A_897 = tpu.memref_slice %arg13[%gather3A_894, %gather3A_895, %gather3A_896] : memref<8x32x128xf32, #tpu.memory_space<vmem>> -> memref<1x32x128xf32, #tpu.memory_space<vmem>>
      %gather3A_898 = tpu.memref_squeeze %gather3A_897 : memref<1x32x128xf32, #tpu.memory_space<vmem>> -> memref<32x128xf32, #tpu.memory_space<vmem>>
      %gather3A_899 = tpu.vector_load_idx %gather3A_898[%add3A_52, %broadcast_in_dim3A_867] : memref<32x128xf32, #tpu.memory_space<vmem>>[vector<16xi32>, vector<16xi32>], vector<16xf32>,
      %add3A_900 = arith.constant 16 : i32
      %add3A_901 = arith.addi %mul3A_857, %add3A_900 : i32
      %swap3A_902 = arith.index_cast %add3A_901 : i32 to index
      %swap3A_903 = tpu.vector_load %arg15[%swap3A_902] {strides = array<i32>} : memref<16384xf32, #tpu.memory_space<vmem>>, vector<16xf32>,
      tpu.vector_store %arg15[%swap3A_902], %gather3A_899 {strides = array<i32>} : memref<16384xf32, #tpu.memory_space<vmem>>, vector<16xf32>,
      %mul3A_904 = arith.constant 16 : i32
      %mul3A_905 = arith.muli %scan3A_400, %mul3A_904 : i32
      %add3A_906 = arith.constant 0 : i32
      %add3A_907 = arith.addi %mul3A_905, %add3A_906 : i32
      %add3A_908 = arith.constant 1 : i32
      %add3A_909 = arith.addi %add3A_907, %add3A_908 : i32
      %mul3A_910 = arith.constant 32 : i32
      %mul3A_911 = arith.muli %add3A_909, %mul3A_910 : i32
      %slice3A_912 = vector.extract_strided_slice %get3A_406 {offsets = [1], sizes = [1], strides = [1]} : vector<16xi32> to vector<1xi32>
      %squeeze3A_913 = vector.extract %slice3A_912[0] : i32 from vector<1xi32>
      %and3A_914 = arith.constant 127 : i32
      %and3A_915 = arith.andi %squeeze3A_913, %and3A_914 : i32
      %broadcast_in_dim3A_916 = vector.broadcast %and3A_915 : i32 to vector<16xi32>
      %slice3A_917 = vector.extract_strided_slice %get3A_410 {offsets = [1], sizes = [1], strides = [1]} : vector<16xi32> to vector<1xi32>
      %squeeze3A_918 = vector.extract %slice3A_917[0] : i32 from vector<1xi32>
      %and3A_919 = arith.constant 127 : i32
      %and3A_920 = arith.andi %squeeze3A_918, %and3A_919 : i32
      %broadcast_in_dim3A_921 = vector.broadcast %and3A_920 : i32 to vector<16xi32>
      %gather3A_922 = arith.constant 1 : i32
      %gather3A_923 = arith.constant 0 : i32
      %gather3A_924 = arith.constant 0 : i32
      %gather3A_925 = tpu.memref_slice %arg12[%gather3A_922, %gather3A_923, %gather3A_924] : memref<8x32x128xf32, #tpu.memory_space<vmem>> -> memref<1x32x128xf32, #tpu.memory_space<vmem>>
      %gather3A_926 = tpu.memref_squeeze %gather3A_925 : memref<1x32x128xf32, #tpu.memory_space<vmem>> -> memref<32x128xf32, #tpu.memory_space<vmem>>
      %gather3A_927 = tpu.vector_load_idx %gather3A_926[%iota3A, %broadcast_in_dim3A_916] : memref<32x128xf32, #tpu.memory_space<vmem>>[vector<16xi32>, vector<16xi32>], vector<16xf32>,
      %swap3A_928 = arith.index_cast %mul3A_911 : i32 to index
      %swap3A_929 = tpu.vector_load %arg14[%swap3A_928] {strides = array<i32>} : memref<16384xf32, #tpu.memory_space<vmem>>, vector<16xf32>,
      tpu.vector_store %arg14[%swap3A_928], %gather3A_927 {strides = array<i32>} : memref<16384xf32, #tpu.memory_space<vmem>>, vector<16xf32>,
      %gather3A_930 = arith.constant 1 : i32
      %gather3A_931 = arith.constant 0 : i32
      %gather3A_932 = arith.constant 0 : i32
      %gather3A_933 = tpu.memref_slice %arg12[%gather3A_930, %gather3A_931, %gather3A_932] : memref<8x32x128xf32, #tpu.memory_space<vmem>> -> memref<1x32x128xf32, #tpu.memory_space<vmem>>
      %gather3A_934 = tpu.memref_squeeze %gather3A_933 : memref<1x32x128xf32, #tpu.memory_space<vmem>> -> memref<32x128xf32, #tpu.memory_space<vmem>>
      %gather3A_935 = tpu.vector_load_idx %gather3A_934[%add3A_52, %broadcast_in_dim3A_916] : memref<32x128xf32, #tpu.memory_space<vmem>>[vector<16xi32>, vector<16xi32>], vector<16xf32>,
      %add3A_936 = arith.constant 16 : i32
      %add3A_937 = arith.addi %mul3A_911, %add3A_936 : i32
      %swap3A_938 = arith.index_cast %add3A_937 : i32 to index
      %swap3A_939 = tpu.vector_load %arg14[%swap3A_938] {strides = array<i32>} : memref<16384xf32, #tpu.memory_space<vmem>>, vector<16xf32>,
      tpu.vector_store %arg14[%swap3A_938], %gather3A_935 {strides = array<i32>} : memref<16384xf32, #tpu.memory_space<vmem>>, vector<16xf32>,
      %gather3A_940 = arith.constant 1 : i32
      %gather3A_941 = arith.constant 0 : i32
      %gather3A_942 = arith.constant 0 : i32
      %gather3A_943 = tpu.memref_slice %arg13[%gather3A_940, %gather3A_941, %gather3A_942] : memref<8x32x128xf32, #tpu.memory_space<vmem>> -> memref<1x32x128xf32, #tpu.memory_space<vmem>>
      %gather3A_944 = tpu.memref_squeeze %gather3A_943 : memref<1x32x128xf32, #tpu.memory_space<vmem>> -> memref<32x128xf32, #tpu.memory_space<vmem>>
      %gather3A_945 = tpu.vector_load_idx %gather3A_944[%iota3A, %broadcast_in_dim3A_921] : memref<32x128xf32, #tpu.memory_space<vmem>>[vector<16xi32>, vector<16xi32>], vector<16xf32>,
      %swap3A_946 = arith.index_cast %mul3A_911 : i32 to index
      %swap3A_947 = tpu.vector_load %arg15[%swap3A_946] {strides = array<i32>} : memref<16384xf32, #tpu.memory_space<vmem>>, vector<16xf32>,
      tpu.vector_store %arg15[%swap3A_946], %gather3A_945 {strides = array<i32>} : memref<16384xf32, #tpu.memory_space<vmem>>, vector<16xf32>,
      %gather3A_948 = arith.constant 1 : i32
      %gather3A_949 = arith.constant 0 : i32
      %gather3A_950 = arith.constant 0 : i32
      %gather3A_951 = tpu.memref_slice %arg13[%gather3A_948, %gather3A_949, %gather3A_950] : memref<8x32x128xf32, #tpu.memory_space<vmem>> -> memref<1x32x128xf32, #tpu.memory_space<vmem>>
      %gather3A_952 = tpu.memref_squeeze %gather3A_951 : memref<1x32x128xf32, #tpu.memory_space<vmem>> -> memref<32x128xf32, #tpu.memory_space<vmem>>
      %gather3A_953 = tpu.vector_load_idx %gather3A_952[%add3A_52, %broadcast_in_dim3A_921] : memref<32x128xf32, #tpu.memory_space<vmem>>[vector<16xi32>, vector<16xi32>], vector<16xf32>,
      %add3A_954 = arith.constant 16 : i32
      %add3A_955 = arith.addi %mul3A_911, %add3A_954 : i32
      %swap3A_956 = arith.index_cast %add3A_955 : i32 to index
      %swap3A_957 = tpu.vector_load %arg15[%swap3A_956] {strides = array<i32>} : memref<16384xf32, #tpu.memory_space<vmem>>, vector<16xf32>,
      tpu.vector_store %arg15[%swap3A_956], %gather3A_953 {strides = array<i32>} : memref<16384xf32, #tpu.memory_space<vmem>>, vector<16xf32>,
      %mul3A_958 = arith.constant 16 : i32
      %mul3A_959 = arith.muli %scan3A_400, %mul3A_958 : i32
      %add3A_960 = arith.constant 0 : i32
      %add3A_961 = arith.addi %mul3A_959, %add3A_960 : i32
      %add3A_962 = arith.constant 2 : i32
      %add3A_963 = arith.addi %add3A_961, %add3A_962 : i32
      %mul3A_964 = arith.constant 32 : i32
      %mul3A_965 = arith.muli %add3A_963, %mul3A_964 : i32
      %slice3A_966 = vector.extract_strided_slice %get3A_406 {offsets = [2], sizes = [1], strides = [1]} : vector<16xi32> to vector<1xi32>
      %squeeze3A_967 = vector.extract %slice3A_966[0] : i32 from vector<1xi32>
      %and3A_968 = arith.constant 127 : i32
      %and3A_969 = arith.andi %squeeze3A_967, %and3A_968 : i32
      %broadcast_in_dim3A_970 = vector.broadcast %and3A_969 : i32 to vector<16xi32>
      %slice3A_971 = vector.extract_strided_slice %get3A_410 {offsets = [2], sizes = [1], strides = [1]} : vector<16xi32> to vector<1xi32>
      %squeeze3A_972 = vector.extract %slice3A_971[0] : i32 from vector<1xi32>
      %and3A_973 = arith.constant 127 : i32
      %and3A_974 = arith.andi %squeeze3A_972, %and3A_973 : i32
      %broadcast_in_dim3A_975 = vector.broadcast %and3A_974 : i32 to vector<16xi32>
      %gather3A_976 = arith.constant 2 : i32
      %gather3A_977 = arith.constant 0 : i32
      %gather3A_978 = arith.constant 0 : i32
      %gather3A_979 = tpu.memref_slice %arg12[%gather3A_976, %gather3A_977, %gather3A_978] : memref<8x32x128xf32, #tpu.memory_space<vmem>> -> memref<1x32x128xf32, #tpu.memory_space<vmem>>
      %gather3A_980 = tpu.memref_squeeze %gather3A_979 : memref<1x32x128xf32, #tpu.memory_space<vmem>> -> memref<32x128xf32, #tpu.memory_space<vmem>>
      %gather3A_981 = tpu.vector_load_idx %gather3A_980[%iota3A, %broadcast_in_dim3A_970] : memref<32x128xf32, #tpu.memory_space<vmem>>[vector<16xi32>, vector<16xi32>], vector<16xf32>,
      %swap3A_982 = arith.index_cast %mul3A_965 : i32 to index
      %swap3A_983 = tpu.vector_load %arg14[%swap3A_982] {strides = array<i32>} : memref<16384xf32, #tpu.memory_space<vmem>>, vector<16xf32>,
      tpu.vector_store %arg14[%swap3A_982], %gather3A_981 {strides = array<i32>} : memref<16384xf32, #tpu.memory_space<vmem>>, vector<16xf32>,
      %gather3A_984 = arith.constant 2 : i32
      %gather3A_985 = arith.constant 0 : i32
      %gather3A_986 = arith.constant 0 : i32
      %gather3A_987 = tpu.memref_slice %arg12[%gather3A_984, %gather3A_985, %gather3A_986] : memref<8x32x128xf32, #tpu.memory_space<vmem>> -> memref<1x32x128xf32, #tpu.memory_space<vmem>>
      %gather3A_988 = tpu.memref_squeeze %gather3A_987 : memref<1x32x128xf32, #tpu.memory_space<vmem>> -> memref<32x128xf32, #tpu.memory_space<vmem>>
      %gather3A_989 = tpu.vector_load_idx %gather3A_988[%add3A_52, %broadcast_in_dim3A_970] : memref<32x128xf32, #tpu.memory_space<vmem>>[vector<16xi32>, vector<16xi32>], vector<16xf32>,
      %add3A_990 = arith.constant 16 : i32
      %add3A_991 = arith.addi %mul3A_965, %add3A_990 : i32
      %swap3A_992 = arith.index_cast %add3A_991 : i32 to index
      %swap3A_993 = tpu.vector_load %arg14[%swap3A_992] {strides = array<i32>} : memref<16384xf32, #tpu.memory_space<vmem>>, vector<16xf32>,
      tpu.vector_store %arg14[%swap3A_992], %gather3A_989 {strides = array<i32>} : memref<16384xf32, #tpu.memory_space<vmem>>, vector<16xf32>,
      %gather3A_994 = arith.constant 2 : i32
      %gather3A_995 = arith.constant 0 : i32
      %gather3A_996 = arith.constant 0 : i32
      %gather3A_997 = tpu.memref_slice %arg13[%gather3A_994, %gather3A_995, %gather3A_996] : memref<8x32x128xf32, #tpu.memory_space<vmem>> -> memref<1x32x128xf32, #tpu.memory_space<vmem>>
      %gather3A_998 = tpu.memref_squeeze %gather3A_997 : memref<1x32x128xf32, #tpu.memory_space<vmem>> -> memref<32x128xf32, #tpu.memory_space<vmem>>
      %gather3A_999 = tpu.vector_load_idx %gather3A_998[%iota3A, %broadcast_in_dim3A_975] : memref<32x128xf32, #tpu.memory_space<vmem>>[vector<16xi32>, vector<16xi32>], vector<16xf32>,
      %swap3A_1000 = arith.index_cast %mul3A_965 : i32 to index
      %swap3A_1001 = tpu.vector_load %arg15[%swap3A_1000] {strides = array<i32>} : memref<16384xf32, #tpu.memory_space<vmem>>, vector<16xf32>,
      tpu.vector_store %arg15[%swap3A_1000], %gather3A_999 {strides = array<i32>} : memref<16384xf32, #tpu.memory_space<vmem>>, vector<16xf32>,
      %gather3A_1002 = arith.constant 2 : i32
      %gather3A_1003 = arith.constant 0 : i32
      %gather3A_1004 = arith.constant 0 : i32
      %gather3A_1005 = tpu.memref_slice %arg13[%gather3A_1002, %gather3A_1003, %gather3A_1004] : memref<8x32x128xf32, #tpu.memory_space<vmem>> -> memref<1x32x128xf32, #tpu.memory_space<vmem>>
      %gather3A_1006 = tpu.memref_squeeze %gather3A_1005 : memref<1x32x128xf32, #tpu.memory_space<vmem>> -> memref<32x128xf32, #tpu.memory_space<vmem>>
      %gather3A_1007 = tpu.vector_load_idx %gather3A_1006[%add3A_52, %broadcast_in_dim3A_975] : memref<32x128xf32, #tpu.memory_space<vmem>>[vector<16xi32>, vector<16xi32>], vector<16xf32>,
      %add3A_1008 = arith.constant 16 : i32
      %add3A_1009 = arith.addi %mul3A_965, %add3A_1008 : i32
      %swap3A_1010 = arith.index_cast %add3A_1009 : i32 to index
      %swap3A_1011 = tpu.vector_load %arg15[%swap3A_1010] {strides = array<i32>} : memref<16384xf32, #tpu.memory_space<vmem>>, vector<16xf32>,
      tpu.vector_store %arg15[%swap3A_1010], %gather3A_1007 {strides = array<i32>} : memref<16384xf32, #tpu.memory_space<vmem>>, vector<16xf32>,
      %mul3A_1012 = arith.constant 16 : i32
      %mul3A_1013 = arith.muli %scan3A_400, %mul3A_1012 : i32
      %add3A_1014 = arith.constant 0 : i32
      %add3A_1015 = arith.addi %mul3A_1013, %add3A_1014 : i32
      %add3A_1016 = arith.constant 3 : i32
      %add3A_1017 = arith.addi %add3A_1015, %add3A_1016 : i32
      %mul3A_1018 = arith.constant 32 : i32
      %mul3A_1019 = arith.muli %add3A_1017, %mul3A_1018 : i32
      %slice3A_1020 = vector.extract_strided_slice %get3A_406 {offsets = [3], sizes = [1], strides = [1]} : vector<16xi32> to vector<1xi32>
      %squeeze3A_1021 = vector.extract %slice3A_1020[0] : i32 from vector<1xi32>
      %and3A_1022 = arith.constant 127 : i32
      %and3A_1023 = arith.andi %squeeze3A_1021, %and3A_1022 : i32
      %broadcast_in_dim3A_1024 = vector.broadcast %and3A_1023 : i32 to vector<16xi32>
      %slice3A_1025 = vector.extract_strided_slice %get3A_410 {offsets = [3], sizes = [1], strides = [1]} : vector<16xi32> to vector<1xi32>
      %squeeze3A_1026 = vector.extract %slice3A_1025[0] : i32 from vector<1xi32>
      %and3A_1027 = arith.constant 127 : i32
      %and3A_1028 = arith.andi %squeeze3A_1026, %and3A_1027 : i32
      %broadcast_in_dim3A_1029 = vector.broadcast %and3A_1028 : i32 to vector<16xi32>
      %gather3A_1030 = arith.constant 3 : i32
      %gather3A_1031 = arith.constant 0 : i32
      %gather3A_1032 = arith.constant 0 : i32
      %gather3A_1033 = tpu.memref_slice %arg12[%gather3A_1030, %gather3A_1031, %gather3A_1032] : memref<8x32x128xf32, #tpu.memory_space<vmem>> -> memref<1x32x128xf32, #tpu.memory_space<vmem>>
      %gather3A_1034 = tpu.memref_squeeze %gather3A_1033 : memref<1x32x128xf32, #tpu.memory_space<vmem>> -> memref<32x128xf32, #tpu.memory_space<vmem>>
      %gather3A_1035 = tpu.vector_load_idx %gather3A_1034[%iota3A, %broadcast_in_dim3A_1024] : memref<32x128xf32, #tpu.memory_space<vmem>>[vector<16xi32>, vector<16xi32>], vector<16xf32>,
      %swap3A_1036 = arith.index_cast %mul3A_1019 : i32 to index
      %swap3A_1037 = tpu.vector_load %arg14[%swap3A_1036] {strides = array<i32>} : memref<16384xf32, #tpu.memory_space<vmem>>, vector<16xf32>,
      tpu.vector_store %arg14[%swap3A_1036], %gather3A_1035 {strides = array<i32>} : memref<16384xf32, #tpu.memory_space<vmem>>, vector<16xf32>,
      %gather3A_1038 = arith.constant 3 : i32
      %gather3A_1039 = arith.constant 0 : i32
      %gather3A_1040 = arith.constant 0 : i32
      %gather3A_1041 = tpu.memref_slice %arg12[%gather3A_1038, %gather3A_1039, %gather3A_1040] : memref<8x32x128xf32, #tpu.memory_space<vmem>> -> memref<1x32x128xf32, #tpu.memory_space<vmem>>
      %gather3A_1042 = tpu.memref_squeeze %gather3A_1041 : memref<1x32x128xf32, #tpu.memory_space<vmem>> -> memref<32x128xf32, #tpu.memory_space<vmem>>
      %gather3A_1043 = tpu.vector_load_idx %gather3A_1042[%add3A_52, %broadcast_in_dim3A_1024] : memref<32x128xf32, #tpu.memory_space<vmem>>[vector<16xi32>, vector<16xi32>], vector<16xf32>,
      %add3A_1044 = arith.constant 16 : i32
      %add3A_1045 = arith.addi %mul3A_1019, %add3A_1044 : i32
      %swap3A_1046 = arith.index_cast %add3A_1045 : i32 to index
      %swap3A_1047 = tpu.vector_load %arg14[%swap3A_1046] {strides = array<i32>} : memref<16384xf32, #tpu.memory_space<vmem>>, vector<16xf32>,
      tpu.vector_store %arg14[%swap3A_1046], %gather3A_1043 {strides = array<i32>} : memref<16384xf32, #tpu.memory_space<vmem>>, vector<16xf32>,
      %gather3A_1048 = arith.constant 3 : i32
      %gather3A_1049 = arith.constant 0 : i32
      %gather3A_1050 = arith.constant 0 : i32
      %gather3A_1051 = tpu.memref_slice %arg13[%gather3A_1048, %gather3A_1049, %gather3A_1050] : memref<8x32x128xf32, #tpu.memory_space<vmem>> -> memref<1x32x128xf32, #tpu.memory_space<vmem>>
      %gather3A_1052 = tpu.memref_squeeze %gather3A_1051 : memref<1x32x128xf32, #tpu.memory_space<vmem>> -> memref<32x128xf32, #tpu.memory_space<vmem>>
      %gather3A_1053 = tpu.vector_load_idx %gather3A_1052[%iota3A, %broadcast_in_dim3A_1029] : memref<32x128xf32, #tpu.memory_space<vmem>>[vector<16xi32>, vector<16xi32>], vector<16xf32>,
      %swap3A_1054 = arith.index_cast %mul3A_1019 : i32 to index
      %swap3A_1055 = tpu.vector_load %arg15[%swap3A_1054] {strides = array<i32>} : memref<16384xf32, #tpu.memory_space<vmem>>, vector<16xf32>,
      tpu.vector_store %arg15[%swap3A_1054], %gather3A_1053 {strides = array<i32>} : memref<16384xf32, #tpu.memory_space<vmem>>, vector<16xf32>,
      %gather3A_1056 = arith.constant 3 : i32
      %gather3A_1057 = arith.constant 0 : i32
      %gather3A_1058 = arith.constant 0 : i32
      %gather3A_1059 = tpu.memref_slice %arg13[%gather3A_1056, %gather3A_1057, %gather3A_1058] : memref<8x32x128xf32, #tpu.memory_space<vmem>> -> memref<1x32x128xf32, #tpu.memory_space<vmem>>
      %gather3A_1060 = tpu.memref_squeeze %gather3A_1059 : memref<1x32x128xf32, #tpu.memory_space<vmem>> -> memref<32x128xf32, #tpu.memory_space<vmem>>
      %gather3A_1061 = tpu.vector_load_idx %gather3A_1060[%add3A_52, %broadcast_in_dim3A_1029] : memref<32x128xf32, #tpu.memory_space<vmem>>[vector<16xi32>, vector<16xi32>], vector<16xf32>,
      %add3A_1062 = arith.constant 16 : i32
      %add3A_1063 = arith.addi %mul3A_1019, %add3A_1062 : i32
      %swap3A_1064 = arith.index_cast %add3A_1063 : i32 to index
      %swap3A_1065 = tpu.vector_load %arg15[%swap3A_1064] {strides = array<i32>} : memref<16384xf32, #tpu.memory_space<vmem>>, vector<16xf32>,
      tpu.vector_store %arg15[%swap3A_1064], %gather3A_1061 {strides = array<i32>} : memref<16384xf32, #tpu.memory_space<vmem>>, vector<16xf32>,
      %slice3A_1066 = vector.extract_strided_slice %get3A_406 {offsets = [8], sizes = [1], strides = [1]} : vector<16xi32> to vector<1xi32>
      %squeeze3A_1067 = vector.extract %slice3A_1066[0] : i32 from vector<1xi32>
      %slice3A_1068 = vector.extract_strided_slice %get3A_410 {offsets = [8], sizes = [1], strides = [1]} : vector<16xi32> to vector<1xi32>
      %squeeze3A_1069 = vector.extract %slice3A_1068[0] : i32 from vector<1xi32>
      %shift_right_arithmetic3A_1070 = arith.constant 7 : i32
      %shift_right_arithmetic3A_1071 = arith.shrsi %squeeze3A_1067, %shift_right_arithmetic3A_1070 : i32
      %shift_left3A_1072 = arith.constant 7 : i32
      %shift_left3A_1073 = arith.shli %shift_right_arithmetic3A_1071, %shift_left3A_1072 : i32
      %multiple_of3A_1074 = tpu.assume_multiple %shift_left3A_1073, 128 : i32
      %shift_right_arithmetic3A_1075 = arith.constant 7 : i32
      %shift_right_arithmetic3A_1076 = arith.shrsi %squeeze3A_1069, %shift_right_arithmetic3A_1075 : i32
      %shift_left3A_1077 = arith.constant 7 : i32
      %shift_left3A_1078 = arith.shli %shift_right_arithmetic3A_1076, %shift_left3A_1077 : i32
      %multiple_of3A_1079 = tpu.assume_multiple %shift_left3A_1078, 128 : i32
      %dma_start3A_1080 = arith.constant 0 : i32
      %dma_start3A_1081 = arith.constant 0 : i32
      %dma_start3A_1082 = arith.constant 0 : i32
      %dma_start3A_1083 = tpu.memref_slice %arg12[%dma_start3A_1080, %dma_start3A_1081, %dma_start3A_1082] : memref<8x32x128xf32, #tpu.memory_space<vmem>> -> memref<1x32x128xf32, #tpu.memory_space<vmem>>
      %dma_start3A_1084 = tpu.memref_squeeze %dma_start3A_1083 : memref<1x32x128xf32, #tpu.memory_space<vmem>> -> memref<32x128xf32, #tpu.memory_space<vmem>>
      %dma_start3A_1085 = arith.constant 0 : i32
      %dma_start3A_1086 = tpu.memref_slice %arg4[%dma_start3A_1085, %multiple_of3A_1074] : memref<32x1000000xf32, #tpu.memory_space<hbm>> -> memref<32x128xf32, #tpu.memory_space<hbm>>
      %dma_start3A_1087 = arith.constant 0 : i32
      %dma_start3A_1088 = arith.constant 0 : i32
      %dma_start3A_1089 = tpu.memref_slice %arg12[%dma_start3A_1080, %dma_start3A_1087, %dma_start3A_1088] : memref<8x32x128xf32, #tpu.memory_space<vmem>> -> memref<1x32x128xf32, #tpu.memory_space<vmem>>
      %dma_start3A_1090 = tpu.memref_squeeze %dma_start3A_1089 : memref<1x32x128xf32, #tpu.memory_space<vmem>> -> memref<32x128xf32, #tpu.memory_space<vmem>>
      %dma_start3A_1091 = arith.constant 0 : i32
      %dma_start3A_1092 = tpu.memref_slice %arg4[%dma_start3A_1091, %multiple_of3A_1074] : memref<32x1000000xf32, #tpu.memory_space<hbm>> -> memref<32x128xf32, #tpu.memory_space<hbm>>
      tpu.enqueue_dma source(%dma_start3A_1092 : memref<32x128xf32, #tpu.memory_space<hbm>>) target(%dma_start3A_1090 : memref<32x128xf32, #tpu.memory_space<vmem>>) target_semaphore(%arg20 : memref<!tpu.dma_semaphore, #tpu.memory_space<semaphore_mem>>)
      %dma_start3A_1093 = arith.constant 0 : i32
      %dma_start3A_1094 = arith.constant 0 : i32
      %dma_start3A_1095 = arith.constant 0 : i32
      %dma_start3A_1096 = tpu.memref_slice %arg13[%dma_start3A_1093, %dma_start3A_1094, %dma_start3A_1095] : memref<8x32x128xf32, #tpu.memory_space<vmem>> -> memref<1x32x128xf32, #tpu.memory_space<vmem>>
      %dma_start3A_1097 = tpu.memref_squeeze %dma_start3A_1096 : memref<1x32x128xf32, #tpu.memory_space<vmem>> -> memref<32x128xf32, #tpu.memory_space<vmem>>
      %dma_start3A_1098 = arith.constant 0 : i32
      %dma_start3A_1099 = tpu.memref_slice %arg5[%dma_start3A_1098, %multiple_of3A_1079] : memref<32x1000000xf32, #tpu.memory_space<hbm>> -> memref<32x128xf32, #tpu.memory_space<hbm>>
      %dma_start3A_1100 = arith.constant 0 : i32
      %dma_start3A_1101 = arith.constant 0 : i32
      %dma_start3A_1102 = tpu.memref_slice %arg13[%dma_start3A_1093, %dma_start3A_1100, %dma_start3A_1101] : memref<8x32x128xf32, #tpu.memory_space<vmem>> -> memref<1x32x128xf32, #tpu.memory_space<vmem>>
      %dma_start3A_1103 = tpu.memref_squeeze %dma_start3A_1102 : memref<1x32x128xf32, #tpu.memory_space<vmem>> -> memref<32x128xf32, #tpu.memory_space<vmem>>
      %dma_start3A_1104 = arith.constant 0 : i32
      %dma_start3A_1105 = tpu.memref_slice %arg5[%dma_start3A_1104, %multiple_of3A_1079] : memref<32x1000000xf32, #tpu.memory_space<hbm>> -> memref<32x128xf32, #tpu.memory_space<hbm>>
      tpu.enqueue_dma source(%dma_start3A_1105 : memref<32x128xf32, #tpu.memory_space<hbm>>) target(%dma_start3A_1103 : memref<32x128xf32, #tpu.memory_space<vmem>>) target_semaphore(%arg20 : memref<!tpu.dma_semaphore, #tpu.memory_space<semaphore_mem>>)
      %slice3A_1106 = vector.extract_strided_slice %get3A_406 {offsets = [9], sizes = [1], strides = [1]} : vector<16xi32> to vector<1xi32>
      %squeeze3A_1107 = vector.extract %slice3A_1106[0] : i32 from vector<1xi32>
      %slice3A_1108 = vector.extract_strided_slice %get3A_410 {offsets = [9], sizes = [1], strides = [1]} : vector<16xi32> to vector<1xi32>
      %squeeze3A_1109 = vector.extract %slice3A_1108[0] : i32 from vector<1xi32>
      %shift_right_arithmetic3A_1110 = arith.constant 7 : i32
      %shift_right_arithmetic3A_1111 = arith.shrsi %squeeze3A_1107, %shift_right_arithmetic3A_1110 : i32
      %shift_left3A_1112 = arith.constant 7 : i32
      %shift_left3A_1113 = arith.shli %shift_right_arithmetic3A_1111, %shift_left3A_1112 : i32
      %multiple_of3A_1114 = tpu.assume_multiple %shift_left3A_1113, 128 : i32
      %shift_right_arithmetic3A_1115 = arith.constant 7 : i32
      %shift_right_arithmetic3A_1116 = arith.shrsi %squeeze3A_1109, %shift_right_arithmetic3A_1115 : i32
      %shift_left3A_1117 = arith.constant 7 : i32
      %shift_left3A_1118 = arith.shli %shift_right_arithmetic3A_1116, %shift_left3A_1117 : i32
      %multiple_of3A_1119 = tpu.assume_multiple %shift_left3A_1118, 128 : i32
      %dma_start3A_1120 = arith.constant 1 : i32
      %dma_start3A_1121 = arith.constant 0 : i32
      %dma_start3A_1122 = arith.constant 0 : i32
      %dma_start3A_1123 = tpu.memref_slice %arg12[%dma_start3A_1120, %dma_start3A_1121, %dma_start3A_1122] : memref<8x32x128xf32, #tpu.memory_space<vmem>> -> memref<1x32x128xf32, #tpu.memory_space<vmem>>
      %dma_start3A_1124 = tpu.memref_squeeze %dma_start3A_1123 : memref<1x32x128xf32, #tpu.memory_space<vmem>> -> memref<32x128xf32, #tpu.memory_space<vmem>>
      %dma_start3A_1125 = arith.constant 0 : i32
      %dma_start3A_1126 = tpu.memref_slice %arg4[%dma_start3A_1125, %multiple_of3A_1114] : memref<32x1000000xf32, #tpu.memory_space<hbm>> -> memref<32x128xf32, #tpu.memory_space<hbm>>
      %dma_start3A_1127 = arith.constant 0 : i32
      %dma_start3A_1128 = arith.constant 0 : i32
      %dma_start3A_1129 = tpu.memref_slice %arg12[%dma_start3A_1120, %dma_start3A_1127, %dma_start3A_1128] : memref<8x32x128xf32, #tpu.memory_space<vmem>> -> memref<1x32x128xf32, #tpu.memory_space<vmem>>
      %dma_start3A_1130 = tpu.memref_squeeze %dma_start3A_1129 : memref<1x32x128xf32, #tpu.memory_space<vmem>> -> memref<32x128xf32, #tpu.memory_space<vmem>>
      %dma_start3A_1131 = arith.constant 0 : i32
      %dma_start3A_1132 = tpu.memref_slice %arg4[%dma_start3A_1131, %multiple_of3A_1114] : memref<32x1000000xf32, #tpu.memory_space<hbm>> -> memref<32x128xf32, #tpu.memory_space<hbm>>
      tpu.enqueue_dma source(%dma_start3A_1132 : memref<32x128xf32, #tpu.memory_space<hbm>>) target(%dma_start3A_1130 : memref<32x128xf32, #tpu.memory_space<vmem>>) target_semaphore(%arg20 : memref<!tpu.dma_semaphore, #tpu.memory_space<semaphore_mem>>)
      %dma_start3A_1133 = arith.constant 1 : i32
      %dma_start3A_1134 = arith.constant 0 : i32
      %dma_start3A_1135 = arith.constant 0 : i32
      %dma_start3A_1136 = tpu.memref_slice %arg13[%dma_start3A_1133, %dma_start3A_1134, %dma_start3A_1135] : memref<8x32x128xf32, #tpu.memory_space<vmem>> -> memref<1x32x128xf32, #tpu.memory_space<vmem>>
      %dma_start3A_1137 = tpu.memref_squeeze %dma_start3A_1136 : memref<1x32x128xf32, #tpu.memory_space<vmem>> -> memref<32x128xf32, #tpu.memory_space<vmem>>
      %dma_start3A_1138 = arith.constant 0 : i32
      %dma_start3A_1139 = tpu.memref_slice %arg5[%dma_start3A_1138, %multiple_of3A_1119] : memref<32x1000000xf32, #tpu.memory_space<hbm>> -> memref<32x128xf32, #tpu.memory_space<hbm>>
      %dma_start3A_1140 = arith.constant 0 : i32
      %dma_start3A_1141 = arith.constant 0 : i32
      %dma_start3A_1142 = tpu.memref_slice %arg13[%dma_start3A_1133, %dma_start3A_1140, %dma_start3A_1141] : memref<8x32x128xf32, #tpu.memory_space<vmem>> -> memref<1x32x128xf32, #tpu.memory_space<vmem>>
      %dma_start3A_1143 = tpu.memref_squeeze %dma_start3A_1142 : memref<1x32x128xf32, #tpu.memory_space<vmem>> -> memref<32x128xf32, #tpu.memory_space<vmem>>
      %dma_start3A_1144 = arith.constant 0 : i32
      %dma_start3A_1145 = tpu.memref_slice %arg5[%dma_start3A_1144, %multiple_of3A_1119] : memref<32x1000000xf32, #tpu.memory_space<hbm>> -> memref<32x128xf32, #tpu.memory_space<hbm>>
      tpu.enqueue_dma source(%dma_start3A_1145 : memref<32x128xf32, #tpu.memory_space<hbm>>) target(%dma_start3A_1143 : memref<32x128xf32, #tpu.memory_space<vmem>>) target_semaphore(%arg20 : memref<!tpu.dma_semaphore, #tpu.memory_space<semaphore_mem>>)
      %slice3A_1146 = vector.extract_strided_slice %get3A_406 {offsets = [10], sizes = [1], strides = [1]} : vector<16xi32> to vector<1xi32>
      %squeeze3A_1147 = vector.extract %slice3A_1146[0] : i32 from vector<1xi32>
      %slice3A_1148 = vector.extract_strided_slice %get3A_410 {offsets = [10], sizes = [1], strides = [1]} : vector<16xi32> to vector<1xi32>
      %squeeze3A_1149 = vector.extract %slice3A_1148[0] : i32 from vector<1xi32>
      %shift_right_arithmetic3A_1150 = arith.constant 7 : i32
      %shift_right_arithmetic3A_1151 = arith.shrsi %squeeze3A_1147, %shift_right_arithmetic3A_1150 : i32
      %shift_left3A_1152 = arith.constant 7 : i32
      %shift_left3A_1153 = arith.shli %shift_right_arithmetic3A_1151, %shift_left3A_1152 : i32
      %multiple_of3A_1154 = tpu.assume_multiple %shift_left3A_1153, 128 : i32
      %shift_right_arithmetic3A_1155 = arith.constant 7 : i32
      %shift_right_arithmetic3A_1156 = arith.shrsi %squeeze3A_1149, %shift_right_arithmetic3A_1155 : i32
      %shift_left3A_1157 = arith.constant 7 : i32
      %shift_left3A_1158 = arith.shli %shift_right_arithmetic3A_1156, %shift_left3A_1157 : i32
      %multiple_of3A_1159 = tpu.assume_multiple %shift_left3A_1158, 128 : i32
      %dma_start3A_1160 = arith.constant 2 : i32
      %dma_start3A_1161 = arith.constant 0 : i32
      %dma_start3A_1162 = arith.constant 0 : i32
      %dma_start3A_1163 = tpu.memref_slice %arg12[%dma_start3A_1160, %dma_start3A_1161, %dma_start3A_1162] : memref<8x32x128xf32, #tpu.memory_space<vmem>> -> memref<1x32x128xf32, #tpu.memory_space<vmem>>
      %dma_start3A_1164 = tpu.memref_squeeze %dma_start3A_1163 : memref<1x32x128xf32, #tpu.memory_space<vmem>> -> memref<32x128xf32, #tpu.memory_space<vmem>>
      %dma_start3A_1165 = arith.constant 0 : i32
      %dma_start3A_1166 = tpu.memref_slice %arg4[%dma_start3A_1165, %multiple_of3A_1154] : memref<32x1000000xf32, #tpu.memory_space<hbm>> -> memref<32x128xf32, #tpu.memory_space<hbm>>
      %dma_start3A_1167 = arith.constant 0 : i32
      %dma_start3A_1168 = arith.constant 0 : i32
      %dma_start3A_1169 = tpu.memref_slice %arg12[%dma_start3A_1160, %dma_start3A_1167, %dma_start3A_1168] : memref<8x32x128xf32, #tpu.memory_space<vmem>> -> memref<1x32x128xf32, #tpu.memory_space<vmem>>
      %dma_start3A_1170 = tpu.memref_squeeze %dma_start3A_1169 : memref<1x32x128xf32, #tpu.memory_space<vmem>> -> memref<32x128xf32, #tpu.memory_space<vmem>>
      %dma_start3A_1171 = arith.constant 0 : i32
      %dma_start3A_1172 = tpu.memref_slice %arg4[%dma_start3A_1171, %multiple_of3A_1154] : memref<32x1000000xf32, #tpu.memory_space<hbm>> -> memref<32x128xf32, #tpu.memory_space<hbm>>
      tpu.enqueue_dma source(%dma_start3A_1172 : memref<32x128xf32, #tpu.memory_space<hbm>>) target(%dma_start3A_1170 : memref<32x128xf32, #tpu.memory_space<vmem>>) target_semaphore(%arg20 : memref<!tpu.dma_semaphore, #tpu.memory_space<semaphore_mem>>)
      %dma_start3A_1173 = arith.constant 2 : i32
      %dma_start3A_1174 = arith.constant 0 : i32
      %dma_start3A_1175 = arith.constant 0 : i32
      %dma_start3A_1176 = tpu.memref_slice %arg13[%dma_start3A_1173, %dma_start3A_1174, %dma_start3A_1175] : memref<8x32x128xf32, #tpu.memory_space<vmem>> -> memref<1x32x128xf32, #tpu.memory_space<vmem>>
      %dma_start3A_1177 = tpu.memref_squeeze %dma_start3A_1176 : memref<1x32x128xf32, #tpu.memory_space<vmem>> -> memref<32x128xf32, #tpu.memory_space<vmem>>
      %dma_start3A_1178 = arith.constant 0 : i32
      %dma_start3A_1179 = tpu.memref_slice %arg5[%dma_start3A_1178, %multiple_of3A_1159] : memref<32x1000000xf32, #tpu.memory_space<hbm>> -> memref<32x128xf32, #tpu.memory_space<hbm>>
      %dma_start3A_1180 = arith.constant 0 : i32
      %dma_start3A_1181 = arith.constant 0 : i32
      %dma_start3A_1182 = tpu.memref_slice %arg13[%dma_start3A_1173, %dma_start3A_1180, %dma_start3A_1181] : memref<8x32x128xf32, #tpu.memory_space<vmem>> -> memref<1x32x128xf32, #tpu.memory_space<vmem>>
      %dma_start3A_1183 = tpu.memref_squeeze %dma_start3A_1182 : memref<1x32x128xf32, #tpu.memory_space<vmem>> -> memref<32x128xf32, #tpu.memory_space<vmem>>
      %dma_start3A_1184 = arith.constant 0 : i32
      %dma_start3A_1185 = tpu.memref_slice %arg5[%dma_start3A_1184, %multiple_of3A_1159] : memref<32x1000000xf32, #tpu.memory_space<hbm>> -> memref<32x128xf32, #tpu.memory_space<hbm>>
      tpu.enqueue_dma source(%dma_start3A_1185 : memref<32x128xf32, #tpu.memory_space<hbm>>) target(%dma_start3A_1183 : memref<32x128xf32, #tpu.memory_space<vmem>>) target_semaphore(%arg20 : memref<!tpu.dma_semaphore, #tpu.memory_space<semaphore_mem>>)
      %slice3A_1186 = vector.extract_strided_slice %get3A_406 {offsets = [11], sizes = [1], strides = [1]} : vector<16xi32> to vector<1xi32>
      %squeeze3A_1187 = vector.extract %slice3A_1186[0] : i32 from vector<1xi32>
      %slice3A_1188 = vector.extract_strided_slice %get3A_410 {offsets = [11], sizes = [1], strides = [1]} : vector<16xi32> to vector<1xi32>
      %squeeze3A_1189 = vector.extract %slice3A_1188[0] : i32 from vector<1xi32>
      %shift_right_arithmetic3A_1190 = arith.constant 7 : i32
      %shift_right_arithmetic3A_1191 = arith.shrsi %squeeze3A_1187, %shift_right_arithmetic3A_1190 : i32
      %shift_left3A_1192 = arith.constant 7 : i32
      %shift_left3A_1193 = arith.shli %shift_right_arithmetic3A_1191, %shift_left3A_1192 : i32
      %multiple_of3A_1194 = tpu.assume_multiple %shift_left3A_1193, 128 : i32
      %shift_right_arithmetic3A_1195 = arith.constant 7 : i32
      %shift_right_arithmetic3A_1196 = arith.shrsi %squeeze3A_1189, %shift_right_arithmetic3A_1195 : i32
      %shift_left3A_1197 = arith.constant 7 : i32
      %shift_left3A_1198 = arith.shli %shift_right_arithmetic3A_1196, %shift_left3A_1197 : i32
      %multiple_of3A_1199 = tpu.assume_multiple %shift_left3A_1198, 128 : i32
      %dma_start3A_1200 = arith.constant 3 : i32
      %dma_start3A_1201 = arith.constant 0 : i32
      %dma_start3A_1202 = arith.constant 0 : i32
      %dma_start3A_1203 = tpu.memref_slice %arg12[%dma_start3A_1200, %dma_start3A_1201, %dma_start3A_1202] : memref<8x32x128xf32, #tpu.memory_space<vmem>> -> memref<1x32x128xf32, #tpu.memory_space<vmem>>
      %dma_start3A_1204 = tpu.memref_squeeze %dma_start3A_1203 : memref<1x32x128xf32, #tpu.memory_space<vmem>> -> memref<32x128xf32, #tpu.memory_space<vmem>>
      %dma_start3A_1205 = arith.constant 0 : i32
      %dma_start3A_1206 = tpu.memref_slice %arg4[%dma_start3A_1205, %multiple_of3A_1194] : memref<32x1000000xf32, #tpu.memory_space<hbm>> -> memref<32x128xf32, #tpu.memory_space<hbm>>
      %dma_start3A_1207 = arith.constant 0 : i32
      %dma_start3A_1208 = arith.constant 0 : i32
      %dma_start3A_1209 = tpu.memref_slice %arg12[%dma_start3A_1200, %dma_start3A_1207, %dma_start3A_1208] : memref<8x32x128xf32, #tpu.memory_space<vmem>> -> memref<1x32x128xf32, #tpu.memory_space<vmem>>
      %dma_start3A_1210 = tpu.memref_squeeze %dma_start3A_1209 : memref<1x32x128xf32, #tpu.memory_space<vmem>> -> memref<32x128xf32, #tpu.memory_space<vmem>>
      %dma_start3A_1211 = arith.constant 0 : i32
      %dma_start3A_1212 = tpu.memref_slice %arg4[%dma_start3A_1211, %multiple_of3A_1194] : memref<32x1000000xf32, #tpu.memory_space<hbm>> -> memref<32x128xf32, #tpu.memory_space<hbm>>
      tpu.enqueue_dma source(%dma_start3A_1212 : memref<32x128xf32, #tpu.memory_space<hbm>>) target(%dma_start3A_1210 : memref<32x128xf32, #tpu.memory_space<vmem>>) target_semaphore(%arg20 : memref<!tpu.dma_semaphore, #tpu.memory_space<semaphore_mem>>)
      %dma_start3A_1213 = arith.constant 3 : i32
      %dma_start3A_1214 = arith.constant 0 : i32
      %dma_start3A_1215 = arith.constant 0 : i32
      %dma_start3A_1216 = tpu.memref_slice %arg13[%dma_start3A_1213, %dma_start3A_1214, %dma_start3A_1215] : memref<8x32x128xf32, #tpu.memory_space<vmem>> -> memref<1x32x128xf32, #tpu.memory_space<vmem>>
      %dma_start3A_1217 = tpu.memref_squeeze %dma_start3A_1216 : memref<1x32x128xf32, #tpu.memory_space<vmem>> -> memref<32x128xf32, #tpu.memory_space<vmem>>
      %dma_start3A_1218 = arith.constant 0 : i32
      %dma_start3A_1219 = tpu.memref_slice %arg5[%dma_start3A_1218, %multiple_of3A_1199] : memref<32x1000000xf32, #tpu.memory_space<hbm>> -> memref<32x128xf32, #tpu.memory_space<hbm>>
      %dma_start3A_1220 = arith.constant 0 : i32
      %dma_start3A_1221 = arith.constant 0 : i32
      %dma_start3A_1222 = tpu.memref_slice %arg13[%dma_start3A_1213, %dma_start3A_1220, %dma_start3A_1221] : memref<8x32x128xf32, #tpu.memory_space<vmem>> -> memref<1x32x128xf32, #tpu.memory_space<vmem>>
      %dma_start3A_1223 = tpu.memref_squeeze %dma_start3A_1222 : memref<1x32x128xf32, #tpu.memory_space<vmem>> -> memref<32x128xf32, #tpu.memory_space<vmem>>
      %dma_start3A_1224 = arith.constant 0 : i32
      %dma_start3A_1225 = tpu.memref_slice %arg5[%dma_start3A_1224, %multiple_of3A_1199] : memref<32x1000000xf32, #tpu.memory_space<hbm>> -> memref<32x128xf32, #tpu.memory_space<hbm>>
      tpu.enqueue_dma source(%dma_start3A_1225 : memref<32x128xf32, #tpu.memory_space<hbm>>) target(%dma_start3A_1223 : memref<32x128xf32, #tpu.memory_space<vmem>>) target_semaphore(%arg20 : memref<!tpu.dma_semaphore, #tpu.memory_space<semaphore_mem>>)
      %dma_wait3A_1226 = arith.constant 4 : i32
      %dma_wait3A_1227 = arith.constant 0 : i32
      %dma_wait3A_1228 = arith.constant 0 : i32
      %dma_wait3A_1229 = tpu.memref_slice %arg12[%dma_wait3A_1226, %dma_wait3A_1227, %dma_wait3A_1228] : memref<8x32x128xf32, #tpu.memory_space<vmem>> -> memref<1x32x128xf32, #tpu.memory_space<vmem>>
      %dma_wait3A_1230 = tpu.memref_squeeze %dma_wait3A_1229 : memref<1x32x128xf32, #tpu.memory_space<vmem>> -> memref<32x128xf32, #tpu.memory_space<vmem>>
      %dma_wait3A_1231 = arith.constant 0 : i32
      %dma_wait3A_1232 = arith.constant 0 : i32
      %dma_wait3A_1233 = tpu.memref_slice %arg4[%dma_wait3A_1231, %dma_wait3A_1232] : memref<32x1000000xf32, #tpu.memory_space<hbm>> -> memref<32x128xf32, #tpu.memory_space<hbm>>
      %dma_wait3A_1234 = arith.constant 0 : i32
      %dma_wait3A_1235 = arith.constant 0 : i32
      %dma_wait3A_1236 = tpu.memref_slice %arg12[%dma_wait3A_1226, %dma_wait3A_1234, %dma_wait3A_1235] : memref<8x32x128xf32, #tpu.memory_space<vmem>> -> memref<1x32x128xf32, #tpu.memory_space<vmem>>
      %dma_wait3A_1237 = tpu.memref_squeeze %dma_wait3A_1236 : memref<1x32x128xf32, #tpu.memory_space<vmem>> -> memref<32x128xf32, #tpu.memory_space<vmem>>
      %dma_wait3A_1238 = arith.constant 0 : i32
      %dma_wait3A_1239 = arith.constant 0 : i32
      %dma_wait3A_1240 = tpu.memref_slice %arg4[%dma_wait3A_1238, %dma_wait3A_1239] : memref<32x1000000xf32, #tpu.memory_space<hbm>> -> memref<32x128xf32, #tpu.memory_space<hbm>>
      tpu.wait_dma2 semaphore(%arg21 : memref<!tpu.dma_semaphore, #tpu.memory_space<semaphore_mem>>) src(%dma_wait3A_1240 : memref<32x128xf32, #tpu.memory_space<hbm>>) dst(%dma_wait3A_1237 : memref<32x128xf32, #tpu.memory_space<vmem>>)
      %dma_wait3A_1241 = arith.constant 4 : i32
      %dma_wait3A_1242 = arith.constant 0 : i32
      %dma_wait3A_1243 = arith.constant 0 : i32
      %dma_wait3A_1244 = tpu.memref_slice %arg13[%dma_wait3A_1241, %dma_wait3A_1242, %dma_wait3A_1243] : memref<8x32x128xf32, #tpu.memory_space<vmem>> -> memref<1x32x128xf32, #tpu.memory_space<vmem>>
      %dma_wait3A_1245 = tpu.memref_squeeze %dma_wait3A_1244 : memref<1x32x128xf32, #tpu.memory_space<vmem>> -> memref<32x128xf32, #tpu.memory_space<vmem>>
      %dma_wait3A_1246 = arith.constant 0 : i32
      %dma_wait3A_1247 = arith.constant 0 : i32
      %dma_wait3A_1248 = tpu.memref_slice %arg4[%dma_wait3A_1246, %dma_wait3A_1247] : memref<32x1000000xf32, #tpu.memory_space<hbm>> -> memref<32x128xf32, #tpu.memory_space<hbm>>
      %dma_wait3A_1249 = arith.constant 0 : i32
      %dma_wait3A_1250 = arith.constant 0 : i32
      %dma_wait3A_1251 = tpu.memref_slice %arg13[%dma_wait3A_1241, %dma_wait3A_1249, %dma_wait3A_1250] : memref<8x32x128xf32, #tpu.memory_space<vmem>> -> memref<1x32x128xf32, #tpu.memory_space<vmem>>
      %dma_wait3A_1252 = tpu.memref_squeeze %dma_wait3A_1251 : memref<1x32x128xf32, #tpu.memory_space<vmem>> -> memref<32x128xf32, #tpu.memory_space<vmem>>
      %dma_wait3A_1253 = arith.constant 0 : i32
      %dma_wait3A_1254 = arith.constant 0 : i32
      %dma_wait3A_1255 = tpu.memref_slice %arg4[%dma_wait3A_1253, %dma_wait3A_1254] : memref<32x1000000xf32, #tpu.memory_space<hbm>> -> memref<32x128xf32, #tpu.memory_space<hbm>>
      tpu.wait_dma2 semaphore(%arg21 : memref<!tpu.dma_semaphore, #tpu.memory_space<semaphore_mem>>) src(%dma_wait3A_1255 : memref<32x128xf32, #tpu.memory_space<hbm>>) dst(%dma_wait3A_1252 : memref<32x128xf32, #tpu.memory_space<vmem>>)
      %dma_wait3A_1256 = arith.constant 5 : i32
      %dma_wait3A_1257 = arith.constant 0 : i32
      %dma_wait3A_1258 = arith.constant 0 : i32
      %dma_wait3A_1259 = tpu.memref_slice %arg12[%dma_wait3A_1256, %dma_wait3A_1257, %dma_wait3A_1258] : memref<8x32x128xf32, #tpu.memory_space<vmem>> -> memref<1x32x128xf32, #tpu.memory_space<vmem>>
      %dma_wait3A_1260 = tpu.memref_squeeze %dma_wait3A_1259 : memref<1x32x128xf32, #tpu.memory_space<vmem>> -> memref<32x128xf32, #tpu.memory_space<vmem>>
      %dma_wait3A_1261 = arith.constant 0 : i32
      %dma_wait3A_1262 = arith.constant 0 : i32
      %dma_wait3A_1263 = tpu.memref_slice %arg4[%dma_wait3A_1261, %dma_wait3A_1262] : memref<32x1000000xf32, #tpu.memory_space<hbm>> -> memref<32x128xf32, #tpu.memory_space<hbm>>
      %dma_wait3A_1264 = arith.constant 0 : i32
      %dma_wait3A_1265 = arith.constant 0 : i32
      %dma_wait3A_1266 = tpu.memref_slice %arg12[%dma_wait3A_1256, %dma_wait3A_1264, %dma_wait3A_1265] : memref<8x32x128xf32, #tpu.memory_space<vmem>> -> memref<1x32x128xf32, #tpu.memory_space<vmem>>
      %dma_wait3A_1267 = tpu.memref_squeeze %dma_wait3A_1266 : memref<1x32x128xf32, #tpu.memory_space<vmem>> -> memref<32x128xf32, #tpu.memory_space<vmem>>
      %dma_wait3A_1268 = arith.constant 0 : i32
      %dma_wait3A_1269 = arith.constant 0 : i32
      %dma_wait3A_1270 = tpu.memref_slice %arg4[%dma_wait3A_1268, %dma_wait3A_1269] : memref<32x1000000xf32, #tpu.memory_space<hbm>> -> memref<32x128xf32, #tpu.memory_space<hbm>>
      tpu.wait_dma2 semaphore(%arg21 : memref<!tpu.dma_semaphore, #tpu.memory_space<semaphore_mem>>) src(%dma_wait3A_1270 : memref<32x128xf32, #tpu.memory_space<hbm>>) dst(%dma_wait3A_1267 : memref<32x128xf32, #tpu.memory_space<vmem>>)
      %dma_wait3A_1271 = arith.constant 5 : i32
      %dma_wait3A_1272 = arith.constant 0 : i32
      %dma_wait3A_1273 = arith.constant 0 : i32
      %dma_wait3A_1274 = tpu.memref_slice %arg13[%dma_wait3A_1271, %dma_wait3A_1272, %dma_wait3A_1273] : memref<8x32x128xf32, #tpu.memory_space<vmem>> -> memref<1x32x128xf32, #tpu.memory_space<vmem>>
      %dma_wait3A_1275 = tpu.memref_squeeze %dma_wait3A_1274 : memref<1x32x128xf32, #tpu.memory_space<vmem>> -> memref<32x128xf32, #tpu.memory_space<vmem>>
      %dma_wait3A_1276 = arith.constant 0 : i32
      %dma_wait3A_1277 = arith.constant 0 : i32
      %dma_wait3A_1278 = tpu.memref_slice %arg4[%dma_wait3A_1276, %dma_wait3A_1277] : memref<32x1000000xf32, #tpu.memory_space<hbm>> -> memref<32x128xf32, #tpu.memory_space<hbm>>
      %dma_wait3A_1279 = arith.constant 0 : i32
      %dma_wait3A_1280 = arith.constant 0 : i32
      %dma_wait3A_1281 = tpu.memref_slice %arg13[%dma_wait3A_1271, %dma_wait3A_1279, %dma_wait3A_1280] : memref<8x32x128xf32, #tpu.memory_space<vmem>> -> memref<1x32x128xf32, #tpu.memory_space<vmem>>
      %dma_wait3A_1282 = tpu.memref_squeeze %dma_wait3A_1281 : memref<1x32x128xf32, #tpu.memory_space<vmem>> -> memref<32x128xf32, #tpu.memory_space<vmem>>
      %dma_wait3A_1283 = arith.constant 0 : i32
      %dma_wait3A_1284 = arith.constant 0 : i32
      %dma_wait3A_1285 = tpu.memref_slice %arg4[%dma_wait3A_1283, %dma_wait3A_1284] : memref<32x1000000xf32, #tpu.memory_space<hbm>> -> memref<32x128xf32, #tpu.memory_space<hbm>>
      tpu.wait_dma2 semaphore(%arg21 : memref<!tpu.dma_semaphore, #tpu.memory_space<semaphore_mem>>) src(%dma_wait3A_1285 : memref<32x128xf32, #tpu.memory_space<hbm>>) dst(%dma_wait3A_1282 : memref<32x128xf32, #tpu.memory_space<vmem>>)
      %dma_wait3A_1286 = arith.constant 6 : i32
      %dma_wait3A_1287 = arith.constant 0 : i32
      %dma_wait3A_1288 = arith.constant 0 : i32
      %dma_wait3A_1289 = tpu.memref_slice %arg12[%dma_wait3A_1286, %dma_wait3A_1287, %dma_wait3A_1288] : memref<8x32x128xf32, #tpu.memory_space<vmem>> -> memref<1x32x128xf32, #tpu.memory_space<vmem>>
      %dma_wait3A_1290 = tpu.memref_squeeze %dma_wait3A_1289 : memref<1x32x128xf32, #tpu.memory_space<vmem>> -> memref<32x128xf32, #tpu.memory_space<vmem>>
      %dma_wait3A_1291 = arith.constant 0 : i32
      %dma_wait3A_1292 = arith.constant 0 : i32
      %dma_wait3A_1293 = tpu.memref_slice %arg4[%dma_wait3A_1291, %dma_wait3A_1292] : memref<32x1000000xf32, #tpu.memory_space<hbm>> -> memref<32x128xf32, #tpu.memory_space<hbm>>
      %dma_wait3A_1294 = arith.constant 0 : i32
      %dma_wait3A_1295 = arith.constant 0 : i32
      %dma_wait3A_1296 = tpu.memref_slice %arg12[%dma_wait3A_1286, %dma_wait3A_1294, %dma_wait3A_1295] : memref<8x32x128xf32, #tpu.memory_space<vmem>> -> memref<1x32x128xf32, #tpu.memory_space<vmem>>
      %dma_wait3A_1297 = tpu.memref_squeeze %dma_wait3A_1296 : memref<1x32x128xf32, #tpu.memory_space<vmem>> -> memref<32x128xf32, #tpu.memory_space<vmem>>
      %dma_wait3A_1298 = arith.constant 0 : i32
      %dma_wait3A_1299 = arith.constant 0 : i32
      %dma_wait3A_1300 = tpu.memref_slice %arg4[%dma_wait3A_1298, %dma_wait3A_1299] : memref<32x1000000xf32, #tpu.memory_space<hbm>> -> memref<32x128xf32, #tpu.memory_space<hbm>>
      tpu.wait_dma2 semaphore(%arg21 : memref<!tpu.dma_semaphore, #tpu.memory_space<semaphore_mem>>) src(%dma_wait3A_1300 : memref<32x128xf32, #tpu.memory_space<hbm>>) dst(%dma_wait3A_1297 : memref<32x128xf32, #tpu.memory_space<vmem>>)
      %dma_wait3A_1301 = arith.constant 6 : i32
      %dma_wait3A_1302 = arith.constant 0 : i32
      %dma_wait3A_1303 = arith.constant 0 : i32
      %dma_wait3A_1304 = tpu.memref_slice %arg13[%dma_wait3A_1301, %dma_wait3A_1302, %dma_wait3A_1303] : memref<8x32x128xf32, #tpu.memory_space<vmem>> -> memref<1x32x128xf32, #tpu.memory_space<vmem>>
      %dma_wait3A_1305 = tpu.memref_squeeze %dma_wait3A_1304 : memref<1x32x128xf32, #tpu.memory_space<vmem>> -> memref<32x128xf32, #tpu.memory_space<vmem>>
      %dma_wait3A_1306 = arith.constant 0 : i32
      %dma_wait3A_1307 = arith.constant 0 : i32
      %dma_wait3A_1308 = tpu.memref_slice %arg4[%dma_wait3A_1306, %dma_wait3A_1307] : memref<32x1000000xf32, #tpu.memory_space<hbm>> -> memref<32x128xf32, #tpu.memory_space<hbm>>
      %dma_wait3A_1309 = arith.constant 0 : i32
      %dma_wait3A_1310 = arith.constant 0 : i32
      %dma_wait3A_1311 = tpu.memref_slice %arg13[%dma_wait3A_1301, %dma_wait3A_1309, %dma_wait3A_1310] : memref<8x32x128xf32, #tpu.memory_space<vmem>> -> memref<1x32x128xf32, #tpu.memory_space<vmem>>
      %dma_wait3A_1312 = tpu.memref_squeeze %dma_wait3A_1311 : memref<1x32x128xf32, #tpu.memory_space<vmem>> -> memref<32x128xf32, #tpu.memory_space<vmem>>
      %dma_wait3A_1313 = arith.constant 0 : i32
      %dma_wait3A_1314 = arith.constant 0 : i32
      %dma_wait3A_1315 = tpu.memref_slice %arg4[%dma_wait3A_1313, %dma_wait3A_1314] : memref<32x1000000xf32, #tpu.memory_space<hbm>> -> memref<32x128xf32, #tpu.memory_space<hbm>>
      tpu.wait_dma2 semaphore(%arg21 : memref<!tpu.dma_semaphore, #tpu.memory_space<semaphore_mem>>) src(%dma_wait3A_1315 : memref<32x128xf32, #tpu.memory_space<hbm>>) dst(%dma_wait3A_1312 : memref<32x128xf32, #tpu.memory_space<vmem>>)
      %dma_wait3A_1316 = arith.constant 7 : i32
      %dma_wait3A_1317 = arith.constant 0 : i32
      %dma_wait3A_1318 = arith.constant 0 : i32
      %dma_wait3A_1319 = tpu.memref_slice %arg12[%dma_wait3A_1316, %dma_wait3A_1317, %dma_wait3A_1318] : memref<8x32x128xf32, #tpu.memory_space<vmem>> -> memref<1x32x128xf32, #tpu.memory_space<vmem>>
      %dma_wait3A_1320 = tpu.memref_squeeze %dma_wait3A_1319 : memref<1x32x128xf32, #tpu.memory_space<vmem>> -> memref<32x128xf32, #tpu.memory_space<vmem>>
      %dma_wait3A_1321 = arith.constant 0 : i32
      %dma_wait3A_1322 = arith.constant 0 : i32
      %dma_wait3A_1323 = tpu.memref_slice %arg4[%dma_wait3A_1321, %dma_wait3A_1322] : memref<32x1000000xf32, #tpu.memory_space<hbm>> -> memref<32x128xf32, #tpu.memory_space<hbm>>
      %dma_wait3A_1324 = arith.constant 0 : i32
      %dma_wait3A_1325 = arith.constant 0 : i32
      %dma_wait3A_1326 = tpu.memref_slice %arg12[%dma_wait3A_1316, %dma_wait3A_1324, %dma_wait3A_1325] : memref<8x32x128xf32, #tpu.memory_space<vmem>> -> memref<1x32x128xf32, #tpu.memory_space<vmem>>
      %dma_wait3A_1327 = tpu.memref_squeeze %dma_wait3A_1326 : memref<1x32x128xf32, #tpu.memory_space<vmem>> -> memref<32x128xf32, #tpu.memory_space<vmem>>
      %dma_wait3A_1328 = arith.constant 0 : i32
      %dma_wait3A_1329 = arith.constant 0 : i32
      %dma_wait3A_1330 = tpu.memref_slice %arg4[%dma_wait3A_1328, %dma_wait3A_1329] : memref<32x1000000xf32, #tpu.memory_space<hbm>> -> memref<32x128xf32, #tpu.memory_space<hbm>>
      tpu.wait_dma2 semaphore(%arg21 : memref<!tpu.dma_semaphore, #tpu.memory_space<semaphore_mem>>) src(%dma_wait3A_1330 : memref<32x128xf32, #tpu.memory_space<hbm>>) dst(%dma_wait3A_1327 : memref<32x128xf32, #tpu.memory_space<vmem>>)
      %dma_wait3A_1331 = arith.constant 7 : i32
      %dma_wait3A_1332 = arith.constant 0 : i32
      %dma_wait3A_1333 = arith.constant 0 : i32
      %dma_wait3A_1334 = tpu.memref_slice %arg13[%dma_wait3A_1331, %dma_wait3A_1332, %dma_wait3A_1333] : memref<8x32x128xf32, #tpu.memory_space<vmem>> -> memref<1x32x128xf32, #tpu.memory_space<vmem>>
      %dma_wait3A_1335 = tpu.memref_squeeze %dma_wait3A_1334 : memref<1x32x128xf32, #tpu.memory_space<vmem>> -> memref<32x128xf32, #tpu.memory_space<vmem>>
      %dma_wait3A_1336 = arith.constant 0 : i32
      %dma_wait3A_1337 = arith.constant 0 : i32
      %dma_wait3A_1338 = tpu.memref_slice %arg4[%dma_wait3A_1336, %dma_wait3A_1337] : memref<32x1000000xf32, #tpu.memory_space<hbm>> -> memref<32x128xf32, #tpu.memory_space<hbm>>
      %dma_wait3A_1339 = arith.constant 0 : i32
      %dma_wait3A_1340 = arith.constant 0 : i32
      %dma_wait3A_1341 = tpu.memref_slice %arg13[%dma_wait3A_1331, %dma_wait3A_1339, %dma_wait3A_1340] : memref<8x32x128xf32, #tpu.memory_space<vmem>> -> memref<1x32x128xf32, #tpu.memory_space<vmem>>
      %dma_wait3A_1342 = tpu.memref_squeeze %dma_wait3A_1341 : memref<1x32x128xf32, #tpu.memory_space<vmem>> -> memref<32x128xf32, #tpu.memory_space<vmem>>
      %dma_wait3A_1343 = arith.constant 0 : i32
      %dma_wait3A_1344 = arith.constant 0 : i32
      %dma_wait3A_1345 = tpu.memref_slice %arg4[%dma_wait3A_1343, %dma_wait3A_1344] : memref<32x1000000xf32, #tpu.memory_space<hbm>> -> memref<32x128xf32, #tpu.memory_space<hbm>>
      tpu.wait_dma2 semaphore(%arg21 : memref<!tpu.dma_semaphore, #tpu.memory_space<semaphore_mem>>) src(%dma_wait3A_1345 : memref<32x128xf32, #tpu.memory_space<hbm>>) dst(%dma_wait3A_1342 : memref<32x128xf32, #tpu.memory_space<vmem>>)
      %mul3A_1346 = arith.constant 16 : i32
      %mul3A_1347 = arith.muli %scan3A_400, %mul3A_1346 : i32
      %add3A_1348 = arith.constant 4 : i32
      %add3A_1349 = arith.addi %mul3A_1347, %add3A_1348 : i32
      %add3A_1350 = arith.constant 0 : i32
      %add3A_1351 = arith.addi %add3A_1349, %add3A_1350 : i32
      %mul3A_1352 = arith.constant 32 : i32
      %mul3A_1353 = arith.muli %add3A_1351, %mul3A_1352 : i32
      %slice3A_1354 = vector.extract_strided_slice %get3A_406 {offsets = [4], sizes = [1], strides = [1]} : vector<16xi32> to vector<1xi32>
      %squeeze3A_1355 = vector.extract %slice3A_1354[0] : i32 from vector<1xi32>
      %and3A_1356 = arith.constant 127 : i32
      %and3A_1357 = arith.andi %squeeze3A_1355, %and3A_1356 : i32
      %broadcast_in_dim3A_1358 = vector.broadcast %and3A_1357 : i32 to vector<16xi32>
      %slice3A_1359 = vector.extract_strided_slice %get3A_410 {offsets = [4], sizes = [1], strides = [1]} : vector<16xi32> to vector<1xi32>
      %squeeze3A_1360 = vector.extract %slice3A_1359[0] : i32 from vector<1xi32>
      %and3A_1361 = arith.constant 127 : i32
      %and3A_1362 = arith.andi %squeeze3A_1360, %and3A_1361 : i32
      %broadcast_in_dim3A_1363 = vector.broadcast %and3A_1362 : i32 to vector<16xi32>
      %gather3A_1364 = arith.constant 4 : i32
      %gather3A_1365 = arith.constant 0 : i32
      %gather3A_1366 = arith.constant 0 : i32
      %gather3A_1367 = tpu.memref_slice %arg12[%gather3A_1364, %gather3A_1365, %gather3A_1366] : memref<8x32x128xf32, #tpu.memory_space<vmem>> -> memref<1x32x128xf32, #tpu.memory_space<vmem>>
      %gather3A_1368 = tpu.memref_squeeze %gather3A_1367 : memref<1x32x128xf32, #tpu.memory_space<vmem>> -> memref<32x128xf32, #tpu.memory_space<vmem>>
      %gather3A_1369 = tpu.vector_load_idx %gather3A_1368[%iota3A, %broadcast_in_dim3A_1358] : memref<32x128xf32, #tpu.memory_space<vmem>>[vector<16xi32>, vector<16xi32>], vector<16xf32>,
      %swap3A_1370 = arith.index_cast %mul3A_1353 : i32 to index
      %swap3A_1371 = tpu.vector_load %arg14[%swap3A_1370] {strides = array<i32>} : memref<16384xf32, #tpu.memory_space<vmem>>, vector<16xf32>,
      tpu.vector_store %arg14[%swap3A_1370], %gather3A_1369 {strides = array<i32>} : memref<16384xf32, #tpu.memory_space<vmem>>, vector<16xf32>,
      %gather3A_1372 = arith.constant 4 : i32
      %gather3A_1373 = arith.constant 0 : i32
      %gather3A_1374 = arith.constant 0 : i32
      %gather3A_1375 = tpu.memref_slice %arg12[%gather3A_1372, %gather3A_1373, %gather3A_1374] : memref<8x32x128xf32, #tpu.memory_space<vmem>> -> memref<1x32x128xf32, #tpu.memory_space<vmem>>
      %gather3A_1376 = tpu.memref_squeeze %gather3A_1375 : memref<1x32x128xf32, #tpu.memory_space<vmem>> -> memref<32x128xf32, #tpu.memory_space<vmem>>
      %gather3A_1377 = tpu.vector_load_idx %gather3A_1376[%add3A_52, %broadcast_in_dim3A_1358] : memref<32x128xf32, #tpu.memory_space<vmem>>[vector<16xi32>, vector<16xi32>], vector<16xf32>,
      %add3A_1378 = arith.constant 16 : i32
      %add3A_1379 = arith.addi %mul3A_1353, %add3A_1378 : i32
      %swap3A_1380 = arith.index_cast %add3A_1379 : i32 to index
      %swap3A_1381 = tpu.vector_load %arg14[%swap3A_1380] {strides = array<i32>} : memref<16384xf32, #tpu.memory_space<vmem>>, vector<16xf32>,
      tpu.vector_store %arg14[%swap3A_1380], %gather3A_1377 {strides = array<i32>} : memref<16384xf32, #tpu.memory_space<vmem>>, vector<16xf32>,
      %gather3A_1382 = arith.constant 4 : i32
      %gather3A_1383 = arith.constant 0 : i32
      %gather3A_1384 = arith.constant 0 : i32
      %gather3A_1385 = tpu.memref_slice %arg13[%gather3A_1382, %gather3A_1383, %gather3A_1384] : memref<8x32x128xf32, #tpu.memory_space<vmem>> -> memref<1x32x128xf32, #tpu.memory_space<vmem>>
      %gather3A_1386 = tpu.memref_squeeze %gather3A_1385 : memref<1x32x128xf32, #tpu.memory_space<vmem>> -> memref<32x128xf32, #tpu.memory_space<vmem>>
      %gather3A_1387 = tpu.vector_load_idx %gather3A_1386[%iota3A, %broadcast_in_dim3A_1363] : memref<32x128xf32, #tpu.memory_space<vmem>>[vector<16xi32>, vector<16xi32>], vector<16xf32>,
      %swap3A_1388 = arith.index_cast %mul3A_1353 : i32 to index
      %swap3A_1389 = tpu.vector_load %arg15[%swap3A_1388] {strides = array<i32>} : memref<16384xf32, #tpu.memory_space<vmem>>, vector<16xf32>,
      tpu.vector_store %arg15[%swap3A_1388], %gather3A_1387 {strides = array<i32>} : memref<16384xf32, #tpu.memory_space<vmem>>, vector<16xf32>,
      %gather3A_1390 = arith.constant 4 : i32
      %gather3A_1391 = arith.constant 0 : i32
      %gather3A_1392 = arith.constant 0 : i32
      %gather3A_1393 = tpu.memref_slice %arg13[%gather3A_1390, %gather3A_1391, %gather3A_1392] : memref<8x32x128xf32, #tpu.memory_space<vmem>> -> memref<1x32x128xf32, #tpu.memory_space<vmem>>
      %gather3A_1394 = tpu.memref_squeeze %gather3A_1393 : memref<1x32x128xf32, #tpu.memory_space<vmem>> -> memref<32x128xf32, #tpu.memory_space<vmem>>
      %gather3A_1395 = tpu.vector_load_idx %gather3A_1394[%add3A_52, %broadcast_in_dim3A_1363] : memref<32x128xf32, #tpu.memory_space<vmem>>[vector<16xi32>, vector<16xi32>], vector<16xf32>,
      %add3A_1396 = arith.constant 16 : i32
      %add3A_1397 = arith.addi %mul3A_1353, %add3A_1396 : i32
      %swap3A_1398 = arith.index_cast %add3A_1397 : i32 to index
      %swap3A_1399 = tpu.vector_load %arg15[%swap3A_1398] {strides = array<i32>} : memref<16384xf32, #tpu.memory_space<vmem>>, vector<16xf32>,
      tpu.vector_store %arg15[%swap3A_1398], %gather3A_1395 {strides = array<i32>} : memref<16384xf32, #tpu.memory_space<vmem>>, vector<16xf32>,
      %mul3A_1400 = arith.constant 16 : i32
      %mul3A_1401 = arith.muli %scan3A_400, %mul3A_1400 : i32
      %add3A_1402 = arith.constant 4 : i32
      %add3A_1403 = arith.addi %mul3A_1401, %add3A_1402 : i32
      %add3A_1404 = arith.constant 1 : i32
      %add3A_1405 = arith.addi %add3A_1403, %add3A_1404 : i32
      %mul3A_1406 = arith.constant 32 : i32
      %mul3A_1407 = arith.muli %add3A_1405, %mul3A_1406 : i32
      %slice3A_1408 = vector.extract_strided_slice %get3A_406 {offsets = [5], sizes = [1], strides = [1]} : vector<16xi32> to vector<1xi32>
      %squeeze3A_1409 = vector.extract %slice3A_1408[0] : i32 from vector<1xi32>
      %and3A_1410 = arith.constant 127 : i32
      %and3A_1411 = arith.andi %squeeze3A_1409, %and3A_1410 : i32
      %broadcast_in_dim3A_1412 = vector.broadcast %and3A_1411 : i32 to vector<16xi32>
      %slice3A_1413 = vector.extract_strided_slice %get3A_410 {offsets = [5], sizes = [1], strides = [1]} : vector<16xi32> to vector<1xi32>
      %squeeze3A_1414 = vector.extract %slice3A_1413[0] : i32 from vector<1xi32>
      %and3A_1415 = arith.constant 127 : i32
      %and3A_1416 = arith.andi %squeeze3A_1414, %and3A_1415 : i32
      %broadcast_in_dim3A_1417 = vector.broadcast %and3A_1416 : i32 to vector<16xi32>
      %gather3A_1418 = arith.constant 5 : i32
      %gather3A_1419 = arith.constant 0 : i32
      %gather3A_1420 = arith.constant 0 : i32
      %gather3A_1421 = tpu.memref_slice %arg12[%gather3A_1418, %gather3A_1419, %gather3A_1420] : memref<8x32x128xf32, #tpu.memory_space<vmem>> -> memref<1x32x128xf32, #tpu.memory_space<vmem>>
      %gather3A_1422 = tpu.memref_squeeze %gather3A_1421 : memref<1x32x128xf32, #tpu.memory_space<vmem>> -> memref<32x128xf32, #tpu.memory_space<vmem>>
      %gather3A_1423 = tpu.vector_load_idx %gather3A_1422[%iota3A, %broadcast_in_dim3A_1412] : memref<32x128xf32, #tpu.memory_space<vmem>>[vector<16xi32>, vector<16xi32>], vector<16xf32>,
      %swap3A_1424 = arith.index_cast %mul3A_1407 : i32 to index
      %swap3A_1425 = tpu.vector_load %arg14[%swap3A_1424] {strides = array<i32>} : memref<16384xf32, #tpu.memory_space<vmem>>, vector<16xf32>,
      tpu.vector_store %arg14[%swap3A_1424], %gather3A_1423 {strides = array<i32>} : memref<16384xf32, #tpu.memory_space<vmem>>, vector<16xf32>,
      %gather3A_1426 = arith.constant 5 : i32
      %gather3A_1427 = arith.constant 0 : i32
      %gather3A_1428 = arith.constant 0 : i32
      %gather3A_1429 = tpu.memref_slice %arg12[%gather3A_1426, %gather3A_1427, %gather3A_1428] : memref<8x32x128xf32, #tpu.memory_space<vmem>> -> memref<1x32x128xf32, #tpu.memory_space<vmem>>
      %gather3A_1430 = tpu.memref_squeeze %gather3A_1429 : memref<1x32x128xf32, #tpu.memory_space<vmem>> -> memref<32x128xf32, #tpu.memory_space<vmem>>
      %gather3A_1431 = tpu.vector_load_idx %gather3A_1430[%add3A_52, %broadcast_in_dim3A_1412] : memref<32x128xf32, #tpu.memory_space<vmem>>[vector<16xi32>, vector<16xi32>], vector<16xf32>,
      %add3A_1432 = arith.constant 16 : i32
      %add3A_1433 = arith.addi %mul3A_1407, %add3A_1432 : i32
      %swap3A_1434 = arith.index_cast %add3A_1433 : i32 to index
      %swap3A_1435 = tpu.vector_load %arg14[%swap3A_1434] {strides = array<i32>} : memref<16384xf32, #tpu.memory_space<vmem>>, vector<16xf32>,
      tpu.vector_store %arg14[%swap3A_1434], %gather3A_1431 {strides = array<i32>} : memref<16384xf32, #tpu.memory_space<vmem>>, vector<16xf32>,
      %gather3A_1436 = arith.constant 5 : i32
      %gather3A_1437 = arith.constant 0 : i32
      %gather3A_1438 = arith.constant 0 : i32
      %gather3A_1439 = tpu.memref_slice %arg13[%gather3A_1436, %gather3A_1437, %gather3A_1438] : memref<8x32x128xf32, #tpu.memory_space<vmem>> -> memref<1x32x128xf32, #tpu.memory_space<vmem>>
      %gather3A_1440 = tpu.memref_squeeze %gather3A_1439 : memref<1x32x128xf32, #tpu.memory_space<vmem>> -> memref<32x128xf32, #tpu.memory_space<vmem>>
      %gather3A_1441 = tpu.vector_load_idx %gather3A_1440[%iota3A, %broadcast_in_dim3A_1417] : memref<32x128xf32, #tpu.memory_space<vmem>>[vector<16xi32>, vector<16xi32>], vector<16xf32>,
      %swap3A_1442 = arith.index_cast %mul3A_1407 : i32 to index
      %swap3A_1443 = tpu.vector_load %arg15[%swap3A_1442] {strides = array<i32>} : memref<16384xf32, #tpu.memory_space<vmem>>, vector<16xf32>,
      tpu.vector_store %arg15[%swap3A_1442], %gather3A_1441 {strides = array<i32>} : memref<16384xf32, #tpu.memory_space<vmem>>, vector<16xf32>,
      %gather3A_1444 = arith.constant 5 : i32
      %gather3A_1445 = arith.constant 0 : i32
      %gather3A_1446 = arith.constant 0 : i32
      %gather3A_1447 = tpu.memref_slice %arg13[%gather3A_1444, %gather3A_1445, %gather3A_1446] : memref<8x32x128xf32, #tpu.memory_space<vmem>> -> memref<1x32x128xf32, #tpu.memory_space<vmem>>
      %gather3A_1448 = tpu.memref_squeeze %gather3A_1447 : memref<1x32x128xf32, #tpu.memory_space<vmem>> -> memref<32x128xf32, #tpu.memory_space<vmem>>
      %gather3A_1449 = tpu.vector_load_idx %gather3A_1448[%add3A_52, %broadcast_in_dim3A_1417] : memref<32x128xf32, #tpu.memory_space<vmem>>[vector<16xi32>, vector<16xi32>], vector<16xf32>,
      %add3A_1450 = arith.constant 16 : i32
      %add3A_1451 = arith.addi %mul3A_1407, %add3A_1450 : i32
      %swap3A_1452 = arith.index_cast %add3A_1451 : i32 to index
      %swap3A_1453 = tpu.vector_load %arg15[%swap3A_1452] {strides = array<i32>} : memref<16384xf32, #tpu.memory_space<vmem>>, vector<16xf32>,
      tpu.vector_store %arg15[%swap3A_1452], %gather3A_1449 {strides = array<i32>} : memref<16384xf32, #tpu.memory_space<vmem>>, vector<16xf32>,
      %mul3A_1454 = arith.constant 16 : i32
      %mul3A_1455 = arith.muli %scan3A_400, %mul3A_1454 : i32
      %add3A_1456 = arith.constant 4 : i32
      %add3A_1457 = arith.addi %mul3A_1455, %add3A_1456 : i32
      %add3A_1458 = arith.constant 2 : i32
      %add3A_1459 = arith.addi %add3A_1457, %add3A_1458 : i32
      %mul3A_1460 = arith.constant 32 : i32
      %mul3A_1461 = arith.muli %add3A_1459, %mul3A_1460 : i32
      %slice3A_1462 = vector.extract_strided_slice %get3A_406 {offsets = [6], sizes = [1], strides = [1]} : vector<16xi32> to vector<1xi32>
      %squeeze3A_1463 = vector.extract %slice3A_1462[0] : i32 from vector<1xi32>
      %and3A_1464 = arith.constant 127 : i32
      %and3A_1465 = arith.andi %squeeze3A_1463, %and3A_1464 : i32
      %broadcast_in_dim3A_1466 = vector.broadcast %and3A_1465 : i32 to vector<16xi32>
      %slice3A_1467 = vector.extract_strided_slice %get3A_410 {offsets = [6], sizes = [1], strides = [1]} : vector<16xi32> to vector<1xi32>
      %squeeze3A_1468 = vector.extract %slice3A_1467[0] : i32 from vector<1xi32>
      %and3A_1469 = arith.constant 127 : i32
      %and3A_1470 = arith.andi %squeeze3A_1468, %and3A_1469 : i32
      %broadcast_in_dim3A_1471 = vector.broadcast %and3A_1470 : i32 to vector<16xi32>
      %gather3A_1472 = arith.constant 6 : i32
      %gather3A_1473 = arith.constant 0 : i32
      %gather3A_1474 = arith.constant 0 : i32
      %gather3A_1475 = tpu.memref_slice %arg12[%gather3A_1472, %gather3A_1473, %gather3A_1474] : memref<8x32x128xf32, #tpu.memory_space<vmem>> -> memref<1x32x128xf32, #tpu.memory_space<vmem>>
      %gather3A_1476 = tpu.memref_squeeze %gather3A_1475 : memref<1x32x128xf32, #tpu.memory_space<vmem>> -> memref<32x128xf32, #tpu.memory_space<vmem>>
      %gather3A_1477 = tpu.vector_load_idx %gather3A_1476[%iota3A, %broadcast_in_dim3A_1466] : memref<32x128xf32, #tpu.memory_space<vmem>>[vector<16xi32>, vector<16xi32>], vector<16xf32>,
      %swap3A_1478 = arith.index_cast %mul3A_1461 : i32 to index
      %swap3A_1479 = tpu.vector_load %arg14[%swap3A_1478] {strides = array<i32>} : memref<16384xf32, #tpu.memory_space<vmem>>, vector<16xf32>,
      tpu.vector_store %arg14[%swap3A_1478], %gather3A_1477 {strides = array<i32>} : memref<16384xf32, #tpu.memory_space<vmem>>, vector<16xf32>,
      %gather3A_1480 = arith.constant 6 : i32
      %gather3A_1481 = arith.constant 0 : i32
      %gather3A_1482 = arith.constant 0 : i32
      %gather3A_1483 = tpu.memref_slice %arg12[%gather3A_1480, %gather3A_1481, %gather3A_1482] : memref<8x32x128xf32, #tpu.memory_space<vmem>> -> memref<1x32x128xf32, #tpu.memory_space<vmem>>
      %gather3A_1484 = tpu.memref_squeeze %gather3A_1483 : memref<1x32x128xf32, #tpu.memory_space<vmem>> -> memref<32x128xf32, #tpu.memory_space<vmem>>
      %gather3A_1485 = tpu.vector_load_idx %gather3A_1484[%add3A_52, %broadcast_in_dim3A_1466] : memref<32x128xf32, #tpu.memory_space<vmem>>[vector<16xi32>, vector<16xi32>], vector<16xf32>,
      %add3A_1486 = arith.constant 16 : i32
      %add3A_1487 = arith.addi %mul3A_1461, %add3A_1486 : i32
      %swap3A_1488 = arith.index_cast %add3A_1487 : i32 to index
      %swap3A_1489 = tpu.vector_load %arg14[%swap3A_1488] {strides = array<i32>} : memref<16384xf32, #tpu.memory_space<vmem>>, vector<16xf32>,
      tpu.vector_store %arg14[%swap3A_1488], %gather3A_1485 {strides = array<i32>} : memref<16384xf32, #tpu.memory_space<vmem>>, vector<16xf32>,
      %gather3A_1490 = arith.constant 6 : i32
      %gather3A_1491 = arith.constant 0 : i32
      %gather3A_1492 = arith.constant 0 : i32
      %gather3A_1493 = tpu.memref_slice %arg13[%gather3A_1490, %gather3A_1491, %gather3A_1492] : memref<8x32x128xf32, #tpu.memory_space<vmem>> -> memref<1x32x128xf32, #tpu.memory_space<vmem>>
      %gather3A_1494 = tpu.memref_squeeze %gather3A_1493 : memref<1x32x128xf32, #tpu.memory_space<vmem>> -> memref<32x128xf32, #tpu.memory_space<vmem>>
      %gather3A_1495 = tpu.vector_load_idx %gather3A_1494[%iota3A, %broadcast_in_dim3A_1471] : memref<32x128xf32, #tpu.memory_space<vmem>>[vector<16xi32>, vector<16xi32>], vector<16xf32>,
      %swap3A_1496 = arith.index_cast %mul3A_1461 : i32 to index
      %swap3A_1497 = tpu.vector_load %arg15[%swap3A_1496] {strides = array<i32>} : memref<16384xf32, #tpu.memory_space<vmem>>, vector<16xf32>,
      tpu.vector_store %arg15[%swap3A_1496], %gather3A_1495 {strides = array<i32>} : memref<16384xf32, #tpu.memory_space<vmem>>, vector<16xf32>,
      %gather3A_1498 = arith.constant 6 : i32
      %gather3A_1499 = arith.constant 0 : i32
      %gather3A_1500 = arith.constant 0 : i32
      %gather3A_1501 = tpu.memref_slice %arg13[%gather3A_1498, %gather3A_1499, %gather3A_1500] : memref<8x32x128xf32, #tpu.memory_space<vmem>> -> memref<1x32x128xf32, #tpu.memory_space<vmem>>
      %gather3A_1502 = tpu.memref_squeeze %gather3A_1501 : memref<1x32x128xf32, #tpu.memory_space<vmem>> -> memref<32x128xf32, #tpu.memory_space<vmem>>
      %gather3A_1503 = tpu.vector_load_idx %gather3A_1502[%add3A_52, %broadcast_in_dim3A_1471] : memref<32x128xf32, #tpu.memory_space<vmem>>[vector<16xi32>, vector<16xi32>], vector<16xf32>,
      %add3A_1504 = arith.constant 16 : i32
      %add3A_1505 = arith.addi %mul3A_1461, %add3A_1504 : i32
      %swap3A_1506 = arith.index_cast %add3A_1505 : i32 to index
      %swap3A_1507 = tpu.vector_load %arg15[%swap3A_1506] {strides = array<i32>} : memref<16384xf32, #tpu.memory_space<vmem>>, vector<16xf32>,
      tpu.vector_store %arg15[%swap3A_1506], %gather3A_1503 {strides = array<i32>} : memref<16384xf32, #tpu.memory_space<vmem>>, vector<16xf32>,
      %mul3A_1508 = arith.constant 16 : i32
      %mul3A_1509 = arith.muli %scan3A_400, %mul3A_1508 : i32
      %add3A_1510 = arith.constant 4 : i32
      %add3A_1511 = arith.addi %mul3A_1509, %add3A_1510 : i32
      %add3A_1512 = arith.constant 3 : i32
      %add3A_1513 = arith.addi %add3A_1511, %add3A_1512 : i32
      %mul3A_1514 = arith.constant 32 : i32
      %mul3A_1515 = arith.muli %add3A_1513, %mul3A_1514 : i32
      %slice3A_1516 = vector.extract_strided_slice %get3A_406 {offsets = [7], sizes = [1], strides = [1]} : vector<16xi32> to vector<1xi32>
      %squeeze3A_1517 = vector.extract %slice3A_1516[0] : i32 from vector<1xi32>
      %and3A_1518 = arith.constant 127 : i32
      %and3A_1519 = arith.andi %squeeze3A_1517, %and3A_1518 : i32
      %broadcast_in_dim3A_1520 = vector.broadcast %and3A_1519 : i32 to vector<16xi32>
      %slice3A_1521 = vector.extract_strided_slice %get3A_410 {offsets = [7], sizes = [1], strides = [1]} : vector<16xi32> to vector<1xi32>
      %squeeze3A_1522 = vector.extract %slice3A_1521[0] : i32 from vector<1xi32>
      %and3A_1523 = arith.constant 127 : i32
      %and3A_1524 = arith.andi %squeeze3A_1522, %and3A_1523 : i32
      %broadcast_in_dim3A_1525 = vector.broadcast %and3A_1524 : i32 to vector<16xi32>
      %gather3A_1526 = arith.constant 7 : i32
      %gather3A_1527 = arith.constant 0 : i32
      %gather3A_1528 = arith.constant 0 : i32
      %gather3A_1529 = tpu.memref_slice %arg12[%gather3A_1526, %gather3A_1527, %gather3A_1528] : memref<8x32x128xf32, #tpu.memory_space<vmem>> -> memref<1x32x128xf32, #tpu.memory_space<vmem>>
      %gather3A_1530 = tpu.memref_squeeze %gather3A_1529 : memref<1x32x128xf32, #tpu.memory_space<vmem>> -> memref<32x128xf32, #tpu.memory_space<vmem>>
      %gather3A_1531 = tpu.vector_load_idx %gather3A_1530[%iota3A, %broadcast_in_dim3A_1520] : memref<32x128xf32, #tpu.memory_space<vmem>>[vector<16xi32>, vector<16xi32>], vector<16xf32>,
      %swap3A_1532 = arith.index_cast %mul3A_1515 : i32 to index
      %swap3A_1533 = tpu.vector_load %arg14[%swap3A_1532] {strides = array<i32>} : memref<16384xf32, #tpu.memory_space<vmem>>, vector<16xf32>,
      tpu.vector_store %arg14[%swap3A_1532], %gather3A_1531 {strides = array<i32>} : memref<16384xf32, #tpu.memory_space<vmem>>, vector<16xf32>,
      %gather3A_1534 = arith.constant 7 : i32
      %gather3A_1535 = arith.constant 0 : i32
      %gather3A_1536 = arith.constant 0 : i32
      %gather3A_1537 = tpu.memref_slice %arg12[%gather3A_1534, %gather3A_1535, %gather3A_1536] : memref<8x32x128xf32, #tpu.memory_space<vmem>> -> memref<1x32x128xf32, #tpu.memory_space<vmem>>
      %gather3A_1538 = tpu.memref_squeeze %gather3A_1537 : memref<1x32x128xf32, #tpu.memory_space<vmem>> -> memref<32x128xf32, #tpu.memory_space<vmem>>
      %gather3A_1539 = tpu.vector_load_idx %gather3A_1538[%add3A_52, %broadcast_in_dim3A_1520] : memref<32x128xf32, #tpu.memory_space<vmem>>[vector<16xi32>, vector<16xi32>], vector<16xf32>,
      %add3A_1540 = arith.constant 16 : i32
      %add3A_1541 = arith.addi %mul3A_1515, %add3A_1540 : i32
      %swap3A_1542 = arith.index_cast %add3A_1541 : i32 to index
      %swap3A_1543 = tpu.vector_load %arg14[%swap3A_1542] {strides = array<i32>} : memref<16384xf32, #tpu.memory_space<vmem>>, vector<16xf32>,
      tpu.vector_store %arg14[%swap3A_1542], %gather3A_1539 {strides = array<i32>} : memref<16384xf32, #tpu.memory_space<vmem>>, vector<16xf32>,
      %gather3A_1544 = arith.constant 7 : i32
      %gather3A_1545 = arith.constant 0 : i32
      %gather3A_1546 = arith.constant 0 : i32
      %gather3A_1547 = tpu.memref_slice %arg13[%gather3A_1544, %gather3A_1545, %gather3A_1546] : memref<8x32x128xf32, #tpu.memory_space<vmem>> -> memref<1x32x128xf32, #tpu.memory_space<vmem>>
      %gather3A_1548 = tpu.memref_squeeze %gather3A_1547 : memref<1x32x128xf32, #tpu.memory_space<vmem>> -> memref<32x128xf32, #tpu.memory_space<vmem>>
      %gather3A_1549 = tpu.vector_load_idx %gather3A_1548[%iota3A, %broadcast_in_dim3A_1525] : memref<32x128xf32, #tpu.memory_space<vmem>>[vector<16xi32>, vector<16xi32>], vector<16xf32>,
      %swap3A_1550 = arith.index_cast %mul3A_1515 : i32 to index
      %swap3A_1551 = tpu.vector_load %arg15[%swap3A_1550] {strides = array<i32>} : memref<16384xf32, #tpu.memory_space<vmem>>, vector<16xf32>,
      tpu.vector_store %arg15[%swap3A_1550], %gather3A_1549 {strides = array<i32>} : memref<16384xf32, #tpu.memory_space<vmem>>, vector<16xf32>,
      %gather3A_1552 = arith.constant 7 : i32
      %gather3A_1553 = arith.constant 0 : i32
      %gather3A_1554 = arith.constant 0 : i32
      %gather3A_1555 = tpu.memref_slice %arg13[%gather3A_1552, %gather3A_1553, %gather3A_1554] : memref<8x32x128xf32, #tpu.memory_space<vmem>> -> memref<1x32x128xf32, #tpu.memory_space<vmem>>
      %gather3A_1556 = tpu.memref_squeeze %gather3A_1555 : memref<1x32x128xf32, #tpu.memory_space<vmem>> -> memref<32x128xf32, #tpu.memory_space<vmem>>
      %gather3A_1557 = tpu.vector_load_idx %gather3A_1556[%add3A_52, %broadcast_in_dim3A_1525] : memref<32x128xf32, #tpu.memory_space<vmem>>[vector<16xi32>, vector<16xi32>], vector<16xf32>,
      %add3A_1558 = arith.constant 16 : i32
      %add3A_1559 = arith.addi %mul3A_1515, %add3A_1558 : i32
      %swap3A_1560 = arith.index_cast %add3A_1559 : i32 to index
      %swap3A_1561 = tpu.vector_load %arg15[%swap3A_1560] {strides = array<i32>} : memref<16384xf32, #tpu.memory_space<vmem>>, vector<16xf32>,
      tpu.vector_store %arg15[%swap3A_1560], %gather3A_1557 {strides = array<i32>} : memref<16384xf32, #tpu.memory_space<vmem>>, vector<16xf32>,
      %slice3A_1562 = vector.extract_strided_slice %get3A_406 {offsets = [12], sizes = [1], strides = [1]} : vector<16xi32> to vector<1xi32>
      %squeeze3A_1563 = vector.extract %slice3A_1562[0] : i32 from vector<1xi32>
      %slice3A_1564 = vector.extract_strided_slice %get3A_410 {offsets = [12], sizes = [1], strides = [1]} : vector<16xi32> to vector<1xi32>
      %squeeze3A_1565 = vector.extract %slice3A_1564[0] : i32 from vector<1xi32>
      %shift_right_arithmetic3A_1566 = arith.constant 7 : i32
      %shift_right_arithmetic3A_1567 = arith.shrsi %squeeze3A_1563, %shift_right_arithmetic3A_1566 : i32
      %shift_left3A_1568 = arith.constant 7 : i32
      %shift_left3A_1569 = arith.shli %shift_right_arithmetic3A_1567, %shift_left3A_1568 : i32
      %multiple_of3A_1570 = tpu.assume_multiple %shift_left3A_1569, 128 : i32
      %shift_right_arithmetic3A_1571 = arith.constant 7 : i32
      %shift_right_arithmetic3A_1572 = arith.shrsi %squeeze3A_1565, %shift_right_arithmetic3A_1571 : i32
      %shift_left3A_1573 = arith.constant 7 : i32
      %shift_left3A_1574 = arith.shli %shift_right_arithmetic3A_1572, %shift_left3A_1573 : i32
      %multiple_of3A_1575 = tpu.assume_multiple %shift_left3A_1574, 128 : i32
      %dma_start3A_1576 = arith.constant 4 : i32
      %dma_start3A_1577 = arith.constant 0 : i32
      %dma_start3A_1578 = arith.constant 0 : i32
      %dma_start3A_1579 = tpu.memref_slice %arg12[%dma_start3A_1576, %dma_start3A_1577, %dma_start3A_1578] : memref<8x32x128xf32, #tpu.memory_space<vmem>> -> memref<1x32x128xf32, #tpu.memory_space<vmem>>
      %dma_start3A_1580 = tpu.memref_squeeze %dma_start3A_1579 : memref<1x32x128xf32, #tpu.memory_space<vmem>> -> memref<32x128xf32, #tpu.memory_space<vmem>>
      %dma_start3A_1581 = arith.constant 0 : i32
      %dma_start3A_1582 = tpu.memref_slice %arg4[%dma_start3A_1581, %multiple_of3A_1570] : memref<32x1000000xf32, #tpu.memory_space<hbm>> -> memref<32x128xf32, #tpu.memory_space<hbm>>
      %dma_start3A_1583 = arith.constant 0 : i32
      %dma_start3A_1584 = arith.constant 0 : i32
      %dma_start3A_1585 = tpu.memref_slice %arg12[%dma_start3A_1576, %dma_start3A_1583, %dma_start3A_1584] : memref<8x32x128xf32, #tpu.memory_space<vmem>> -> memref<1x32x128xf32, #tpu.memory_space<vmem>>
      %dma_start3A_1586 = tpu.memref_squeeze %dma_start3A_1585 : memref<1x32x128xf32, #tpu.memory_space<vmem>> -> memref<32x128xf32, #tpu.memory_space<vmem>>
      %dma_start3A_1587 = arith.constant 0 : i32
      %dma_start3A_1588 = tpu.memref_slice %arg4[%dma_start3A_1587, %multiple_of3A_1570] : memref<32x1000000xf32, #tpu.memory_space<hbm>> -> memref<32x128xf32, #tpu.memory_space<hbm>>
      tpu.enqueue_dma source(%dma_start3A_1588 : memref<32x128xf32, #tpu.memory_space<hbm>>) target(%dma_start3A_1586 : memref<32x128xf32, #tpu.memory_space<vmem>>) target_semaphore(%arg21 : memref<!tpu.dma_semaphore, #tpu.memory_space<semaphore_mem>>)
      %dma_start3A_1589 = arith.constant 4 : i32
      %dma_start3A_1590 = arith.constant 0 : i32
      %dma_start3A_1591 = arith.constant 0 : i32
      %dma_start3A_1592 = tpu.memref_slice %arg13[%dma_start3A_1589, %dma_start3A_1590, %dma_start3A_1591] : memref<8x32x128xf32, #tpu.memory_space<vmem>> -> memref<1x32x128xf32, #tpu.memory_space<vmem>>
      %dma_start3A_1593 = tpu.memref_squeeze %dma_start3A_1592 : memref<1x32x128xf32, #tpu.memory_space<vmem>> -> memref<32x128xf32, #tpu.memory_space<vmem>>
      %dma_start3A_1594 = arith.constant 0 : i32
      %dma_start3A_1595 = tpu.memref_slice %arg5[%dma_start3A_1594, %multiple_of3A_1575] : memref<32x1000000xf32, #tpu.memory_space<hbm>> -> memref<32x128xf32, #tpu.memory_space<hbm>>
      %dma_start3A_1596 = arith.constant 0 : i32
      %dma_start3A_1597 = arith.constant 0 : i32
      %dma_start3A_1598 = tpu.memref_slice %arg13[%dma_start3A_1589, %dma_start3A_1596, %dma_start3A_1597] : memref<8x32x128xf32, #tpu.memory_space<vmem>> -> memref<1x32x128xf32, #tpu.memory_space<vmem>>
      %dma_start3A_1599 = tpu.memref_squeeze %dma_start3A_1598 : memref<1x32x128xf32, #tpu.memory_space<vmem>> -> memref<32x128xf32, #tpu.memory_space<vmem>>
      %dma_start3A_1600 = arith.constant 0 : i32
      %dma_start3A_1601 = tpu.memref_slice %arg5[%dma_start3A_1600, %multiple_of3A_1575] : memref<32x1000000xf32, #tpu.memory_space<hbm>> -> memref<32x128xf32, #tpu.memory_space<hbm>>
      tpu.enqueue_dma source(%dma_start3A_1601 : memref<32x128xf32, #tpu.memory_space<hbm>>) target(%dma_start3A_1599 : memref<32x128xf32, #tpu.memory_space<vmem>>) target_semaphore(%arg21 : memref<!tpu.dma_semaphore, #tpu.memory_space<semaphore_mem>>)
      %slice3A_1602 = vector.extract_strided_slice %get3A_406 {offsets = [13], sizes = [1], strides = [1]} : vector<16xi32> to vector<1xi32>
      %squeeze3A_1603 = vector.extract %slice3A_1602[0] : i32 from vector<1xi32>
      %slice3A_1604 = vector.extract_strided_slice %get3A_410 {offsets = [13], sizes = [1], strides = [1]} : vector<16xi32> to vector<1xi32>
      %squeeze3A_1605 = vector.extract %slice3A_1604[0] : i32 from vector<1xi32>
      %shift_right_arithmetic3A_1606 = arith.constant 7 : i32
      %shift_right_arithmetic3A_1607 = arith.shrsi %squeeze3A_1603, %shift_right_arithmetic3A_1606 : i32
      %shift_left3A_1608 = arith.constant 7 : i32
      %shift_left3A_1609 = arith.shli %shift_right_arithmetic3A_1607, %shift_left3A_1608 : i32
      %multiple_of3A_1610 = tpu.assume_multiple %shift_left3A_1609, 128 : i32
      %shift_right_arithmetic3A_1611 = arith.constant 7 : i32
      %shift_right_arithmetic3A_1612 = arith.shrsi %squeeze3A_1605, %shift_right_arithmetic3A_1611 : i32
      %shift_left3A_1613 = arith.constant 7 : i32
      %shift_left3A_1614 = arith.shli %shift_right_arithmetic3A_1612, %shift_left3A_1613 : i32
      %multiple_of3A_1615 = tpu.assume_multiple %shift_left3A_1614, 128 : i32
      %dma_start3A_1616 = arith.constant 5 : i32
      %dma_start3A_1617 = arith.constant 0 : i32
      %dma_start3A_1618 = arith.constant 0 : i32
      %dma_start3A_1619 = tpu.memref_slice %arg12[%dma_start3A_1616, %dma_start3A_1617, %dma_start3A_1618] : memref<8x32x128xf32, #tpu.memory_space<vmem>> -> memref<1x32x128xf32, #tpu.memory_space<vmem>>
      %dma_start3A_1620 = tpu.memref_squeeze %dma_start3A_1619 : memref<1x32x128xf32, #tpu.memory_space<vmem>> -> memref<32x128xf32, #tpu.memory_space<vmem>>
      %dma_start3A_1621 = arith.constant 0 : i32
      %dma_start3A_1622 = tpu.memref_slice %arg4[%dma_start3A_1621, %multiple_of3A_1610] : memref<32x1000000xf32, #tpu.memory_space<hbm>> -> memref<32x128xf32, #tpu.memory_space<hbm>>
      %dma_start3A_1623 = arith.constant 0 : i32
      %dma_start3A_1624 = arith.constant 0 : i32
      %dma_start3A_1625 = tpu.memref_slice %arg12[%dma_start3A_1616, %dma_start3A_1623, %dma_start3A_1624] : memref<8x32x128xf32, #tpu.memory_space<vmem>> -> memref<1x32x128xf32, #tpu.memory_space<vmem>>
      %dma_start3A_1626 = tpu.memref_squeeze %dma_start3A_1625 : memref<1x32x128xf32, #tpu.memory_space<vmem>> -> memref<32x128xf32, #tpu.memory_space<vmem>>
      %dma_start3A_1627 = arith.constant 0 : i32
      %dma_start3A_1628 = tpu.memref_slice %arg4[%dma_start3A_1627, %multiple_of3A_1610] : memref<32x1000000xf32, #tpu.memory_space<hbm>> -> memref<32x128xf32, #tpu.memory_space<hbm>>
      tpu.enqueue_dma source(%dma_start3A_1628 : memref<32x128xf32, #tpu.memory_space<hbm>>) target(%dma_start3A_1626 : memref<32x128xf32, #tpu.memory_space<vmem>>) target_semaphore(%arg21 : memref<!tpu.dma_semaphore, #tpu.memory_space<semaphore_mem>>)
      %dma_start3A_1629 = arith.constant 5 : i32
      %dma_start3A_1630 = arith.constant 0 : i32
      %dma_start3A_1631 = arith.constant 0 : i32
      %dma_start3A_1632 = tpu.memref_slice %arg13[%dma_start3A_1629, %dma_start3A_1630, %dma_start3A_1631] : memref<8x32x128xf32, #tpu.memory_space<vmem>> -> memref<1x32x128xf32, #tpu.memory_space<vmem>>
      %dma_start3A_1633 = tpu.memref_squeeze %dma_start3A_1632 : memref<1x32x128xf32, #tpu.memory_space<vmem>> -> memref<32x128xf32, #tpu.memory_space<vmem>>
      %dma_start3A_1634 = arith.constant 0 : i32
      %dma_start3A_1635 = tpu.memref_slice %arg5[%dma_start3A_1634, %multiple_of3A_1615] : memref<32x1000000xf32, #tpu.memory_space<hbm>> -> memref<32x128xf32, #tpu.memory_space<hbm>>
      %dma_start3A_1636 = arith.constant 0 : i32
      %dma_start3A_1637 = arith.constant 0 : i32
      %dma_start3A_1638 = tpu.memref_slice %arg13[%dma_start3A_1629, %dma_start3A_1636, %dma_start3A_1637] : memref<8x32x128xf32, #tpu.memory_space<vmem>> -> memref<1x32x128xf32, #tpu.memory_space<vmem>>
      %dma_start3A_1639 = tpu.memref_squeeze %dma_start3A_1638 : memref<1x32x128xf32, #tpu.memory_space<vmem>> -> memref<32x128xf32, #tpu.memory_space<vmem>>
      %dma_start3A_1640 = arith.constant 0 : i32
      %dma_start3A_1641 = tpu.memref_slice %arg5[%dma_start3A_1640, %multiple_of3A_1615] : memref<32x1000000xf32, #tpu.memory_space<hbm>> -> memref<32x128xf32, #tpu.memory_space<hbm>>
      tpu.enqueue_dma source(%dma_start3A_1641 : memref<32x128xf32, #tpu.memory_space<hbm>>) target(%dma_start3A_1639 : memref<32x128xf32, #tpu.memory_space<vmem>>) target_semaphore(%arg21 : memref<!tpu.dma_semaphore, #tpu.memory_space<semaphore_mem>>)
      %slice3A_1642 = vector.extract_strided_slice %get3A_406 {offsets = [14], sizes = [1], strides = [1]} : vector<16xi32> to vector<1xi32>
      %squeeze3A_1643 = vector.extract %slice3A_1642[0] : i32 from vector<1xi32>
      %slice3A_1644 = vector.extract_strided_slice %get3A_410 {offsets = [14], sizes = [1], strides = [1]} : vector<16xi32> to vector<1xi32>
      %squeeze3A_1645 = vector.extract %slice3A_1644[0] : i32 from vector<1xi32>
      %shift_right_arithmetic3A_1646 = arith.constant 7 : i32
      %shift_right_arithmetic3A_1647 = arith.shrsi %squeeze3A_1643, %shift_right_arithmetic3A_1646 : i32
      %shift_left3A_1648 = arith.constant 7 : i32
      %shift_left3A_1649 = arith.shli %shift_right_arithmetic3A_1647, %shift_left3A_1648 : i32
      %multiple_of3A_1650 = tpu.assume_multiple %shift_left3A_1649, 128 : i32
      %shift_right_arithmetic3A_1651 = arith.constant 7 : i32
      %shift_right_arithmetic3A_1652 = arith.shrsi %squeeze3A_1645, %shift_right_arithmetic3A_1651 : i32
      %shift_left3A_1653 = arith.constant 7 : i32
      %shift_left3A_1654 = arith.shli %shift_right_arithmetic3A_1652, %shift_left3A_1653 : i32
      %multiple_of3A_1655 = tpu.assume_multiple %shift_left3A_1654, 128 : i32
      %dma_start3A_1656 = arith.constant 6 : i32
      %dma_start3A_1657 = arith.constant 0 : i32
      %dma_start3A_1658 = arith.constant 0 : i32
      %dma_start3A_1659 = tpu.memref_slice %arg12[%dma_start3A_1656, %dma_start3A_1657, %dma_start3A_1658] : memref<8x32x128xf32, #tpu.memory_space<vmem>> -> memref<1x32x128xf32, #tpu.memory_space<vmem>>
      %dma_start3A_1660 = tpu.memref_squeeze %dma_start3A_1659 : memref<1x32x128xf32, #tpu.memory_space<vmem>> -> memref<32x128xf32, #tpu.memory_space<vmem>>
      %dma_start3A_1661 = arith.constant 0 : i32
      %dma_start3A_1662 = tpu.memref_slice %arg4[%dma_start3A_1661, %multiple_of3A_1650] : memref<32x1000000xf32, #tpu.memory_space<hbm>> -> memref<32x128xf32, #tpu.memory_space<hbm>>
      %dma_start3A_1663 = arith.constant 0 : i32
      %dma_start3A_1664 = arith.constant 0 : i32
      %dma_start3A_1665 = tpu.memref_slice %arg12[%dma_start3A_1656, %dma_start3A_1663, %dma_start3A_1664] : memref<8x32x128xf32, #tpu.memory_space<vmem>> -> memref<1x32x128xf32, #tpu.memory_space<vmem>>
      %dma_start3A_1666 = tpu.memref_squeeze %dma_start3A_1665 : memref<1x32x128xf32, #tpu.memory_space<vmem>> -> memref<32x128xf32, #tpu.memory_space<vmem>>
      %dma_start3A_1667 = arith.constant 0 : i32
      %dma_start3A_1668 = tpu.memref_slice %arg4[%dma_start3A_1667, %multiple_of3A_1650] : memref<32x1000000xf32, #tpu.memory_space<hbm>> -> memref<32x128xf32, #tpu.memory_space<hbm>>
      tpu.enqueue_dma source(%dma_start3A_1668 : memref<32x128xf32, #tpu.memory_space<hbm>>) target(%dma_start3A_1666 : memref<32x128xf32, #tpu.memory_space<vmem>>) target_semaphore(%arg21 : memref<!tpu.dma_semaphore, #tpu.memory_space<semaphore_mem>>)
      %dma_start3A_1669 = arith.constant 6 : i32
      %dma_start3A_1670 = arith.constant 0 : i32
      %dma_start3A_1671 = arith.constant 0 : i32
      %dma_start3A_1672 = tpu.memref_slice %arg13[%dma_start3A_1669, %dma_start3A_1670, %dma_start3A_1671] : memref<8x32x128xf32, #tpu.memory_space<vmem>> -> memref<1x32x128xf32, #tpu.memory_space<vmem>>
      %dma_start3A_1673 = tpu.memref_squeeze %dma_start3A_1672 : memref<1x32x128xf32, #tpu.memory_space<vmem>> -> memref<32x128xf32, #tpu.memory_space<vmem>>
      %dma_start3A_1674 = arith.constant 0 : i32
      %dma_start3A_1675 = tpu.memref_slice %arg5[%dma_start3A_1674, %multiple_of3A_1655] : memref<32x1000000xf32, #tpu.memory_space<hbm>> -> memref<32x128xf32, #tpu.memory_space<hbm>>
      %dma_start3A_1676 = arith.constant 0 : i32
      %dma_start3A_1677 = arith.constant 0 : i32
      %dma_start3A_1678 = tpu.memref_slice %arg13[%dma_start3A_1669, %dma_start3A_1676, %dma_start3A_1677] : memref<8x32x128xf32, #tpu.memory_space<vmem>> -> memref<1x32x128xf32, #tpu.memory_space<vmem>>
      %dma_start3A_1679 = tpu.memref_squeeze %dma_start3A_1678 : memref<1x32x128xf32, #tpu.memory_space<vmem>> -> memref<32x128xf32, #tpu.memory_space<vmem>>
      %dma_start3A_1680 = arith.constant 0 : i32
      %dma_start3A_1681 = tpu.memref_slice %arg5[%dma_start3A_1680, %multiple_of3A_1655] : memref<32x1000000xf32, #tpu.memory_space<hbm>> -> memref<32x128xf32, #tpu.memory_space<hbm>>
      tpu.enqueue_dma source(%dma_start3A_1681 : memref<32x128xf32, #tpu.memory_space<hbm>>) target(%dma_start3A_1679 : memref<32x128xf32, #tpu.memory_space<vmem>>) target_semaphore(%arg21 : memref<!tpu.dma_semaphore, #tpu.memory_space<semaphore_mem>>)
      %slice3A_1682 = vector.extract_strided_slice %get3A_406 {offsets = [15], sizes = [1], strides = [1]} : vector<16xi32> to vector<1xi32>
      %squeeze3A_1683 = vector.extract %slice3A_1682[0] : i32 from vector<1xi32>
      %slice3A_1684 = vector.extract_strided_slice %get3A_410 {offsets = [15], sizes = [1], strides = [1]} : vector<16xi32> to vector<1xi32>
      %squeeze3A_1685 = vector.extract %slice3A_1684[0] : i32 from vector<1xi32>
      %shift_right_arithmetic3A_1686 = arith.constant 7 : i32
      %shift_right_arithmetic3A_1687 = arith.shrsi %squeeze3A_1683, %shift_right_arithmetic3A_1686 : i32
      %shift_left3A_1688 = arith.constant 7 : i32
      %shift_left3A_1689 = arith.shli %shift_right_arithmetic3A_1687, %shift_left3A_1688 : i32
      %multiple_of3A_1690 = tpu.assume_multiple %shift_left3A_1689, 128 : i32
      %shift_right_arithmetic3A_1691 = arith.constant 7 : i32
      %shift_right_arithmetic3A_1692 = arith.shrsi %squeeze3A_1685, %shift_right_arithmetic3A_1691 : i32
      %shift_left3A_1693 = arith.constant 7 : i32
      %shift_left3A_1694 = arith.shli %shift_right_arithmetic3A_1692, %shift_left3A_1693 : i32
      %multiple_of3A_1695 = tpu.assume_multiple %shift_left3A_1694, 128 : i32
      %dma_start3A_1696 = arith.constant 7 : i32
      %dma_start3A_1697 = arith.constant 0 : i32
      %dma_start3A_1698 = arith.constant 0 : i32
      %dma_start3A_1699 = tpu.memref_slice %arg12[%dma_start3A_1696, %dma_start3A_1697, %dma_start3A_1698] : memref<8x32x128xf32, #tpu.memory_space<vmem>> -> memref<1x32x128xf32, #tpu.memory_space<vmem>>
      %dma_start3A_1700 = tpu.memref_squeeze %dma_start3A_1699 : memref<1x32x128xf32, #tpu.memory_space<vmem>> -> memref<32x128xf32, #tpu.memory_space<vmem>>
      %dma_start3A_1701 = arith.constant 0 : i32
      %dma_start3A_1702 = tpu.memref_slice %arg4[%dma_start3A_1701, %multiple_of3A_1690] : memref<32x1000000xf32, #tpu.memory_space<hbm>> -> memref<32x128xf32, #tpu.memory_space<hbm>>
      %dma_start3A_1703 = arith.constant 0 : i32
      %dma_start3A_1704 = arith.constant 0 : i32
      %dma_start3A_1705 = tpu.memref_slice %arg12[%dma_start3A_1696, %dma_start3A_1703, %dma_start3A_1704] : memref<8x32x128xf32, #tpu.memory_space<vmem>> -> memref<1x32x128xf32, #tpu.memory_space<vmem>>
      %dma_start3A_1706 = tpu.memref_squeeze %dma_start3A_1705 : memref<1x32x128xf32, #tpu.memory_space<vmem>> -> memref<32x128xf32, #tpu.memory_space<vmem>>
      %dma_start3A_1707 = arith.constant 0 : i32
      %dma_start3A_1708 = tpu.memref_slice %arg4[%dma_start3A_1707, %multiple_of3A_1690] : memref<32x1000000xf32, #tpu.memory_space<hbm>> -> memref<32x128xf32, #tpu.memory_space<hbm>>
      tpu.enqueue_dma source(%dma_start3A_1708 : memref<32x128xf32, #tpu.memory_space<hbm>>) target(%dma_start3A_1706 : memref<32x128xf32, #tpu.memory_space<vmem>>) target_semaphore(%arg21 : memref<!tpu.dma_semaphore, #tpu.memory_space<semaphore_mem>>)
      %dma_start3A_1709 = arith.constant 7 : i32
      %dma_start3A_1710 = arith.constant 0 : i32
      %dma_start3A_1711 = arith.constant 0 : i32
      %dma_start3A_1712 = tpu.memref_slice %arg13[%dma_start3A_1709, %dma_start3A_1710, %dma_start3A_1711] : memref<8x32x128xf32, #tpu.memory_space<vmem>> -> memref<1x32x128xf32, #tpu.memory_space<vmem>>
      %dma_start3A_1713 = tpu.memref_squeeze %dma_start3A_1712 : memref<1x32x128xf32, #tpu.memory_space<vmem>> -> memref<32x128xf32, #tpu.memory_space<vmem>>
      %dma_start3A_1714 = arith.constant 0 : i32
      %dma_start3A_1715 = tpu.memref_slice %arg5[%dma_start3A_1714, %multiple_of3A_1695] : memref<32x1000000xf32, #tpu.memory_space<hbm>> -> memref<32x128xf32, #tpu.memory_space<hbm>>
      %dma_start3A_1716 = arith.constant 0 : i32
      %dma_start3A_1717 = arith.constant 0 : i32
      %dma_start3A_1718 = tpu.memref_slice %arg13[%dma_start3A_1709, %dma_start3A_1716, %dma_start3A_1717] : memref<8x32x128xf32, #tpu.memory_space<vmem>> -> memref<1x32x128xf32, #tpu.memory_space<vmem>>
      %dma_start3A_1719 = tpu.memref_squeeze %dma_start3A_1718 : memref<1x32x128xf32, #tpu.memory_space<vmem>> -> memref<32x128xf32, #tpu.memory_space<vmem>>
      %dma_start3A_1720 = arith.constant 0 : i32
      %dma_start3A_1721 = tpu.memref_slice %arg5[%dma_start3A_1720, %multiple_of3A_1695] : memref<32x1000000xf32, #tpu.memory_space<hbm>> -> memref<32x128xf32, #tpu.memory_space<hbm>>
      tpu.enqueue_dma source(%dma_start3A_1721 : memref<32x128xf32, #tpu.memory_space<hbm>>) target(%dma_start3A_1719 : memref<32x128xf32, #tpu.memory_space<vmem>>) target_semaphore(%arg21 : memref<!tpu.dma_semaphore, #tpu.memory_space<semaphore_mem>>)
      %dma_wait3A_1722 = arith.constant 0 : i32
      %dma_wait3A_1723 = arith.constant 0 : i32
      %dma_wait3A_1724 = arith.constant 0 : i32
      %dma_wait3A_1725 = tpu.memref_slice %arg12[%dma_wait3A_1722, %dma_wait3A_1723, %dma_wait3A_1724] : memref<8x32x128xf32, #tpu.memory_space<vmem>> -> memref<1x32x128xf32, #tpu.memory_space<vmem>>
      %dma_wait3A_1726 = tpu.memref_squeeze %dma_wait3A_1725 : memref<1x32x128xf32, #tpu.memory_space<vmem>> -> memref<32x128xf32, #tpu.memory_space<vmem>>
      %dma_wait3A_1727 = arith.constant 0 : i32
      %dma_wait3A_1728 = arith.constant 0 : i32
      %dma_wait3A_1729 = tpu.memref_slice %arg4[%dma_wait3A_1727, %dma_wait3A_1728] : memref<32x1000000xf32, #tpu.memory_space<hbm>> -> memref<32x128xf32, #tpu.memory_space<hbm>>
      %dma_wait3A_1730 = arith.constant 0 : i32
      %dma_wait3A_1731 = arith.constant 0 : i32
      %dma_wait3A_1732 = tpu.memref_slice %arg12[%dma_wait3A_1722, %dma_wait3A_1730, %dma_wait3A_1731] : memref<8x32x128xf32, #tpu.memory_space<vmem>> -> memref<1x32x128xf32, #tpu.memory_space<vmem>>
      %dma_wait3A_1733 = tpu.memref_squeeze %dma_wait3A_1732 : memref<1x32x128xf32, #tpu.memory_space<vmem>> -> memref<32x128xf32, #tpu.memory_space<vmem>>
      %dma_wait3A_1734 = arith.constant 0 : i32
      %dma_wait3A_1735 = arith.constant 0 : i32
      %dma_wait3A_1736 = tpu.memref_slice %arg4[%dma_wait3A_1734, %dma_wait3A_1735] : memref<32x1000000xf32, #tpu.memory_space<hbm>> -> memref<32x128xf32, #tpu.memory_space<hbm>>
      tpu.wait_dma2 semaphore(%arg20 : memref<!tpu.dma_semaphore, #tpu.memory_space<semaphore_mem>>) src(%dma_wait3A_1736 : memref<32x128xf32, #tpu.memory_space<hbm>>) dst(%dma_wait3A_1733 : memref<32x128xf32, #tpu.memory_space<vmem>>)
      %dma_wait3A_1737 = arith.constant 0 : i32
      %dma_wait3A_1738 = arith.constant 0 : i32
      %dma_wait3A_1739 = arith.constant 0 : i32
      %dma_wait3A_1740 = tpu.memref_slice %arg13[%dma_wait3A_1737, %dma_wait3A_1738, %dma_wait3A_1739] : memref<8x32x128xf32, #tpu.memory_space<vmem>> -> memref<1x32x128xf32, #tpu.memory_space<vmem>>
      %dma_wait3A_1741 = tpu.memref_squeeze %dma_wait3A_1740 : memref<1x32x128xf32, #tpu.memory_space<vmem>> -> memref<32x128xf32, #tpu.memory_space<vmem>>
      %dma_wait3A_1742 = arith.constant 0 : i32
      %dma_wait3A_1743 = arith.constant 0 : i32
      %dma_wait3A_1744 = tpu.memref_slice %arg4[%dma_wait3A_1742, %dma_wait3A_1743] : memref<32x1000000xf32, #tpu.memory_space<hbm>> -> memref<32x128xf32, #tpu.memory_space<hbm>>
      %dma_wait3A_1745 = arith.constant 0 : i32
      %dma_wait3A_1746 = arith.constant 0 : i32
      %dma_wait3A_1747 = tpu.memref_slice %arg13[%dma_wait3A_1737, %dma_wait3A_1745, %dma_wait3A_1746] : memref<8x32x128xf32, #tpu.memory_space<vmem>> -> memref<1x32x128xf32, #tpu.memory_space<vmem>>
      %dma_wait3A_1748 = tpu.memref_squeeze %dma_wait3A_1747 : memref<1x32x128xf32, #tpu.memory_space<vmem>> -> memref<32x128xf32, #tpu.memory_space<vmem>>
      %dma_wait3A_1749 = arith.constant 0 : i32
      %dma_wait3A_1750 = arith.constant 0 : i32
      %dma_wait3A_1751 = tpu.memref_slice %arg4[%dma_wait3A_1749, %dma_wait3A_1750] : memref<32x1000000xf32, #tpu.memory_space<hbm>> -> memref<32x128xf32, #tpu.memory_space<hbm>>
      tpu.wait_dma2 semaphore(%arg20 : memref<!tpu.dma_semaphore, #tpu.memory_space<semaphore_mem>>) src(%dma_wait3A_1751 : memref<32x128xf32, #tpu.memory_space<hbm>>) dst(%dma_wait3A_1748 : memref<32x128xf32, #tpu.memory_space<vmem>>)
      %dma_wait3A_1752 = arith.constant 1 : i32
      %dma_wait3A_1753 = arith.constant 0 : i32
      %dma_wait3A_1754 = arith.constant 0 : i32
      %dma_wait3A_1755 = tpu.memref_slice %arg12[%dma_wait3A_1752, %dma_wait3A_1753, %dma_wait3A_1754] : memref<8x32x128xf32, #tpu.memory_space<vmem>> -> memref<1x32x128xf32, #tpu.memory_space<vmem>>
      %dma_wait3A_1756 = tpu.memref_squeeze %dma_wait3A_1755 : memref<1x32x128xf32, #tpu.memory_space<vmem>> -> memref<32x128xf32, #tpu.memory_space<vmem>>
      %dma_wait3A_1757 = arith.constant 0 : i32
      %dma_wait3A_1758 = arith.constant 0 : i32
      %dma_wait3A_1759 = tpu.memref_slice %arg4[%dma_wait3A_1757, %dma_wait3A_1758] : memref<32x1000000xf32, #tpu.memory_space<hbm>> -> memref<32x128xf32, #tpu.memory_space<hbm>>
      %dma_wait3A_1760 = arith.constant 0 : i32
      %dma_wait3A_1761 = arith.constant 0 : i32
      %dma_wait3A_1762 = tpu.memref_slice %arg12[%dma_wait3A_1752, %dma_wait3A_1760, %dma_wait3A_1761] : memref<8x32x128xf32, #tpu.memory_space<vmem>> -> memref<1x32x128xf32, #tpu.memory_space<vmem>>
      %dma_wait3A_1763 = tpu.memref_squeeze %dma_wait3A_1762 : memref<1x32x128xf32, #tpu.memory_space<vmem>> -> memref<32x128xf32, #tpu.memory_space<vmem>>
      %dma_wait3A_1764 = arith.constant 0 : i32
      %dma_wait3A_1765 = arith.constant 0 : i32
      %dma_wait3A_1766 = tpu.memref_slice %arg4[%dma_wait3A_1764, %dma_wait3A_1765] : memref<32x1000000xf32, #tpu.memory_space<hbm>> -> memref<32x128xf32, #tpu.memory_space<hbm>>
      tpu.wait_dma2 semaphore(%arg20 : memref<!tpu.dma_semaphore, #tpu.memory_space<semaphore_mem>>) src(%dma_wait3A_1766 : memref<32x128xf32, #tpu.memory_space<hbm>>) dst(%dma_wait3A_1763 : memref<32x128xf32, #tpu.memory_space<vmem>>)
      %dma_wait3A_1767 = arith.constant 1 : i32
      %dma_wait3A_1768 = arith.constant 0 : i32
      %dma_wait3A_1769 = arith.constant 0 : i32
      %dma_wait3A_1770 = tpu.memref_slice %arg13[%dma_wait3A_1767, %dma_wait3A_1768, %dma_wait3A_1769] : memref<8x32x128xf32, #tpu.memory_space<vmem>> -> memref<1x32x128xf32, #tpu.memory_space<vmem>>
      %dma_wait3A_1771 = tpu.memref_squeeze %dma_wait3A_1770 : memref<1x32x128xf32, #tpu.memory_space<vmem>> -> memref<32x128xf32, #tpu.memory_space<vmem>>
      %dma_wait3A_1772 = arith.constant 0 : i32
      %dma_wait3A_1773 = arith.constant 0 : i32
      %dma_wait3A_1774 = tpu.memref_slice %arg4[%dma_wait3A_1772, %dma_wait3A_1773] : memref<32x1000000xf32, #tpu.memory_space<hbm>> -> memref<32x128xf32, #tpu.memory_space<hbm>>
      %dma_wait3A_1775 = arith.constant 0 : i32
      %dma_wait3A_1776 = arith.constant 0 : i32
      %dma_wait3A_1777 = tpu.memref_slice %arg13[%dma_wait3A_1767, %dma_wait3A_1775, %dma_wait3A_1776] : memref<8x32x128xf32, #tpu.memory_space<vmem>> -> memref<1x32x128xf32, #tpu.memory_space<vmem>>
      %dma_wait3A_1778 = tpu.memref_squeeze %dma_wait3A_1777 : memref<1x32x128xf32, #tpu.memory_space<vmem>> -> memref<32x128xf32, #tpu.memory_space<vmem>>
      %dma_wait3A_1779 = arith.constant 0 : i32
      %dma_wait3A_1780 = arith.constant 0 : i32
      %dma_wait3A_1781 = tpu.memref_slice %arg4[%dma_wait3A_1779, %dma_wait3A_1780] : memref<32x1000000xf32, #tpu.memory_space<hbm>> -> memref<32x128xf32, #tpu.memory_space<hbm>>
      tpu.wait_dma2 semaphore(%arg20 : memref<!tpu.dma_semaphore, #tpu.memory_space<semaphore_mem>>) src(%dma_wait3A_1781 : memref<32x128xf32, #tpu.memory_space<hbm>>) dst(%dma_wait3A_1778 : memref<32x128xf32, #tpu.memory_space<vmem>>)
      %dma_wait3A_1782 = arith.constant 2 : i32
      %dma_wait3A_1783 = arith.constant 0 : i32
      %dma_wait3A_1784 = arith.constant 0 : i32
      %dma_wait3A_1785 = tpu.memref_slice %arg12[%dma_wait3A_1782, %dma_wait3A_1783, %dma_wait3A_1784] : memref<8x32x128xf32, #tpu.memory_space<vmem>> -> memref<1x32x128xf32, #tpu.memory_space<vmem>>
      %dma_wait3A_1786 = tpu.memref_squeeze %dma_wait3A_1785 : memref<1x32x128xf32, #tpu.memory_space<vmem>> -> memref<32x128xf32, #tpu.memory_space<vmem>>
      %dma_wait3A_1787 = arith.constant 0 : i32
      %dma_wait3A_1788 = arith.constant 0 : i32
      %dma_wait3A_1789 = tpu.memref_slice %arg4[%dma_wait3A_1787, %dma_wait3A_1788] : memref<32x1000000xf32, #tpu.memory_space<hbm>> -> memref<32x128xf32, #tpu.memory_space<hbm>>
      %dma_wait3A_1790 = arith.constant 0 : i32
      %dma_wait3A_1791 = arith.constant 0 : i32
      %dma_wait3A_1792 = tpu.memref_slice %arg12[%dma_wait3A_1782, %dma_wait3A_1790, %dma_wait3A_1791] : memref<8x32x128xf32, #tpu.memory_space<vmem>> -> memref<1x32x128xf32, #tpu.memory_space<vmem>>
      %dma_wait3A_1793 = tpu.memref_squeeze %dma_wait3A_1792 : memref<1x32x128xf32, #tpu.memory_space<vmem>> -> memref<32x128xf32, #tpu.memory_space<vmem>>
      %dma_wait3A_1794 = arith.constant 0 : i32
      %dma_wait3A_1795 = arith.constant 0 : i32
      %dma_wait3A_1796 = tpu.memref_slice %arg4[%dma_wait3A_1794, %dma_wait3A_1795] : memref<32x1000000xf32, #tpu.memory_space<hbm>> -> memref<32x128xf32, #tpu.memory_space<hbm>>
      tpu.wait_dma2 semaphore(%arg20 : memref<!tpu.dma_semaphore, #tpu.memory_space<semaphore_mem>>) src(%dma_wait3A_1796 : memref<32x128xf32, #tpu.memory_space<hbm>>) dst(%dma_wait3A_1793 : memref<32x128xf32, #tpu.memory_space<vmem>>)
      %dma_wait3A_1797 = arith.constant 2 : i32
      %dma_wait3A_1798 = arith.constant 0 : i32
      %dma_wait3A_1799 = arith.constant 0 : i32
      %dma_wait3A_1800 = tpu.memref_slice %arg13[%dma_wait3A_1797, %dma_wait3A_1798, %dma_wait3A_1799] : memref<8x32x128xf32, #tpu.memory_space<vmem>> -> memref<1x32x128xf32, #tpu.memory_space<vmem>>
      %dma_wait3A_1801 = tpu.memref_squeeze %dma_wait3A_1800 : memref<1x32x128xf32, #tpu.memory_space<vmem>> -> memref<32x128xf32, #tpu.memory_space<vmem>>
      %dma_wait3A_1802 = arith.constant 0 : i32
      %dma_wait3A_1803 = arith.constant 0 : i32
      %dma_wait3A_1804 = tpu.memref_slice %arg4[%dma_wait3A_1802, %dma_wait3A_1803] : memref<32x1000000xf32, #tpu.memory_space<hbm>> -> memref<32x128xf32, #tpu.memory_space<hbm>>
      %dma_wait3A_1805 = arith.constant 0 : i32
      %dma_wait3A_1806 = arith.constant 0 : i32
      %dma_wait3A_1807 = tpu.memref_slice %arg13[%dma_wait3A_1797, %dma_wait3A_1805, %dma_wait3A_1806] : memref<8x32x128xf32, #tpu.memory_space<vmem>> -> memref<1x32x128xf32, #tpu.memory_space<vmem>>
      %dma_wait3A_1808 = tpu.memref_squeeze %dma_wait3A_1807 : memref<1x32x128xf32, #tpu.memory_space<vmem>> -> memref<32x128xf32, #tpu.memory_space<vmem>>
      %dma_wait3A_1809 = arith.constant 0 : i32
      %dma_wait3A_1810 = arith.constant 0 : i32
      %dma_wait3A_1811 = tpu.memref_slice %arg4[%dma_wait3A_1809, %dma_wait3A_1810] : memref<32x1000000xf32, #tpu.memory_space<hbm>> -> memref<32x128xf32, #tpu.memory_space<hbm>>
      tpu.wait_dma2 semaphore(%arg20 : memref<!tpu.dma_semaphore, #tpu.memory_space<semaphore_mem>>) src(%dma_wait3A_1811 : memref<32x128xf32, #tpu.memory_space<hbm>>) dst(%dma_wait3A_1808 : memref<32x128xf32, #tpu.memory_space<vmem>>)
      %dma_wait3A_1812 = arith.constant 3 : i32
      %dma_wait3A_1813 = arith.constant 0 : i32
      %dma_wait3A_1814 = arith.constant 0 : i32
      %dma_wait3A_1815 = tpu.memref_slice %arg12[%dma_wait3A_1812, %dma_wait3A_1813, %dma_wait3A_1814] : memref<8x32x128xf32, #tpu.memory_space<vmem>> -> memref<1x32x128xf32, #tpu.memory_space<vmem>>
      %dma_wait3A_1816 = tpu.memref_squeeze %dma_wait3A_1815 : memref<1x32x128xf32, #tpu.memory_space<vmem>> -> memref<32x128xf32, #tpu.memory_space<vmem>>
      %dma_wait3A_1817 = arith.constant 0 : i32
      %dma_wait3A_1818 = arith.constant 0 : i32
      %dma_wait3A_1819 = tpu.memref_slice %arg4[%dma_wait3A_1817, %dma_wait3A_1818] : memref<32x1000000xf32, #tpu.memory_space<hbm>> -> memref<32x128xf32, #tpu.memory_space<hbm>>
      %dma_wait3A_1820 = arith.constant 0 : i32
      %dma_wait3A_1821 = arith.constant 0 : i32
      %dma_wait3A_1822 = tpu.memref_slice %arg12[%dma_wait3A_1812, %dma_wait3A_1820, %dma_wait3A_1821] : memref<8x32x128xf32, #tpu.memory_space<vmem>> -> memref<1x32x128xf32, #tpu.memory_space<vmem>>
      %dma_wait3A_1823 = tpu.memref_squeeze %dma_wait3A_1822 : memref<1x32x128xf32, #tpu.memory_space<vmem>> -> memref<32x128xf32, #tpu.memory_space<vmem>>
      %dma_wait3A_1824 = arith.constant 0 : i32
      %dma_wait3A_1825 = arith.constant 0 : i32
      %dma_wait3A_1826 = tpu.memref_slice %arg4[%dma_wait3A_1824, %dma_wait3A_1825] : memref<32x1000000xf32, #tpu.memory_space<hbm>> -> memref<32x128xf32, #tpu.memory_space<hbm>>
      tpu.wait_dma2 semaphore(%arg20 : memref<!tpu.dma_semaphore, #tpu.memory_space<semaphore_mem>>) src(%dma_wait3A_1826 : memref<32x128xf32, #tpu.memory_space<hbm>>) dst(%dma_wait3A_1823 : memref<32x128xf32, #tpu.memory_space<vmem>>)
      %dma_wait3A_1827 = arith.constant 3 : i32
      %dma_wait3A_1828 = arith.constant 0 : i32
      %dma_wait3A_1829 = arith.constant 0 : i32
      %dma_wait3A_1830 = tpu.memref_slice %arg13[%dma_wait3A_1827, %dma_wait3A_1828, %dma_wait3A_1829] : memref<8x32x128xf32, #tpu.memory_space<vmem>> -> memref<1x32x128xf32, #tpu.memory_space<vmem>>
      %dma_wait3A_1831 = tpu.memref_squeeze %dma_wait3A_1830 : memref<1x32x128xf32, #tpu.memory_space<vmem>> -> memref<32x128xf32, #tpu.memory_space<vmem>>
      %dma_wait3A_1832 = arith.constant 0 : i32
      %dma_wait3A_1833 = arith.constant 0 : i32
      %dma_wait3A_1834 = tpu.memref_slice %arg4[%dma_wait3A_1832, %dma_wait3A_1833] : memref<32x1000000xf32, #tpu.memory_space<hbm>> -> memref<32x128xf32, #tpu.memory_space<hbm>>
      %dma_wait3A_1835 = arith.constant 0 : i32
      %dma_wait3A_1836 = arith.constant 0 : i32
      %dma_wait3A_1837 = tpu.memref_slice %arg13[%dma_wait3A_1827, %dma_wait3A_1835, %dma_wait3A_1836] : memref<8x32x128xf32, #tpu.memory_space<vmem>> -> memref<1x32x128xf32, #tpu.memory_space<vmem>>
      %dma_wait3A_1838 = tpu.memref_squeeze %dma_wait3A_1837 : memref<1x32x128xf32, #tpu.memory_space<vmem>> -> memref<32x128xf32, #tpu.memory_space<vmem>>
      %dma_wait3A_1839 = arith.constant 0 : i32
      %dma_wait3A_1840 = arith.constant 0 : i32
      %dma_wait3A_1841 = tpu.memref_slice %arg4[%dma_wait3A_1839, %dma_wait3A_1840] : memref<32x1000000xf32, #tpu.memory_space<hbm>> -> memref<32x128xf32, #tpu.memory_space<hbm>>
      tpu.wait_dma2 semaphore(%arg20 : memref<!tpu.dma_semaphore, #tpu.memory_space<semaphore_mem>>) src(%dma_wait3A_1841 : memref<32x128xf32, #tpu.memory_space<hbm>>) dst(%dma_wait3A_1838 : memref<32x128xf32, #tpu.memory_space<vmem>>)
      %mul3A_1842 = arith.constant 16 : i32
      %mul3A_1843 = arith.muli %scan3A_400, %mul3A_1842 : i32
      %add3A_1844 = arith.constant 8 : i32
      %add3A_1845 = arith.addi %mul3A_1843, %add3A_1844 : i32
      %add3A_1846 = arith.constant 0 : i32
      %add3A_1847 = arith.addi %add3A_1845, %add3A_1846 : i32
      %mul3A_1848 = arith.constant 32 : i32
      %mul3A_1849 = arith.muli %add3A_1847, %mul3A_1848 : i32
      %slice3A_1850 = vector.extract_strided_slice %get3A_406 {offsets = [8], sizes = [1], strides = [1]} : vector<16xi32> to vector<1xi32>
      %squeeze3A_1851 = vector.extract %slice3A_1850[0] : i32 from vector<1xi32>
      %and3A_1852 = arith.constant 127 : i32
      %and3A_1853 = arith.andi %squeeze3A_1851, %and3A_1852 : i32
      %broadcast_in_dim3A_1854 = vector.broadcast %and3A_1853 : i32 to vector<16xi32>
      %slice3A_1855 = vector.extract_strided_slice %get3A_410 {offsets = [8], sizes = [1], strides = [1]} : vector<16xi32> to vector<1xi32>
      %squeeze3A_1856 = vector.extract %slice3A_1855[0] : i32 from vector<1xi32>
      %and3A_1857 = arith.constant 127 : i32
      %and3A_1858 = arith.andi %squeeze3A_1856, %and3A_1857 : i32
      %broadcast_in_dim3A_1859 = vector.broadcast %and3A_1858 : i32 to vector<16xi32>
      %gather3A_1860 = arith.constant 0 : i32
      %gather3A_1861 = arith.constant 0 : i32
      %gather3A_1862 = arith.constant 0 : i32
      %gather3A_1863 = tpu.memref_slice %arg12[%gather3A_1860, %gather3A_1861, %gather3A_1862] : memref<8x32x128xf32, #tpu.memory_space<vmem>> -> memref<1x32x128xf32, #tpu.memory_space<vmem>>
      %gather3A_1864 = tpu.memref_squeeze %gather3A_1863 : memref<1x32x128xf32, #tpu.memory_space<vmem>> -> memref<32x128xf32, #tpu.memory_space<vmem>>
      %gather3A_1865 = tpu.vector_load_idx %gather3A_1864[%iota3A, %broadcast_in_dim3A_1854] : memref<32x128xf32, #tpu.memory_space<vmem>>[vector<16xi32>, vector<16xi32>], vector<16xf32>,
      %swap3A_1866 = arith.index_cast %mul3A_1849 : i32 to index
      %swap3A_1867 = tpu.vector_load %arg14[%swap3A_1866] {strides = array<i32>} : memref<16384xf32, #tpu.memory_space<vmem>>, vector<16xf32>,
      tpu.vector_store %arg14[%swap3A_1866], %gather3A_1865 {strides = array<i32>} : memref<16384xf32, #tpu.memory_space<vmem>>, vector<16xf32>,
      %gather3A_1868 = arith.constant 0 : i32
      %gather3A_1869 = arith.constant 0 : i32
      %gather3A_1870 = arith.constant 0 : i32
      %gather3A_1871 = tpu.memref_slice %arg12[%gather3A_1868, %gather3A_1869, %gather3A_1870] : memref<8x32x128xf32, #tpu.memory_space<vmem>> -> memref<1x32x128xf32, #tpu.memory_space<vmem>>
      %gather3A_1872 = tpu.memref_squeeze %gather3A_1871 : memref<1x32x128xf32, #tpu.memory_space<vmem>> -> memref<32x128xf32, #tpu.memory_space<vmem>>
      %gather3A_1873 = tpu.vector_load_idx %gather3A_1872[%add3A_52, %broadcast_in_dim3A_1854] : memref<32x128xf32, #tpu.memory_space<vmem>>[vector<16xi32>, vector<16xi32>], vector<16xf32>,
      %add3A_1874 = arith.constant 16 : i32
      %add3A_1875 = arith.addi %mul3A_1849, %add3A_1874 : i32
      %swap3A_1876 = arith.index_cast %add3A_1875 : i32 to index
      %swap3A_1877 = tpu.vector_load %arg14[%swap3A_1876] {strides = array<i32>} : memref<16384xf32, #tpu.memory_space<vmem>>, vector<16xf32>,
      tpu.vector_store %arg14[%swap3A_1876], %gather3A_1873 {strides = array<i32>} : memref<16384xf32, #tpu.memory_space<vmem>>, vector<16xf32>,
      %gather3A_1878 = arith.constant 0 : i32
      %gather3A_1879 = arith.constant 0 : i32
      %gather3A_1880 = arith.constant 0 : i32
      %gather3A_1881 = tpu.memref_slice %arg13[%gather3A_1878, %gather3A_1879, %gather3A_1880] : memref<8x32x128xf32, #tpu.memory_space<vmem>> -> memref<1x32x128xf32, #tpu.memory_space<vmem>>
      %gather3A_1882 = tpu.memref_squeeze %gather3A_1881 : memref<1x32x128xf32, #tpu.memory_space<vmem>> -> memref<32x128xf32, #tpu.memory_space<vmem>>
      %gather3A_1883 = tpu.vector_load_idx %gather3A_1882[%iota3A, %broadcast_in_dim3A_1859] : memref<32x128xf32, #tpu.memory_space<vmem>>[vector<16xi32>, vector<16xi32>], vector<16xf32>,
      %swap3A_1884 = arith.index_cast %mul3A_1849 : i32 to index
      %swap3A_1885 = tpu.vector_load %arg15[%swap3A_1884] {strides = array<i32>} : memref<16384xf32, #tpu.memory_space<vmem>>, vector<16xf32>,
      tpu.vector_store %arg15[%swap3A_1884], %gather3A_1883 {strides = array<i32>} : memref<16384xf32, #tpu.memory_space<vmem>>, vector<16xf32>,
      %gather3A_1886 = arith.constant 0 : i32
      %gather3A_1887 = arith.constant 0 : i32
      %gather3A_1888 = arith.constant 0 : i32
      %gather3A_1889 = tpu.memref_slice %arg13[%gather3A_1886, %gather3A_1887, %gather3A_1888] : memref<8x32x128xf32, #tpu.memory_space<vmem>> -> memref<1x32x128xf32, #tpu.memory_space<vmem>>
      %gather3A_1890 = tpu.memref_squeeze %gather3A_1889 : memref<1x32x128xf32, #tpu.memory_space<vmem>> -> memref<32x128xf32, #tpu.memory_space<vmem>>
      %gather3A_1891 = tpu.vector_load_idx %gather3A_1890[%add3A_52, %broadcast_in_dim3A_1859] : memref<32x128xf32, #tpu.memory_space<vmem>>[vector<16xi32>, vector<16xi32>], vector<16xf32>,
      %add3A_1892 = arith.constant 16 : i32
      %add3A_1893 = arith.addi %mul3A_1849, %add3A_1892 : i32
      %swap3A_1894 = arith.index_cast %add3A_1893 : i32 to index
      %swap3A_1895 = tpu.vector_load %arg15[%swap3A_1894] {strides = array<i32>} : memref<16384xf32, #tpu.memory_space<vmem>>, vector<16xf32>,
      tpu.vector_store %arg15[%swap3A_1894], %gather3A_1891 {strides = array<i32>} : memref<16384xf32, #tpu.memory_space<vmem>>, vector<16xf32>,
      %mul3A_1896 = arith.constant 16 : i32
      %mul3A_1897 = arith.muli %scan3A_400, %mul3A_1896 : i32
      %add3A_1898 = arith.constant 8 : i32
      %add3A_1899 = arith.addi %mul3A_1897, %add3A_1898 : i32
      %add3A_1900 = arith.constant 1 : i32
      %add3A_1901 = arith.addi %add3A_1899, %add3A_1900 : i32
      %mul3A_1902 = arith.constant 32 : i32
      %mul3A_1903 = arith.muli %add3A_1901, %mul3A_1902 : i32
      %slice3A_1904 = vector.extract_strided_slice %get3A_406 {offsets = [9], sizes = [1], strides = [1]} : vector<16xi32> to vector<1xi32>
      %squeeze3A_1905 = vector.extract %slice3A_1904[0] : i32 from vector<1xi32>
      %and3A_1906 = arith.constant 127 : i32
      %and3A_1907 = arith.andi %squeeze3A_1905, %and3A_1906 : i32
      %broadcast_in_dim3A_1908 = vector.broadcast %and3A_1907 : i32 to vector<16xi32>
      %slice3A_1909 = vector.extract_strided_slice %get3A_410 {offsets = [9], sizes = [1], strides = [1]} : vector<16xi32> to vector<1xi32>
      %squeeze3A_1910 = vector.extract %slice3A_1909[0] : i32 from vector<1xi32>
      %and3A_1911 = arith.constant 127 : i32
      %and3A_1912 = arith.andi %squeeze3A_1910, %and3A_1911 : i32
      %broadcast_in_dim3A_1913 = vector.broadcast %and3A_1912 : i32 to vector<16xi32>
      %gather3A_1914 = arith.constant 1 : i32
      %gather3A_1915 = arith.constant 0 : i32
      %gather3A_1916 = arith.constant 0 : i32
      %gather3A_1917 = tpu.memref_slice %arg12[%gather3A_1914, %gather3A_1915, %gather3A_1916] : memref<8x32x128xf32, #tpu.memory_space<vmem>> -> memref<1x32x128xf32, #tpu.memory_space<vmem>>
      %gather3A_1918 = tpu.memref_squeeze %gather3A_1917 : memref<1x32x128xf32, #tpu.memory_space<vmem>> -> memref<32x128xf32, #tpu.memory_space<vmem>>
      %gather3A_1919 = tpu.vector_load_idx %gather3A_1918[%iota3A, %broadcast_in_dim3A_1908] : memref<32x128xf32, #tpu.memory_space<vmem>>[vector<16xi32>, vector<16xi32>], vector<16xf32>,
      %swap3A_1920 = arith.index_cast %mul3A_1903 : i32 to index
      %swap3A_1921 = tpu.vector_load %arg14[%swap3A_1920] {strides = array<i32>} : memref<16384xf32, #tpu.memory_space<vmem>>, vector<16xf32>,
      tpu.vector_store %arg14[%swap3A_1920], %gather3A_1919 {strides = array<i32>} : memref<16384xf32, #tpu.memory_space<vmem>>, vector<16xf32>,
      %gather3A_1922 = arith.constant 1 : i32
      %gather3A_1923 = arith.constant 0 : i32
      %gather3A_1924 = arith.constant 0 : i32
      %gather3A_1925 = tpu.memref_slice %arg12[%gather3A_1922, %gather3A_1923, %gather3A_1924] : memref<8x32x128xf32, #tpu.memory_space<vmem>> -> memref<1x32x128xf32, #tpu.memory_space<vmem>>
      %gather3A_1926 = tpu.memref_squeeze %gather3A_1925 : memref<1x32x128xf32, #tpu.memory_space<vmem>> -> memref<32x128xf32, #tpu.memory_space<vmem>>
      %gather3A_1927 = tpu.vector_load_idx %gather3A_1926[%add3A_52, %broadcast_in_dim3A_1908] : memref<32x128xf32, #tpu.memory_space<vmem>>[vector<16xi32>, vector<16xi32>], vector<16xf32>,
      %add3A_1928 = arith.constant 16 : i32
      %add3A_1929 = arith.addi %mul3A_1903, %add3A_1928 : i32
      %swap3A_1930 = arith.index_cast %add3A_1929 : i32 to index
      %swap3A_1931 = tpu.vector_load %arg14[%swap3A_1930] {strides = array<i32>} : memref<16384xf32, #tpu.memory_space<vmem>>, vector<16xf32>,
      tpu.vector_store %arg14[%swap3A_1930], %gather3A_1927 {strides = array<i32>} : memref<16384xf32, #tpu.memory_space<vmem>>, vector<16xf32>,
      %gather3A_1932 = arith.constant 1 : i32
      %gather3A_1933 = arith.constant 0 : i32
      %gather3A_1934 = arith.constant 0 : i32
      %gather3A_1935 = tpu.memref_slice %arg13[%gather3A_1932, %gather3A_1933, %gather3A_1934] : memref<8x32x128xf32, #tpu.memory_space<vmem>> -> memref<1x32x128xf32, #tpu.memory_space<vmem>>
      %gather3A_1936 = tpu.memref_squeeze %gather3A_1935 : memref<1x32x128xf32, #tpu.memory_space<vmem>> -> memref<32x128xf32, #tpu.memory_space<vmem>>
      %gather3A_1937 = tpu.vector_load_idx %gather3A_1936[%iota3A, %broadcast_in_dim3A_1913] : memref<32x128xf32, #tpu.memory_space<vmem>>[vector<16xi32>, vector<16xi32>], vector<16xf32>,
      %swap3A_1938 = arith.index_cast %mul3A_1903 : i32 to index
      %swap3A_1939 = tpu.vector_load %arg15[%swap3A_1938] {strides = array<i32>} : memref<16384xf32, #tpu.memory_space<vmem>>, vector<16xf32>,
      tpu.vector_store %arg15[%swap3A_1938], %gather3A_1937 {strides = array<i32>} : memref<16384xf32, #tpu.memory_space<vmem>>, vector<16xf32>,
      %gather3A_1940 = arith.constant 1 : i32
      %gather3A_1941 = arith.constant 0 : i32
      %gather3A_1942 = arith.constant 0 : i32
      %gather3A_1943 = tpu.memref_slice %arg13[%gather3A_1940, %gather3A_1941, %gather3A_1942] : memref<8x32x128xf32, #tpu.memory_space<vmem>> -> memref<1x32x128xf32, #tpu.memory_space<vmem>>
      %gather3A_1944 = tpu.memref_squeeze %gather3A_1943 : memref<1x32x128xf32, #tpu.memory_space<vmem>> -> memref<32x128xf32, #tpu.memory_space<vmem>>
      %gather3A_1945 = tpu.vector_load_idx %gather3A_1944[%add3A_52, %broadcast_in_dim3A_1913] : memref<32x128xf32, #tpu.memory_space<vmem>>[vector<16xi32>, vector<16xi32>], vector<16xf32>,
      %add3A_1946 = arith.constant 16 : i32
      %add3A_1947 = arith.addi %mul3A_1903, %add3A_1946 : i32
      %swap3A_1948 = arith.index_cast %add3A_1947 : i32 to index
      %swap3A_1949 = tpu.vector_load %arg15[%swap3A_1948] {strides = array<i32>} : memref<16384xf32, #tpu.memory_space<vmem>>, vector<16xf32>,
      tpu.vector_store %arg15[%swap3A_1948], %gather3A_1945 {strides = array<i32>} : memref<16384xf32, #tpu.memory_space<vmem>>, vector<16xf32>,
      %mul3A_1950 = arith.constant 16 : i32
      %mul3A_1951 = arith.muli %scan3A_400, %mul3A_1950 : i32
      %add3A_1952 = arith.constant 8 : i32
      %add3A_1953 = arith.addi %mul3A_1951, %add3A_1952 : i32
      %add3A_1954 = arith.constant 2 : i32
      %add3A_1955 = arith.addi %add3A_1953, %add3A_1954 : i32
      %mul3A_1956 = arith.constant 32 : i32
      %mul3A_1957 = arith.muli %add3A_1955, %mul3A_1956 : i32
      %slice3A_1958 = vector.extract_strided_slice %get3A_406 {offsets = [10], sizes = [1], strides = [1]} : vector<16xi32> to vector<1xi32>
      %squeeze3A_1959 = vector.extract %slice3A_1958[0] : i32 from vector<1xi32>
      %and3A_1960 = arith.constant 127 : i32
      %and3A_1961 = arith.andi %squeeze3A_1959, %and3A_1960 : i32
      %broadcast_in_dim3A_1962 = vector.broadcast %and3A_1961 : i32 to vector<16xi32>
      %slice3A_1963 = vector.extract_strided_slice %get3A_410 {offsets = [10], sizes = [1], strides = [1]} : vector<16xi32> to vector<1xi32>
      %squeeze3A_1964 = vector.extract %slice3A_1963[0] : i32 from vector<1xi32>
      %and3A_1965 = arith.constant 127 : i32
      %and3A_1966 = arith.andi %squeeze3A_1964, %and3A_1965 : i32
      %broadcast_in_dim3A_1967 = vector.broadcast %and3A_1966 : i32 to vector<16xi32>
      %gather3A_1968 = arith.constant 2 : i32
      %gather3A_1969 = arith.constant 0 : i32
      %gather3A_1970 = arith.constant 0 : i32
      %gather3A_1971 = tpu.memref_slice %arg12[%gather3A_1968, %gather3A_1969, %gather3A_1970] : memref<8x32x128xf32, #tpu.memory_space<vmem>> -> memref<1x32x128xf32, #tpu.memory_space<vmem>>
      %gather3A_1972 = tpu.memref_squeeze %gather3A_1971 : memref<1x32x128xf32, #tpu.memory_space<vmem>> -> memref<32x128xf32, #tpu.memory_space<vmem>>
      %gather3A_1973 = tpu.vector_load_idx %gather3A_1972[%iota3A, %broadcast_in_dim3A_1962] : memref<32x128xf32, #tpu.memory_space<vmem>>[vector<16xi32>, vector<16xi32>], vector<16xf32>,
      %swap3A_1974 = arith.index_cast %mul3A_1957 : i32 to index
      %swap3A_1975 = tpu.vector_load %arg14[%swap3A_1974] {strides = array<i32>} : memref<16384xf32, #tpu.memory_space<vmem>>, vector<16xf32>,
      tpu.vector_store %arg14[%swap3A_1974], %gather3A_1973 {strides = array<i32>} : memref<16384xf32, #tpu.memory_space<vmem>>, vector<16xf32>,
      %gather3A_1976 = arith.constant 2 : i32
      %gather3A_1977 = arith.constant 0 : i32
      %gather3A_1978 = arith.constant 0 : i32
      %gather3A_1979 = tpu.memref_slice %arg12[%gather3A_1976, %gather3A_1977, %gather3A_1978] : memref<8x32x128xf32, #tpu.memory_space<vmem>> -> memref<1x32x128xf32, #tpu.memory_space<vmem>>
      %gather3A_1980 = tpu.memref_squeeze %gather3A_1979 : memref<1x32x128xf32, #tpu.memory_space<vmem>> -> memref<32x128xf32, #tpu.memory_space<vmem>>
      %gather3A_1981 = tpu.vector_load_idx %gather3A_1980[%add3A_52, %broadcast_in_dim3A_1962] : memref<32x128xf32, #tpu.memory_space<vmem>>[vector<16xi32>, vector<16xi32>], vector<16xf32>,
      %add3A_1982 = arith.constant 16 : i32
      %add3A_1983 = arith.addi %mul3A_1957, %add3A_1982 : i32
      %swap3A_1984 = arith.index_cast %add3A_1983 : i32 to index
      %swap3A_1985 = tpu.vector_load %arg14[%swap3A_1984] {strides = array<i32>} : memref<16384xf32, #tpu.memory_space<vmem>>, vector<16xf32>,
      tpu.vector_store %arg14[%swap3A_1984], %gather3A_1981 {strides = array<i32>} : memref<16384xf32, #tpu.memory_space<vmem>>, vector<16xf32>,
      %gather3A_1986 = arith.constant 2 : i32
      %gather3A_1987 = arith.constant 0 : i32
      %gather3A_1988 = arith.constant 0 : i32
      %gather3A_1989 = tpu.memref_slice %arg13[%gather3A_1986, %gather3A_1987, %gather3A_1988] : memref<8x32x128xf32, #tpu.memory_space<vmem>> -> memref<1x32x128xf32, #tpu.memory_space<vmem>>
      %gather3A_1990 = tpu.memref_squeeze %gather3A_1989 : memref<1x32x128xf32, #tpu.memory_space<vmem>> -> memref<32x128xf32, #tpu.memory_space<vmem>>
      %gather3A_1991 = tpu.vector_load_idx %gather3A_1990[%iota3A, %broadcast_in_dim3A_1967] : memref<32x128xf32, #tpu.memory_space<vmem>>[vector<16xi32>, vector<16xi32>], vector<16xf32>,
      %swap3A_1992 = arith.index_cast %mul3A_1957 : i32 to index
      %swap3A_1993 = tpu.vector_load %arg15[%swap3A_1992] {strides = array<i32>} : memref<16384xf32, #tpu.memory_space<vmem>>, vector<16xf32>,
      tpu.vector_store %arg15[%swap3A_1992], %gather3A_1991 {strides = array<i32>} : memref<16384xf32, #tpu.memory_space<vmem>>, vector<16xf32>,
      %gather3A_1994 = arith.constant 2 : i32
      %gather3A_1995 = arith.constant 0 : i32
      %gather3A_1996 = arith.constant 0 : i32
      %gather3A_1997 = tpu.memref_slice %arg13[%gather3A_1994, %gather3A_1995, %gather3A_1996] : memref<8x32x128xf32, #tpu.memory_space<vmem>> -> memref<1x32x128xf32, #tpu.memory_space<vmem>>
      %gather3A_1998 = tpu.memref_squeeze %gather3A_1997 : memref<1x32x128xf32, #tpu.memory_space<vmem>> -> memref<32x128xf32, #tpu.memory_space<vmem>>
      %gather3A_1999 = tpu.vector_load_idx %gather3A_1998[%add3A_52, %broadcast_in_dim3A_1967] : memref<32x128xf32, #tpu.memory_space<vmem>>[vector<16xi32>, vector<16xi32>], vector<16xf32>,
      %add3A_2000 = arith.constant 16 : i32
      %add3A_2001 = arith.addi %mul3A_1957, %add3A_2000 : i32
      %swap3A_2002 = arith.index_cast %add3A_2001 : i32 to index
      %swap3A_2003 = tpu.vector_load %arg15[%swap3A_2002] {strides = array<i32>} : memref<16384xf32, #tpu.memory_space<vmem>>, vector<16xf32>,
      tpu.vector_store %arg15[%swap3A_2002], %gather3A_1999 {strides = array<i32>} : memref<16384xf32, #tpu.memory_space<vmem>>, vector<16xf32>,
      %mul3A_2004 = arith.constant 16 : i32
      %mul3A_2005 = arith.muli %scan3A_400, %mul3A_2004 : i32
      %add3A_2006 = arith.constant 8 : i32
      %add3A_2007 = arith.addi %mul3A_2005, %add3A_2006 : i32
      %add3A_2008 = arith.constant 3 : i32
      %add3A_2009 = arith.addi %add3A_2007, %add3A_2008 : i32
      %mul3A_2010 = arith.constant 32 : i32
      %mul3A_2011 = arith.muli %add3A_2009, %mul3A_2010 : i32
      %slice3A_2012 = vector.extract_strided_slice %get3A_406 {offsets = [11], sizes = [1], strides = [1]} : vector<16xi32> to vector<1xi32>
      %squeeze3A_2013 = vector.extract %slice3A_2012[0] : i32 from vector<1xi32>
      %and3A_2014 = arith.constant 127 : i32
      %and3A_2015 = arith.andi %squeeze3A_2013, %and3A_2014 : i32
      %broadcast_in_dim3A_2016 = vector.broadcast %and3A_2015 : i32 to vector<16xi32>
      %slice3A_2017 = vector.extract_strided_slice %get3A_410 {offsets = [11], sizes = [1], strides = [1]} : vector<16xi32> to vector<1xi32>
      %squeeze3A_2018 = vector.extract %slice3A_2017[0] : i32 from vector<1xi32>
      %and3A_2019 = arith.constant 127 : i32
      %and3A_2020 = arith.andi %squeeze3A_2018, %and3A_2019 : i32
      %broadcast_in_dim3A_2021 = vector.broadcast %and3A_2020 : i32 to vector<16xi32>
      %gather3A_2022 = arith.constant 3 : i32
      %gather3A_2023 = arith.constant 0 : i32
      %gather3A_2024 = arith.constant 0 : i32
      %gather3A_2025 = tpu.memref_slice %arg12[%gather3A_2022, %gather3A_2023, %gather3A_2024] : memref<8x32x128xf32, #tpu.memory_space<vmem>> -> memref<1x32x128xf32, #tpu.memory_space<vmem>>
      %gather3A_2026 = tpu.memref_squeeze %gather3A_2025 : memref<1x32x128xf32, #tpu.memory_space<vmem>> -> memref<32x128xf32, #tpu.memory_space<vmem>>
      %gather3A_2027 = tpu.vector_load_idx %gather3A_2026[%iota3A, %broadcast_in_dim3A_2016] : memref<32x128xf32, #tpu.memory_space<vmem>>[vector<16xi32>, vector<16xi32>], vector<16xf32>,
      %swap3A_2028 = arith.index_cast %mul3A_2011 : i32 to index
      %swap3A_2029 = tpu.vector_load %arg14[%swap3A_2028] {strides = array<i32>} : memref<16384xf32, #tpu.memory_space<vmem>>, vector<16xf32>,
      tpu.vector_store %arg14[%swap3A_2028], %gather3A_2027 {strides = array<i32>} : memref<16384xf32, #tpu.memory_space<vmem>>, vector<16xf32>,
      %gather3A_2030 = arith.constant 3 : i32
      %gather3A_2031 = arith.constant 0 : i32
      %gather3A_2032 = arith.constant 0 : i32
      %gather3A_2033 = tpu.memref_slice %arg12[%gather3A_2030, %gather3A_2031, %gather3A_2032] : memref<8x32x128xf32, #tpu.memory_space<vmem>> -> memref<1x32x128xf32, #tpu.memory_space<vmem>>
      %gather3A_2034 = tpu.memref_squeeze %gather3A_2033 : memref<1x32x128xf32, #tpu.memory_space<vmem>> -> memref<32x128xf32, #tpu.memory_space<vmem>>
      %gather3A_2035 = tpu.vector_load_idx %gather3A_2034[%add3A_52, %broadcast_in_dim3A_2016] : memref<32x128xf32, #tpu.memory_space<vmem>>[vector<16xi32>, vector<16xi32>], vector<16xf32>,
      %add3A_2036 = arith.constant 16 : i32
      %add3A_2037 = arith.addi %mul3A_2011, %add3A_2036 : i32
      %swap3A_2038 = arith.index_cast %add3A_2037 : i32 to index
      %swap3A_2039 = tpu.vector_load %arg14[%swap3A_2038] {strides = array<i32>} : memref<16384xf32, #tpu.memory_space<vmem>>, vector<16xf32>,
      tpu.vector_store %arg14[%swap3A_2038], %gather3A_2035 {strides = array<i32>} : memref<16384xf32, #tpu.memory_space<vmem>>, vector<16xf32>,
      %gather3A_2040 = arith.constant 3 : i32
      %gather3A_2041 = arith.constant 0 : i32
      %gather3A_2042 = arith.constant 0 : i32
      %gather3A_2043 = tpu.memref_slice %arg13[%gather3A_2040, %gather3A_2041, %gather3A_2042] : memref<8x32x128xf32, #tpu.memory_space<vmem>> -> memref<1x32x128xf32, #tpu.memory_space<vmem>>
      %gather3A_2044 = tpu.memref_squeeze %gather3A_2043 : memref<1x32x128xf32, #tpu.memory_space<vmem>> -> memref<32x128xf32, #tpu.memory_space<vmem>>
      %gather3A_2045 = tpu.vector_load_idx %gather3A_2044[%iota3A, %broadcast_in_dim3A_2021] : memref<32x128xf32, #tpu.memory_space<vmem>>[vector<16xi32>, vector<16xi32>], vector<16xf32>,
      %swap3A_2046 = arith.index_cast %mul3A_2011 : i32 to index
      %swap3A_2047 = tpu.vector_load %arg15[%swap3A_2046] {strides = array<i32>} : memref<16384xf32, #tpu.memory_space<vmem>>, vector<16xf32>,
      tpu.vector_store %arg15[%swap3A_2046], %gather3A_2045 {strides = array<i32>} : memref<16384xf32, #tpu.memory_space<vmem>>, vector<16xf32>,
      %gather3A_2048 = arith.constant 3 : i32
      %gather3A_2049 = arith.constant 0 : i32
      %gather3A_2050 = arith.constant 0 : i32
      %gather3A_2051 = tpu.memref_slice %arg13[%gather3A_2048, %gather3A_2049, %gather3A_2050] : memref<8x32x128xf32, #tpu.memory_space<vmem>> -> memref<1x32x128xf32, #tpu.memory_space<vmem>>
      %gather3A_2052 = tpu.memref_squeeze %gather3A_2051 : memref<1x32x128xf32, #tpu.memory_space<vmem>> -> memref<32x128xf32, #tpu.memory_space<vmem>>
      %gather3A_2053 = tpu.vector_load_idx %gather3A_2052[%add3A_52, %broadcast_in_dim3A_2021] : memref<32x128xf32, #tpu.memory_space<vmem>>[vector<16xi32>, vector<16xi32>], vector<16xf32>,
      %add3A_2054 = arith.constant 16 : i32
      %add3A_2055 = arith.addi %mul3A_2011, %add3A_2054 : i32
      %swap3A_2056 = arith.index_cast %add3A_2055 : i32 to index
      %swap3A_2057 = tpu.vector_load %arg15[%swap3A_2056] {strides = array<i32>} : memref<16384xf32, #tpu.memory_space<vmem>>, vector<16xf32>,
      tpu.vector_store %arg15[%swap3A_2056], %gather3A_2053 {strides = array<i32>} : memref<16384xf32, #tpu.memory_space<vmem>>, vector<16xf32>,
      scf.yield %get3A_406, %get3A_410 : vector<16xi32>, vector<16xi32>
    }
    %scan3A_58 = arith.constant 32 : i32
    %dma_wait3A = arith.constant 4 : i32
    %dma_wait3A_59 = arith.constant 0 : i32
    %dma_wait3A_60 = arith.constant 0 : i32
    %dma_wait3A_61 = tpu.memref_slice %arg12[%dma_wait3A, %dma_wait3A_59, %dma_wait3A_60] : memref<8x32x128xf32, #tpu.memory_space<vmem>> -> memref<1x32x128xf32, #tpu.memory_space<vmem>>
    %dma_wait3A_62 = tpu.memref_squeeze %dma_wait3A_61 : memref<1x32x128xf32, #tpu.memory_space<vmem>> -> memref<32x128xf32, #tpu.memory_space<vmem>>
    %dma_wait3A_63 = arith.constant 0 : i32
    %dma_wait3A_64 = arith.constant 0 : i32
    %dma_wait3A_65 = tpu.memref_slice %arg4[%dma_wait3A_63, %dma_wait3A_64] : memref<32x1000000xf32, #tpu.memory_space<hbm>> -> memref<32x128xf32, #tpu.memory_space<hbm>>
    %dma_wait3A_66 = arith.constant 0 : i32
    %dma_wait3A_67 = arith.constant 0 : i32
    %dma_wait3A_68 = tpu.memref_slice %arg12[%dma_wait3A, %dma_wait3A_66, %dma_wait3A_67] : memref<8x32x128xf32, #tpu.memory_space<vmem>> -> memref<1x32x128xf32, #tpu.memory_space<vmem>>
    %dma_wait3A_69 = tpu.memref_squeeze %dma_wait3A_68 : memref<1x32x128xf32, #tpu.memory_space<vmem>> -> memref<32x128xf32, #tpu.memory_space<vmem>>
    %dma_wait3A_70 = arith.constant 0 : i32
    %dma_wait3A_71 = arith.constant 0 : i32
    %dma_wait3A_72 = tpu.memref_slice %arg4[%dma_wait3A_70, %dma_wait3A_71] : memref<32x1000000xf32, #tpu.memory_space<hbm>> -> memref<32x128xf32, #tpu.memory_space<hbm>>
    tpu.wait_dma2 semaphore(%arg21 : memref<!tpu.dma_semaphore, #tpu.memory_space<semaphore_mem>>) src(%dma_wait3A_72 : memref<32x128xf32, #tpu.memory_space<hbm>>) dst(%dma_wait3A_69 : memref<32x128xf32, #tpu.memory_space<vmem>>)
    %dma_wait3A_73 = arith.constant 4 : i32
    %dma_wait3A_74 = arith.constant 0 : i32
    %dma_wait3A_75 = arith.constant 0 : i32
    %dma_wait3A_76 = tpu.memref_slice %arg13[%dma_wait3A_73, %dma_wait3A_74, %dma_wait3A_75] : memref<8x32x128xf32, #tpu.memory_space<vmem>> -> memref<1x32x128xf32, #tpu.memory_space<vmem>>
    %dma_wait3A_77 = tpu.memref_squeeze %dma_wait3A_76 : memref<1x32x128xf32, #tpu.memory_space<vmem>> -> memref<32x128xf32, #tpu.memory_space<vmem>>
    %dma_wait3A_78 = arith.constant 0 : i32
    %dma_wait3A_79 = arith.constant 0 : i32
    %dma_wait3A_80 = tpu.memref_slice %arg4[%dma_wait3A_78, %dma_wait3A_79] : memref<32x1000000xf32, #tpu.memory_space<hbm>> -> memref<32x128xf32, #tpu.memory_space<hbm>>
    %dma_wait3A_81 = arith.constant 0 : i32
    %dma_wait3A_82 = arith.constant 0 : i32
    %dma_wait3A_83 = tpu.memref_slice %arg13[%dma_wait3A_73, %dma_wait3A_81, %dma_wait3A_82] : memref<8x32x128xf32, #tpu.memory_space<vmem>> -> memref<1x32x128xf32, #tpu.memory_space<vmem>>
    %dma_wait3A_84 = tpu.memref_squeeze %dma_wait3A_83 : memref<1x32x128xf32, #tpu.memory_space<vmem>> -> memref<32x128xf32, #tpu.memory_space<vmem>>
    %dma_wait3A_85 = arith.constant 0 : i32
    %dma_wait3A_86 = arith.constant 0 : i32
    %dma_wait3A_87 = tpu.memref_slice %arg4[%dma_wait3A_85, %dma_wait3A_86] : memref<32x1000000xf32, #tpu.memory_space<hbm>> -> memref<32x128xf32, #tpu.memory_space<hbm>>
    tpu.wait_dma2 semaphore(%arg21 : memref<!tpu.dma_semaphore, #tpu.memory_space<semaphore_mem>>) src(%dma_wait3A_87 : memref<32x128xf32, #tpu.memory_space<hbm>>) dst(%dma_wait3A_84 : memref<32x128xf32, #tpu.memory_space<vmem>>)
    %dma_wait3A_88 = arith.constant 5 : i32
    %dma_wait3A_89 = arith.constant 0 : i32
    %dma_wait3A_90 = arith.constant 0 : i32
    %dma_wait3A_91 = tpu.memref_slice %arg12[%dma_wait3A_88, %dma_wait3A_89, %dma_wait3A_90] : memref<8x32x128xf32, #tpu.memory_space<vmem>> -> memref<1x32x128xf32, #tpu.memory_space<vmem>>
    %dma_wait3A_92 = tpu.memref_squeeze %dma_wait3A_91 : memref<1x32x128xf32, #tpu.memory_space<vmem>> -> memref<32x128xf32, #tpu.memory_space<vmem>>
    %dma_wait3A_93 = arith.constant 0 : i32
    %dma_wait3A_94 = arith.constant 0 : i32
    %dma_wait3A_95 = tpu.memref_slice %arg4[%dma_wait3A_93, %dma_wait3A_94] : memref<32x1000000xf32, #tpu.memory_space<hbm>> -> memref<32x128xf32, #tpu.memory_space<hbm>>
    %dma_wait3A_96 = arith.constant 0 : i32
    %dma_wait3A_97 = arith.constant 0 : i32
    %dma_wait3A_98 = tpu.memref_slice %arg12[%dma_wait3A_88, %dma_wait3A_96, %dma_wait3A_97] : memref<8x32x128xf32, #tpu.memory_space<vmem>> -> memref<1x32x128xf32, #tpu.memory_space<vmem>>
    %dma_wait3A_99 = tpu.memref_squeeze %dma_wait3A_98 : memref<1x32x128xf32, #tpu.memory_space<vmem>> -> memref<32x128xf32, #tpu.memory_space<vmem>>
    %dma_wait3A_100 = arith.constant 0 : i32
    %dma_wait3A_101 = arith.constant 0 : i32
    %dma_wait3A_102 = tpu.memref_slice %arg4[%dma_wait3A_100, %dma_wait3A_101] : memref<32x1000000xf32, #tpu.memory_space<hbm>> -> memref<32x128xf32, #tpu.memory_space<hbm>>
    tpu.wait_dma2 semaphore(%arg21 : memref<!tpu.dma_semaphore, #tpu.memory_space<semaphore_mem>>) src(%dma_wait3A_102 : memref<32x128xf32, #tpu.memory_space<hbm>>) dst(%dma_wait3A_99 : memref<32x128xf32, #tpu.memory_space<vmem>>)
    %dma_wait3A_103 = arith.constant 5 : i32
    %dma_wait3A_104 = arith.constant 0 : i32
    %dma_wait3A_105 = arith.constant 0 : i32
    %dma_wait3A_106 = tpu.memref_slice %arg13[%dma_wait3A_103, %dma_wait3A_104, %dma_wait3A_105] : memref<8x32x128xf32, #tpu.memory_space<vmem>> -> memref<1x32x128xf32, #tpu.memory_space<vmem>>
    %dma_wait3A_107 = tpu.memref_squeeze %dma_wait3A_106 : memref<1x32x128xf32, #tpu.memory_space<vmem>> -> memref<32x128xf32, #tpu.memory_space<vmem>>
    %dma_wait3A_108 = arith.constant 0 : i32
    %dma_wait3A_109 = arith.constant 0 : i32
    %dma_wait3A_110 = tpu.memref_slice %arg4[%dma_wait3A_108, %dma_wait3A_109] : memref<32x1000000xf32, #tpu.memory_space<hbm>> -> memref<32x128xf32, #tpu.memory_space<hbm>>
    %dma_wait3A_111 = arith.constant 0 : i32
    %dma_wait3A_112 = arith.constant 0 : i32
    %dma_wait3A_113 = tpu.memref_slice %arg13[%dma_wait3A_103, %dma_wait3A_111, %dma_wait3A_112] : memref<8x32x128xf32, #tpu.memory_space<vmem>> -> memref<1x32x128xf32, #tpu.memory_space<vmem>>
    %dma_wait3A_114 = tpu.memref_squeeze %dma_wait3A_113 : memref<1x32x128xf32, #tpu.memory_space<vmem>> -> memref<32x128xf32, #tpu.memory_space<vmem>>
    %dma_wait3A_115 = arith.constant 0 : i32
    %dma_wait3A_116 = arith.constant 0 : i32
    %dma_wait3A_117 = tpu.memref_slice %arg4[%dma_wait3A_115, %dma_wait3A_116] : memref<32x1000000xf32, #tpu.memory_space<hbm>> -> memref<32x128xf32, #tpu.memory_space<hbm>>
    tpu.wait_dma2 semaphore(%arg21 : memref<!tpu.dma_semaphore, #tpu.memory_space<semaphore_mem>>) src(%dma_wait3A_117 : memref<32x128xf32, #tpu.memory_space<hbm>>) dst(%dma_wait3A_114 : memref<32x128xf32, #tpu.memory_space<vmem>>)
    %dma_wait3A_118 = arith.constant 6 : i32
    %dma_wait3A_119 = arith.constant 0 : i32
    %dma_wait3A_120 = arith.constant 0 : i32
    %dma_wait3A_121 = tpu.memref_slice %arg12[%dma_wait3A_118, %dma_wait3A_119, %dma_wait3A_120] : memref<8x32x128xf32, #tpu.memory_space<vmem>> -> memref<1x32x128xf32, #tpu.memory_space<vmem>>
    %dma_wait3A_122 = tpu.memref_squeeze %dma_wait3A_121 : memref<1x32x128xf32, #tpu.memory_space<vmem>> -> memref<32x128xf32, #tpu.memory_space<vmem>>
    %dma_wait3A_123 = arith.constant 0 : i32
    %dma_wait3A_124 = arith.constant 0 : i32
    %dma_wait3A_125 = tpu.memref_slice %arg4[%dma_wait3A_123, %dma_wait3A_124] : memref<32x1000000xf32, #tpu.memory_space<hbm>> -> memref<32x128xf32, #tpu.memory_space<hbm>>
    %dma_wait3A_126 = arith.constant 0 : i32
    %dma_wait3A_127 = arith.constant 0 : i32
    %dma_wait3A_128 = tpu.memref_slice %arg12[%dma_wait3A_118, %dma_wait3A_126, %dma_wait3A_127] : memref<8x32x128xf32, #tpu.memory_space<vmem>> -> memref<1x32x128xf32, #tpu.memory_space<vmem>>
    %dma_wait3A_129 = tpu.memref_squeeze %dma_wait3A_128 : memref<1x32x128xf32, #tpu.memory_space<vmem>> -> memref<32x128xf32, #tpu.memory_space<vmem>>
    %dma_wait3A_130 = arith.constant 0 : i32
    %dma_wait3A_131 = arith.constant 0 : i32
    %dma_wait3A_132 = tpu.memref_slice %arg4[%dma_wait3A_130, %dma_wait3A_131] : memref<32x1000000xf32, #tpu.memory_space<hbm>> -> memref<32x128xf32, #tpu.memory_space<hbm>>
    tpu.wait_dma2 semaphore(%arg21 : memref<!tpu.dma_semaphore, #tpu.memory_space<semaphore_mem>>) src(%dma_wait3A_132 : memref<32x128xf32, #tpu.memory_space<hbm>>) dst(%dma_wait3A_129 : memref<32x128xf32, #tpu.memory_space<vmem>>)
    %dma_wait3A_133 = arith.constant 6 : i32
    %dma_wait3A_134 = arith.constant 0 : i32
    %dma_wait3A_135 = arith.constant 0 : i32
    %dma_wait3A_136 = tpu.memref_slice %arg13[%dma_wait3A_133, %dma_wait3A_134, %dma_wait3A_135] : memref<8x32x128xf32, #tpu.memory_space<vmem>> -> memref<1x32x128xf32, #tpu.memory_space<vmem>>
    %dma_wait3A_137 = tpu.memref_squeeze %dma_wait3A_136 : memref<1x32x128xf32, #tpu.memory_space<vmem>> -> memref<32x128xf32, #tpu.memory_space<vmem>>
    %dma_wait3A_138 = arith.constant 0 : i32
    %dma_wait3A_139 = arith.constant 0 : i32
    %dma_wait3A_140 = tpu.memref_slice %arg4[%dma_wait3A_138, %dma_wait3A_139] : memref<32x1000000xf32, #tpu.memory_space<hbm>> -> memref<32x128xf32, #tpu.memory_space<hbm>>
    %dma_wait3A_141 = arith.constant 0 : i32
    %dma_wait3A_142 = arith.constant 0 : i32
    %dma_wait3A_143 = tpu.memref_slice %arg13[%dma_wait3A_133, %dma_wait3A_141, %dma_wait3A_142] : memref<8x32x128xf32, #tpu.memory_space<vmem>> -> memref<1x32x128xf32, #tpu.memory_space<vmem>>
    %dma_wait3A_144 = tpu.memref_squeeze %dma_wait3A_143 : memref<1x32x128xf32, #tpu.memory_space<vmem>> -> memref<32x128xf32, #tpu.memory_space<vmem>>
    %dma_wait3A_145 = arith.constant 0 : i32
    %dma_wait3A_146 = arith.constant 0 : i32
    %dma_wait3A_147 = tpu.memref_slice %arg4[%dma_wait3A_145, %dma_wait3A_146] : memref<32x1000000xf32, #tpu.memory_space<hbm>> -> memref<32x128xf32, #tpu.memory_space<hbm>>
    tpu.wait_dma2 semaphore(%arg21 : memref<!tpu.dma_semaphore, #tpu.memory_space<semaphore_mem>>) src(%dma_wait3A_147 : memref<32x128xf32, #tpu.memory_space<hbm>>) dst(%dma_wait3A_144 : memref<32x128xf32, #tpu.memory_space<vmem>>)
    %dma_wait3A_148 = arith.constant 7 : i32
    %dma_wait3A_149 = arith.constant 0 : i32
    %dma_wait3A_150 = arith.constant 0 : i32
    %dma_wait3A_151 = tpu.memref_slice %arg12[%dma_wait3A_148, %dma_wait3A_149, %dma_wait3A_150] : memref<8x32x128xf32, #tpu.memory_space<vmem>> -> memref<1x32x128xf32, #tpu.memory_space<vmem>>
    %dma_wait3A_152 = tpu.memref_squeeze %dma_wait3A_151 : memref<1x32x128xf32, #tpu.memory_space<vmem>> -> memref<32x128xf32, #tpu.memory_space<vmem>>
    %dma_wait3A_153 = arith.constant 0 : i32
    %dma_wait3A_154 = arith.constant 0 : i32
    %dma_wait3A_155 = tpu.memref_slice %arg4[%dma_wait3A_153, %dma_wait3A_154] : memref<32x1000000xf32, #tpu.memory_space<hbm>> -> memref<32x128xf32, #tpu.memory_space<hbm>>
    %dma_wait3A_156 = arith.constant 0 : i32
    %dma_wait3A_157 = arith.constant 0 : i32
    %dma_wait3A_158 = tpu.memref_slice %arg12[%dma_wait3A_148, %dma_wait3A_156, %dma_wait3A_157] : memref<8x32x128xf32, #tpu.memory_space<vmem>> -> memref<1x32x128xf32, #tpu.memory_space<vmem>>
    %dma_wait3A_159 = tpu.memref_squeeze %dma_wait3A_158 : memref<1x32x128xf32, #tpu.memory_space<vmem>> -> memref<32x128xf32, #tpu.memory_space<vmem>>
    %dma_wait3A_160 = arith.constant 0 : i32
    %dma_wait3A_161 = arith.constant 0 : i32
    %dma_wait3A_162 = tpu.memref_slice %arg4[%dma_wait3A_160, %dma_wait3A_161] : memref<32x1000000xf32, #tpu.memory_space<hbm>> -> memref<32x128xf32, #tpu.memory_space<hbm>>
    tpu.wait_dma2 semaphore(%arg21 : memref<!tpu.dma_semaphore, #tpu.memory_space<semaphore_mem>>) src(%dma_wait3A_162 : memref<32x128xf32, #tpu.memory_space<hbm>>) dst(%dma_wait3A_159 : memref<32x128xf32, #tpu.memory_space<vmem>>)
    %dma_wait3A_163 = arith.constant 7 : i32
    %dma_wait3A_164 = arith.constant 0 : i32
    %dma_wait3A_165 = arith.constant 0 : i32
    %dma_wait3A_166 = tpu.memref_slice %arg13[%dma_wait3A_163, %dma_wait3A_164, %dma_wait3A_165] : memref<8x32x128xf32, #tpu.memory_space<vmem>> -> memref<1x32x128xf32, #tpu.memory_space<vmem>>
    %dma_wait3A_167 = tpu.memref_squeeze %dma_wait3A_166 : memref<1x32x128xf32, #tpu.memory_space<vmem>> -> memref<32x128xf32, #tpu.memory_space<vmem>>
    %dma_wait3A_168 = arith.constant 0 : i32
    %dma_wait3A_169 = arith.constant 0 : i32
    %dma_wait3A_170 = tpu.memref_slice %arg4[%dma_wait3A_168, %dma_wait3A_169] : memref<32x1000000xf32, #tpu.memory_space<hbm>> -> memref<32x128xf32, #tpu.memory_space<hbm>>
    %dma_wait3A_171 = arith.constant 0 : i32
    %dma_wait3A_172 = arith.constant 0 : i32
    %dma_wait3A_173 = tpu.memref_slice %arg13[%dma_wait3A_163, %dma_wait3A_171, %dma_wait3A_172] : memref<8x32x128xf32, #tpu.memory_space<vmem>> -> memref<1x32x128xf32, #tpu.memory_space<vmem>>
    %dma_wait3A_174 = tpu.memref_squeeze %dma_wait3A_173 : memref<1x32x128xf32, #tpu.memory_space<vmem>> -> memref<32x128xf32, #tpu.memory_space<vmem>>
    %dma_wait3A_175 = arith.constant 0 : i32
    %dma_wait3A_176 = arith.constant 0 : i32
    %dma_wait3A_177 = tpu.memref_slice %arg4[%dma_wait3A_175, %dma_wait3A_176] : memref<32x1000000xf32, #tpu.memory_space<hbm>> -> memref<32x128xf32, #tpu.memory_space<hbm>>
    tpu.wait_dma2 semaphore(%arg21 : memref<!tpu.dma_semaphore, #tpu.memory_space<semaphore_mem>>) src(%dma_wait3A_177 : memref<32x128xf32, #tpu.memory_space<hbm>>) dst(%dma_wait3A_174 : memref<32x128xf32, #tpu.memory_space<vmem>>)
    %slice3A = vector.extract_strided_slice %scan3A_57#0 {offsets = [12], sizes = [1], strides = [1]} : vector<16xi32> to vector<1xi32>
    %squeeze3A = vector.extract %slice3A[0] : i32 from vector<1xi32>
    %and3A = arith.constant 127 : i32
    %and3A_178 = arith.andi %squeeze3A, %and3A : i32
    %broadcast_in_dim3A_179 = vector.broadcast %and3A_178 : i32 to vector<16xi32>
    %slice3A_180 = vector.extract_strided_slice %scan3A_57#1 {offsets = [12], sizes = [1], strides = [1]} : vector<16xi32> to vector<1xi32>
    %squeeze3A_181 = vector.extract %slice3A_180[0] : i32 from vector<1xi32>
    %and3A_182 = arith.constant 127 : i32
    %and3A_183 = arith.andi %squeeze3A_181, %and3A_182 : i32
    %broadcast_in_dim3A_184 = vector.broadcast %and3A_183 : i32 to vector<16xi32>
    %gather3A = arith.constant 4 : i32
    %gather3A_185 = arith.constant 0 : i32
    %gather3A_186 = arith.constant 0 : i32
    %gather3A_187 = tpu.memref_slice %arg12[%gather3A, %gather3A_185, %gather3A_186] : memref<8x32x128xf32, #tpu.memory_space<vmem>> -> memref<1x32x128xf32, #tpu.memory_space<vmem>>
    %gather3A_188 = tpu.memref_squeeze %gather3A_187 : memref<1x32x128xf32, #tpu.memory_space<vmem>> -> memref<32x128xf32, #tpu.memory_space<vmem>>
    %gather3A_189 = tpu.vector_load_idx %gather3A_188[%iota3A, %broadcast_in_dim3A_179] : memref<32x128xf32, #tpu.memory_space<vmem>>[vector<16xi32>, vector<16xi32>], vector<16xf32>,
    %swap3A = arith.constant 16256 : index
    %swap3A_190 = tpu.vector_load %arg14[%swap3A] {strides = array<i32>} : memref<16384xf32, #tpu.memory_space<vmem>>, vector<16xf32>,
    tpu.vector_store %arg14[%swap3A], %gather3A_189 {strides = array<i32>} : memref<16384xf32, #tpu.memory_space<vmem>>, vector<16xf32>,
    %gather3A_191 = arith.constant 4 : i32
    %gather3A_192 = arith.constant 0 : i32
    %gather3A_193 = arith.constant 0 : i32
    %gather3A_194 = tpu.memref_slice %arg12[%gather3A_191, %gather3A_192, %gather3A_193] : memref<8x32x128xf32, #tpu.memory_space<vmem>> -> memref<1x32x128xf32, #tpu.memory_space<vmem>>
    %gather3A_195 = tpu.memref_squeeze %gather3A_194 : memref<1x32x128xf32, #tpu.memory_space<vmem>> -> memref<32x128xf32, #tpu.memory_space<vmem>>
    %gather3A_196 = tpu.vector_load_idx %gather3A_195[%add3A_52, %broadcast_in_dim3A_179] : memref<32x128xf32, #tpu.memory_space<vmem>>[vector<16xi32>, vector<16xi32>], vector<16xf32>,
    %swap3A_197 = arith.constant 16272 : index
    %swap3A_198 = tpu.vector_load %arg14[%swap3A_197] {strides = array<i32>} : memref<16384xf32, #tpu.memory_space<vmem>>, vector<16xf32>,
    tpu.vector_store %arg14[%swap3A_197], %gather3A_196 {strides = array<i32>} : memref<16384xf32, #tpu.memory_space<vmem>>, vector<16xf32>,
    %gather3A_199 = arith.constant 4 : i32
    %gather3A_200 = arith.constant 0 : i32
    %gather3A_201 = arith.constant 0 : i32
    %gather3A_202 = tpu.memref_slice %arg13[%gather3A_199, %gather3A_200, %gather3A_201] : memref<8x32x128xf32, #tpu.memory_space<vmem>> -> memref<1x32x128xf32, #tpu.memory_space<vmem>>
    %gather3A_203 = tpu.memref_squeeze %gather3A_202 : memref<1x32x128xf32, #tpu.memory_space<vmem>> -> memref<32x128xf32, #tpu.memory_space<vmem>>
    %gather3A_204 = tpu.vector_load_idx %gather3A_203[%iota3A, %broadcast_in_dim3A_184] : memref<32x128xf32, #tpu.memory_space<vmem>>[vector<16xi32>, vector<16xi32>], vector<16xf32>,
    %swap3A_205 = arith.constant 16256 : index
    %swap3A_206 = tpu.vector_load %arg15[%swap3A_205] {strides = array<i32>} : memref<16384xf32, #tpu.memory_space<vmem>>, vector<16xf32>,
    tpu.vector_store %arg15[%swap3A_205], %gather3A_204 {strides = array<i32>} : memref<16384xf32, #tpu.memory_space<vmem>>, vector<16xf32>,
    %gather3A_207 = arith.constant 4 : i32
    %gather3A_208 = arith.constant 0 : i32
    %gather3A_209 = arith.constant 0 : i32
    %gather3A_210 = tpu.memref_slice %arg13[%gather3A_207, %gather3A_208, %gather3A_209] : memref<8x32x128xf32, #tpu.memory_space<vmem>> -> memref<1x32x128xf32, #tpu.memory_space<vmem>>
    %gather3A_211 = tpu.memref_squeeze %gather3A_210 : memref<1x32x128xf32, #tpu.memory_space<vmem>> -> memref<32x128xf32, #tpu.memory_space<vmem>>
    %gather3A_212 = tpu.vector_load_idx %gather3A_211[%add3A_52, %broadcast_in_dim3A_184] : memref<32x128xf32, #tpu.memory_space<vmem>>[vector<16xi32>, vector<16xi32>], vector<16xf32>,
    %swap3A_213 = arith.constant 16272 : index
    %swap3A_214 = tpu.vector_load %arg15[%swap3A_213] {strides = array<i32>} : memref<16384xf32, #tpu.memory_space<vmem>>, vector<16xf32>,
    tpu.vector_store %arg15[%swap3A_213], %gather3A_212 {strides = array<i32>} : memref<16384xf32, #tpu.memory_space<vmem>>, vector<16xf32>,
    %slice3A_215 = vector.extract_strided_slice %scan3A_57#0 {offsets = [13], sizes = [1], strides = [1]} : vector<16xi32> to vector<1xi32>
    %squeeze3A_216 = vector.extract %slice3A_215[0] : i32 from vector<1xi32>
    %and3A_217 = arith.constant 127 : i32
    %and3A_218 = arith.andi %squeeze3A_216, %and3A_217 : i32
    %broadcast_in_dim3A_219 = vector.broadcast %and3A_218 : i32 to vector<16xi32>
    %slice3A_220 = vector.extract_strided_slice %scan3A_57#1 {offsets = [13], sizes = [1], strides = [1]} : vector<16xi32> to vector<1xi32>
    %squeeze3A_221 = vector.extract %slice3A_220[0] : i32 from vector<1xi32>
    %and3A_222 = arith.constant 127 : i32
    %and3A_223 = arith.andi %squeeze3A_221, %and3A_222 : i32
    %broadcast_in_dim3A_224 = vector.broadcast %and3A_223 : i32 to vector<16xi32>
    %gather3A_225 = arith.constant 5 : i32
    %gather3A_226 = arith.constant 0 : i32
    %gather3A_227 = arith.constant 0 : i32
    %gather3A_228 = tpu.memref_slice %arg12[%gather3A_225, %gather3A_226, %gather3A_227] : memref<8x32x128xf32, #tpu.memory_space<vmem>> -> memref<1x32x128xf32, #tpu.memory_space<vmem>>
    %gather3A_229 = tpu.memref_squeeze %gather3A_228 : memref<1x32x128xf32, #tpu.memory_space<vmem>> -> memref<32x128xf32, #tpu.memory_space<vmem>>
    %gather3A_230 = tpu.vector_load_idx %gather3A_229[%iota3A, %broadcast_in_dim3A_219] : memref<32x128xf32, #tpu.memory_space<vmem>>[vector<16xi32>, vector<16xi32>], vector<16xf32>,
    %swap3A_231 = arith.constant 16288 : index
    %swap3A_232 = tpu.vector_load %arg14[%swap3A_231] {strides = array<i32>} : memref<16384xf32, #tpu.memory_space<vmem>>, vector<16xf32>,
    tpu.vector_store %arg14[%swap3A_231], %gather3A_230 {strides = array<i32>} : memref<16384xf32, #tpu.memory_space<vmem>>, vector<16xf32>,
    %gather3A_233 = arith.constant 5 : i32
    %gather3A_234 = arith.constant 0 : i32
    %gather3A_235 = arith.constant 0 : i32
    %gather3A_236 = tpu.memref_slice %arg12[%gather3A_233, %gather3A_234, %gather3A_235] : memref<8x32x128xf32, #tpu.memory_space<vmem>> -> memref<1x32x128xf32, #tpu.memory_space<vmem>>
    %gather3A_237 = tpu.memref_squeeze %gather3A_236 : memref<1x32x128xf32, #tpu.memory_space<vmem>> -> memref<32x128xf32, #tpu.memory_space<vmem>>
    %gather3A_238 = tpu.vector_load_idx %gather3A_237[%add3A_52, %broadcast_in_dim3A_219] : memref<32x128xf32, #tpu.memory_space<vmem>>[vector<16xi32>, vector<16xi32>], vector<16xf32>,
    %swap3A_239 = arith.constant 16304 : index
    %swap3A_240 = tpu.vector_load %arg14[%swap3A_239] {strides = array<i32>} : memref<16384xf32, #tpu.memory_space<vmem>>, vector<16xf32>,
    tpu.vector_store %arg14[%swap3A_239], %gather3A_238 {strides = array<i32>} : memref<16384xf32, #tpu.memory_space<vmem>>, vector<16xf32>,
    %gather3A_241 = arith.constant 5 : i32
    %gather3A_242 = arith.constant 0 : i32
    %gather3A_243 = arith.constant 0 : i32
    %gather3A_244 = tpu.memref_slice %arg13[%gather3A_241, %gather3A_242, %gather3A_243] : memref<8x32x128xf32, #tpu.memory_space<vmem>> -> memref<1x32x128xf32, #tpu.memory_space<vmem>>
    %gather3A_245 = tpu.memref_squeeze %gather3A_244 : memref<1x32x128xf32, #tpu.memory_space<vmem>> -> memref<32x128xf32, #tpu.memory_space<vmem>>
    %gather3A_246 = tpu.vector_load_idx %gather3A_245[%iota3A, %broadcast_in_dim3A_224] : memref<32x128xf32, #tpu.memory_space<vmem>>[vector<16xi32>, vector<16xi32>], vector<16xf32>,
    %swap3A_247 = arith.constant 16288 : index
    %swap3A_248 = tpu.vector_load %arg15[%swap3A_247] {strides = array<i32>} : memref<16384xf32, #tpu.memory_space<vmem>>, vector<16xf32>,
    tpu.vector_store %arg15[%swap3A_247], %gather3A_246 {strides = array<i32>} : memref<16384xf32, #tpu.memory_space<vmem>>, vector<16xf32>,
    %gather3A_249 = arith.constant 5 : i32
    %gather3A_250 = arith.constant 0 : i32
    %gather3A_251 = arith.constant 0 : i32
    %gather3A_252 = tpu.memref_slice %arg13[%gather3A_249, %gather3A_250, %gather3A_251] : memref<8x32x128xf32, #tpu.memory_space<vmem>> -> memref<1x32x128xf32, #tpu.memory_space<vmem>>
    %gather3A_253 = tpu.memref_squeeze %gather3A_252 : memref<1x32x128xf32, #tpu.memory_space<vmem>> -> memref<32x128xf32, #tpu.memory_space<vmem>>
    %gather3A_254 = tpu.vector_load_idx %gather3A_253[%add3A_52, %broadcast_in_dim3A_224] : memref<32x128xf32, #tpu.memory_space<vmem>>[vector<16xi32>, vector<16xi32>], vector<16xf32>,
    %swap3A_255 = arith.constant 16304 : index
    %swap3A_256 = tpu.vector_load %arg15[%swap3A_255] {strides = array<i32>} : memref<16384xf32, #tpu.memory_space<vmem>>, vector<16xf32>,
    tpu.vector_store %arg15[%swap3A_255], %gather3A_254 {strides = array<i32>} : memref<16384xf32, #tpu.memory_space<vmem>>, vector<16xf32>,
    %slice3A_257 = vector.extract_strided_slice %scan3A_57#0 {offsets = [14], sizes = [1], strides = [1]} : vector<16xi32> to vector<1xi32>
    %squeeze3A_258 = vector.extract %slice3A_257[0] : i32 from vector<1xi32>
    %and3A_259 = arith.constant 127 : i32
    %and3A_260 = arith.andi %squeeze3A_258, %and3A_259 : i32
    %broadcast_in_dim3A_261 = vector.broadcast %and3A_260 : i32 to vector<16xi32>
    %slice3A_262 = vector.extract_strided_slice %scan3A_57#1 {offsets = [14], sizes = [1], strides = [1]} : vector<16xi32> to vector<1xi32>
    %squeeze3A_263 = vector.extract %slice3A_262[0] : i32 from vector<1xi32>
    %and3A_264 = arith.constant 127 : i32
    %and3A_265 = arith.andi %squeeze3A_263, %and3A_264 : i32
    %broadcast_in_dim3A_266 = vector.broadcast %and3A_265 : i32 to vector<16xi32>
    %gather3A_267 = arith.constant 6 : i32
    %gather3A_268 = arith.constant 0 : i32
    %gather3A_269 = arith.constant 0 : i32
    %gather3A_270 = tpu.memref_slice %arg12[%gather3A_267, %gather3A_268, %gather3A_269] : memref<8x32x128xf32, #tpu.memory_space<vmem>> -> memref<1x32x128xf32, #tpu.memory_space<vmem>>
    %gather3A_271 = tpu.memref_squeeze %gather3A_270 : memref<1x32x128xf32, #tpu.memory_space<vmem>> -> memref<32x128xf32, #tpu.memory_space<vmem>>
    %gather3A_272 = tpu.vector_load_idx %gather3A_271[%iota3A, %broadcast_in_dim3A_261] : memref<32x128xf32, #tpu.memory_space<vmem>>[vector<16xi32>, vector<16xi32>], vector<16xf32>,
    %swap3A_273 = arith.constant 16320 : index
    %swap3A_274 = tpu.vector_load %arg14[%swap3A_273] {strides = array<i32>} : memref<16384xf32, #tpu.memory_space<vmem>>, vector<16xf32>,
    tpu.vector_store %arg14[%swap3A_273], %gather3A_272 {strides = array<i32>} : memref<16384xf32, #tpu.memory_space<vmem>>, vector<16xf32>,
    %gather3A_275 = arith.constant 6 : i32
    %gather3A_276 = arith.constant 0 : i32
    %gather3A_277 = arith.constant 0 : i32
    %gather3A_278 = tpu.memref_slice %arg12[%gather3A_275, %gather3A_276, %gather3A_277] : memref<8x32x128xf32, #tpu.memory_space<vmem>> -> memref<1x32x128xf32, #tpu.memory_space<vmem>>
    %gather3A_279 = tpu.memref_squeeze %gather3A_278 : memref<1x32x128xf32, #tpu.memory_space<vmem>> -> memref<32x128xf32, #tpu.memory_space<vmem>>
    %gather3A_280 = tpu.vector_load_idx %gather3A_279[%add3A_52, %broadcast_in_dim3A_261] : memref<32x128xf32, #tpu.memory_space<vmem>>[vector<16xi32>, vector<16xi32>], vector<16xf32>,
    %swap3A_281 = arith.constant 16336 : index
    %swap3A_282 = tpu.vector_load %arg14[%swap3A_281] {strides = array<i32>} : memref<16384xf32, #tpu.memory_space<vmem>>, vector<16xf32>,
    tpu.vector_store %arg14[%swap3A_281], %gather3A_280 {strides = array<i32>} : memref<16384xf32, #tpu.memory_space<vmem>>, vector<16xf32>,
    %gather3A_283 = arith.constant 6 : i32
    %gather3A_284 = arith.constant 0 : i32
    %gather3A_285 = arith.constant 0 : i32
    %gather3A_286 = tpu.memref_slice %arg13[%gather3A_283, %gather3A_284, %gather3A_285] : memref<8x32x128xf32, #tpu.memory_space<vmem>> -> memref<1x32x128xf32, #tpu.memory_space<vmem>>
    %gather3A_287 = tpu.memref_squeeze %gather3A_286 : memref<1x32x128xf32, #tpu.memory_space<vmem>> -> memref<32x128xf32, #tpu.memory_space<vmem>>
    %gather3A_288 = tpu.vector_load_idx %gather3A_287[%iota3A, %broadcast_in_dim3A_266] : memref<32x128xf32, #tpu.memory_space<vmem>>[vector<16xi32>, vector<16xi32>], vector<16xf32>,
    %swap3A_289 = arith.constant 16320 : index
    %swap3A_290 = tpu.vector_load %arg15[%swap3A_289] {strides = array<i32>} : memref<16384xf32, #tpu.memory_space<vmem>>, vector<16xf32>,
    tpu.vector_store %arg15[%swap3A_289], %gather3A_288 {strides = array<i32>} : memref<16384xf32, #tpu.memory_space<vmem>>, vector<16xf32>,
    %gather3A_291 = arith.constant 6 : i32
    %gather3A_292 = arith.constant 0 : i32
    %gather3A_293 = arith.constant 0 : i32
    %gather3A_294 = tpu.memref_slice %arg13[%gather3A_291, %gather3A_292, %gather3A_293] : memref<8x32x128xf32, #tpu.memory_space<vmem>> -> memref<1x32x128xf32, #tpu.memory_space<vmem>>
    %gather3A_295 = tpu.memref_squeeze %gather3A_294 : memref<1x32x128xf32, #tpu.memory_space<vmem>> -> memref<32x128xf32, #tpu.memory_space<vmem>>
    %gather3A_296 = tpu.vector_load_idx %gather3A_295[%add3A_52, %broadcast_in_dim3A_266] : memref<32x128xf32, #tpu.memory_space<vmem>>[vector<16xi32>, vector<16xi32>], vector<16xf32>,
    %swap3A_297 = arith.constant 16336 : index
    %swap3A_298 = tpu.vector_load %arg15[%swap3A_297] {strides = array<i32>} : memref<16384xf32, #tpu.memory_space<vmem>>, vector<16xf32>,
    tpu.vector_store %arg15[%swap3A_297], %gather3A_296 {strides = array<i32>} : memref<16384xf32, #tpu.memory_space<vmem>>, vector<16xf32>,
    %slice3A_299 = vector.extract_strided_slice %scan3A_57#0 {offsets = [15], sizes = [1], strides = [1]} : vector<16xi32> to vector<1xi32>
    %squeeze3A_300 = vector.extract %slice3A_299[0] : i32 from vector<1xi32>
    %and3A_301 = arith.constant 127 : i32
    %and3A_302 = arith.andi %squeeze3A_300, %and3A_301 : i32
    %broadcast_in_dim3A_303 = vector.broadcast %and3A_302 : i32 to vector<16xi32>
    %slice3A_304 = vector.extract_strided_slice %scan3A_57#1 {offsets = [15], sizes = [1], strides = [1]} : vector<16xi32> to vector<1xi32>
    %squeeze3A_305 = vector.extract %slice3A_304[0] : i32 from vector<1xi32>
    %and3A_306 = arith.constant 127 : i32
    %and3A_307 = arith.andi %squeeze3A_305, %and3A_306 : i32
    %broadcast_in_dim3A_308 = vector.broadcast %and3A_307 : i32 to vector<16xi32>
    %gather3A_309 = arith.constant 7 : i32
    %gather3A_310 = arith.constant 0 : i32
    %gather3A_311 = arith.constant 0 : i32
    %gather3A_312 = tpu.memref_slice %arg12[%gather3A_309, %gather3A_310, %gather3A_311] : memref<8x32x128xf32, #tpu.memory_space<vmem>> -> memref<1x32x128xf32, #tpu.memory_space<vmem>>
    %gather3A_313 = tpu.memref_squeeze %gather3A_312 : memref<1x32x128xf32, #tpu.memory_space<vmem>> -> memref<32x128xf32, #tpu.memory_space<vmem>>
    %gather3A_314 = tpu.vector_load_idx %gather3A_313[%iota3A, %broadcast_in_dim3A_303] : memref<32x128xf32, #tpu.memory_space<vmem>>[vector<16xi32>, vector<16xi32>], vector<16xf32>,
    %swap3A_315 = arith.constant 16352 : index
    %swap3A_316 = tpu.vector_load %arg14[%swap3A_315] {strides = array<i32>} : memref<16384xf32, #tpu.memory_space<vmem>>, vector<16xf32>,
    tpu.vector_store %arg14[%swap3A_315], %gather3A_314 {strides = array<i32>} : memref<16384xf32, #tpu.memory_space<vmem>>, vector<16xf32>,
    %gather3A_317 = arith.constant 7 : i32
    %gather3A_318 = arith.constant 0 : i32
    %gather3A_319 = arith.constant 0 : i32
    %gather3A_320 = tpu.memref_slice %arg12[%gather3A_317, %gather3A_318, %gather3A_319] : memref<8x32x128xf32, #tpu.memory_space<vmem>> -> memref<1x32x128xf32, #tpu.memory_space<vmem>>
    %gather3A_321 = tpu.memref_squeeze %gather3A_320 : memref<1x32x128xf32, #tpu.memory_space<vmem>> -> memref<32x128xf32, #tpu.memory_space<vmem>>
    %gather3A_322 = tpu.vector_load_idx %gather3A_321[%add3A_52, %broadcast_in_dim3A_303] : memref<32x128xf32, #tpu.memory_space<vmem>>[vector<16xi32>, vector<16xi32>], vector<16xf32>,
    %swap3A_323 = arith.constant 16368 : index
    %swap3A_324 = tpu.vector_load %arg14[%swap3A_323] {strides = array<i32>} : memref<16384xf32, #tpu.memory_space<vmem>>, vector<16xf32>,
    tpu.vector_store %arg14[%swap3A_323], %gather3A_322 {strides = array<i32>} : memref<16384xf32, #tpu.memory_space<vmem>>, vector<16xf32>,
    %gather3A_325 = arith.constant 7 : i32
    %gather3A_326 = arith.constant 0 : i32
    %gather3A_327 = arith.constant 0 : i32
    %gather3A_328 = tpu.memref_slice %arg13[%gather3A_325, %gather3A_326, %gather3A_327] : memref<8x32x128xf32, #tpu.memory_space<vmem>> -> memref<1x32x128xf32, #tpu.memory_space<vmem>>
    %gather3A_329 = tpu.memref_squeeze %gather3A_328 : memref<1x32x128xf32, #tpu.memory_space<vmem>> -> memref<32x128xf32, #tpu.memory_space<vmem>>
    %gather3A_330 = tpu.vector_load_idx %gather3A_329[%iota3A, %broadcast_in_dim3A_308] : memref<32x128xf32, #tpu.memory_space<vmem>>[vector<16xi32>, vector<16xi32>], vector<16xf32>,
    %swap3A_331 = arith.constant 16352 : index
    %swap3A_332 = tpu.vector_load %arg15[%swap3A_331] {strides = array<i32>} : memref<16384xf32, #tpu.memory_space<vmem>>, vector<16xf32>,
    tpu.vector_store %arg15[%swap3A_331], %gather3A_330 {strides = array<i32>} : memref<16384xf32, #tpu.memory_space<vmem>>, vector<16xf32>,
    %gather3A_333 = arith.constant 7 : i32
    %gather3A_334 = arith.constant 0 : i32
    %gather3A_335 = arith.constant 0 : i32
    %gather3A_336 = tpu.memref_slice %arg13[%gather3A_333, %gather3A_334, %gather3A_335] : memref<8x32x128xf32, #tpu.memory_space<vmem>> -> memref<1x32x128xf32, #tpu.memory_space<vmem>>
    %gather3A_337 = tpu.memref_squeeze %gather3A_336 : memref<1x32x128xf32, #tpu.memory_space<vmem>> -> memref<32x128xf32, #tpu.memory_space<vmem>>
    %gather3A_338 = tpu.vector_load_idx %gather3A_337[%add3A_52, %broadcast_in_dim3A_308] : memref<32x128xf32, #tpu.memory_space<vmem>>[vector<16xi32>, vector<16xi32>], vector<16xf32>,
    %swap3A_339 = arith.constant 16368 : index
    %swap3A_340 = tpu.vector_load %arg15[%swap3A_339] {strides = array<i32>} : memref<16384xf32, #tpu.memory_space<vmem>>, vector<16xf32>,
    tpu.vector_store %arg15[%swap3A_339], %gather3A_338 {strides = array<i32>} : memref<16384xf32, #tpu.memory_space<vmem>>, vector<16xf32>,
    %dma_wait3A_341 = arith.constant 0 : i32
    %dma_wait3A_342 = tpu.memref_slice %arg16[%dma_wait3A_341] : memref<512xf32, #tpu.memory_space<vmem>> -> memref<128xf32, #tpu.memory_space<vmem>>
    %dma_wait3A_343 = arith.constant 0 : i32
    %dma_wait3A_344 = tpu.memref_slice %arg10[%dma_wait3A_343] : memref<512xi32, #tpu.memory_space<vmem>> -> memref<128xi32, #tpu.memory_space<vmem>>
    %dma_wait3A_345 = arith.constant 0 : i32
    %dma_wait3A_346 = tpu.memref_slice %arg6[%dma_wait3A_345] : memref<1000000xf32, #tpu.memory_space<hbm>> -> memref<1000000xf32, #tpu.memory_space<hbm>>
    tpu.wait_indirect_dma semaphore(%arg22 : memref<!tpu.dma_semaphore, #tpu.memory_space<semaphore_mem>>) src(%dma_wait3A_346 : memref<1000000xf32, #tpu.memory_space<hbm>>) dst(%dma_wait3A_342 : memref<128xf32, #tpu.memory_space<vmem>>)
    %dma_wait3A_347 = arith.constant 0 : i32
    %dma_wait3A_348 = tpu.memref_slice %arg17[%dma_wait3A_347] : memref<512xf32, #tpu.memory_space<vmem>> -> memref<128xf32, #tpu.memory_space<vmem>>
    %dma_wait3A_349 = arith.constant 0 : i32
    %dma_wait3A_350 = tpu.memref_slice %arg11[%dma_wait3A_349] : memref<512xi32, #tpu.memory_space<vmem>> -> memref<128xi32, #tpu.memory_space<vmem>>
    %dma_wait3A_351 = arith.constant 0 : i32
    %dma_wait3A_352 = tpu.memref_slice %arg7[%dma_wait3A_351] : memref<1000000xf32, #tpu.memory_space<hbm>> -> memref<1000000xf32, #tpu.memory_space<hbm>>
    tpu.wait_indirect_dma semaphore(%arg22 : memref<!tpu.dma_semaphore, #tpu.memory_space<semaphore_mem>>) src(%dma_wait3A_352 : memref<1000000xf32, #tpu.memory_space<hbm>>) dst(%dma_wait3A_348 : memref<128xf32, #tpu.memory_space<vmem>>)
    %dma_wait3A_353 = arith.constant 128 : i32
    %dma_wait3A_354 = tpu.memref_slice %arg16[%dma_wait3A_353] : memref<512xf32, #tpu.memory_space<vmem>> -> memref<128xf32, #tpu.memory_space<vmem>>
    %dma_wait3A_355 = arith.constant 128 : i32
    %dma_wait3A_356 = tpu.memref_slice %arg10[%dma_wait3A_355] : memref<512xi32, #tpu.memory_space<vmem>> -> memref<128xi32, #tpu.memory_space<vmem>>
    %dma_wait3A_357 = arith.constant 0 : i32
    %dma_wait3A_358 = tpu.memref_slice %arg6[%dma_wait3A_357] : memref<1000000xf32, #tpu.memory_space<hbm>> -> memref<1000000xf32, #tpu.memory_space<hbm>>
    tpu.wait_indirect_dma semaphore(%arg22 : memref<!tpu.dma_semaphore, #tpu.memory_space<semaphore_mem>>) src(%dma_wait3A_358 : memref<1000000xf32, #tpu.memory_space<hbm>>) dst(%dma_wait3A_354 : memref<128xf32, #tpu.memory_space<vmem>>)
    %dma_wait3A_359 = arith.constant 128 : i32
    %dma_wait3A_360 = tpu.memref_slice %arg17[%dma_wait3A_359] : memref<512xf32, #tpu.memory_space<vmem>> -> memref<128xf32, #tpu.memory_space<vmem>>
    %dma_wait3A_361 = arith.constant 128 : i32
    %dma_wait3A_362 = tpu.memref_slice %arg11[%dma_wait3A_361] : memref<512xi32, #tpu.memory_space<vmem>> -> memref<128xi32, #tpu.memory_space<vmem>>
    %dma_wait3A_363 = arith.constant 0 : i32
    %dma_wait3A_364 = tpu.memref_slice %arg7[%dma_wait3A_363] : memref<1000000xf32, #tpu.memory_space<hbm>> -> memref<1000000xf32, #tpu.memory_space<hbm>>
    tpu.wait_indirect_dma semaphore(%arg22 : memref<!tpu.dma_semaphore, #tpu.memory_space<semaphore_mem>>) src(%dma_wait3A_364 : memref<1000000xf32, #tpu.memory_space<hbm>>) dst(%dma_wait3A_360 : memref<128xf32, #tpu.memory_space<vmem>>)
    %dma_wait3A_365 = arith.constant 256 : i32
    %dma_wait3A_366 = tpu.memref_slice %arg16[%dma_wait3A_365] : memref<512xf32, #tpu.memory_space<vmem>> -> memref<128xf32, #tpu.memory_space<vmem>>
    %dma_wait3A_367 = arith.constant 256 : i32
    %dma_wait3A_368 = tpu.memref_slice %arg10[%dma_wait3A_367] : memref<512xi32, #tpu.memory_space<vmem>> -> memref<128xi32, #tpu.memory_space<vmem>>
    %dma_wait3A_369 = arith.constant 0 : i32
    %dma_wait3A_370 = tpu.memref_slice %arg6[%dma_wait3A_369] : memref<1000000xf32, #tpu.memory_space<hbm>> -> memref<1000000xf32, #tpu.memory_space<hbm>>
    tpu.wait_indirect_dma semaphore(%arg22 : memref<!tpu.dma_semaphore, #tpu.memory_space<semaphore_mem>>) src(%dma_wait3A_370 : memref<1000000xf32, #tpu.memory_space<hbm>>) dst(%dma_wait3A_366 : memref<128xf32, #tpu.memory_space<vmem>>)
    %dma_wait3A_371 = arith.constant 256 : i32
    %dma_wait3A_372 = tpu.memref_slice %arg17[%dma_wait3A_371] : memref<512xf32, #tpu.memory_space<vmem>> -> memref<128xf32, #tpu.memory_space<vmem>>
    %dma_wait3A_373 = arith.constant 256 : i32
    %dma_wait3A_374 = tpu.memref_slice %arg11[%dma_wait3A_373] : memref<512xi32, #tpu.memory_space<vmem>> -> memref<128xi32, #tpu.memory_space<vmem>>
    %dma_wait3A_375 = arith.constant 0 : i32
    %dma_wait3A_376 = tpu.memref_slice %arg7[%dma_wait3A_375] : memref<1000000xf32, #tpu.memory_space<hbm>> -> memref<1000000xf32, #tpu.memory_space<hbm>>
    tpu.wait_indirect_dma semaphore(%arg22 : memref<!tpu.dma_semaphore, #tpu.memory_space<semaphore_mem>>) src(%dma_wait3A_376 : memref<1000000xf32, #tpu.memory_space<hbm>>) dst(%dma_wait3A_372 : memref<128xf32, #tpu.memory_space<vmem>>)
    %dma_wait3A_377 = arith.constant 384 : i32
    %dma_wait3A_378 = tpu.memref_slice %arg16[%dma_wait3A_377] : memref<512xf32, #tpu.memory_space<vmem>> -> memref<128xf32, #tpu.memory_space<vmem>>
    %dma_wait3A_379 = arith.constant 384 : i32
    %dma_wait3A_380 = tpu.memref_slice %arg10[%dma_wait3A_379] : memref<512xi32, #tpu.memory_space<vmem>> -> memref<128xi32, #tpu.memory_space<vmem>>
    %dma_wait3A_381 = arith.constant 0 : i32
    %dma_wait3A_382 = tpu.memref_slice %arg6[%dma_wait3A_381] : memref<1000000xf32, #tpu.memory_space<hbm>> -> memref<1000000xf32, #tpu.memory_space<hbm>>
    tpu.wait_indirect_dma semaphore(%arg22 : memref<!tpu.dma_semaphore, #tpu.memory_space<semaphore_mem>>) src(%dma_wait3A_382 : memref<1000000xf32, #tpu.memory_space<hbm>>) dst(%dma_wait3A_378 : memref<128xf32, #tpu.memory_space<vmem>>)
    %dma_wait3A_383 = arith.constant 384 : i32
    %dma_wait3A_384 = tpu.memref_slice %arg17[%dma_wait3A_383] : memref<512xf32, #tpu.memory_space<vmem>> -> memref<128xf32, #tpu.memory_space<vmem>>
    %dma_wait3A_385 = arith.constant 384 : i32
    %dma_wait3A_386 = tpu.memref_slice %arg11[%dma_wait3A_385] : memref<512xi32, #tpu.memory_space<vmem>> -> memref<128xi32, #tpu.memory_space<vmem>>
    %dma_wait3A_387 = arith.constant 0 : i32
    %dma_wait3A_388 = tpu.memref_slice %arg7[%dma_wait3A_387] : memref<1000000xf32, #tpu.memory_space<hbm>> -> memref<1000000xf32, #tpu.memory_space<hbm>>
    tpu.wait_indirect_dma semaphore(%arg22 : memref<!tpu.dma_semaphore, #tpu.memory_space<semaphore_mem>>) src(%dma_wait3A_388 : memref<1000000xf32, #tpu.memory_space<hbm>>) dst(%dma_wait3A_384 : memref<128xf32, #tpu.memory_space<vmem>>)
    %get3A = arith.constant 0 : index
    %get3A_389 = tpu.vector_load %arg18[%get3A] {strides = array<i32>} : memref<16xf32, #tpu.memory_space<vmem>>, vector<16xf32>,
    %iota3A_390 = tpu.iota {dimensions = array<i32: 0>} : vector<16xi32>
    %mul3A_391 = arith.constant 32 : i32
    %mul3A_392 = vector.broadcast %mul3A_391 : i32 to vector<16xi32>
    %mul3A_393 = arith.muli %iota3A_390, %mul3A_392 : vector<16xi32>
    %scan3A_394 = arith.constant 0 : i32
    %scan3A_395 = arith.constant 0 : i32
    %scan3A_396 = arith.constant 32 : i32
    %scan3A_397 = arith.addi %scan3A_395, %scan3A_396 : i32
    %scan3A_398 = arith.constant 1 : i32
    scf.for %scan3A_400 = %scan3A_395 to %scan3A_397 step %scan3A_398  : i32 {
      %mul3A_401 = arith.constant 16 : i32
      %mul3A_402 = arith.muli %scan3A_400, %mul3A_401 : i32
      %get3A_403 = arith.index_cast %mul3A_402 : i32 to index
      %get3A_404 = tpu.vector_load %arg16[%get3A_403] {strides = array<i32>} : memref<512xf32, #tpu.memory_space<vmem>>, vector<16xf32>,
      %add3A_405 = arith.addf %get3A_389, %get3A_404 : vector<16xf32>
      %get3A_406 = arith.index_cast %mul3A_402 : i32 to index
      %get3A_407 = tpu.vector_load %arg17[%get3A_406] {strides = array<i32>} : memref<512xf32, #tpu.memory_space<vmem>>, vector<16xf32>,
      %add3A_408 = arith.addf %add3A_405, %get3A_407 : vector<16xf32>
      %mul3A_409 = arith.constant 512 : i32
      %mul3A_410 = arith.muli %scan3A_400, %mul3A_409 : i32
      %add3A_411 = arith.constant 0 : i32
      %add3A_412 = arith.addi %mul3A_410, %add3A_411 : i32
      %add3A_413 = vector.broadcast %add3A_412 : i32 to vector<16xi32>
      %add3A_414 = arith.addi %mul3A_393, %add3A_413 : vector<16xi32>
      %gather3A_415 = tpu.vector_load_idx %arg14[%add3A_414] : memref<16384xf32, #tpu.memory_space<vmem>>[vector<16xi32>], vector<16xf32>,
      %gather3A_416 = tpu.vector_load_idx %arg15[%add3A_414] : memref<16384xf32, #tpu.memory_space<vmem>>[vector<16xi32>], vector<16xf32>,
      %mul3A_417 = arith.mulf %gather3A_415, %gather3A_416 : vector<16xf32>
      %add3A_418 = arith.addf %add3A_408, %mul3A_417 : vector<16xf32>
      %mul3A_419 = arith.constant 512 : i32
      %mul3A_420 = arith.muli %scan3A_400, %mul3A_419 : i32
      %add3A_421 = arith.constant 1 : i32
      %add3A_422 = arith.addi %mul3A_420, %add3A_421 : i32
      %add3A_423 = vector.broadcast %add3A_422 : i32 to vector<16xi32>
      %add3A_424 = arith.addi %mul3A_393, %add3A_423 : vector<16xi32>
      %gather3A_425 = tpu.vector_load_idx %arg14[%add3A_424] : memref<16384xf32, #tpu.memory_space<vmem>>[vector<16xi32>], vector<16xf32>,
      %gather3A_426 = tpu.vector_load_idx %arg15[%add3A_424] : memref<16384xf32, #tpu.memory_space<vmem>>[vector<16xi32>], vector<16xf32>,
      %mul3A_427 = arith.mulf %gather3A_425, %gather3A_426 : vector<16xf32>
      %add3A_428 = arith.addf %add3A_418, %mul3A_427 : vector<16xf32>
      %mul3A_429 = arith.constant 512 : i32
      %mul3A_430 = arith.muli %scan3A_400, %mul3A_429 : i32
      %add3A_431 = arith.constant 2 : i32
      %add3A_432 = arith.addi %mul3A_430, %add3A_431 : i32
      %add3A_433 = vector.broadcast %add3A_432 : i32 to vector<16xi32>
      %add3A_434 = arith.addi %mul3A_393, %add3A_433 : vector<16xi32>
      %gather3A_435 = tpu.vector_load_idx %arg14[%add3A_434] : memref<16384xf32, #tpu.memory_space<vmem>>[vector<16xi32>], vector<16xf32>,
      %gather3A_436 = tpu.vector_load_idx %arg15[%add3A_434] : memref<16384xf32, #tpu.memory_space<vmem>>[vector<16xi32>], vector<16xf32>,
      %mul3A_437 = arith.mulf %gather3A_435, %gather3A_436 : vector<16xf32>
      %add3A_438 = arith.addf %add3A_428, %mul3A_437 : vector<16xf32>
      %mul3A_439 = arith.constant 512 : i32
      %mul3A_440 = arith.muli %scan3A_400, %mul3A_439 : i32
      %add3A_441 = arith.constant 3 : i32
      %add3A_442 = arith.addi %mul3A_440, %add3A_441 : i32
      %add3A_443 = vector.broadcast %add3A_442 : i32 to vector<16xi32>
      %add3A_444 = arith.addi %mul3A_393, %add3A_443 : vector<16xi32>
      %gather3A_445 = tpu.vector_load_idx %arg14[%add3A_444] : memref<16384xf32, #tpu.memory_space<vmem>>[vector<16xi32>], vector<16xf32>,
      %gather3A_446 = tpu.vector_load_idx %arg15[%add3A_444] : memref<16384xf32, #tpu.memory_space<vmem>>[vector<16xi32>], vector<16xf32>,
      %mul3A_447 = arith.mulf %gather3A_445, %gather3A_446 : vector<16xf32>
      %add3A_448 = arith.addf %add3A_438, %mul3A_447 : vector<16xf32>
      %mul3A_449 = arith.constant 512 : i32
      %mul3A_450 = arith.muli %scan3A_400, %mul3A_449 : i32
      %add3A_451 = arith.constant 4 : i32
      %add3A_452 = arith.addi %mul3A_450, %add3A_451 : i32
      %add3A_453 = vector.broadcast %add3A_452 : i32 to vector<16xi32>
      %add3A_454 = arith.addi %mul3A_393, %add3A_453 : vector<16xi32>
      %gather3A_455 = tpu.vector_load_idx %arg14[%add3A_454] : memref<16384xf32, #tpu.memory_space<vmem>>[vector<16xi32>], vector<16xf32>,
      %gather3A_456 = tpu.vector_load_idx %arg15[%add3A_454] : memref<16384xf32, #tpu.memory_space<vmem>>[vector<16xi32>], vector<16xf32>,
      %mul3A_457 = arith.mulf %gather3A_455, %gather3A_456 : vector<16xf32>
      %add3A_458 = arith.addf %add3A_448, %mul3A_457 : vector<16xf32>
      %mul3A_459 = arith.constant 512 : i32
      %mul3A_460 = arith.muli %scan3A_400, %mul3A_459 : i32
      %add3A_461 = arith.constant 5 : i32
      %add3A_462 = arith.addi %mul3A_460, %add3A_461 : i32
      %add3A_463 = vector.broadcast %add3A_462 : i32 to vector<16xi32>
      %add3A_464 = arith.addi %mul3A_393, %add3A_463 : vector<16xi32>
      %gather3A_465 = tpu.vector_load_idx %arg14[%add3A_464] : memref<16384xf32, #tpu.memory_space<vmem>>[vector<16xi32>], vector<16xf32>,
      %gather3A_466 = tpu.vector_load_idx %arg15[%add3A_464] : memref<16384xf32, #tpu.memory_space<vmem>>[vector<16xi32>], vector<16xf32>,
      %mul3A_467 = arith.mulf %gather3A_465, %gather3A_466 : vector<16xf32>
      %add3A_468 = arith.addf %add3A_458, %mul3A_467 : vector<16xf32>
      %mul3A_469 = arith.constant 512 : i32
      %mul3A_470 = arith.muli %scan3A_400, %mul3A_469 : i32
      %add3A_471 = arith.constant 6 : i32
      %add3A_472 = arith.addi %mul3A_470, %add3A_471 : i32
      %add3A_473 = vector.broadcast %add3A_472 : i32 to vector<16xi32>
      %add3A_474 = arith.addi %mul3A_393, %add3A_473 : vector<16xi32>
      %gather3A_475 = tpu.vector_load_idx %arg14[%add3A_474] : memref<16384xf32, #tpu.memory_space<vmem>>[vector<16xi32>], vector<16xf32>,
      %gather3A_476 = tpu.vector_load_idx %arg15[%add3A_474] : memref<16384xf32, #tpu.memory_space<vmem>>[vector<16xi32>], vector<16xf32>,
      %mul3A_477 = arith.mulf %gather3A_475, %gather3A_476 : vector<16xf32>
      %add3A_478 = arith.addf %add3A_468, %mul3A_477 : vector<16xf32>
      %mul3A_479 = arith.constant 512 : i32
      %mul3A_480 = arith.muli %scan3A_400, %mul3A_479 : i32
      %add3A_481 = arith.constant 7 : i32
      %add3A_482 = arith.addi %mul3A_480, %add3A_481 : i32
      %add3A_483 = vector.broadcast %add3A_482 : i32 to vector<16xi32>
      %add3A_484 = arith.addi %mul3A_393, %add3A_483 : vector<16xi32>
      %gather3A_485 = tpu.vector_load_idx %arg14[%add3A_484] : memref<16384xf32, #tpu.memory_space<vmem>>[vector<16xi32>], vector<16xf32>,
      %gather3A_486 = tpu.vector_load_idx %arg15[%add3A_484] : memref<16384xf32, #tpu.memory_space<vmem>>[vector<16xi32>], vector<16xf32>,
      %mul3A_487 = arith.mulf %gather3A_485, %gather3A_486 : vector<16xf32>
      %add3A_488 = arith.addf %add3A_478, %mul3A_487 : vector<16xf32>
      %mul3A_489 = arith.constant 512 : i32
      %mul3A_490 = arith.muli %scan3A_400, %mul3A_489 : i32
      %add3A_491 = arith.constant 8 : i32
      %add3A_492 = arith.addi %mul3A_490, %add3A_491 : i32
      %add3A_493 = vector.broadcast %add3A_492 : i32 to vector<16xi32>
      %add3A_494 = arith.addi %mul3A_393, %add3A_493 : vector<16xi32>
      %gather3A_495 = tpu.vector_load_idx %arg14[%add3A_494] : memref<16384xf32, #tpu.memory_space<vmem>>[vector<16xi32>], vector<16xf32>,
      %gather3A_496 = tpu.vector_load_idx %arg15[%add3A_494] : memref<16384xf32, #tpu.memory_space<vmem>>[vector<16xi32>], vector<16xf32>,
      %mul3A_497 = arith.mulf %gather3A_495, %gather3A_496 : vector<16xf32>
      %add3A_498 = arith.addf %add3A_488, %mul3A_497 : vector<16xf32>
      %mul3A_499 = arith.constant 512 : i32
      %mul3A_500 = arith.muli %scan3A_400, %mul3A_499 : i32
      %add3A_501 = arith.constant 9 : i32
      %add3A_502 = arith.addi %mul3A_500, %add3A_501 : i32
      %add3A_503 = vector.broadcast %add3A_502 : i32 to vector<16xi32>
      %add3A_504 = arith.addi %mul3A_393, %add3A_503 : vector<16xi32>
      %gather3A_505 = tpu.vector_load_idx %arg14[%add3A_504] : memref<16384xf32, #tpu.memory_space<vmem>>[vector<16xi32>], vector<16xf32>,
      %gather3A_506 = tpu.vector_load_idx %arg15[%add3A_504] : memref<16384xf32, #tpu.memory_space<vmem>>[vector<16xi32>], vector<16xf32>,
      %mul3A_507 = arith.mulf %gather3A_505, %gather3A_506 : vector<16xf32>
      %add3A_508 = arith.addf %add3A_498, %mul3A_507 : vector<16xf32>
      %mul3A_509 = arith.constant 512 : i32
      %mul3A_510 = arith.muli %scan3A_400, %mul3A_509 : i32
      %add3A_511 = arith.constant 10 : i32
      %add3A_512 = arith.addi %mul3A_510, %add3A_511 : i32
      %add3A_513 = vector.broadcast %add3A_512 : i32 to vector<16xi32>
      %add3A_514 = arith.addi %mul3A_393, %add3A_513 : vector<16xi32>
      %gather3A_515 = tpu.vector_load_idx %arg14[%add3A_514] : memref<16384xf32, #tpu.memory_space<vmem>>[vector<16xi32>], vector<16xf32>,
      %gather3A_516 = tpu.vector_load_idx %arg15[%add3A_514] : memref<16384xf32, #tpu.memory_space<vmem>>[vector<16xi32>], vector<16xf32>,
      %mul3A_517 = arith.mulf %gather3A_515, %gather3A_516 : vector<16xf32>
      %add3A_518 = arith.addf %add3A_508, %mul3A_517 : vector<16xf32>
      %mul3A_519 = arith.constant 512 : i32
      %mul3A_520 = arith.muli %scan3A_400, %mul3A_519 : i32
      %add3A_521 = arith.constant 11 : i32
      %add3A_522 = arith.addi %mul3A_520, %add3A_521 : i32
      %add3A_523 = vector.broadcast %add3A_522 : i32 to vector<16xi32>
      %add3A_524 = arith.addi %mul3A_393, %add3A_523 : vector<16xi32>
      %gather3A_525 = tpu.vector_load_idx %arg14[%add3A_524] : memref<16384xf32, #tpu.memory_space<vmem>>[vector<16xi32>], vector<16xf32>,
      %gather3A_526 = tpu.vector_load_idx %arg15[%add3A_524] : memref<16384xf32, #tpu.memory_space<vmem>>[vector<16xi32>], vector<16xf32>,
      %mul3A_527 = arith.mulf %gather3A_525, %gather3A_526 : vector<16xf32>
      %add3A_528 = arith.addf %add3A_518, %mul3A_527 : vector<16xf32>
      %mul3A_529 = arith.constant 512 : i32
      %mul3A_530 = arith.muli %scan3A_400, %mul3A_529 : i32
      %add3A_531 = arith.constant 12 : i32
      %add3A_532 = arith.addi %mul3A_530, %add3A_531 : i32
      %add3A_533 = vector.broadcast %add3A_532 : i32 to vector<16xi32>
      %add3A_534 = arith.addi %mul3A_393, %add3A_533 : vector<16xi32>
      %gather3A_535 = tpu.vector_load_idx %arg14[%add3A_534] : memref<16384xf32, #tpu.memory_space<vmem>>[vector<16xi32>], vector<16xf32>,
      %gather3A_536 = tpu.vector_load_idx %arg15[%add3A_534] : memref<16384xf32, #tpu.memory_space<vmem>>[vector<16xi32>], vector<16xf32>,
      %mul3A_537 = arith.mulf %gather3A_535, %gather3A_536 : vector<16xf32>
      %add3A_538 = arith.addf %add3A_528, %mul3A_537 : vector<16xf32>
      %mul3A_539 = arith.constant 512 : i32
      %mul3A_540 = arith.muli %scan3A_400, %mul3A_539 : i32
      %add3A_541 = arith.constant 13 : i32
      %add3A_542 = arith.addi %mul3A_540, %add3A_541 : i32
      %add3A_543 = vector.broadcast %add3A_542 : i32 to vector<16xi32>
      %add3A_544 = arith.addi %mul3A_393, %add3A_543 : vector<16xi32>
      %gather3A_545 = tpu.vector_load_idx %arg14[%add3A_544] : memref<16384xf32, #tpu.memory_space<vmem>>[vector<16xi32>], vector<16xf32>,
      %gather3A_546 = tpu.vector_load_idx %arg15[%add3A_544] : memref<16384xf32, #tpu.memory_space<vmem>>[vector<16xi32>], vector<16xf32>,
      %mul3A_547 = arith.mulf %gather3A_545, %gather3A_546 : vector<16xf32>
      %add3A_548 = arith.addf %add3A_538, %mul3A_547 : vector<16xf32>
      %mul3A_549 = arith.constant 512 : i32
      %mul3A_550 = arith.muli %scan3A_400, %mul3A_549 : i32
      %add3A_551 = arith.constant 14 : i32
      %add3A_552 = arith.addi %mul3A_550, %add3A_551 : i32
      %add3A_553 = vector.broadcast %add3A_552 : i32 to vector<16xi32>
      %add3A_554 = arith.addi %mul3A_393, %add3A_553 : vector<16xi32>
      %gather3A_555 = tpu.vector_load_idx %arg14[%add3A_554] : memref<16384xf32, #tpu.memory_space<vmem>>[vector<16xi32>], vector<16xf32>,
      %gather3A_556 = tpu.vector_load_idx %arg15[%add3A_554] : memref<16384xf32, #tpu.memory_space<vmem>>[vector<16xi32>], vector<16xf32>,
      %mul3A_557 = arith.mulf %gather3A_555, %gather3A_556 : vector<16xf32>
      %add3A_558 = arith.addf %add3A_548, %mul3A_557 : vector<16xf32>
      %mul3A_559 = arith.constant 512 : i32
      %mul3A_560 = arith.muli %scan3A_400, %mul3A_559 : i32
      %add3A_561 = arith.constant 15 : i32
      %add3A_562 = arith.addi %mul3A_560, %add3A_561 : i32
      %add3A_563 = vector.broadcast %add3A_562 : i32 to vector<16xi32>
      %add3A_564 = arith.addi %mul3A_393, %add3A_563 : vector<16xi32>
      %gather3A_565 = tpu.vector_load_idx %arg14[%add3A_564] : memref<16384xf32, #tpu.memory_space<vmem>>[vector<16xi32>], vector<16xf32>,
      %gather3A_566 = tpu.vector_load_idx %arg15[%add3A_564] : memref<16384xf32, #tpu.memory_space<vmem>>[vector<16xi32>], vector<16xf32>,
      %mul3A_567 = arith.mulf %gather3A_565, %gather3A_566 : vector<16xf32>
      %add3A_568 = arith.addf %add3A_558, %mul3A_567 : vector<16xf32>
      %mul3A_569 = arith.constant 512 : i32
      %mul3A_570 = arith.muli %scan3A_400, %mul3A_569 : i32
      %add3A_571 = arith.constant 16 : i32
      %add3A_572 = arith.addi %mul3A_570, %add3A_571 : i32
      %add3A_573 = vector.broadcast %add3A_572 : i32 to vector<16xi32>
      %add3A_574 = arith.addi %mul3A_393, %add3A_573 : vector<16xi32>
      %gather3A_575 = tpu.vector_load_idx %arg14[%add3A_574] : memref<16384xf32, #tpu.memory_space<vmem>>[vector<16xi32>], vector<16xf32>,
      %gather3A_576 = tpu.vector_load_idx %arg15[%add3A_574] : memref<16384xf32, #tpu.memory_space<vmem>>[vector<16xi32>], vector<16xf32>,
      %mul3A_577 = arith.mulf %gather3A_575, %gather3A_576 : vector<16xf32>
      %add3A_578 = arith.addf %add3A_568, %mul3A_577 : vector<16xf32>
      %mul3A_579 = arith.constant 512 : i32
      %mul3A_580 = arith.muli %scan3A_400, %mul3A_579 : i32
      %add3A_581 = arith.constant 17 : i32
      %add3A_582 = arith.addi %mul3A_580, %add3A_581 : i32
      %add3A_583 = vector.broadcast %add3A_582 : i32 to vector<16xi32>
      %add3A_584 = arith.addi %mul3A_393, %add3A_583 : vector<16xi32>
      %gather3A_585 = tpu.vector_load_idx %arg14[%add3A_584] : memref<16384xf32, #tpu.memory_space<vmem>>[vector<16xi32>], vector<16xf32>,
      %gather3A_586 = tpu.vector_load_idx %arg15[%add3A_584] : memref<16384xf32, #tpu.memory_space<vmem>>[vector<16xi32>], vector<16xf32>,
      %mul3A_587 = arith.mulf %gather3A_585, %gather3A_586 : vector<16xf32>
      %add3A_588 = arith.addf %add3A_578, %mul3A_587 : vector<16xf32>
      %mul3A_589 = arith.constant 512 : i32
      %mul3A_590 = arith.muli %scan3A_400, %mul3A_589 : i32
      %add3A_591 = arith.constant 18 : i32
      %add3A_592 = arith.addi %mul3A_590, %add3A_591 : i32
      %add3A_593 = vector.broadcast %add3A_592 : i32 to vector<16xi32>
      %add3A_594 = arith.addi %mul3A_393, %add3A_593 : vector<16xi32>
      %gather3A_595 = tpu.vector_load_idx %arg14[%add3A_594] : memref<16384xf32, #tpu.memory_space<vmem>>[vector<16xi32>], vector<16xf32>,
      %gather3A_596 = tpu.vector_load_idx %arg15[%add3A_594] : memref<16384xf32, #tpu.memory_space<vmem>>[vector<16xi32>], vector<16xf32>,
      %mul3A_597 = arith.mulf %gather3A_595, %gather3A_596 : vector<16xf32>
      %add3A_598 = arith.addf %add3A_588, %mul3A_597 : vector<16xf32>
      %mul3A_599 = arith.constant 512 : i32
      %mul3A_600 = arith.muli %scan3A_400, %mul3A_599 : i32
      %add3A_601 = arith.constant 19 : i32
      %add3A_602 = arith.addi %mul3A_600, %add3A_601 : i32
      %add3A_603 = vector.broadcast %add3A_602 : i32 to vector<16xi32>
      %add3A_604 = arith.addi %mul3A_393, %add3A_603 : vector<16xi32>
      %gather3A_605 = tpu.vector_load_idx %arg14[%add3A_604] : memref<16384xf32, #tpu.memory_space<vmem>>[vector<16xi32>], vector<16xf32>,
      %gather3A_606 = tpu.vector_load_idx %arg15[%add3A_604] : memref<16384xf32, #tpu.memory_space<vmem>>[vector<16xi32>], vector<16xf32>,
      %mul3A_607 = arith.mulf %gather3A_605, %gather3A_606 : vector<16xf32>
      %add3A_608 = arith.addf %add3A_598, %mul3A_607 : vector<16xf32>
      %mul3A_609 = arith.constant 512 : i32
      %mul3A_610 = arith.muli %scan3A_400, %mul3A_609 : i32
      %add3A_611 = arith.constant 20 : i32
      %add3A_612 = arith.addi %mul3A_610, %add3A_611 : i32
      %add3A_613 = vector.broadcast %add3A_612 : i32 to vector<16xi32>
      %add3A_614 = arith.addi %mul3A_393, %add3A_613 : vector<16xi32>
      %gather3A_615 = tpu.vector_load_idx %arg14[%add3A_614] : memref<16384xf32, #tpu.memory_space<vmem>>[vector<16xi32>], vector<16xf32>,
      %gather3A_616 = tpu.vector_load_idx %arg15[%add3A_614] : memref<16384xf32, #tpu.memory_space<vmem>>[vector<16xi32>], vector<16xf32>,
      %mul3A_617 = arith.mulf %gather3A_615, %gather3A_616 : vector<16xf32>
      %add3A_618 = arith.addf %add3A_608, %mul3A_617 : vector<16xf32>
      %mul3A_619 = arith.constant 512 : i32
      %mul3A_620 = arith.muli %scan3A_400, %mul3A_619 : i32
      %add3A_621 = arith.constant 21 : i32
      %add3A_622 = arith.addi %mul3A_620, %add3A_621 : i32
      %add3A_623 = vector.broadcast %add3A_622 : i32 to vector<16xi32>
      %add3A_624 = arith.addi %mul3A_393, %add3A_623 : vector<16xi32>
      %gather3A_625 = tpu.vector_load_idx %arg14[%add3A_624] : memref<16384xf32, #tpu.memory_space<vmem>>[vector<16xi32>], vector<16xf32>,
      %gather3A_626 = tpu.vector_load_idx %arg15[%add3A_624] : memref<16384xf32, #tpu.memory_space<vmem>>[vector<16xi32>], vector<16xf32>,
      %mul3A_627 = arith.mulf %gather3A_625, %gather3A_626 : vector<16xf32>
      %add3A_628 = arith.addf %add3A_618, %mul3A_627 : vector<16xf32>
      %mul3A_629 = arith.constant 512 : i32
      %mul3A_630 = arith.muli %scan3A_400, %mul3A_629 : i32
      %add3A_631 = arith.constant 22 : i32
      %add3A_632 = arith.addi %mul3A_630, %add3A_631 : i32
      %add3A_633 = vector.broadcast %add3A_632 : i32 to vector<16xi32>
      %add3A_634 = arith.addi %mul3A_393, %add3A_633 : vector<16xi32>
      %gather3A_635 = tpu.vector_load_idx %arg14[%add3A_634] : memref<16384xf32, #tpu.memory_space<vmem>>[vector<16xi32>], vector<16xf32>,
      %gather3A_636 = tpu.vector_load_idx %arg15[%add3A_634] : memref<16384xf32, #tpu.memory_space<vmem>>[vector<16xi32>], vector<16xf32>,
      %mul3A_637 = arith.mulf %gather3A_635, %gather3A_636 : vector<16xf32>
      %add3A_638 = arith.addf %add3A_628, %mul3A_637 : vector<16xf32>
      %mul3A_639 = arith.constant 512 : i32
      %mul3A_640 = arith.muli %scan3A_400, %mul3A_639 : i32
      %add3A_641 = arith.constant 23 : i32
      %add3A_642 = arith.addi %mul3A_640, %add3A_641 : i32
      %add3A_643 = vector.broadcast %add3A_642 : i32 to vector<16xi32>
      %add3A_644 = arith.addi %mul3A_393, %add3A_643 : vector<16xi32>
      %gather3A_645 = tpu.vector_load_idx %arg14[%add3A_644] : memref<16384xf32, #tpu.memory_space<vmem>>[vector<16xi32>], vector<16xf32>,
      %gather3A_646 = tpu.vector_load_idx %arg15[%add3A_644] : memref<16384xf32, #tpu.memory_space<vmem>>[vector<16xi32>], vector<16xf32>,
      %mul3A_647 = arith.mulf %gather3A_645, %gather3A_646 : vector<16xf32>
      %add3A_648 = arith.addf %add3A_638, %mul3A_647 : vector<16xf32>
      %mul3A_649 = arith.constant 512 : i32
      %mul3A_650 = arith.muli %scan3A_400, %mul3A_649 : i32
      %add3A_651 = arith.constant 24 : i32
      %add3A_652 = arith.addi %mul3A_650, %add3A_651 : i32
      %add3A_653 = vector.broadcast %add3A_652 : i32 to vector<16xi32>
      %add3A_654 = arith.addi %mul3A_393, %add3A_653 : vector<16xi32>
      %gather3A_655 = tpu.vector_load_idx %arg14[%add3A_654] : memref<16384xf32, #tpu.memory_space<vmem>>[vector<16xi32>], vector<16xf32>,
      %gather3A_656 = tpu.vector_load_idx %arg15[%add3A_654] : memref<16384xf32, #tpu.memory_space<vmem>>[vector<16xi32>], vector<16xf32>,
      %mul3A_657 = arith.mulf %gather3A_655, %gather3A_656 : vector<16xf32>
      %add3A_658 = arith.addf %add3A_648, %mul3A_657 : vector<16xf32>
      %mul3A_659 = arith.constant 512 : i32
      %mul3A_660 = arith.muli %scan3A_400, %mul3A_659 : i32
      %add3A_661 = arith.constant 25 : i32
      %add3A_662 = arith.addi %mul3A_660, %add3A_661 : i32
      %add3A_663 = vector.broadcast %add3A_662 : i32 to vector<16xi32>
      %add3A_664 = arith.addi %mul3A_393, %add3A_663 : vector<16xi32>
      %gather3A_665 = tpu.vector_load_idx %arg14[%add3A_664] : memref<16384xf32, #tpu.memory_space<vmem>>[vector<16xi32>], vector<16xf32>,
      %gather3A_666 = tpu.vector_load_idx %arg15[%add3A_664] : memref<16384xf32, #tpu.memory_space<vmem>>[vector<16xi32>], vector<16xf32>,
      %mul3A_667 = arith.mulf %gather3A_665, %gather3A_666 : vector<16xf32>
      %add3A_668 = arith.addf %add3A_658, %mul3A_667 : vector<16xf32>
      %mul3A_669 = arith.constant 512 : i32
      %mul3A_670 = arith.muli %scan3A_400, %mul3A_669 : i32
      %add3A_671 = arith.constant 26 : i32
      %add3A_672 = arith.addi %mul3A_670, %add3A_671 : i32
      %add3A_673 = vector.broadcast %add3A_672 : i32 to vector<16xi32>
      %add3A_674 = arith.addi %mul3A_393, %add3A_673 : vector<16xi32>
      %gather3A_675 = tpu.vector_load_idx %arg14[%add3A_674] : memref<16384xf32, #tpu.memory_space<vmem>>[vector<16xi32>], vector<16xf32>,
      %gather3A_676 = tpu.vector_load_idx %arg15[%add3A_674] : memref<16384xf32, #tpu.memory_space<vmem>>[vector<16xi32>], vector<16xf32>,
      %mul3A_677 = arith.mulf %gather3A_675, %gather3A_676 : vector<16xf32>
      %add3A_678 = arith.addf %add3A_668, %mul3A_677 : vector<16xf32>
      %mul3A_679 = arith.constant 512 : i32
      %mul3A_680 = arith.muli %scan3A_400, %mul3A_679 : i32
      %add3A_681 = arith.constant 27 : i32
      %add3A_682 = arith.addi %mul3A_680, %add3A_681 : i32
      %add3A_683 = vector.broadcast %add3A_682 : i32 to vector<16xi32>
      %add3A_684 = arith.addi %mul3A_393, %add3A_683 : vector<16xi32>
      %gather3A_685 = tpu.vector_load_idx %arg14[%add3A_684] : memref<16384xf32, #tpu.memory_space<vmem>>[vector<16xi32>], vector<16xf32>,
      %gather3A_686 = tpu.vector_load_idx %arg15[%add3A_684] : memref<16384xf32, #tpu.memory_space<vmem>>[vector<16xi32>], vector<16xf32>,
      %mul3A_687 = arith.mulf %gather3A_685, %gather3A_686 : vector<16xf32>
      %add3A_688 = arith.addf %add3A_678, %mul3A_687 : vector<16xf32>
      %mul3A_689 = arith.constant 512 : i32
      %mul3A_690 = arith.muli %scan3A_400, %mul3A_689 : i32
      %add3A_691 = arith.constant 28 : i32
      %add3A_692 = arith.addi %mul3A_690, %add3A_691 : i32
      %add3A_693 = vector.broadcast %add3A_692 : i32 to vector<16xi32>
      %add3A_694 = arith.addi %mul3A_393, %add3A_693 : vector<16xi32>
      %gather3A_695 = tpu.vector_load_idx %arg14[%add3A_694] : memref<16384xf32, #tpu.memory_space<vmem>>[vector<16xi32>], vector<16xf32>,
      %gather3A_696 = tpu.vector_load_idx %arg15[%add3A_694] : memref<16384xf32, #tpu.memory_space<vmem>>[vector<16xi32>], vector<16xf32>,
      %mul3A_697 = arith.mulf %gather3A_695, %gather3A_696 : vector<16xf32>
      %add3A_698 = arith.addf %add3A_688, %mul3A_697 : vector<16xf32>
      %mul3A_699 = arith.constant 512 : i32
      %mul3A_700 = arith.muli %scan3A_400, %mul3A_699 : i32
      %add3A_701 = arith.constant 29 : i32
      %add3A_702 = arith.addi %mul3A_700, %add3A_701 : i32
      %add3A_703 = vector.broadcast %add3A_702 : i32 to vector<16xi32>
      %add3A_704 = arith.addi %mul3A_393, %add3A_703 : vector<16xi32>
      %gather3A_705 = tpu.vector_load_idx %arg14[%add3A_704] : memref<16384xf32, #tpu.memory_space<vmem>>[vector<16xi32>], vector<16xf32>,
      %gather3A_706 = tpu.vector_load_idx %arg15[%add3A_704] : memref<16384xf32, #tpu.memory_space<vmem>>[vector<16xi32>], vector<16xf32>,
      %mul3A_707 = arith.mulf %gather3A_705, %gather3A_706 : vector<16xf32>
      %add3A_708 = arith.addf %add3A_698, %mul3A_707 : vector<16xf32>
      %mul3A_709 = arith.constant 512 : i32
      %mul3A_710 = arith.muli %scan3A_400, %mul3A_709 : i32
      %add3A_711 = arith.constant 30 : i32
      %add3A_712 = arith.addi %mul3A_710, %add3A_711 : i32
      %add3A_713 = vector.broadcast %add3A_712 : i32 to vector<16xi32>
      %add3A_714 = arith.addi %mul3A_393, %add3A_713 : vector<16xi32>
      %gather3A_715 = tpu.vector_load_idx %arg14[%add3A_714] : memref<16384xf32, #tpu.memory_space<vmem>>[vector<16xi32>], vector<16xf32>,
      %gather3A_716 = tpu.vector_load_idx %arg15[%add3A_714] : memref<16384xf32, #tpu.memory_space<vmem>>[vector<16xi32>], vector<16xf32>,
      %mul3A_717 = arith.mulf %gather3A_715, %gather3A_716 : vector<16xf32>
      %add3A_718 = arith.addf %add3A_708, %mul3A_717 : vector<16xf32>
      %mul3A_719 = arith.constant 512 : i32
      %mul3A_720 = arith.muli %scan3A_400, %mul3A_719 : i32
      %add3A_721 = arith.constant 31 : i32
      %add3A_722 = arith.addi %mul3A_720, %add3A_721 : i32
      %add3A_723 = vector.broadcast %add3A_722 : i32 to vector<16xi32>
      %add3A_724 = arith.addi %mul3A_393, %add3A_723 : vector<16xi32>
      %gather3A_725 = tpu.vector_load_idx %arg14[%add3A_724] : memref<16384xf32, #tpu.memory_space<vmem>>[vector<16xi32>], vector<16xf32>,
      %gather3A_726 = tpu.vector_load_idx %arg15[%add3A_724] : memref<16384xf32, #tpu.memory_space<vmem>>[vector<16xi32>], vector<16xf32>,
      %mul3A_727 = arith.mulf %gather3A_725, %gather3A_726 : vector<16xf32>
      %add3A_728 = arith.addf %add3A_718, %mul3A_727 : vector<16xf32>
      %swap3A_729 = arith.index_cast %mul3A_402 : i32 to index
      %swap3A_730 = tpu.vector_load %arg19[%swap3A_729] {strides = array<i32>} : memref<512xf32, #tpu.memory_space<vmem>>, vector<16xf32>,
      tpu.vector_store %arg19[%swap3A_729], %add3A_728 {strides = array<i32>} : memref<512xf32, #tpu.memory_space<vmem>>, vector<16xf32>,
    }
    %scan3A_399 = arith.constant 32 : i32
    "tpu.region"() ({
      %run_scoped3A = tpu.sem_alloc : memref<!tpu.dma_semaphore, #tpu.memory_space<semaphore_mem>>
      %dma_start3A_400 = tpu.memref_slice %arg9[%mul3A_2] : memref<16384xf32, #tpu.memory_space<hbm>> -> memref<512xf32, #tpu.memory_space<hbm>>
      %dma_start3A_401 = tpu.memref_slice %arg9[%mul3A_2] : memref<16384xf32, #tpu.memory_space<hbm>> -> memref<512xf32, #tpu.memory_space<hbm>>
      tpu.enqueue_dma source(%arg19 : memref<512xf32, #tpu.memory_space<vmem>>) target(%dma_start3A_401 : memref<512xf32, #tpu.memory_space<hbm>>) target_semaphore(%run_scoped3A : memref<!tpu.dma_semaphore, #tpu.memory_space<semaphore_mem>>)
      %dma_wait3A_402 = tpu.memref_slice %arg9[%mul3A_2] : memref<16384xf32, #tpu.memory_space<hbm>> -> memref<512xf32, #tpu.memory_space<hbm>>
      %dma_wait3A_403 = tpu.memref_slice %arg9[%mul3A_2] : memref<16384xf32, #tpu.memory_space<hbm>> -> memref<512xf32, #tpu.memory_space<hbm>>
      tpu.wait_dma2 semaphore(%run_scoped3A : memref<!tpu.dma_semaphore, #tpu.memory_space<semaphore_mem>>) src(%arg19 : memref<512xf32, #tpu.memory_space<vmem>>) dst(%dma_wait3A_403 : memref<512xf32, #tpu.memory_space<hbm>>)
      tpu.yield
    }) : () -> ()
    return
  }
}

</mosaic_0001>

<sc_bundles>
// kernel: kernel.3.cloned.1.call-start
scs
__scs_entry_jumppad:
0x0: {  	(pc) =	sbr.rel $0x88, $3  }
0x1: {  	(tag) =	ssettag $0x0;
	lr =	simm.s32 $0x1  }
0x2: {  	[smem:$0x3F9A] =	sst lr;
	_ =	strace $0xD0000000  }
0x3: {  	_ = 	snop  }
0x4: {  	_ = 	snop  }
0x5: {  	_ = 	snop  }
0x6: {  	_ = 	snop  }
0x7: {  	_ = 	snop  }
__scs_overlays_trampoline_lowered:
0x8: {  	[smem:$0x3FA9] =	sst s0  }
0x9: {  	[smem:$0x3FAA] =	sst s1  }
0xa: {  	[smem:$0x3FAB] =	sst s2  }
0xb: {  	[smem:$0x3FAC] =	sst s3  }
0xc: {  	[smem:$0x3FAD] =	sst s4  }
0xd: {  	[smem:$0x3FAE] =	sst s5  }
0xe: {  	[smem:$0x3FAF] =	sst s6  }
0xf: {  	[smem:$0x3FB0] =	sst s7  }
0x10: {  	[smem:$0x3FB1] =	sst s8  }
0x11: {  	[smem:$0x3FB2] =	sst s9;
	s0 =	simm.s32 @!p0 $0x0  }
0x12: {  	s1 =	sld [smem:$0x3F98];
	s0 =	simm.s32 @p0 $0x1  }
0x13: {  	[smem:$0x3FB3] =	sst s0;
	s0 =	simm.s32 @!p1 $0x0  }
0x14: {  	s2 =	sld [smem:$0x3F97];
	s0 =	simm.s32 @p1 $0x1  }
0x15: {  	[smem:$0x3FB4] =	sst s0;
	s0 =	simm.s32 @!p2 $0x0  }
0x16: {  	s3 =	sld [smem:$0x3FDB];
	s0 =	simm.s32 @p2 $0x1  }
0x17: {  	s4 =	simm.s32 $0x1BF5;
	[smem:$0x3FB6] =	sst s0  }
0x18: {  	s0 =	sld [smem:$0x3F99];
	_ =	swait.ge [sflag:s4], $0x0  }
0x19: {  	s7 =	sld [smem:$0x3F9A]  }
0x1a: {  	s8 =	sadd.s32 $0xFFFFE003, lr  }
0x1b: {  	s9 =	sadd.s32 $0xFFFFFEF7, lr;
	s5 =	simm.s32 $0xFFFFFFFF;
	p2 =	slt.u32 s8, $0xFFFFF086  }
0x1c: {  	p1 =	slt.u32 s9, $0xF7A;
	s5 =	simm.s32 @!p2 $0x0  }
0x1d: {  	s5 =	simm.s32 @p1 $0x1;
	p0 =	seq.s32 s7, s2  }
0x1e: {  	s7 =	smul.u32 @!p0 $0xF7A, s2;
	p2 =	seq.s32 @!p0 s5, $0x0  }
0x1f: {  	s9 =	smul.u32 $0xF7A, s1;
	s8 =	simm.s32 @!p0 $0x1BF5;
	p2 =	por !p2, p0  }
0x20: {  	[sflag:s8] =	ssyncset.s32 @!p0 $0xFFFFF086;
	s6 =	sadd.s32 @!p0 s3, s7;
	s7 =	simm.s32 @!p0 $0x108  }
0x21: {  	s3 =	sadd.s32 s3, s9;
	s6 =	sadd.s32 @!p0 $0x88, s6;
	s7 =	simm.s32 @p2 $0x1082  }
0x22: {  	[simem:s7], [sflag:s8] =	dma.local @!p0 [hbm:s6], $0xF7A  }
0x23: {  	s9 =	sor.u32 $0xD0000000, s2;
	s6 =	simm.s32 $0x108;
	_ =	swait.ge @!p0 [sflag:s8], $0x0  }
0x24: {  	s3 =	sadd.s32 $0x88, s3;
	s6 =	simm.s32 @!p1 $0x1082;
	[sflag:s4] =	ssyncset.s32 $0xFFFFF086  }
0x25: {  	[simem:s6], [sflag:s4] =	dma.local [hbm:s3], $0xF7A  }
0x26: {  	[smem:$0x3F9A] =	sst s1;
	(tag) =	ssettag s2;
	_ =	strace s9  }
0x27: {  	s1 =	sld [smem:$0x3FAA]  }
0x28: {  	s2 =	sld [smem:$0x3FAB]  }
0x29: {  	s4 =	sld [smem:$0x3FAD]  }
0x2a: {  	p0 =	seq.s32 s5, $0x0;
	s5 =	sld [smem:$0x3FAE]  }
0x2b: {  	s6 =	sld [smem:$0x3FAF]  }
0x2c: {  	s7 =	sld [smem:$0x3FB0]  }
0x2d: {  	s3 =	simm.s32 $0x108;
	s8 =	sld [smem:$0x3FB1]  }
0x2e: {  	s3 =	simm.s32 @!p0 $0x1082;
	s9 =	sld [smem:$0x3FB2]  }
0x2f: {  	lr =	sadd.s32 s0, s3;
	s0 =	sld [smem:$0x3FA9]  }
0x30: {  	s3 =	sld [smem:$0x3FAC]  }
0x31: {  	[smem:$0x3FB5] =	sst s10  }
0x32: {  	s10 =	sld [smem:$0x3FB3];
	_ =	sdelay $0x3  }
0x33: {  	p0 =	seq.s32 s10, $0x1;
	s10 =	sld [smem:$0x3FB5];
	_ =	sdelay $0x3  }
0x34: {  	[smem:$0x3FB5] =	sst s10  }
0x35: {  	s10 =	sld [smem:$0x3FB4];
	_ =	sdelay $0x3  }
0x36: {  	p1 =	seq.s32 s10, $0x1;
	s10 =	sld [smem:$0x3FB5];
	_ =	sdelay $0x3  }
0x37: {  	[smem:$0x3FB5] =	sst s10  }
0x38: {  	s10 =	sld [smem:$0x3FB6]  }
0x39: {  	_ = 	snop;
	(pc) =	sbr.ind lr, $3  }
0x3a: {  	_ = 	snop  }
0x3b: {  	_ = 	snop  }
0x3c: {  	p2 =	seq.s32 s10, $0x1;
	s10 =	sld [smem:$0x3FB5]  }
0x3d: {  	_ =	shalt  }
0x3e: {  	_ =	shalt  }
0x3f: {  	_ =	shalt  }
0x40: {  	_ =	shalt  }
0x41: {  	_ =	shalt  }
0x42: {  	_ =	shalt  }
0x43: {  	_ =	shalt  }
0x44: {  	_ =	shalt  }
0x45: {  	_ =	shalt  }
0x46: {  	_ =	shalt  }
0x47: {  	_ =	shalt  }
0x48: {  	_ =	shalt  }
0x49: {  	_ =	shalt  }
0x4a: {  	_ =	shalt  }
0x4b: {  	_ =	shalt  }
0x4c: {  	_ =	shalt  }
0x4d: {  	_ =	shalt  }
0x4e: {  	_ =	shalt  }
0x4f: {  	_ =	shalt  }
0x50: {  	_ =	shalt  }
0x51: {  	_ =	shalt  }
0x52: {  	_ =	shalt  }
0x53: {  	_ =	shalt  }
0x54: {  	_ =	shalt  }
0x55: {  	_ =	shalt  }
0x56: {  	_ =	shalt  }
0x57: {  	_ =	shalt  }
0x58: {  	_ =	shalt  }
0x59: {  	_ =	shalt  }
0x5a: {  	_ =	shalt  }
0x5b: {  	_ =	shalt  }
0x5c: {  	_ =	shalt  }
0x5d: {  	_ =	shalt  }
0x5e: {  	_ =	shalt  }
0x5f: {  	_ =	shalt  }
0x60: {  	_ =	shalt  }
0x61: {  	_ =	shalt  }
0x62: {  	_ =	shalt  }
0x63: {  	_ =	shalt  }
0x64: {  	_ =	shalt  }
0x65: {  	_ =	shalt  }
0x66: {  	_ =	shalt  }
0x67: {  	_ =	shalt  }
0x68: {  	_ =	shalt  }
0x69: {  	_ =	shalt  }
0x6a: {  	_ =	shalt  }
0x6b: {  	_ =	shalt  }
0x6c: {  	_ =	shalt  }
0x6d: {  	_ =	shalt  }
0x6e: {  	_ =	shalt  }
0x6f: {  	_ =	shalt  }
0x70: {  	_ =	shalt  }
0x71: {  	_ =	shalt  }
0x72: {  	_ =	shalt  }
0x73: {  	_ =	shalt  }
0x74: {  	_ =	shalt  }
0x75: {  	_ =	shalt  }
0x76: {  	_ =	shalt  }
0x77: {  	_ =	shalt  }
0x78: {  	_ =	shalt  }
0x79: {  	_ =	shalt  }
0x7a: {  	_ =	shalt  }
0x7b: {  	_ =	shalt  }
0x7c: {  	_ =	shalt  }
0x7d: {  	_ =	shalt  }
0x7e: {  	_ =	shalt  }
0x7f: {  	_ =	shalt  }
0x80: {  	_ =	shalt  }
0x81: {  	_ =	shalt  }
0x82: {  	_ =	shalt  }
0x83: {  	_ =	shalt  }
0x84: {  	_ =	shalt  }
0x85: {  	_ =	shalt  }
0x86: {  	_ =	shalt  }
0x87: {  	_ =	shalt  }
.Lfunc_end0:
.L_simem_size_0:
called_computation_lowered:
.L_overlay_start_0:
0x88: {  	s2 =	sld [smem:$0x3FD9]  }
0x89: {  	s3 =	sld [smem:$0x3FFE];
	_ =	sdelay $0x1  }
0x8a: {  	s1 =	srdreg.scid  }
0x8b: {  	s0 =	sand.u32 $0x1, s1  }
0x8c: {  	s17 =	sshll.u32 s0, $0xA;
	s2 =	sadd.s32 s3, s2  }
0x8d: {  	s2 =	sadd.s32 s2, s17  }
0x8e: {  	[smem:$0x3FC1] =	sst s2  }
0x8f: {  	_ = 	snop  }
0x90: {  	s2 =	sld [smem:$0x3FC9]  }
0x91: {  	s18 =	sld [smem:$0x3FC8]  }
0x92: {  	s4 =	sld [smem:$0x3FC7]  }
0x93: {  	s5 =	sld [smem:$0x3FC6]  }
0x94: {  	s6 =	sld [smem:$0x3FD0];
	(tm) =	ssettm $0x1  }
0x95: {  	s7 =	sld [smem:$0x3FFB];
	_ =	sdelay $0x3  }
0x96: {  	_ =	strace s7  }
0x97: {  	s7 =	sld [smem:$0x3FFC];
	_ =	sdelay $0x3  }
0x98: {  	_ =	strace s7  }
0x99: {  	s7 =	sld [smem:$0x3FFD];
	_ =	sdelay $0x3  }
0x9a: {  	_ =	strace s7  }
0x9b: {  	_ =	strace $0x8FFFFFFF  }
0x9c: {  	s19 =	sld [smem:$0x3FDB];
	_ =	sdelay $0x1  }
0x9d: {  	s8 =	simm.s32 $_scs_section_size  }
0x9e: {  	s9 =	simm.s32 $_size__tile_overlayer_lowered;
	s10 =	simm.s32 $_tile_overlayer_lowered  }
0x9f: {  	s22 =	simm.s32 $0x1BFF;
	s21 =	sshll.u32 s10, $0x1;
	s7 =	sadd.s32 s8, s19  }
0xa0: {  	s11 =	simm.s32 $0x0;
	s20 =	sshll.u32 s9, $0x1;
	s9 =	sadd.s32 s21, s7  }
0xa1: {  	[timem:s11], [sflag:s22] =	dma.local [hbm:s9], s20  }
0xa2: {  	_ =	swait.ge [sflag:s22], s20  }
0xa3: {  	s8 =	ssub.s32 $0x0, s20;
	[sflag:s22] =	ssyncset.done $0x0  }
0xa4: {  	[sflag:s22] =	ssyncadd.s32 s8;
	_ =	sdelay $0x1  }
0xa5: {  	s23 =	simm.s32 $0x1B8B  }
0xa6: {  	_ =	swait.ge [sflag:s23], $0x1  }
0xa7: {  	[sflag:s23] =	ssyncset.done $0x0  }
0xa8: {  	s25 =	simm.s32 $0x1B8E;
	s24 =	sld [smem:$0x3FFE];
	[sflag:s23] =	ssyncadd.s32 $0xFFFFFFFF  }
0xa9: {  	s26 =	simm.s32 $execute0_lowered;
	[smem:$0x3FD2] =	sst s25  }
0xaa: {  	s9 =	sshll.u32 s26, $0x1;
	_ =	strace $0x80000046;
	[dreg:$0x1] =	wrdreg $0xFFFFFFFF  }
0xab: {  	s28 =	simm.s32 $_size_execute0_lowered;
	s7 =	sadd.s32 s7, s9;
	[dreg:$0x0] =	wrdreg $0x0  }
0xac: {  	s9 =	sshll.u32 s28, $0x1;
	[dreg:$0x2] =	wrdreg s7  }
0xad: {  	[dreg:$0x3] =	wrdreg s9  }
0xae: {  	[dreg:$0x4] =	wrdreg $0xC0  }
0xaf: {  	_ =	task [dreg:s11], $0x5FFFF  }
0xb0: {  	[dreg:$0x1] =	wrdreg $0xFFFFFFFF  }
0xb1: {  	[dreg:$0x0] =	wrdreg $0x60  }
0xb2: {  	[dreg:$0x2] =	wrdreg s2  }
0xb3: {  	[dreg:$0x3] =	wrdreg s18  }
0xb4: {  	[dreg:$0x4] =	wrdreg s4  }
0xb5: {  	[dreg:$0x5] =	wrdreg s5  }
0xb6: {  	[dreg:$0x6] =	wrdreg s24  }
0xb7: {  	[dreg:$0x7] =	wrdreg s6  }
0xb8: {  	[dreg:$0x8] =	wrdreg $0x9  }
0xb9: {  	_ =	task.clear_ibuf [dreg:s11], $0x9FFFF;
	_ =	strace $0x90000046  }
0xba: {  	s29 =	simm.s32 $0x9;
	_ =	strace $0x80000048  }
0xbb: {  	_ =	swait.ge [sflag:s29], $0x1  }
0xbc: {  	[sflag:s29] =	ssyncadd.s32 $0xFFFFFFFF  }
0xbd: {  	_ =	strace $0x90000048  }
0xbe: {  	_ =	sfence  }
0xbf: {  	s30 =	sld [smem:$0x0];
	_ =	sdelay $0x2  }
0xc0: {  	s31 =	sshll.u32 s1, $0xD;
	s1 =	sshrl.u32 s1, $0x2  }
0xc1: {  	s3 =	sand.u32 $0x4000, s31;
	s1 =	sadd.s32 s1, s30  }
0xc2: {  	s0 =	sor.u32 s3, s0;
	s1 =	sshll.u32 s1, $0x11  }
0xc3: {  	s0 =	sor.u32 s1, s0  }
0xc4: {  	s0 =	sadd.s32 $0x8F2B, s0  }
0xc5: {  	[sflag:s0] =	ssyncadd.remote.s32 $0x1  }
0xc6: {  	_ =	sfence.sel $0xFFFF  }
0xc7: {  	[dreg:$0x0] =	wrdreg $0xFFFFFFFF;
	(pc) =	sbr.abs _section_cstart, $3  }
0xc8: {  	[dreg:$0x1] =	wrdreg $0xFFFFFFFF  }
0xc9: {  	_ =	task.clear_ibuf [dreg:s11], $0x2FFFF;
	_ =	strace $0x9FFFFFFF  }
0xca: {  	(tm) =	ssettm $0x7FFFFFFF  }
0xcb: {  	_ =	shalt  }
tec
execute0_lowered:
.L_overlay_start_1:
0x0: {  	(tag) =	ssettag $0x1  }
0x1: {  	s0 =	rddreg [dreg:$0x0]  }
0x2: {  	s3 =	rddreg [dreg:$0x1]  }
0x3: {  	s8 =	rddreg [dreg:$0x4]  }
0x4: {  	s4 =	rddreg [dreg:$0x5]  }
0x5: {  	s10 =	simm.s32 $0x0;
	s5 =	srdreg.scid;
	s7 =	stileid.u32  }
0x6: {  	s29 =	simm.s32 $0x7A1400;
	s12 =	simm.s32 $0x9400;
	s16 =	simm.s32 $0x2400  }
0x7: {  	s9 =	simm.s32 $0x14400;
	s1 =	simm.s32 $0x0;
	[smem:$0x7FF] =	sst s10  }
0x8: {  	s6 =	sadd.s32 $0x1EA00, s8;
	s5 =	sand.u32 $0x1, s5;
	s7 =	sshll.u32 s7, $0x7  }
0x9: {  	s8 =	sadd.s32 $0x3D400, s8;
	s25 =	ssub.s32 $0x2, s5;
	s5 =	sshll.u32 s5, $0x6  }
0xa: {  	_ =	strace $0x80000047;
	[dreg:$0x7] =	wrdreg s6;
	s5 =	sor.u32 s5, s7  }
0xb: {  	[dreg:$0x8] =	wrdreg s8;
	s8 =	simm.s32 $0x10400;
	s0 =	sadd.s32 s0, s5  }
0xc: {  	v2 =	vlaneseq.u32;
	s26 =	sshrl.u32 s25, $0x1;
	s28 =	sadd.s32 s3, s5;
	[dreg:$0x9] =	wrdreg s0  }
0xd: {  	v0 =	vmul.u32 $0x80, v2;
	s6 =	ssub.s32 s25, s26;
	s30 =	sadd.s32 s4, s5;
	[dreg:$0xa] =	wrdreg s28  }
0xe: {  	s7 =	simm.s32 $0x8400;
	[dreg:$0xb] =	wrdreg s30;
	s31 =	smax.u32 s6, $0x1  }
0xf: {  	v2 =	vmul.u32 $0x20, v2;
	v1 =	vor.u32 $0x800, v0;
	s3 =	simm.s32 $0x4;
	s26 =	simm.s32 $0x1;
	[dreg:$0xc] =	wrdreg s31  }
.LBB2_1:
0x10: {  	[dreg:$0xd] =	wrdreg s1  }
0x11: {  	s0 =	rddreg [dreg:$0x9]  }
0x12: {  	[tilespmem:s10], [sflag:$0x4] =	stream.linear.gather [hbm4b:s0+s10], $0x200, $0x38;
	[tilespmem:$0x18A80] =	vst v63  }
0x13: {  	_ =	swait.ge [sflag:s3], $0x200  }
0x14: {  	[sflag:s3] =	ssyncset.done $0x0  }
0x15: {  	s1 =	simm.s32 $0x200;
	s6 =	rddreg [dreg:$0xa];
	[sflag:s3] =	ssyncadd.s32 $0xFFFFFE00  }
0x16: {  	[tilespmem:s1], [sflag:$0x4] =	stream.linear.gather [hbm4b:s6+s10], $0x200, $0x38;
	[tilespmem:$0x18A80] =	vst v63  }
0x17: {  	_ =	swait.ge [sflag:s3], $0x200  }
0x18: {  	[sflag:s3] =	ssyncset.done $0x0  }
0x19: {  	s4 =	simm.s32 $0x18800;
	s11 =	rddreg [dreg:$0x8];
	[sflag:s3] =	ssyncadd.s32 $0xFFFFFE00  }
0x1a: {  	[tilespmem:s4], [sflag:$0x4] =	stream.linear.gather [hbm4b:s11+s10], $0x80, $0x38;
	[tilespmem:$0x18A80] =	vst v63  }
0x1b: {  	_ =	swait.ge [sflag:s3], $0x80  }
0x1c: {  	[sflag:s3] =	ssyncset.done $0x0  }
0x1d: {  	[sflag:s3] =	ssyncadd.s32 $0xFFFFFF80  }
0x1e: {  	s14 =	simm.s32 $0x80;
	s15 =	simm.s32 $0x18400;
	s13 =	rddreg [dreg:$0x4]  }
0x1f: {  	[tilespmem:s15], [sflag:$0x3] =	stream.indirect.gather [hbm4b:s13+s14], $0x1, s10, s14, $0xb8;
	[tilespmem:$0x18A80] =	vst v63  }
0x20: {  	s5 =	simm.s32 $0x18600;
	s17 =	rddreg [dreg:$0x7]  }
0x21: {  	[tilespmem:s5], [sflag:$0x3] =	stream.indirect.gather [hbm4b:s17+s14], $0x1, s1, s14, $0xb8;
	[tilespmem:$0x18A80] =	vst v63  }
0x22: {  	s18 =	simm.s32 $0x18480;
	s19 =	simm.s32 $0x280  }
0x23: {  	[tilespmem:s18], [sflag:$0x3] =	stream.indirect.gather [hbm4b:s13+s14], $0x1, s14, s14, $0xb8;
	[tilespmem:$0x18A80] =	vst v63  }
0x24: {  	s20 =	simm.s32 $0x100;
	s21 =	simm.s32 $0x18500;
	s6 =	simm.s32 $0x18680  }
0x25: {  	[tilespmem:s6], [sflag:$0x3] =	stream.indirect.gather [hbm4b:s17+s14], $0x1, s19, s14, $0xb8;
	[tilespmem:$0x18A80] =	vst v63  }
0x26: {  	s22 =	simm.s32 $0x300;
	s23 =	simm.s32 $0x18700;
	s24 =	simm.s32 $0x180  }
0x27: {  	[tilespmem:s21], [sflag:$0x3] =	stream.indirect.gather [hbm4b:s13+s14], $0x1, s20, s14, $0xb8;
	[tilespmem:$0x18A80] =	vst v63  }
0x28: {  	s25 =	simm.s32 $0x18580;
	s30 =	simm.s32 $0x380;
	s31 =	simm.s32 $0x18780  }
0x29: {  	[tilespmem:s23], [sflag:$0x3] =	stream.indirect.gather [hbm4b:s17+s14], $0x1, s22, s14, $0xb8;
	[tilespmem:$0x18A80] =	vst v63  }
.Ltmp0:
0x2a: {  	s2 =	simm.s32 $0x0;
	s28 =	simm.s32 $0xB400;
	(pc) =	sbr.rel .LBB2_2-.Ltmp0, $4  }
0x2b: {  	[tilespmem:s25], [sflag:$0x3] =	stream.indirect.gather [hbm4b:s13+s14], $0x1, s24, s14, $0xb8;
	[tilespmem:$0x18A80] =	vst v63  }
0x2c: {  	s4 =	simm.s32 $0x0;
	s11 =	simm.s32 $0x3400;
	s3 =	simm.s32 $0x1400  }
0x2d: {  	[tilespmem:s31], [sflag:$0x3] =	stream.indirect.gather [hbm4b:s17+s14], $0x1, s30, s14, $0xb8;
	[tilespmem:$0x18A80] =	vst v63  }
0x2e: {  	v5 =	vimm.s32 $0x0;
	v6 =	vimm.s32 $0x0;
	s6 =	simm.s32 $0x0;
	s17 =	simm.s32 $0xA400;
	s14 =	simm.s32 $0x400  }
.LBB2_4:
0x2f: {  	s12 =	simm.s32 $0x2  }
0x30: {  	_ =	swait.ge [sflag:s12], $0x1000  }
0x31: {  	[sflag:s12] =	ssyncset.done $0x0  }
0x32: {  	[sflag:s12] =	ssyncadd.s32 $0xFFFFF000  }
0x33: {  	_ =	swait.ge [sflag:s12], $0x1000  }
0x34: {  	[sflag:s12] =	ssyncset.done $0x0  }
0x35: {  	[sflag:s12] =	ssyncadd.s32 $0xFFFFF000  }
0x36: {  	_ =	swait.ge [sflag:s12], $0x1000  }
0x37: {  	[sflag:s12] =	ssyncset.done $0x0  }
0x38: {  	[sflag:s12] =	ssyncadd.s32 $0xFFFFF000  }
0x39: {  	_ =	swait.ge [sflag:s12], $0x1000  }
0x3a: {  	[sflag:s12] =	ssyncset.done $0x0  }
0x3b: {  	[sflag:s12] =	ssyncadd.s32 $0xFFFFF000  }
0x3c: {  	_ =	swait.ge [sflag:s12], $0x1000  }
0x3d: {  	[sflag:s12] =	ssyncset.done $0x0  }
0x3e: {  	[sflag:s12] =	ssyncadd.s32 $0xFFFFF000  }
0x3f: {  	_ =	swait.ge [sflag:s12], $0x1000  }
0x40: {  	[sflag:s12] =	ssyncset.done $0x0  }
0x41: {  	[sflag:s12] =	ssyncadd.s32 $0xFFFFF000  }
0x42: {  	_ =	swait.ge [sflag:s12], $0x1000  }
0x43: {  	[sflag:s12] =	ssyncset.done $0x0  }
0x44: {  	[sflag:s12] =	ssyncadd.s32 $0xFFFFF000  }
0x45: {  	_ =	swait.ge [sflag:s12], $0x1000  }
0x46: {  	(v2sf) =	vpush v6, $0xC;
	_ =	sdelay $0xb  }
0x47: {  	(v2sf) =	vpush v5, $0xC;
	_ =	sdelay $0x2  }
0x48: {  	s0 =	spop (v2sf)  }
0x49: {  	s0 =	sand.u32 $0x7F, s0  }
0x4a: {  	v7 =	vor.u32 s0, v0;
	_ =	sdelay $0x2  }
0x4b: {  	[sflag:s12] =	ssyncset.done $0x0  }
0x4c: {  	s11 =	simm.s32 $0x4400;
	[sflag:s12] =	ssyncadd.s32 $0xFFFFF000  }
0x4d: {  	v7 =	vld.idx.msk [tilespmem:v7+s11+$0x0], $0xffff  }
0x4e: {  	v8 =	vor.u32 s0, v1  }
0x4f: {  	(v2sf) =	vpush v6, $0xD;
	_ =	sdelay $0x1  }
0x50: {  	s2 =	sshra.s32 s4, $0x2  }
0x51: {  	s5 =	spop (v2sf);
	[tilespmem:s2+$0x10380] =	vst v7  }
0x52: {  	s5 =	sand.u32 $0x7F, s5;
	v7 =	vld.idx.msk [tilespmem:v8+s11+$0x0], $0xffff  }
0x53: {  	v56 =	vor.u32 s5, v0;
	_ =	sdelay $0x3  }
0x54: {  	s16 =	simm.s32 $0xC400;
	[tilespmem:s2+$0x10390] =	vst v7  }
0x55: {  	v7 =	vld.idx.msk [tilespmem:v56+s16+$0x0], $0xffff  }
0x56: {  	v57 =	vor.u32 s5, v1  }
0x57: {  	(v2sf) =	vpush v5, $0xD;
	_ =	sdelay $0x2  }
0x58: {  	s13 =	spop (v2sf);
	[tilespmem:s2+$0x14380] =	vst v7  }
0x59: {  	s5 =	sand.u32 $0x7F, s13;
	v7 =	vld.idx.msk [tilespmem:v57+s16+$0x0], $0xffff  }
0x5a: {  	v58 =	vor.u32 s5, v0;
	_ =	sdelay $0x3  }
0x5b: {  	s17 =	simm.s32 $0x5400;
	[tilespmem:s2+$0x14390] =	vst v7  }
0x5c: {  	v7 =	vld.idx.msk [tilespmem:v58+s17+$0x0], $0xffff  }
0x5d: {  	v59 =	vor.u32 s5, v1  }
0x5e: {  	(v2sf) =	vpush v6, $0xE;
	_ =	sdelay $0x2  }
0x5f: {  	s15 =	spop (v2sf);
	[tilespmem:s2+$0x103A0] =	vst v7  }
0x60: {  	s5 =	sand.u32 $0x7F, s15;
	v7 =	vld.idx.msk [tilespmem:v59+s17+$0x0], $0xffff  }
0x61: {  	v60 =	vor.u32 s5, v0;
	_ =	sdelay $0x3  }
0x62: {  	s24 =	simm.s32 $0xD400;
	[tilespmem:s2+$0x103B0] =	vst v7  }
0x63: {  	v7 =	vld.idx.msk [tilespmem:v60+s24+$0x0], $0xffff  }
0x64: {  	v61 =	vor.u32 s5, v1  }
0x65: {  	(v2sf) =	vpush v5, $0xE;
	_ =	sdelay $0x2  }
0x66: {  	s18 =	spop (v2sf);
	[tilespmem:s2+$0x143A0] =	vst v7  }
0x67: {  	s5 =	sand.u32 $0x7F, s18;
	v7 =	vld.idx.msk [tilespmem:v61+s24+$0x0], $0xffff  }
0x68: {  	v62 =	vor.u32 s5, v0;
	_ =	sdelay $0x3  }
0x69: {  	s28 =	simm.s32 $0x6400;
	[tilespmem:s2+$0x143B0] =	vst v7  }
0x6a: {  	v7 =	vld.idx.msk [tilespmem:v62+s28+$0x0], $0xffff  }
0x6b: {  	v63 =	vor.u32 s5, v1  }
0x6c: {  	(v2sf) =	vpush v6, $0xF;
	_ =	sdelay $0x2  }
0x6d: {  	s23 =	spop (v2sf);
	[tilespmem:s2+$0x103C0] =	vst v7  }
0x6e: {  	s5 =	sand.u32 $0x7F, s23;
	v6 =	vld.idx.msk [tilespmem:v63+s28+$0x0], $0xffff  }
0x6f: {  	v7 =	vor.u32 s5, v0;
	_ =	sdelay $0x3  }
0x70: {  	s30 =	simm.s32 $0xE400;
	[tilespmem:s2+$0x103D0] =	vst v6  }
0x71: {  	v6 =	vld.idx.msk [tilespmem:v7+s30+$0x0], $0xffff  }
0x72: {  	v7 =	vor.u32 s5, v1  }
0x73: {  	(v2sf) =	vpush v5, $0xF;
	_ =	sdelay $0x2  }
0x74: {  	s25 =	spop (v2sf);
	[tilespmem:s2+$0x143C0] =	vst v6  }
0x75: {  	s5 =	sand.u32 $0x7F, s25;
	v5 =	vld.idx.msk [tilespmem:v7+s30+$0x0], $0xffff  }
0x76: {  	v6 =	vor.u32 s5, v0;
	_ =	sdelay $0x3  }
0x77: {  	s3 =	simm.s32 $0x7400;
	[tilespmem:s2+$0x143D0] =	vst v5  }
0x78: {  	v5 =	vld.idx.msk [tilespmem:v6+s3+$0x0], $0xffff  }
0x79: {  	v6 =	vor.u32 s5, v1;
	_ =	sdelay $0x3  }
0x7a: {  	s31 =	spop (v2sf);
	[tilespmem:s2+$0x103E0] =	vst v5  }
0x7b: {  	s5 =	sand.u32 $0x7F, s31;
	v5 =	vld.idx.msk [tilespmem:v6+s3+$0x0], $0xffff  }
0x7c: {  	v6 =	vor.u32 s5, v0;
	_ =	sdelay $0x3  }
0x7d: {  	s10 =	simm.s32 $0xF400;
	[tilespmem:s2+$0x103F0] =	vst v5  }
0x7e: {  	v5 =	vld.idx.msk [tilespmem:v6+s10+$0x0], $0xffff  }
0x7f: {  	v6 =	vor.u32 s5, v1;
	_ =	sdelay $0x3  }
0x80: {  	[tilespmem:s2+$0x143E0] =	vst v5  }
0x81: {  	v5 =	vld.idx.msk [tilespmem:v6+s10+$0x0], $0xffff;
	_ =	sdelay $0x4  }
0x82: {  	[tilespmem:s2+$0x143F0] =	vst v5  }
.LBB2_5:
0x83: {  	(v2sf) =	vpush v3, $0x4;
	_ =	sdelay $0x1  }
0x84: {  	(v2sf) =	vpush v4, $0x4;
	_ =	sdelay $0x1  }
0x85: {  	(v2sf) =	vpush v3, $0x5;
	_ =	sdelay $0x2  }
0x86: {  	(v2sf) =	vpush v4, $0x5;
	_ =	sdelay $0x2  }
0x87: {  	(v2sf) =	vpush v3, $0x6;
	_ =	sdelay $0x4  }
0x88: {  	s15 =	spop (v2sf);
	(v2sf) =	vpush v4, $0x6  }
0x89: {  	s1 =	rddreg [dreg:$0x2];
	s0 =	sand.u32 $0xFFFFF80, s15  }
0x8a: {  	s13 =	spop (v2sf);
	(v2sf) =	vpush v3, $0x7;
	s0 =	sadd.s32 s1, s0  }
0x8b: {  	[tilespmem:s11], [sflag:$0x2] =	stream.strided.gather [hbm4b:s0+s14], $0x1000, s29, s14, $0x38;
	[tilespmem:$0x18A80] =	vst v63  }
0x8c: {  	s2 =	rddreg [dreg:$0x3];
	s5 =	spop (v2sf);
	(v2sf) =	vpush v4, $0x7;
	s11 =	sand.u32 $0xFFFFF80, s13  }
0x8d: {  	s23 =	sand.u32 $0xFFFFF80, s5;
	s0 =	sadd.s32 s2, s11  }
0x8e: {  	[tilespmem:s16], [sflag:$0x2] =	stream.strided.gather [hbm4b:s0+s14], $0x1000, s29, s14, $0x38;
	[tilespmem:$0x18A80] =	vst v63  }
0x8f: {  	s18 =	spop (v2sf);
	s23 =	sadd.s32 s1, s23;
	s14 =	simm.s32 $0x400  }
0x90: {  	[tilespmem:s17], [sflag:$0x2] =	stream.strided.gather [hbm4b:s23+s14], $0x1000, s29, s14, $0x38;
	[tilespmem:$0x18A80] =	vst v63  }
0x91: {  	s17 =	sand.u32 $0xFFFFF80, s18  }
0x92: {  	s31 =	spop (v2sf);
	s23 =	sadd.s32 s2, s17  }
0x93: {  	[tilespmem:s24], [sflag:$0x2] =	stream.strided.gather [hbm4b:s23+s14], $0x1000, s29, s14, $0x38;
	[tilespmem:$0x18A80] =	vst v63  }
0x94: {  	s24 =	sand.u32 $0xFFFFF80, s31  }
0x95: {  	s23 =	sadd.s32 s1, s24  }
0x96: {  	[tilespmem:s28], [sflag:$0x2] =	stream.strided.gather [hbm4b:s23+s14], $0x1000, s29, s14, $0x38;
	[tilespmem:$0x18A80] =	vst v63  }
0x97: {  	s25 =	spop (v2sf)  }
0x98: {  	s0 =	sand.u32 $0xFFFFF80, s25  }
0x99: {  	s24 =	spop (v2sf);
	s23 =	sadd.s32 s2, s0  }
0x9a: {  	[tilespmem:s30], [sflag:$0x2] =	stream.strided.gather [hbm4b:s23+s14], $0x1000, s29, s14, $0x38;
	[tilespmem:$0x18A80] =	vst v63  }
0x9b: {  	s11 =	sand.u32 $0xFFFFF80, s24;
	s23 =	spop (v2sf)  }
0x9c: {  	s16 =	sadd.s32 s1, s11;
	s17 =	sand.u32 $0xFFFFF80, s23  }
0x9d: {  	[tilespmem:s3], [sflag:$0x2] =	stream.strided.gather [hbm4b:s16+s14], $0x1000, s29, s14, $0x38;
	[tilespmem:$0x18A80] =	vst v63  }
0x9e: {  	s16 =	sadd.s32 s2, s17  }
0x9f: {  	[tilespmem:s10], [sflag:$0x2] =	stream.strided.gather [hbm4b:s16+s14], $0x1000, s29, s14, $0x38;
	[tilespmem:$0x18A80] =	vst v63  }
0xa0: {  	_ =	swait.ge [sflag:s26], $0x1000  }
0xa1: {  	[sflag:s26] =	ssyncset.done $0x0  }
0xa2: {  	[sflag:s26] =	ssyncadd.s32 $0xFFFFF000  }
0xa3: {  	_ =	swait.ge [sflag:s26], $0x1000  }
0xa4: {  	[sflag:s26] =	ssyncset.done $0x0  }
0xa5: {  	[sflag:s26] =	ssyncadd.s32 $0xFFFFF000  }
0xa6: {  	_ =	swait.ge [sflag:s26], $0x1000  }
0xa7: {  	[sflag:s26] =	ssyncset.done $0x0  }
0xa8: {  	[sflag:s26] =	ssyncadd.s32 $0xFFFFF000  }
0xa9: {  	_ =	swait.ge [sflag:s26], $0x1000  }
0xaa: {  	[sflag:s26] =	ssyncset.done $0x0  }
0xab: {  	[sflag:s26] =	ssyncadd.s32 $0xFFFFF000  }
0xac: {  	_ =	swait.ge [sflag:s26], $0x1000  }
0xad: {  	[sflag:s26] =	ssyncset.done $0x0  }
0xae: {  	[sflag:s26] =	ssyncadd.s32 $0xFFFFF000  }
0xaf: {  	_ =	swait.ge [sflag:s26], $0x1000  }
0xb0: {  	[sflag:s26] =	ssyncset.done $0x0  }
0xb1: {  	[sflag:s26] =	ssyncadd.s32 $0xFFFFF000  }
0xb2: {  	s22 =	sand.u32 $0x7F, s22;
	_ =	swait.ge [sflag:s26], $0x1000  }
0xb3: {  	v5 =	vor.u32 s22, v0;
	[sflag:s26] =	ssyncset.done $0x0  }
0xb4: {  	[sflag:s26] =	ssyncadd.s32 $0xFFFFF000  }
0xb5: {  	_ =	swait.ge [sflag:s26], $0x1000  }
0xb6: {  	[sflag:s26] =	ssyncset.done $0x0  }
0xb7: {  	[sflag:s26] =	ssyncadd.s32 $0xFFFFF000  }
0xb8: {  	v5 =	vld.idx.msk [tilespmem:v5+s14+$0x0], $0xffff  }
0xb9: {  	v6 =	vor.u32 s22, v1;
	_ =	sdelay $0x3  }
0xba: {  	[tilespmem:s6+$0x10400] =	vst v5  }
0xbb: {  	s30 =	sand.u32 $0x7F, s21;
	v5 =	vld.idx.msk [tilespmem:v6+s14+$0x0], $0xffff  }
0xbc: {  	v6 =	vor.u32 s30, v0;
	_ =	sdelay $0x3  }
0xbd: {  	s0 =	simm.s32 $0x8400;
	[tilespmem:s6+$0x10410] =	vst v5  }
0xbe: {  	v5 =	vld.idx.msk [tilespmem:v6+s0+$0x0], $0xffff  }
0xbf: {  	v6 =	vor.u32 s30, v1;
	_ =	sdelay $0x3  }
0xc0: {  	[tilespmem:s6+$0x14400] =	vst v5  }
0xc1: {  	s11 =	sand.u32 $0x7F, s20;
	v5 =	vld.idx.msk [tilespmem:v6+s0+$0x0], $0xffff  }
0xc2: {  	v6 =	vor.u32 s11, v0;
	_ =	sdelay $0x3  }
0xc3: {  	s29 =	simm.s32 $0x1400;
	[tilespmem:s6+$0x14410] =	vst v5  }
0xc4: {  	v5 =	vld.idx.msk [tilespmem:v6+s29+$0x0], $0xffff  }
0xc5: {  	v6 =	vor.u32 s11, v1;
	_ =	sdelay $0x3  }
0xc6: {  	[tilespmem:s6+$0x10420] =	vst v5  }
0xc7: {  	s17 =	sand.u32 $0x7F, s19;
	v5 =	vld.idx.msk [tilespmem:v6+s29+$0x0], $0xffff  }
0xc8: {  	v6 =	vor.u32 s17, v0;
	_ =	sdelay $0x3  }
0xc9: {  	s19 =	simm.s32 $0x9400;
	[tilespmem:s6+$0x10430] =	vst v5  }
0xca: {  	v5 =	vld.idx.msk [tilespmem:v6+s19+$0x0], $0xffff  }
0xcb: {  	v6 =	vor.u32 s17, v1;
	_ =	sdelay $0x3  }
0xcc: {  	[tilespmem:s6+$0x14420] =	vst v5  }
0xcd: {  	s20 =	sand.u32 $0x7F, s7;
	v5 =	vld.idx.msk [tilespmem:v6+s19+$0x0], $0xffff  }
0xce: {  	v6 =	vor.u32 s20, v0;
	_ =	sdelay $0x3  }
0xcf: {  	s21 =	simm.s32 $0x2400;
	[tilespmem:s6+$0x14430] =	vst v5  }
0xd0: {  	v5 =	vld.idx.msk [tilespmem:v6+s21+$0x0], $0xffff  }
0xd1: {  	v6 =	vor.u32 s20, v1;
	_ =	sdelay $0x3  }
0xd2: {  	s22 =	rddreg [dreg:$0x13];
	[tilespmem:s6+$0x10440] =	vst v5  }
0xd3: {  	s7 =	sand.u32 $0x7F, s22;
	v5 =	vld.idx.msk [tilespmem:v6+s21+$0x0], $0xffff  }
0xd4: {  	v6 =	vor.u32 s7, v0;
	_ =	sdelay $0x3  }
0xd5: {  	s17 =	simm.s32 $0xA400;
	[tilespmem:s6+$0x10450] =	vst v5  }
0xd6: {  	v5 =	vld.idx.msk [tilespmem:v6+s17+$0x0], $0xffff  }
0xd7: {  	v6 =	vor.u32 s7, v1;
	_ =	sdelay $0x3  }
0xd8: {  	s11 =	rddreg [dreg:$0x12];
	[tilespmem:s6+$0x14440] =	vst v5  }
0xd9: {  	s7 =	sand.u32 $0x7F, s11;
	v5 =	vld.idx.msk [tilespmem:v6+s17+$0x0], $0xffff  }
0xda: {  	v6 =	vor.u32 s7, v0;
	_ =	sdelay $0x3  }
0xdb: {  	s11 =	simm.s32 $0x3400;
	[tilespmem:s6+$0x14450] =	vst v5  }
0xdc: {  	v5 =	vld.idx.msk [tilespmem:v6+s11+$0x0], $0xffff  }
0xdd: {  	v6 =	vor.u32 s7, v1;
	_ =	sdelay $0x3  }
0xde: {  	(v2sf) =	vpush v3, $0x8;
	s19 =	rddreg [dreg:$0x11];
	[tilespmem:s6+$0x10460] =	vst v5  }
0xdf: {  	s7 =	sand.u32 $0x7F, s19;
	v5 =	vld.idx.msk [tilespmem:v6+s11+$0x0], $0xffff  }
0xe0: {  	(v2sf) =	vpush v4, $0x8;
	v6 =	vor.u32 s7, v0;
	_ =	sdelay $0x3  }
0xe1: {  	s28 =	simm.s32 $0xB400;
	[tilespmem:s6+$0x10470] =	vst v5  }
0xe2: {  	(v2sf) =	vpush v3, $0x9;
	v5 =	vld.idx.msk [tilespmem:v6+s28+$0x0], $0xffff  }
0xe3: {  	v6 =	vor.u32 s7, v1  }
0xe4: {  	(v2sf) =	vpush v4, $0x9;
	_ =	sdelay $0x2  }
0xe5: {  	(v2sf) =	vpush v3, $0xA;
	[tilespmem:s6+$0x14460] =	vst v5  }
0xe6: {  	v5 =	vld.idx.msk [tilespmem:v6+s28+$0x0], $0xffff;
	_ =	sdelay $0x1  }
0xe7: {  	s22 =	spop (v2sf);
	(v2sf) =	vpush v4, $0xA;
	_ =	sdelay $0x1  }
0xe8: {  	s20 =	sand.u32 $0xFFFFF80, s22;
	s21 =	spop (v2sf)  }
0xe9: {  	s30 =	simm.s32 $0x7A1400;
	s19 =	sand.u32 $0xFFFFF80, s21;
	s7 =	sadd.s32 s1, s20;
	[tilespmem:s6+$0x14470] =	vst v5  }
0xea: {  	[tilespmem:s14], [sflag:$0x1] =	stream.strided.gather [hbm4b:s7+s14], $0x1000, s30, s14, $0x38;
	[tilespmem:$0x18A80] =	vst v63  }
0xeb: {  	(v2sf) =	vpush v3, $0xB;
	s20 =	simm.s32 $0x8400;
	s7 =	sadd.s32 s2, s19  }
0xec: {  	[tilespmem:s20], [sflag:$0x1] =	stream.strided.gather [hbm4b:s7+s14], $0x1000, s30, s14, $0x38;
	[tilespmem:$0x18A80] =	vst v63  }
0xed: {  	s20 =	spop (v2sf)  }
0xee: {  	s7 =	sand.u32 $0xFFFFF80, s20  }
0xef: {  	(v2sf) =	vpush v4, $0xB;
	s19 =	spop (v2sf);
	s7 =	sadd.s32 s1, s7  }
0xf0: {  	[tilespmem:s29], [sflag:$0x1] =	stream.strided.gather [hbm4b:s7+s14], $0x1000, s30, s14, $0x38;
	[tilespmem:$0x18A80] =	vst v63  }
0xf1: {  	s0 =	simm.s32 $0x9400;
	s30 =	sand.u32 $0xFFFFF80, s19  }
0xf2: {  	s29 =	simm.s32 $0x7A1400;
	s7 =	sadd.s32 s2, s30;
	s30 =	spop (v2sf)  }
0xf3: {  	[tilespmem:s0], [sflag:$0x1] =	stream.strided.gather [hbm4b:s7+s14], $0x1000, s29, s14, $0x38;
	[tilespmem:$0x18A80] =	vst v63  }
0xf4: {  	s7 =	sand.u32 $0xFFFFF80, s30  }
0xf5: {  	s16 =	simm.s32 $0x2400;
	s0 =	spop (v2sf);
	s7 =	sadd.s32 s1, s7  }
0xf6: {  	[tilespmem:s16], [sflag:$0x1] =	stream.strided.gather [hbm4b:s7+s14], $0x1000, s29, s14, $0x38;
	[tilespmem:$0x18A80] =	vst v63  }
0xf7: {  	s16 =	sand.u32 $0xFFFFF80, s0  }
0xf8: {  	s7 =	sadd.s32 s2, s16  }
0xf9: {  	[tilespmem:s17], [sflag:$0x1] =	stream.strided.gather [hbm4b:s7+s14], $0x1000, s29, s14, $0x38;
	[tilespmem:$0x18A80] =	vst v63  }
0xfa: {  	s7 =	spop (v2sf)  }
0xfb: {  	s16 =	sand.u32 $0xFFFFF80, s7  }
0xfc: {  	s16 =	sadd.s32 s1, s16  }
0xfd: {  	[tilespmem:s11], [sflag:$0x1] =	stream.strided.gather [hbm4b:s16+s14], $0x1000, s29, s14, $0x38;
	[tilespmem:$0x18A80] =	vst v63  }
0xfe: {  	[dreg:$0x15] =	wrdreg s0;
	s0 =	spop (v2sf)  }
0xff: {  	[dreg:$0x14] =	wrdreg s0;
	s0 =	sand.u32 $0xFFFFF80, s0  }
0x100: {  	s16 =	sadd.s32 s2, s0  }
0x101: {  	[tilespmem:s28], [sflag:$0x1] =	stream.strided.gather [hbm4b:s16+s14], $0x1000, s29, s14, $0x38;
	[tilespmem:$0x18A80] =	vst v63  }
0x102: {  	_ =	swait.ge [sflag:s12], $0x1000  }
0x103: {  	[sflag:s12] =	ssyncset.done $0x0  }
0x104: {  	[sflag:s12] =	ssyncadd.s32 $0xFFFFF000  }
0x105: {  	_ =	swait.ge [sflag:s12], $0x1000  }
0x106: {  	[sflag:s12] =	ssyncset.done $0x0  }
0x107: {  	[sflag:s12] =	ssyncadd.s32 $0xFFFFF000  }
0x108: {  	_ =	swait.ge [sflag:s12], $0x1000  }
0x109: {  	[sflag:s12] =	ssyncset.done $0x0  }
0x10a: {  	[sflag:s12] =	ssyncadd.s32 $0xFFFFF000  }
0x10b: {  	_ =	swait.ge [sflag:s12], $0x1000  }
0x10c: {  	[sflag:s12] =	ssyncset.done $0x0  }
0x10d: {  	[sflag:s12] =	ssyncadd.s32 $0xFFFFF000  }
0x10e: {  	_ =	swait.ge [sflag:s12], $0x1000  }
0x10f: {  	[sflag:s12] =	ssyncset.done $0x0  }
0x110: {  	[sflag:s12] =	ssyncadd.s32 $0xFFFFF000  }
0x111: {  	_ =	swait.ge [sflag:s12], $0x1000  }
0x112: {  	[sflag:s12] =	ssyncset.done $0x0  }
0x113: {  	[sflag:s12] =	ssyncadd.s32 $0xFFFFF000  }
0x114: {  	s15 =	sand.u32 $0x7F, s15;
	_ =	swait.ge [sflag:s12], $0x1000  }
0x115: {  	v5 =	vor.u32 s15, v0;
	[sflag:s12] =	ssyncset.done $0x0  }
0x116: {  	[sflag:s12] =	ssyncadd.s32 $0xFFFFF000  }
0x117: {  	_ =	swait.ge [sflag:s12], $0x1000  }
0x118: {  	[sflag:s12] =	ssyncset.done $0x0  }
0x119: {  	[sflag:s12] =	ssyncadd.s32 $0xFFFFF000;
	s12 =	simm.s32 $0x4400  }
0x11a: {  	v5 =	vld.idx.msk [tilespmem:v5+s12+$0x0], $0xffff  }
0x11b: {  	v6 =	vor.u32 s15, v1;
	_ =	sdelay $0x3  }
0x11c: {  	[tilespmem:s6+$0x10480] =	vst v5  }
0x11d: {  	s13 =	sand.u32 $0x7F, s13;
	v5 =	vld.idx.msk [tilespmem:v6+s12+$0x0], $0xffff  }
0x11e: {  	v6 =	vor.u32 s13, v0;
	_ =	sdelay $0x3  }
0x11f: {  	s16 =	simm.s32 $0xC400;
	[tilespmem:s6+$0x10490] =	vst v5  }
0x120: {  	v5 =	vld.idx.msk [tilespmem:v6+s16+$0x0], $0xffff  }
0x121: {  	v6 =	vor.u32 s13, v1;
	_ =	sdelay $0x3  }
0x122: {  	[tilespmem:s6+$0x14480] =	vst v5  }
0x123: {  	s5 =	sand.u32 $0x7F, s5;
	v5 =	vld.idx.msk [tilespmem:v6+s16+$0x0], $0xffff  }
0x124: {  	v6 =	vor.u32 s5, v0;
	_ =	sdelay $0x3  }
0x125: {  	s0 =	simm.s32 $0x5400;
	[tilespmem:s6+$0x14490] =	vst v5  }
0x126: {  	v5 =	vld.idx.msk [tilespmem:v6+s0+$0x0], $0xffff  }
0x127: {  	v6 =	vor.u32 s5, v1;
	_ =	sdelay $0x3  }
0x128: {  	[tilespmem:s6+$0x104A0] =	vst v5  }
0x129: {  	s5 =	sand.u32 $0x7F, s18;
	v5 =	vld.idx.msk [tilespmem:v6+s0+$0x0], $0xffff  }
0x12a: {  	v6 =	vor.u32 s5, v0;
	_ =	sdelay $0x3  }
0x12b: {  	s12 =	simm.s32 $0xD400;
	[tilespmem:s6+$0x104B0] =	vst v5  }
0x12c: {  	v5 =	vld.idx.msk [tilespmem:v6+s12+$0x0], $0xffff  }
0x12d: {  	v6 =	vor.u32 s5, v1;
	_ =	sdelay $0x3  }
0x12e: {  	[tilespmem:s6+$0x144A0] =	vst v5  }
0x12f: {  	s16 =	sand.u32 $0x7F, s31;
	v5 =	vld.idx.msk [tilespmem:v6+s12+$0x0], $0xffff  }
0x130: {  	v6 =	vor.u32 s16, v0;
	_ =	sdelay $0x3  }
0x131: {  	s18 =	simm.s32 $0x6400;
	[tilespmem:s6+$0x144B0] =	vst v5  }
0x132: {  	v5 =	vld.idx.msk [tilespmem:v6+s18+$0x0], $0xffff  }
0x133: {  	v6 =	vor.u32 s16, v1;
	_ =	sdelay $0x3  }
0x134: {  	[tilespmem:s6+$0x104C0] =	vst v5  }
0x135: {  	s25 =	sand.u32 $0x7F, s25;
	v5 =	vld.idx.msk [tilespmem:v6+s18+$0x0], $0xffff  }
0x136: {  	v6 =	vor.u32 s25, v0;
	_ =	sdelay $0x3  }
0x137: {  	s18 =	simm.s32 $0xE400;
	[tilespmem:s6+$0x104D0] =	vst v5  }
0x138: {  	v5 =	vld.idx.msk [tilespmem:v6+s18+$0x0], $0xffff  }
0x139: {  	v6 =	vor.u32 s25, v1;
	_ =	sdelay $0x3  }
0x13a: {  	[tilespmem:s6+$0x144C0] =	vst v5  }
0x13b: {  	s24 =	sand.u32 $0x7F, s24;
	v5 =	vld.idx.msk [tilespmem:v6+s18+$0x0], $0xffff  }
0x13c: {  	v6 =	vor.u32 s24, v0;
	_ =	sdelay $0x3  }
0x13d: {  	[tilespmem:s6+$0x144D0] =	vst v5  }
0x13e: {  	v5 =	vld.idx.msk [tilespmem:v6+s3+$0x0], $0xffff  }
0x13f: {  	v6 =	vor.u32 s24, v1;
	_ =	sdelay $0x1  }
0x140: {  	(v2sf) =	vpush v3, $0xC;
	_ =	sdelay $0x1  }
0x141: {  	(v2sf) =	vpush v4, $0xC;
	[tilespmem:s6+$0x104E0] =	vst v5  }
0x142: {  	s25 =	sand.u32 $0x7F, s23;
	v5 =	vld.idx.msk [tilespmem:v6+s3+$0x0], $0xffff  }
0x143: {  	v6 =	vor.u32 s25, v0;
	_ =	sdelay $0x2  }
0x144: {  	(v2sf) =	vpush v3, $0xD  }
0x145: {  	[tilespmem:s6+$0x104F0] =	vst v5  }
0x146: {  	(v2sf) =	vpush v4, $0xD;
	v5 =	vld.idx.msk [tilespmem:v6+s10+$0x0], $0xffff  }
0x147: {  	v6 =	vor.u32 s25, v1;
	_ =	sdelay $0x1  }
0x148: {  	(v2sf) =	vpush v3, $0xE;
	_ =	sdelay $0x1  }
0x149: {  	[tilespmem:s6+$0x144E0] =	vst v5  }
0x14a: {  	s31 =	spop (v2sf);
	(v2sf) =	vpush v4, $0xE;
	v5 =	vld.idx.msk [tilespmem:v6+s10+$0x0], $0xffff;
	_ =	sdelay $0x1  }
0x14b: {  	s25 =	spop (v2sf);
	(v2sf) =	vpush v3, $0xF;
	_ =	sdelay $0x1  }
0x14c: {  	s18 =	sand.u32 $0xFFFFF80, s31  }
0x14d: {  	s23 =	simm.s32 $0x4400;
	s0 =	sadd.s32 s1, s18;
	s24 =	sand.u32 $0xFFFFF80, s25;
	[tilespmem:s6+$0x144F0] =	vst v5  }
0x14e: {  	[tilespmem:s23], [sflag:$0x2] =	stream.strided.gather [hbm4b:s0+s14], $0x1000, s29, s14, $0x38;
	[tilespmem:$0x18A80] =	vst v63  }
0x14f: {  	s15 =	simm.s32 $0xC400;
	s0 =	sadd.s32 s2, s24;
	s24 =	spop (v2sf);
	(v2sf) =	vpush v4, $0xF  }
0x150: {  	[tilespmem:s15], [sflag:$0x2] =	stream.strided.gather [hbm4b:s0+s14], $0x1000, s29, s14, $0x38;
	[tilespmem:$0x18A80] =	vst v63  }
0x151: {  	s23 =	spop (v2sf);
	s15 =	sand.u32 $0xFFFFF80, s24  }
0x152: {  	s13 =	simm.s32 $0x5400;
	s18 =	sand.u32 $0xFFFFF80, s23;
	s0 =	sadd.s32 s1, s15  }
0x153: {  	[tilespmem:s13], [sflag:$0x2] =	stream.strided.gather [hbm4b:s0+s14], $0x1000, s29, s14, $0x38;
	[tilespmem:$0x18A80] =	vst v63  }
0x154: {  	s5 =	simm.s32 $0xD400;
	s15 =	spop (v2sf);
	s0 =	sadd.s32 s2, s18  }
0x155: {  	[tilespmem:s5], [sflag:$0x2] =	stream.strided.gather [hbm4b:s0+s14], $0x1000, s29, s14, $0x38;
	[tilespmem:$0x18A80] =	vst v63  }
0x156: {  	s5 =	sand.u32 $0xFFFFF80, s15  }
0x157: {  	s16 =	simm.s32 $0x6400;
	s13 =	spop (v2sf);
	s0 =	sadd.s32 s1, s5  }
0x158: {  	[tilespmem:s16], [sflag:$0x2] =	stream.strided.gather [hbm4b:s0+s14], $0x1000, s29, s14, $0x38;
	[tilespmem:$0x18A80] =	vst v63  }
0x159: {  	s16 =	sand.u32 $0xFFFFF80, s13;
	s0 =	spop (v2sf)  }
0x15a: {  	s12 =	simm.s32 $0xE400;
	s5 =	sadd.s32 s2, s16;
	s18 =	sand.u32 $0xFFFFF80, s0  }
0x15b: {  	[tilespmem:s12], [sflag:$0x2] =	stream.strided.gather [hbm4b:s5+s14], $0x1000, s29, s14, $0x38;
	[tilespmem:$0x18A80] =	vst v63  }
0x15c: {  	s5 =	sadd.s32 s1, s18  }
0x15d: {  	[tilespmem:s3], [sflag:$0x2] =	stream.strided.gather [hbm4b:s5+s14], $0x1000, s29, s14, $0x38;
	[tilespmem:$0x18A80] =	vst v63  }
0x15e: {  	s5 =	spop (v2sf)  }
0x15f: {  	s1 =	sand.u32 $0xFFFFF80, s5  }
0x160: {  	s16 =	sadd.s32 s2, s1  }
0x161: {  	[tilespmem:s10], [sflag:$0x2] =	stream.strided.gather [hbm4b:s16+s14], $0x1000, s29, s14, $0x38;
	[tilespmem:$0x18A80] =	vst v63  }
0x162: {  	_ =	swait.ge [sflag:s26], $0x1000  }
0x163: {  	[sflag:s26] =	ssyncset.done $0x0  }
0x164: {  	[sflag:s26] =	ssyncadd.s32 $0xFFFFF000  }
0x165: {  	_ =	swait.ge [sflag:s26], $0x1000  }
0x166: {  	[sflag:s26] =	ssyncset.done $0x0  }
0x167: {  	[sflag:s26] =	ssyncadd.s32 $0xFFFFF000  }
0x168: {  	_ =	swait.ge [sflag:s26], $0x1000  }
0x169: {  	[sflag:s26] =	ssyncset.done $0x0  }
0x16a: {  	[sflag:s26] =	ssyncadd.s32 $0xFFFFF000  }
0x16b: {  	_ =	swait.ge [sflag:s26], $0x1000  }
0x16c: {  	[sflag:s26] =	ssyncset.done $0x0  }
0x16d: {  	[sflag:s26] =	ssyncadd.s32 $0xFFFFF000  }
0x16e: {  	_ =	swait.ge [sflag:s26], $0x1000  }
0x16f: {  	[sflag:s26] =	ssyncset.done $0x0  }
0x170: {  	[sflag:s26] =	ssyncadd.s32 $0xFFFFF000  }
0x171: {  	_ =	swait.ge [sflag:s26], $0x1000  }
0x172: {  	[sflag:s26] =	ssyncset.done $0x0  }
0x173: {  	[sflag:s26] =	ssyncadd.s32 $0xFFFFF000  }
0x174: {  	s3 =	sand.u32 $0x7F, s22;
	_ =	swait.ge [sflag:s26], $0x1000  }
0x175: {  	v5 =	vor.u32 s3, v0;
	[sflag:s26] =	ssyncset.done $0x0  }
0x176: {  	[sflag:s26] =	ssyncadd.s32 $0xFFFFF000  }
0x177: {  	_ =	swait.ge [sflag:s26], $0x1000  }
0x178: {  	[sflag:s26] =	ssyncset.done $0x0  }
0x179: {  	[sflag:s26] =	ssyncadd.s32 $0xFFFFF000  }
0x17a: {  	v5 =	vld.idx.msk [tilespmem:v5+s14+$0x0], $0xffff  }
0x17b: {  	v6 =	vor.u32 s3, v1;
	_ =	sdelay $0x3  }
0x17c: {  	[tilespmem:s6+$0x10500] =	vst v5  }
0x17d: {  	s10 =	sand.u32 $0x7F, s21;
	v5 =	vld.idx.msk [tilespmem:v6+s14+$0x0], $0xffff  }
0x17e: {  	v6 =	vor.u32 s10, v0;
	_ =	sdelay $0x3  }
0x17f: {  	s12 =	simm.s32 $0x8400;
	[tilespmem:s6+$0x10510] =	vst v5  }
0x180: {  	v5 =	vld.idx.msk [tilespmem:v6+s12+$0x0], $0xffff  }
0x181: {  	v6 =	vor.u32 s10, v1;
	_ =	sdelay $0x3  }
0x182: {  	[tilespmem:s6+$0x14500] =	vst v5  }
0x183: {  	s18 =	sand.u32 $0x7F, s20;
	v5 =	vld.idx.msk [tilespmem:v6+s12+$0x0], $0xffff  }
0x184: {  	v6 =	vor.u32 s18, v0;
	_ =	sdelay $0x3  }
0x185: {  	s3 =	simm.s32 $0x1400;
	[tilespmem:s6+$0x14510] =	vst v5  }
0x186: {  	v5 =	vld.idx.msk [tilespmem:v6+s3+$0x0], $0xffff  }
0x187: {  	v6 =	vor.u32 s18, v1;
	_ =	sdelay $0x3  }
0x188: {  	[tilespmem:s6+$0x10520] =	vst v5  }
0x189: {  	s20 =	sand.u32 $0x7F, s19;
	v5 =	vld.idx.msk [tilespmem:v6+s3+$0x0], $0xffff  }
0x18a: {  	v6 =	vor.u32 s20, v0;
	_ =	sdelay $0x3  }
0x18b: {  	s21 =	simm.s32 $0x9400;
	[tilespmem:s6+$0x10530] =	vst v5  }
0x18c: {  	v5 =	vld.idx.msk [tilespmem:v6+s21+$0x0], $0xffff  }
0x18d: {  	v6 =	vor.u32 s20, v1;
	_ =	sdelay $0x3  }
0x18e: {  	[tilespmem:s6+$0x14520] =	vst v5  }
0x18f: {  	s22 =	sand.u32 $0x7F, s30;
	v5 =	vld.idx.msk [tilespmem:v6+s21+$0x0], $0xffff  }
0x190: {  	v6 =	vor.u32 s22, v0;
	_ =	sdelay $0x3  }
0x191: {  	s30 =	simm.s32 $0x2400;
	[tilespmem:s6+$0x14530] =	vst v5  }
0x192: {  	v5 =	vld.idx.msk [tilespmem:v6+s30+$0x0], $0xffff  }
0x193: {  	v6 =	vor.u32 s22, v1;
	_ =	sdelay $0x3  }
0x194: {  	s16 =	simm.s32 $0x2400;
	s2 =	rddreg [dreg:$0x15];
	[tilespmem:s6+$0x10540] =	vst v5  }
0x195: {  	s10 =	sand.u32 $0x7F, s2;
	v5 =	vld.idx.msk [tilespmem:v6+s16+$0x0], $0xffff  }
0x196: {  	v6 =	vor.u32 s10, v0;
	_ =	sdelay $0x3  }
0x197: {  	[tilespmem:s6+$0x10550] =	vst v5  }
0x198: {  	v5 =	vld.idx.msk [tilespmem:v6+s17+$0x0], $0xffff  }
0x199: {  	v6 =	vor.u32 s10, v1;
	_ =	sdelay $0x3  }
0x19a: {  	[tilespmem:s6+$0x14540] =	vst v5  }
0x19b: {  	s18 =	sand.u32 $0x7F, s7;
	v5 =	vld.idx.msk [tilespmem:v6+s17+$0x0], $0xffff  }
0x19c: {  	v6 =	vor.u32 s18, v0;
	_ =	sdelay $0x3  }
0x19d: {  	[tilespmem:s6+$0x14550] =	vst v5  }
0x19e: {  	v5 =	vld.idx.msk [tilespmem:v6+s11+$0x0], $0xffff  }
0x19f: {  	v6 =	vor.u32 s18, v1;
	_ =	sdelay $0x3  }
0x1a0: {  	s19 =	rddreg [dreg:$0x14];
	[tilespmem:s6+$0x10560] =	vst v5  }
0x1a1: {  	s20 =	sand.u32 $0x7F, s19;
	v5 =	vld.idx.msk [tilespmem:v6+s11+$0x0], $0xffff  }
0x1a2: {  	v6 =	vor.u32 s20, v0;
	_ =	sdelay $0x3  }
0x1a3: {  	[tilespmem:s6+$0x10570] =	vst v5  }
0x1a4: {  	v5 =	vld.idx.msk [tilespmem:v6+s28+$0x0], $0xffff  }
0x1a5: {  	v6 =	vor.u32 s20, v1;
	_ =	sdelay $0x3  }
0x1a6: {  	s4 =	sadd.s32 $0x800, s4;
	[tilespmem:s6+$0x14560] =	vst v5  }
0x1a7: {  	p0 =	sne.s32 s4, $0x10000;
	v5 =	vld.idx.msk [tilespmem:v6+s28+$0x0], $0xffff  }
.Ltmp1:
0x1a8: {  	_ = 	snop;
	(pc) =	sbr.rel @!p0 .LBB2_6-.Ltmp1, $4  }
0x1a9: {  	s21 =	rddreg [dreg:$0x10]  }
0x1aa: {  	s22 =	rddreg [dreg:$0xe]  }
0x1ab: {  	s12 =	simm.s32 $0x9400;
	s7 =	simm.s32 $0x8400;
	s30 =	rddreg [dreg:$0xf]  }
0x1ac: {  	s1 =	sadd.s32 $0x10, s22;
	s2 =	sadd.s32 $0x10, s30;
	v6 =	vmov v3;
	[tilespmem:s6+$0x14570] =	vst v5;
	s6 =	sadd.s32 $0x200, s21;
	v5 =	vmov v4  }
.LBB2_2:
0x1ad: {  	v3 =	vld [tilespmem:s2+$0x0]  }
0x1ae: {  	v4 =	vld [tilespmem:s1+$0x0];
	_ =	sdelay $0x3  }
0x1af: {  	(v2sf) =	vpush v3, $0x0  }
0x1b0: {  	(v2sf) =	vpush v4, $0x0;
	_ =	sdelay $0x1  }
0x1b1: {  	(v2sf) =	vpush v3, $0x1;
	_ =	sdelay $0x1  }
0x1b2: {  	(v2sf) =	vpush v4, $0x1;
	_ =	sdelay $0x1  }
0x1b3: {  	(v2sf) =	vpush v3, $0x2;
	_ =	sdelay $0x1  }
0x1b4: {  	(v2sf) =	vpush v4, $0x2;
	_ =	sdelay $0x5  }
0x1b5: {  	[dreg:$0xe] =	wrdreg s1;
	s22 =	spop (v2sf);
	(v2sf) =	vpush v3, $0x3  }
0x1b6: {  	s31 =	rddreg [dreg:$0x2];
	s21 =	spop (v2sf);
	(v2sf) =	vpush v4, $0x3  }
0x1b7: {  	s5 =	rddreg [dreg:$0x3];
	s0 =	sand.u32 $0xFFFFF80, s22  }
0x1b8: {  	s0 =	sadd.s32 s31, s0;
	s1 =	sand.u32 $0xFFFFF80, s21;
	s20 =	spop (v2sf)  }
0x1b9: {  	[tilespmem:s14], [sflag:$0x1] =	stream.strided.gather [hbm4b:s0+s14], $0x1000, s29, s14, $0x38;
	[tilespmem:$0x18A80] =	vst v63  }
0x1ba: {  	s0 =	sadd.s32 s5, s1;
	s10 =	sand.u32 $0xFFFFF80, s20;
	s19 =	spop (v2sf)  }
0x1bb: {  	[tilespmem:s7], [sflag:$0x1] =	stream.strided.gather [hbm4b:s0+s14], $0x1000, s29, s14, $0x38;
	[tilespmem:$0x18A80] =	vst v63  }
0x1bc: {  	s13 =	sand.u32 $0xFFFFF80, s19;
	s0 =	sadd.s32 s31, s10;
	s7 =	spop (v2sf)  }
0x1bd: {  	[tilespmem:s3], [sflag:$0x1] =	stream.strided.gather [hbm4b:s0+s14], $0x1000, s29, s14, $0x38;
	[tilespmem:$0x18A80] =	vst v63  }
0x1be: {  	s15 =	sand.u32 $0xFFFFF80, s7;
	s18 =	spop (v2sf);
	s0 =	sadd.s32 s5, s13  }
0x1bf: {  	[tilespmem:s12], [sflag:$0x1] =	stream.strided.gather [hbm4b:s0+s14], $0x1000, s29, s14, $0x38;
	[tilespmem:$0x18A80] =	vst v63  }
0x1c0: {  	s23 =	sand.u32 $0xFFFFF80, s18;
	s0 =	sadd.s32 s31, s15  }
0x1c1: {  	[tilespmem:s16], [sflag:$0x1] =	stream.strided.gather [hbm4b:s0+s14], $0x1000, s29, s14, $0x38;
	[tilespmem:$0x18A80] =	vst v63  }
0x1c2: {  	[dreg:$0xf] =	wrdreg s2;
	s0 =	sadd.s32 s5, s23  }
0x1c3: {  	[tilespmem:s17], [sflag:$0x1] =	stream.strided.gather [hbm4b:s0+s14], $0x1000, s29, s14, $0x38;
	[tilespmem:$0x18A80] =	vst v63  }
0x1c4: {  	p0 =	seq.s32 s4, $0x0;
	[dreg:$0x10] =	wrdreg s6;
	s24 =	spop (v2sf)  }
0x1c5: {  	[dreg:$0x13] =	wrdreg s18;
	s25 =	sand.u32 $0xFFFFF80, s24;
	s30 =	spop (v2sf)  }
.Ltmp2:
0x1c6: {  	s0 =	sadd.s32 s31, s25;
	s31 =	sand.u32 $0xFFFFF80, s30;
	(pc) =	sbr.rel @!p0 .LBB2_4-.Ltmp2, $4  }
0x1c7: {  	[tilespmem:s11], [sflag:$0x1] =	stream.strided.gather [hbm4b:s0+s14], $0x1000, s29, s14, $0x38;
	[tilespmem:$0x18A80] =	vst v63  }
0x1c8: {  	[dreg:$0x12] =	wrdreg s24;
	s0 =	sadd.s32 s5, s31  }
0x1c9: {  	[tilespmem:s28], [sflag:$0x1] =	stream.strided.gather [hbm4b:s0+s14], $0x1000, s29, s14, $0x38;
	[tilespmem:$0x18A80] =	vst v63  }
0x1ca: {  	[dreg:$0x11] =	wrdreg s30;
	s14 =	simm.s32 $0x400  }
.Ltmp3:
0x1cb: {  	(pc) =	sbr.rel .LBB2_5-.Ltmp3, $4  }
0x1cc: {  	s6 =	simm.s32 $0x0  }
0x1cd: {  	s11 =	simm.s32 $0x4400;
	s16 =	simm.s32 $0xC400;
	s17 =	simm.s32 $0x5400  }
0x1ce: {  	s24 =	simm.s32 $0xD400;
	s28 =	simm.s32 $0x6400;
	s30 =	simm.s32 $0xE400  }
0x1cf: {  	s3 =	simm.s32 $0x7400;
	s10 =	simm.s32 $0xF400;
	s12 =	simm.s32 $0x2  }
.LBB2_6:
0x1d0: {  	s1 =	simm.s32 $0x2  }
0x1d1: {  	_ =	swait.ge [sflag:s1], $0x1000  }
0x1d2: {  	[sflag:s1] =	ssyncset.done $0x0  }
0x1d3: {  	[sflag:s1] =	ssyncadd.s32 $0xFFFFF000  }
0x1d4: {  	_ =	swait.ge [sflag:s1], $0x1000  }
0x1d5: {  	[sflag:s1] =	ssyncset.done $0x0  }
0x1d6: {  	[sflag:s1] =	ssyncadd.s32 $0xFFFFF000  }
0x1d7: {  	_ =	swait.ge [sflag:s1], $0x1000  }
0x1d8: {  	[sflag:s1] =	ssyncset.done $0x0  }
0x1d9: {  	[sflag:s1] =	ssyncadd.s32 $0xFFFFF000  }
0x1da: {  	_ =	swait.ge [sflag:s1], $0x1000  }
0x1db: {  	[sflag:s1] =	ssyncset.done $0x0  }
0x1dc: {  	[sflag:s1] =	ssyncadd.s32 $0xFFFFF000  }
0x1dd: {  	_ =	swait.ge [sflag:s1], $0x1000  }
0x1de: {  	[sflag:s1] =	ssyncset.done $0x0  }
0x1df: {  	[sflag:s1] =	ssyncadd.s32 $0xFFFFF000  }
0x1e0: {  	_ =	swait.ge [sflag:s1], $0x1000  }
0x1e1: {  	[sflag:s1] =	ssyncset.done $0x0  }
0x1e2: {  	[sflag:s1] =	ssyncadd.s32 $0xFFFFF000  }
0x1e3: {  	s3 =	sand.u32 $0x7F, s31;
	_ =	swait.ge [sflag:s1], $0x1000  }
0x1e4: {  	v3 =	vor.u32 s3, v0;
	[sflag:s1] =	ssyncset.done $0x0  }
0x1e5: {  	[sflag:s1] =	ssyncadd.s32 $0xFFFFF000  }
0x1e6: {  	_ =	swait.ge [sflag:s1], $0x1000  }
0x1e7: {  	[sflag:s1] =	ssyncset.done $0x0  }
0x1e8: {  	s4 =	simm.s32 $0x4400;
	[sflag:s1] =	ssyncadd.s32 $0xFFFFF000  }
0x1e9: {  	v3 =	vld.idx.msk [tilespmem:v3+s4+$0x0], $0xffff  }
0x1ea: {  	v4 =	vor.u32 s3, v1;
	_ =	sdelay $0x3  }
0x1eb: {  	[tilespmem:$0x14380] =	vst v3  }
0x1ec: {  	s2 =	sand.u32 $0x7F, s25;
	v3 =	vld.idx.msk [tilespmem:v4+s4+$0x0], $0xffff  }
0x1ed: {  	v4 =	vor.u32 s2, v0;
	_ =	sdelay $0x3  }
0x1ee: {  	s6 =	simm.s32 $0xC400;
	[tilespmem:$0x14390] =	vst v3  }
0x1ef: {  	v3 =	vld.idx.msk [tilespmem:v4+s6+$0x0], $0xffff  }
0x1f0: {  	v4 =	vor.u32 s2, v1;
	_ =	sdelay $0x3  }
0x1f1: {  	[tilespmem:$0x18380] =	vst v3  }
0x1f2: {  	s10 =	sand.u32 $0x7F, s24;
	v3 =	vld.idx.msk [tilespmem:v4+s6+$0x0], $0xffff  }
0x1f3: {  	v4 =	vor.u32 s10, v0;
	_ =	sdelay $0x3  }
0x1f4: {  	s11 =	simm.s32 $0x5400;
	[tilespmem:$0x18390] =	vst v3  }
0x1f5: {  	v3 =	vld.idx.msk [tilespmem:v4+s11+$0x0], $0xffff  }
0x1f6: {  	v4 =	vor.u32 s10, v1;
	_ =	sdelay $0x3  }
0x1f7: {  	[tilespmem:$0x143A0] =	vst v3  }
0x1f8: {  	s14 =	sand.u32 $0x7F, s23;
	v3 =	vld.idx.msk [tilespmem:v4+s11+$0x0], $0xffff  }
0x1f9: {  	v4 =	vor.u32 s14, v0;
	_ =	sdelay $0x3  }
0x1fa: {  	s17 =	simm.s32 $0xD400;
	[tilespmem:$0x143B0] =	vst v3  }
0x1fb: {  	v3 =	vld.idx.msk [tilespmem:v4+s17+$0x0], $0xffff  }
0x1fc: {  	v4 =	vor.u32 s14, v1;
	_ =	sdelay $0x3  }
0x1fd: {  	[tilespmem:$0x183A0] =	vst v3  }
0x1fe: {  	s18 =	sand.u32 $0x7F, s15;
	v3 =	vld.idx.msk [tilespmem:v4+s17+$0x0], $0xffff  }
0x1ff: {  	v4 =	vor.u32 s18, v0;
	_ =	sdelay $0x3  }
0x200: {  	s19 =	simm.s32 $0x6400;
	[tilespmem:$0x183B0] =	vst v3  }
0x201: {  	v3 =	vld.idx.msk [tilespmem:v4+s19+$0x0], $0xffff  }
0x202: {  	v4 =	vor.u32 s18, v1;
	_ =	sdelay $0x3  }
0x203: {  	[tilespmem:$0x143C0] =	vst v3  }
0x204: {  	s20 =	sand.u32 $0x7F, s13;
	v3 =	vld.idx.msk [tilespmem:v4+s19+$0x0], $0xffff  }
0x205: {  	v4 =	vor.u32 s20, v0;
	_ =	sdelay $0x3  }
0x206: {  	s21 =	simm.s32 $0xE400;
	[tilespmem:$0x143D0] =	vst v3  }
0x207: {  	v3 =	vld.idx.msk [tilespmem:v4+s21+$0x0], $0xffff  }
0x208: {  	v4 =	vor.u32 s20, v1;
	_ =	sdelay $0x3  }
0x209: {  	[tilespmem:$0x183C0] =	vst v3  }
0x20a: {  	s0 =	sand.u32 $0x7F, s0;
	v3 =	vld.idx.msk [tilespmem:v4+s21+$0x0], $0xffff  }
0x20b: {  	v4 =	vor.u32 s0, v0;
	_ =	sdelay $0x3  }
0x20c: {  	s22 =	simm.s32 $0x7400;
	[tilespmem:$0x183D0] =	vst v3  }
0x20d: {  	v3 =	vld.idx.msk [tilespmem:v4+s22+$0x0], $0xffff  }
0x20e: {  	v4 =	vor.u32 s0, v1;
	_ =	sdelay $0x3  }
0x20f: {  	[tilespmem:$0x143E0] =	vst v3  }
0x210: {  	s23 =	sand.u32 $0x7F, s5;
	v3 =	vld.idx.msk [tilespmem:v4+s22+$0x0], $0xffff  }
0x211: {  	v4 =	vor.u32 s23, v0;
	_ =	sdelay $0x3  }
0x212: {  	s24 =	simm.s32 $0xF400;
	[tilespmem:$0x143F0] =	vst v3  }
0x213: {  	v3 =	vld.idx.msk [tilespmem:v4+s24+$0x0], $0xffff  }
0x214: {  	v4 =	vor.u32 s23, v1;
	_ =	sdelay $0x3  }
0x215: {  	[tilespmem:$0x183E0] =	vst v3  }
0x216: {  	v3 =	vld.idx.msk [tilespmem:v4+s24+$0x0], $0xffff;
	_ =	sdelay $0x4  }
0x217: {  	s25 =	simm.s32 $0x3;
	[tilespmem:$0x183F0] =	vst v3  }
0x218: {  	_ =	swait.ge [sflag:s25], $0x80  }
0x219: {  	[sflag:s25] =	ssyncset.done $0x0  }
0x21a: {  	[sflag:s25] =	ssyncadd.s32 $0xFFFFFF80  }
0x21b: {  	_ =	swait.ge [sflag:s25], $0x80  }
0x21c: {  	[sflag:s25] =	ssyncset.done $0x0  }
0x21d: {  	[sflag:s25] =	ssyncadd.s32 $0xFFFFFF80  }
0x21e: {  	_ =	swait.ge [sflag:s25], $0x80  }
0x21f: {  	[sflag:s25] =	ssyncset.done $0x0  }
0x220: {  	[sflag:s25] =	ssyncadd.s32 $0xFFFFFF80  }
0x221: {  	_ =	swait.ge [sflag:s25], $0x80  }
0x222: {  	[sflag:s25] =	ssyncset.done $0x0  }
0x223: {  	[sflag:s25] =	ssyncadd.s32 $0xFFFFFF80  }
0x224: {  	_ =	swait.ge [sflag:s25], $0x80  }
0x225: {  	[sflag:s25] =	ssyncset.done $0x0  }
0x226: {  	[sflag:s25] =	ssyncadd.s32 $0xFFFFFF80  }
0x227: {  	_ =	swait.ge [sflag:s25], $0x80  }
0x228: {  	[sflag:s25] =	ssyncset.done $0x0  }
0x229: {  	[sflag:s25] =	ssyncadd.s32 $0xFFFFFF80  }
0x22a: {  	_ =	swait.ge [sflag:s25], $0x80  }
0x22b: {  	s28 =	simm.s32 $0x0;
	[sflag:s25] =	ssyncset.done $0x0  }
0x22c: {  	v4 =	vor.u32 s28, v2;
	[sflag:s25] =	ssyncadd.s32 $0xFFFFFF80  }
0x22d: {  	_ =	swait.ge [sflag:s25], $0x80  }
0x22e: {  	[sflag:s25] =	ssyncset.done $0x0  }
0x22f: {  	s30 =	simm.s32 $0x1;
	[sflag:s25] =	ssyncadd.s32 $0xFFFFFF80  }
0x230: {  	v5 =	vor.u32 s30, v2;
	v3 =	vld [tilespmem:$0x18800]  }
0x231: {  	s31 =	simm.s32 $0x18400;
	s1 =	simm.s32 $0x2;
	v6 =	vld.idx.msk [tilespmem:v4+s8+$0x0], $0xffff  }
0x232: {  	v7 =	vor.u32 s1, v2;
	v8 =	vld [tilespmem:s31+$0x0]  }
0x233: {  	s4 =	simm.s32 $0x3;
	s2 =	simm.s32 $0x18600;
	v4 =	vld.idx.msk [tilespmem:v4+s9+$0x0], $0xffff  }
0x234: {  	v9 =	vor.u32 s4, v2;
	v10 =	vld [tilespmem:s2+$0x0]  }
0x235: {  	s5 =	simm.s32 $0x4;
	v11 =	vld.idx.msk [tilespmem:v5+s8+$0x0], $0xffff  }
0x236: {  	v12 =	vor.u32 s5, v2;
	v5 =	vld.idx.msk [tilespmem:v5+s9+$0x0], $0xffff  }
0x237: {  	s6 =	simm.s32 $0x5;
	v13 =	vld.idx.msk [tilespmem:v7+s8+$0x0], $0xffff;
	v8 =	vadd.f32 v8, v3  }
0x238: {  	v14 =	vor.u32 s6, v2;
	v7 =	vld.idx.msk [tilespmem:v7+s9+$0x0], $0xffff  }
0x239: {  	s10 =	simm.s32 $0x6;
	v15 =	vld.idx.msk [tilespmem:v9+s8+$0x0], $0xffff;
	v4 =	vmul.f32 v4, v6;
	v8 =	vadd.f32 v10, v8  }
0x23a: {  	v41 =	vor.u32 s10, v2;
	v6 =	vld.idx.msk [tilespmem:v9+s9+$0x0], $0xffff  }
0x23b: {  	s11 =	simm.s32 $0x7;
	v42 =	vld.idx.msk [tilespmem:v12+s8+$0x0], $0xffff;
	v5 =	vmul.f32 v5, v11;
	v4 =	vadd.f32 v4, v8  }
0x23c: {  	v43 =	vor.u32 s11, v2;
	v8 =	vld.idx.msk [tilespmem:v12+s9+$0x0], $0xffff  }
0x23d: {  	s13 =	simm.s32 $0x8;
	v44 =	vld.idx.msk [tilespmem:v14+s8+$0x0], $0xffff;
	v4 =	vadd.f32 v5, v4;
	v5 =	vmul.f32 v7, v13  }
0x23e: {  	v45 =	vor.u32 s13, v2;
	v7 =	vld.idx.msk [tilespmem:v14+s9+$0x0], $0xffff  }
0x23f: {  	s14 =	simm.s32 $0x9;
	v46 =	vld.idx.msk [tilespmem:v41+s8+$0x0], $0xffff;
	v4 =	vadd.f32 v5, v4;
	v5 =	vmul.f32 v6, v15  }
0x240: {  	v47 =	vor.u32 s14, v2;
	v6 =	vld.idx.msk [tilespmem:v41+s9+$0x0], $0xffff  }
0x241: {  	s15 =	simm.s32 $0xA;
	v48 =	vld.idx.msk [tilespmem:v43+s8+$0x0], $0xffff;
	v4 =	vadd.f32 v5, v4;
	v5 =	vmul.f32 v8, v42  }
0x242: {  	v49 =	vor.u32 s15, v2;
	v8 =	vld.idx.msk [tilespmem:v43+s9+$0x0], $0xffff  }
0x243: {  	s17 =	simm.s32 $0xB;
	v50 =	vld.idx.msk [tilespmem:v45+s8+$0x0], $0xffff;
	v4 =	vadd.f32 v5, v4;
	v5 =	vmul.f32 v7, v44  }
0x244: {  	v51 =	vor.u32 s17, v2;
	v7 =	vld.idx.msk [tilespmem:v45+s9+$0x0], $0xffff  }
0x245: {  	s18 =	simm.s32 $0xC;
	v52 =	vld.idx.msk [tilespmem:v47+s8+$0x0], $0xffff;
	v4 =	vadd.f32 v5, v4;
	v5 =	vmul.f32 v6, v46  }
0x246: {  	v53 =	vor.u32 s18, v2;
	v6 =	vld.idx.msk [tilespmem:v47+s9+$0x0], $0xffff  }
0x247: {  	s19 =	simm.s32 $0xD;
	v54 =	vld.idx.msk [tilespmem:v49+s8+$0x0], $0xffff;
	v4 =	vadd.f32 v5, v4;
	v5 =	vmul.f32 v8, v48  }
0x248: {  	v55 =	vor.u32 s19, v2;
	v8 =	vld.idx.msk [tilespmem:v49+s9+$0x0], $0xffff  }
0x249: {  	s20 =	simm.s32 $0xE;
	v56 =	vld.idx.msk [tilespmem:v51+s8+$0x0], $0xffff;
	v4 =	vadd.f32 v5, v4;
	v5 =	vmul.f32 v7, v50  }
0x24a: {  	v57 =	vor.u32 s20, v2;
	v7 =	vld.idx.msk [tilespmem:v51+s9+$0x0], $0xffff  }
0x24b: {  	s21 =	simm.s32 $0xF;
	v58 =	vld.idx.msk [tilespmem:v53+s8+$0x0], $0xffff;
	v4 =	vadd.f32 v5, v4;
	v5 =	vmul.f32 v6, v52  }
0x24c: {  	v59 =	vor.u32 s21, v2;
	v6 =	vld.idx.msk [tilespmem:v53+s9+$0x0], $0xffff  }
0x24d: {  	s22 =	simm.s32 $0x10;
	v60 =	vld.idx.msk [tilespmem:v55+s8+$0x0], $0xffff;
	v4 =	vadd.f32 v5, v4;
	v5 =	vmul.f32 v8, v54  }
0x24e: {  	v61 =	vor.u32 s22, v2;
	v8 =	vld.idx.msk [tilespmem:v55+s9+$0x0], $0xffff  }
0x24f: {  	s23 =	simm.s32 $0x11;
	v62 =	vld.idx.msk [tilespmem:v57+s8+$0x0], $0xffff;
	v4 =	vadd.f32 v5, v4;
	v5 =	vmul.f32 v7, v56  }
0x250: {  	v63 =	vor.u32 s23, v2;
	v7 =	vld.idx.msk [tilespmem:v57+s9+$0x0], $0xffff  }
0x251: {  	s24 =	simm.s32 $0x12;
	v18 =	vld.idx.msk [tilespmem:v59+s8+$0x0], $0xffff;
	v4 =	vadd.f32 v5, v4;
	v5 =	vmul.f32 v6, v58  }
0x252: {  	v19 =	vor.u32 s24, v2;
	v6 =	vld.idx.msk [tilespmem:v59+s9+$0x0], $0xffff  }
0x253: {  	s25 =	simm.s32 $0x13;
	v20 =	vld.idx.msk [tilespmem:v61+s8+$0x0], $0xffff;
	v4 =	vadd.f32 v5, v4;
	v5 =	vmul.f32 v8, v60  }
0x254: {  	v21 =	vor.u32 s25, v2;
	v8 =	vld.idx.msk [tilespmem:v61+s9+$0x0], $0xffff  }
0x255: {  	s28 =	simm.s32 $0x14;
	v22 =	vld.idx.msk [tilespmem:v63+s8+$0x0], $0xffff;
	v4 =	vadd.f32 v5, v4;
	v5 =	vmul.f32 v7, v62  }
0x256: {  	v23 =	vor.u32 s28, v2;
	v7 =	vld.idx.msk [tilespmem:v63+s9+$0x0], $0xffff  }
0x257: {  	s30 =	simm.s32 $0x15;
	v24 =	vld.idx.msk [tilespmem:v19+s8+$0x0], $0xffff;
	v4 =	vadd.f32 v5, v4;
	v5 =	vmul.f32 v6, v18  }
0x258: {  	v25 =	vor.u32 s30, v2;
	v6 =	vld.idx.msk [tilespmem:v19+s9+$0x0], $0xffff  }
0x259: {  	s31 =	simm.s32 $0x16;
	v26 =	vld.idx.msk [tilespmem:v21+s8+$0x0], $0xffff;
	v4 =	vadd.f32 v5, v4;
	v5 =	vmul.f32 v8, v20  }
0x25a: {  	v27 =	vor.u32 s31, v2;
	v8 =	vld.idx.msk [tilespmem:v21+s9+$0x0], $0xffff  }
0x25b: {  	s1 =	simm.s32 $0x17;
	v28 =	vld.idx.msk [tilespmem:v23+s8+$0x0], $0xffff;
	v4 =	vadd.f32 v5, v4;
	v5 =	vmul.f32 v7, v22  }
0x25c: {  	v29 =	vor.u32 s1, v2;
	v7 =	vld.idx.msk [tilespmem:v23+s9+$0x0], $0xffff  }
0x25d: {  	v30 =	vld.idx.msk [tilespmem:v25+s8+$0x0], $0xffff;
	s2 =	simm.s32 $0x18;
	v4 =	vadd.f32 v5, v4;
	v5 =	vmul.f32 v6, v24  }
0x25e: {  	v31 =	vor.u32 s2, v2;
	v6 =	vld.idx.msk [tilespmem:v25+s9+$0x0], $0xffff  }
0x25f: {  	s3 =	simm.s32 $0x19;
	v32 =	vld.idx.msk [tilespmem:v27+s8+$0x0], $0xffff;
	v4 =	vadd.f32 v5, v4;
	v5 =	vmul.f32 v8, v26  }
0x260: {  	v33 =	vor.u32 s3, v2;
	v8 =	vld.idx.msk [tilespmem:v27+s9+$0x0], $0xffff  }
0x261: {  	s4 =	simm.s32 $0x1A;
	v34 =	vld.idx.msk [tilespmem:v29+s8+$0x0], $0xffff;
	v4 =	vadd.f32 v5, v4;
	v5 =	vmul.f32 v7, v28  }
0x262: {  	v35 =	vor.u32 s4, v2;
	v7 =	vld.idx.msk [tilespmem:v29+s9+$0x0], $0xffff  }
0x263: {  	s5 =	simm.s32 $0x1B;
	v36 =	vld.idx.msk [tilespmem:v31+s8+$0x0], $0xffff;
	v4 =	vadd.f32 v5, v4;
	v5 =	vmul.f32 v6, v30  }
0x264: {  	v37 =	vor.u32 s5, v2;
	v6 =	vld.idx.msk [tilespmem:v31+s9+$0x0], $0xffff  }
0x265: {  	s6 =	simm.s32 $0x1C;
	v38 =	vld.idx.msk [tilespmem:v33+s8+$0x0], $0xffff;
	v4 =	vadd.f32 v5, v4;
	v5 =	vmul.f32 v8, v32  }
0x266: {  	v39 =	vor.u32 s6, v2;
	v8 =	vld.idx.msk [tilespmem:v33+s9+$0x0], $0xffff  }
0x267: {  	s10 =	simm.s32 $0x1D;
	v40 =	vld.idx.msk [tilespmem:v35+s8+$0x0], $0xffff;
	v4 =	vadd.f32 v5, v4;
	v5 =	vmul.f32 v7, v34  }
0x268: {  	v41 =	vor.u32 s10, v2;
	v7 =	vld.idx.msk [tilespmem:v35+s9+$0x0], $0xffff  }
0x269: {  	s11 =	simm.s32 $0x1E;
	v42 =	vld.idx.msk [tilespmem:v37+s8+$0x0], $0xffff;
	v4 =	vadd.f32 v5, v4;
	v5 =	vmul.f32 v6, v36  }
0x26a: {  	v43 =	vor.u32 s11, v2;
	v6 =	vld.idx.msk [tilespmem:v37+s9+$0x0], $0xffff  }
0x26b: {  	s13 =	simm.s32 $0x1F;
	v44 =	vld.idx.msk [tilespmem:v39+s8+$0x0], $0xffff;
	v4 =	vadd.f32 v5, v4;
	v5 =	vmul.f32 v8, v38  }
0x26c: {  	v45 =	vor.u32 s13, v2;
	v8 =	vld.idx.msk [tilespmem:v39+s9+$0x0], $0xffff  }
0x26d: {  	v46 =	vld.idx.msk [tilespmem:v41+s8+$0x0], $0xffff;
	v4 =	vadd.f32 v5, v4;
	v5 =	vmul.f32 v7, v40  }
0x26e: {  	v7 =	vld.idx.msk [tilespmem:v41+s9+$0x0], $0xffff  }
0x26f: {  	v47 =	vld.idx.msk [tilespmem:v43+s8+$0x0], $0xffff;
	v4 =	vadd.f32 v5, v4;
	v5 =	vmul.f32 v6, v42  }
0x270: {  	v6 =	vld.idx.msk [tilespmem:v43+s9+$0x0], $0xffff  }
0x271: {  	v48 =	vld.idx.msk [tilespmem:v45+s8+$0x0], $0xffff;
	v4 =	vadd.f32 v5, v4;
	v5 =	vmul.f32 v8, v44  }
0x272: {  	v8 =	vld.idx.msk [tilespmem:v45+s9+$0x0], $0xffff  }
0x273: {  	v4 =	vadd.f32 v5, v4;
	v5 =	vmul.f32 v7, v46;
	_ =	sdelay $0x1  }
0x274: {  	v4 =	vadd.f32 v5, v4;
	v5 =	vmul.f32 v6, v47  }
0x275: {  	s14 =	simm.s32 $0x200  }
0x276: {  	v6 =	vor.u32 s14, v2;
	v4 =	vadd.f32 v5, v4;
	v5 =	vmul.f32 v8, v48;
	_ =	sdelay $0x1  }
0x277: {  	v4 =	vadd.f32 v5, v4  }
0x278: {  	s15 =	simm.s32 $0x201;
	s3 =	simm.s32 $0x18880  }
0x279: {  	v5 =	vor.u32 s15, v2;
	[tilespmem:s3+$0x0] =	vst v4  }
0x27a: {  	s4 =	simm.s32 $0x18410;
	s17 =	simm.s32 $0x202;
	v4 =	vld.idx.msk [tilespmem:v6+s8+$0x0], $0xffff  }
0x27b: {  	v7 =	vor.u32 s17, v2;
	v8 =	vld [tilespmem:s4+$0x0]  }
0x27c: {  	s6 =	simm.s32 $0x18610;
	s18 =	simm.s32 $0x203;
	v6 =	vld.idx.msk [tilespmem:v6+s9+$0x0], $0xffff  }
0x27d: {  	v49 =	vor.u32 s18, v2;
	v50 =	vld [tilespmem:s6+$0x0]  }
0x27e: {  	s19 =	simm.s32 $0x204;
	v51 =	vld.idx.msk [tilespmem:v5+s8+$0x0], $0xffff  }
0x27f: {  	v52 =	vor.u32 s19, v2;
	v5 =	vld.idx.msk [tilespmem:v5+s9+$0x0], $0xffff  }
0x280: {  	s20 =	simm.s32 $0x205;
	v53 =	vld.idx.msk [tilespmem:v7+s8+$0x0], $0xffff;
	v8 =	vadd.f32 v8, v3  }
0x281: {  	v54 =	vor.u32 s20, v2;
	v7 =	vld.idx.msk [tilespmem:v7+s9+$0x0], $0xffff  }
0x282: {  	s21 =	simm.s32 $0x206;
	v55 =	vld.idx.msk [tilespmem:v49+s8+$0x0], $0xffff;
	v4 =	vmul.f32 v6, v4;
	v8 =	vadd.f32 v50, v8  }
0x283: {  	v56 =	vor.u32 s21, v2;
	v6 =	vld.idx.msk [tilespmem:v49+s9+$0x0], $0xffff  }
0x284: {  	s22 =	simm.s32 $0x207;
	v57 =	vld.idx.msk [tilespmem:v52+s8+$0x0], $0xffff;
	v5 =	vmul.f32 v5, v51;
	v4 =	vadd.f32 v4, v8  }
0x285: {  	v58 =	vor.u32 s22, v2;
	v8 =	vld.idx.msk [tilespmem:v52+s9+$0x0], $0xffff  }
0x286: {  	s23 =	simm.s32 $0x208;
	v59 =	vld.idx.msk [tilespmem:v54+s8+$0x0], $0xffff;
	v4 =	vadd.f32 v5, v4;
	v5 =	vmul.f32 v7, v53  }
0x287: {  	v60 =	vor.u32 s23, v2;
	v7 =	vld.idx.msk [tilespmem:v54+s9+$0x0], $0xffff  }
0x288: {  	s24 =	simm.s32 $0x209;
	v61 =	vld.idx.msk [tilespmem:v56+s8+$0x0], $0xffff;
	v4 =	vadd.f32 v5, v4;
	v5 =	vmul.f32 v6, v55  }
0x289: {  	v62 =	vor.u32 s24, v2;
	v6 =	vld.idx.msk [tilespmem:v56+s9+$0x0], $0xffff  }
0x28a: {  	s25 =	simm.s32 $0x20A;
	v63 =	vld.idx.msk [tilespmem:v58+s8+$0x0], $0xffff;
	v4 =	vadd.f32 v5, v4;
	v5 =	vmul.f32 v8, v57  }
0x28b: {  	v18 =	vor.u32 s25, v2;
	v8 =	vld.idx.msk [tilespmem:v58+s9+$0x0], $0xffff  }
0x28c: {  	s28 =	simm.s32 $0x20B;
	v19 =	vld.idx.msk [tilespmem:v60+s8+$0x0], $0xffff;
	v4 =	vadd.f32 v5, v4;
	v5 =	vmul.f32 v7, v59  }
0x28d: {  	v20 =	vor.u32 s28, v2;
	v7 =	vld.idx.msk [tilespmem:v60+s9+$0x0], $0xffff  }
0x28e: {  	s30 =	simm.s32 $0x20C;
	v21 =	vld.idx.msk [tilespmem:v62+s8+$0x0], $0xffff;
	v4 =	vadd.f32 v5, v4;
	v5 =	vmul.f32 v6, v61  }
0x28f: {  	v22 =	vor.u32 s30, v2;
	v6 =	vld.idx.msk [tilespmem:v62+s9+$0x0], $0xffff  }
0x290: {  	s31 =	simm.s32 $0x20D;
	v23 =	vld.idx.msk [tilespmem:v18+s8+$0x0], $0xffff;
	v4 =	vadd.f32 v5, v4;
	v5 =	vmul.f32 v8, v63  }
0x291: {  	v24 =	vor.u32 s31, v2;
	v8 =	vld.idx.msk [tilespmem:v18+s9+$0x0], $0xffff  }
0x292: {  	s1 =	simm.s32 $0x20E;
	v25 =	vld.idx.msk [tilespmem:v20+s8+$0x0], $0xffff;
	v4 =	vadd.f32 v5, v4;
	v5 =	vmul.f32 v7, v19  }
0x293: {  	v26 =	vor.u32 s1, v2;
	v7 =	vld.idx.msk [tilespmem:v20+s9+$0x0], $0xffff  }
0x294: {  	s2 =	simm.s32 $0x20F;
	v27 =	vld.idx.msk [tilespmem:v22+s8+$0x0], $0xffff;
	v4 =	vadd.f32 v5, v4;
	v5 =	vmul.f32 v6, v21  }
0x295: {  	v28 =	vor.u32 s2, v2;
	v6 =	vld.idx.msk [tilespmem:v22+s9+$0x0], $0xffff  }
0x296: {  	s5 =	simm.s32 $0x210;
	v29 =	vld.idx.msk [tilespmem:v24+s8+$0x0], $0xffff;
	v4 =	vadd.f32 v5, v4;
	v5 =	vmul.f32 v8, v23  }
0x297: {  	v30 =	vor.u32 s5, v2;
	v8 =	vld.idx.msk [tilespmem:v24+s9+$0x0], $0xffff  }
0x298: {  	s10 =	simm.s32 $0x211;
	v31 =	vld.idx.msk [tilespmem:v26+s8+$0x0], $0xffff;
	v4 =	vadd.f32 v5, v4;
	v5 =	vmul.f32 v7, v25  }
0x299: {  	v32 =	vor.u32 s10, v2;
	v7 =	vld.idx.msk [tilespmem:v26+s9+$0x0], $0xffff  }
0x29a: {  	s11 =	simm.s32 $0x212;
	v33 =	vld.idx.msk [tilespmem:v28+s8+$0x0], $0xffff;
	v4 =	vadd.f32 v5, v4;
	v5 =	vmul.f32 v6, v27  }
0x29b: {  	v34 =	vor.u32 s11, v2;
	v6 =	vld.idx.msk [tilespmem:v28+s9+$0x0], $0xffff  }
0x29c: {  	s13 =	simm.s32 $0x213;
	v35 =	vld.idx.msk [tilespmem:v30+s8+$0x0], $0xffff;
	v4 =	vadd.f32 v5, v4;
	v5 =	vmul.f32 v8, v29  }
0x29d: {  	v36 =	vor.u32 s13, v2;
	v8 =	vld.idx.msk [tilespmem:v30+s9+$0x0], $0xffff  }
0x29e: {  	s14 =	simm.s32 $0x214;
	v37 =	vld.idx.msk [tilespmem:v32+s8+$0x0], $0xffff;
	v4 =	vadd.f32 v5, v4;
	v5 =	vmul.f32 v7, v31  }
0x29f: {  	v38 =	vor.u32 s14, v2;
	v7 =	vld.idx.msk [tilespmem:v32+s9+$0x0], $0xffff  }
0x2a0: {  	s15 =	simm.s32 $0x215;
	v39 =	vld.idx.msk [tilespmem:v34+s8+$0x0], $0xffff;
	v4 =	vadd.f32 v5, v4;
	v5 =	vmul.f32 v6, v33  }
0x2a1: {  	v40 =	vor.u32 s15, v2;
	v6 =	vld.idx.msk [tilespmem:v34+s9+$0x0], $0xffff  }
0x2a2: {  	s17 =	simm.s32 $0x216;
	v41 =	vld.idx.msk [tilespmem:v36+s8+$0x0], $0xffff;
	v4 =	vadd.f32 v5, v4;
	v5 =	vmul.f32 v8, v35  }
0x2a3: {  	v42 =	vor.u32 s17, v2;
	v8 =	vld.idx.msk [tilespmem:v36+s9+$0x0], $0xffff  }
0x2a4: {  	s18 =	simm.s32 $0x217;
	v43 =	vld.idx.msk [tilespmem:v38+s8+$0x0], $0xffff;
	v4 =	vadd.f32 v5, v4;
	v5 =	vmul.f32 v7, v37  }
0x2a5: {  	v44 =	vor.u32 s18, v2;
	v7 =	vld.idx.msk [tilespmem:v38+s9+$0x0], $0xffff  }
0x2a6: {  	s19 =	simm.s32 $0x218;
	v45 =	vld.idx.msk [tilespmem:v40+s8+$0x0], $0xffff;
	v4 =	vadd.f32 v5, v4;
	v5 =	vmul.f32 v6, v39  }
0x2a7: {  	v46 =	vor.u32 s19, v2;
	v6 =	vld.idx.msk [tilespmem:v40+s9+$0x0], $0xffff  }
0x2a8: {  	s20 =	simm.s32 $0x219;
	v47 =	vld.idx.msk [tilespmem:v42+s8+$0x0], $0xffff;
	v4 =	vadd.f32 v5, v4;
	v5 =	vmul.f32 v8, v41  }
0x2a9: {  	v48 =	vor.u32 s20, v2;
	v8 =	vld.idx.msk [tilespmem:v42+s9+$0x0], $0xffff  }
0x2aa: {  	s21 =	simm.s32 $0x21A;
	v49 =	vld.idx.msk [tilespmem:v44+s8+$0x0], $0xffff;
	v4 =	vadd.f32 v5, v4;
	v5 =	vmul.f32 v7, v43  }
0x2ab: {  	v50 =	vor.u32 s21, v2;
	v7 =	vld.idx.msk [tilespmem:v44+s9+$0x0], $0xffff  }
0x2ac: {  	s22 =	simm.s32 $0x21B;
	v51 =	vld.idx.msk [tilespmem:v46+s8+$0x0], $0xffff;
	v4 =	vadd.f32 v5, v4;
	v5 =	vmul.f32 v6, v45  }
0x2ad: {  	v52 =	vor.u32 s22, v2;
	v6 =	vld.idx.msk [tilespmem:v46+s9+$0x0], $0xffff  }
0x2ae: {  	s23 =	simm.s32 $0x21C;
	v53 =	vld.idx.msk [tilespmem:v48+s8+$0x0], $0xffff;
	v4 =	vadd.f32 v5, v4;
	v5 =	vmul.f32 v8, v47  }
0x2af: {  	v54 =	vor.u32 s23, v2;
	v8 =	vld.idx.msk [tilespmem:v48+s9+$0x0], $0xffff  }
0x2b0: {  	s24 =	simm.s32 $0x21D;
	v55 =	vld.idx.msk [tilespmem:v50+s8+$0x0], $0xffff;
	v4 =	vadd.f32 v5, v4;
	v5 =	vmul.f32 v7, v49  }
0x2b1: {  	v56 =	vor.u32 s24, v2;
	v7 =	vld.idx.msk [tilespmem:v50+s9+$0x0], $0xffff  }
0x2b2: {  	s25 =	simm.s32 $0x21E;
	v57 =	vld.idx.msk [tilespmem:v52+s8+$0x0], $0xffff;
	v4 =	vadd.f32 v5, v4;
	v5 =	vmul.f32 v6, v51  }
0x2b3: {  	v58 =	vor.u32 s25, v2;
	v6 =	vld.idx.msk [tilespmem:v52+s9+$0x0], $0xffff  }
0x2b4: {  	s28 =	simm.s32 $0x21F;
	v59 =	vld.idx.msk [tilespmem:v54+s8+$0x0], $0xffff;
	v4 =	vadd.f32 v5, v4;
	v5 =	vmul.f32 v8, v53  }
0x2b5: {  	v60 =	vor.u32 s28, v2;
	v8 =	vld.idx.msk [tilespmem:v54+s9+$0x0], $0xffff  }
0x2b6: {  	v61 =	vld.idx.msk [tilespmem:v56+s8+$0x0], $0xffff;
	v4 =	vadd.f32 v5, v4;
	v5 =	vmul.f32 v7, v55  }
0x2b7: {  	v7 =	vld.idx.msk [tilespmem:v56+s9+$0x0], $0xffff  }
0x2b8: {  	v62 =	vld.idx.msk [tilespmem:v58+s8+$0x0], $0xffff;
	v4 =	vadd.f32 v5, v4;
	v5 =	vmul.f32 v6, v57  }
0x2b9: {  	v6 =	vld.idx.msk [tilespmem:v58+s9+$0x0], $0xffff  }
0x2ba: {  	v63 =	vld.idx.msk [tilespmem:v60+s8+$0x0], $0xffff;
	v4 =	vadd.f32 v5, v4;
	v5 =	vmul.f32 v8, v59  }
0x2bb: {  	v8 =	vld.idx.msk [tilespmem:v60+s9+$0x0], $0xffff  }
0x2bc: {  	v4 =	vadd.f32 v5, v4;
	v5 =	vmul.f32 v7, v61;
	_ =	sdelay $0x1  }
0x2bd: {  	v4 =	vadd.f32 v5, v4;
	v5 =	vmul.f32 v6, v62  }
0x2be: {  	s30 =	simm.s32 $0x401  }
0x2bf: {  	s31 =	simm.s32 $0x400;
	v7 =	vmul.f32 v8, v63;
	v6 =	vadd.f32 v5, v4;
	v4 =	vor.u32 s30, v2  }
0x2c0: {  	v5 =	vor.u32 s31, v2  }
0x2c1: {  	s11 =	simm.s32 $0x41F;
	s14 =	simm.s32 $0x61F;
	v6 =	vadd.f32 v7, v6  }
.LBB2_7:
0x2c2: {  	p0 =	sne.s32 s14, $0x3E1F;
	s3 =	sadd.s32 $0x10, s3  }
0x2c3: {  	[tilespmem:s3+$0x0] =	vst v6  }
0x2c4: {  	s0 =	sadd.s32 $0xFFFFFFE3, s11;
	v6 =	vld.idx.msk [tilespmem:v4+s8+$0x0], $0xffff  }
0x2c5: {  	s4 =	sadd.s32 $0x10, s4;
	v8 =	vor.u32 s0, v2;
	v7 =	vld.idx.msk [tilespmem:v5+s8+$0x0], $0xffff  }
0x2c6: {  	s0 =	sadd.s32 $0xFFFFFFE4, s11;
	v9 =	vld [tilespmem:s4+$0x0]  }
0x2c7: {  	s6 =	sadd.s32 $0x10, s6;
	v10 =	vor.u32 s0, v2;
	v5 =	vld.idx.msk [tilespmem:v5+s9+$0x0], $0xffff  }
0x2c8: {  	s0 =	sadd.s32 $0xFFFFFFE5, s11;
	v11 =	vld [tilespmem:s6+$0x0]  }
0x2c9: {  	v12 =	vor.u32 s0, v2;
	v4 =	vld.idx.msk [tilespmem:v4+s9+$0x0], $0xffff  }
0x2ca: {  	s0 =	sadd.s32 $0xFFFFFFE6, s11;
	v13 =	vld.idx.msk [tilespmem:v8+s8+$0x0], $0xffff  }
0x2cb: {  	v14 =	vor.u32 s0, v2;
	v9 =	vadd.f32 v9, v3;
	v8 =	vld.idx.msk [tilespmem:v8+s9+$0x0], $0xffff  }
0x2cc: {  	s0 =	sadd.s32 $0xFFFFFFE7, s11;
	v15 =	vld.idx.msk [tilespmem:v10+s8+$0x0], $0xffff  }
0x2cd: {  	v5 =	vmul.f32 v5, v7;
	v9 =	vadd.f32 v11, v9;
	v7 =	vld.idx.msk [tilespmem:v10+s9+$0x0], $0xffff;
	v10 =	vor.u32 s0, v2  }
0x2ce: {  	s0 =	sadd.s32 $0xFFFFFFE8, s11;
	v11 =	vld.idx.msk [tilespmem:v12+s8+$0x0], $0xffff  }
0x2cf: {  	v4 =	vmul.f32 v4, v6;
	v5 =	vadd.f32 v5, v9;
	v6 =	vld.idx.msk [tilespmem:v12+s9+$0x0], $0xffff;
	v9 =	vor.u32 s0, v2  }
0x2d0: {  	s0 =	sadd.s32 $0xFFFFFFE9, s11;
	v12 =	vld.idx.msk [tilespmem:v14+s8+$0x0], $0xffff  }
0x2d1: {  	v4 =	vadd.f32 v4, v5;
	v5 =	vmul.f32 v8, v13;
	v8 =	vld.idx.msk [tilespmem:v14+s9+$0x0], $0xffff;
	v13 =	vor.u32 s0, v2  }
0x2d2: {  	s0 =	sadd.s32 $0xFFFFFFEA, s11;
	v14 =	vld.idx.msk [tilespmem:v10+s8+$0x0], $0xffff  }
0x2d3: {  	v4 =	vadd.f32 v5, v4;
	v5 =	vmul.f32 v7, v15;
	v7 =	vld.idx.msk [tilespmem:v10+s9+$0x0], $0xffff;
	v10 =	vor.u32 s0, v2  }
0x2d4: {  	s0 =	sadd.s32 $0xFFFFFFEB, s11;
	v15 =	vld.idx.msk [tilespmem:v9+s8+$0x0], $0xffff  }
0x2d5: {  	v4 =	vadd.f32 v5, v4;
	v5 =	vmul.f32 v6, v11;
	v6 =	vld.idx.msk [tilespmem:v9+s9+$0x0], $0xffff;
	v9 =	vor.u32 s0, v2  }
0x2d6: {  	s0 =	sadd.s32 $0xFFFFFFEC, s11;
	v11 =	vld.idx.msk [tilespmem:v13+s8+$0x0], $0xffff  }
0x2d7: {  	v4 =	vadd.f32 v5, v4;
	v5 =	vmul.f32 v8, v12;
	v8 =	vld.idx.msk [tilespmem:v13+s9+$0x0], $0xffff;
	v12 =	vor.u32 s0, v2  }
0x2d8: {  	s0 =	sadd.s32 $0xFFFFFFED, s11;
	v13 =	vld.idx.msk [tilespmem:v10+s8+$0x0], $0xffff  }
0x2d9: {  	v4 =	vadd.f32 v5, v4;
	v5 =	vmul.f32 v7, v14;
	v7 =	vld.idx.msk [tilespmem:v10+s9+$0x0], $0xffff;
	v10 =	vor.u32 s0, v2  }
0x2da: {  	s0 =	sadd.s32 $0xFFFFFFEE, s11;
	v14 =	vld.idx.msk [tilespmem:v9+s8+$0x0], $0xffff  }
0x2db: {  	v4 =	vadd.f32 v5, v4;
	v5 =	vmul.f32 v6, v15;
	v6 =	vld.idx.msk [tilespmem:v9+s9+$0x0], $0xffff;
	v9 =	vor.u32 s0, v2  }
0x2dc: {  	s0 =	sadd.s32 $0xFFFFFFEF, s11;
	v15 =	vld.idx.msk [tilespmem:v12+s8+$0x0], $0xffff  }
0x2dd: {  	v4 =	vadd.f32 v5, v4;
	v5 =	vmul.f32 v8, v11;
	v8 =	vld.idx.msk [tilespmem:v12+s9+$0x0], $0xffff;
	v11 =	vor.u32 s0, v2  }
0x2de: {  	s0 =	sadd.s32 $0xFFFFFFF0, s11;
	v12 =	vld.idx.msk [tilespmem:v10+s8+$0x0], $0xffff  }
0x2df: {  	v4 =	vadd.f32 v5, v4;
	v5 =	vmul.f32 v7, v13;
	v7 =	vld.idx.msk [tilespmem:v10+s9+$0x0], $0xffff;
	v10 =	vor.u32 s0, v2  }
0x2e0: {  	s0 =	sadd.s32 $0xFFFFFFF1, s11;
	v13 =	vld.idx.msk [tilespmem:v9+s8+$0x0], $0xffff  }
0x2e1: {  	v4 =	vadd.f32 v5, v4;
	v5 =	vmul.f32 v6, v14;
	v6 =	vld.idx.msk [tilespmem:v9+s9+$0x0], $0xffff;
	v9 =	vor.u32 s0, v2  }
0x2e2: {  	s0 =	sadd.s32 $0xFFFFFFF2, s11;
	v14 =	vld.idx.msk [tilespmem:v11+s8+$0x0], $0xffff  }
0x2e3: {  	v4 =	vadd.f32 v5, v4;
	v5 =	vmul.f32 v8, v15;
	v8 =	vld.idx.msk [tilespmem:v11+s9+$0x0], $0xffff;
	v11 =	vor.u32 s0, v2  }
0x2e4: {  	s0 =	sadd.s32 $0xFFFFFFF3, s11;
	v15 =	vld.idx.msk [tilespmem:v10+s8+$0x0], $0xffff  }
0x2e5: {  	v4 =	vadd.f32 v5, v4;
	v5 =	vmul.f32 v7, v12;
	v7 =	vld.idx.msk [tilespmem:v10+s9+$0x0], $0xffff;
	v10 =	vor.u32 s0, v2  }
0x2e6: {  	s0 =	sadd.s32 $0xFFFFFFF4, s11;
	v12 =	vld.idx.msk [tilespmem:v9+s8+$0x0], $0xffff  }
0x2e7: {  	v4 =	vadd.f32 v5, v4;
	v5 =	vmul.f32 v6, v13;
	v6 =	vld.idx.msk [tilespmem:v9+s9+$0x0], $0xffff;
	v9 =	vor.u32 s0, v2  }
0x2e8: {  	s0 =	sadd.s32 $0xFFFFFFF5, s11;
	v13 =	vld.idx.msk [tilespmem:v11+s8+$0x0], $0xffff  }
0x2e9: {  	v4 =	vadd.f32 v5, v4;
	v5 =	vmul.f32 v8, v14;
	v8 =	vld.idx.msk [tilespmem:v11+s9+$0x0], $0xffff;
	v11 =	vor.u32 s0, v2  }
0x2ea: {  	s0 =	sadd.s32 $0xFFFFFFF6, s11;
	v14 =	vld.idx.msk [tilespmem:v10+s8+$0x0], $0xffff  }
0x2eb: {  	v4 =	vadd.f32 v5, v4;
	v5 =	vmul.f32 v7, v15;
	v7 =	vld.idx.msk [tilespmem:v10+s9+$0x0], $0xffff;
	v10 =	vor.u32 s0, v2  }
0x2ec: {  	s0 =	sadd.s32 $0xFFFFFFF7, s11;
	v15 =	vld.idx.msk [tilespmem:v9+s8+$0x0], $0xffff  }
0x2ed: {  	v4 =	vadd.f32 v5, v4;
	v5 =	vmul.f32 v6, v12;
	v6 =	vld.idx.msk [tilespmem:v9+s9+$0x0], $0xffff;
	v9 =	vor.u32 s0, v2  }
0x2ee: {  	s0 =	sadd.s32 $0xFFFFFFF8, s11;
	v12 =	vld.idx.msk [tilespmem:v11+s8+$0x0], $0xffff  }
0x2ef: {  	v4 =	vadd.f32 v5, v4;
	v5 =	vmul.f32 v8, v13;
	v8 =	vld.idx.msk [tilespmem:v11+s9+$0x0], $0xffff;
	v11 =	vor.u32 s0, v2  }
0x2f0: {  	s0 =	sadd.s32 $0xFFFFFFF9, s11;
	v13 =	vld.idx.msk [tilespmem:v10+s8+$0x0], $0xffff  }
0x2f1: {  	v4 =	vadd.f32 v5, v4;
	v5 =	vmul.f32 v7, v14;
	v7 =	vld.idx.msk [tilespmem:v10+s9+$0x0], $0xffff;
	v10 =	vor.u32 s0, v2  }
0x2f2: {  	s0 =	sadd.s32 $0xFFFFFFFA, s11;
	v14 =	vld.idx.msk [tilespmem:v9+s8+$0x0], $0xffff  }
0x2f3: {  	v4 =	vadd.f32 v5, v4;
	v5 =	vmul.f32 v6, v15;
	v6 =	vld.idx.msk [tilespmem:v9+s9+$0x0], $0xffff;
	v9 =	vor.u32 s0, v2  }
0x2f4: {  	s0 =	sadd.s32 $0xFFFFFFFB, s11;
	v15 =	vld.idx.msk [tilespmem:v11+s8+$0x0], $0xffff  }
0x2f5: {  	v4 =	vadd.f32 v5, v4;
	v5 =	vmul.f32 v8, v12;
	v8 =	vld.idx.msk [tilespmem:v11+s9+$0x0], $0xffff;
	v11 =	vor.u32 s0, v2  }
0x2f6: {  	s0 =	sadd.s32 $0xFFFFFFFC, s11;
	v12 =	vld.idx.msk [tilespmem:v10+s8+$0x0], $0xffff  }
0x2f7: {  	v4 =	vadd.f32 v5, v4;
	v5 =	vmul.f32 v7, v13;
	v7 =	vld.idx.msk [tilespmem:v10+s9+$0x0], $0xffff;
	v10 =	vor.u32 s0, v2  }
0x2f8: {  	s0 =	sadd.s32 $0xFFFFFFFD, s11;
	v13 =	vld.idx.msk [tilespmem:v9+s8+$0x0], $0xffff  }
0x2f9: {  	v4 =	vadd.f32 v5, v4;
	v5 =	vmul.f32 v6, v14;
	v6 =	vld.idx.msk [tilespmem:v9+s9+$0x0], $0xffff;
	v9 =	vor.u32 s0, v2  }
0x2fa: {  	s0 =	sadd.s32 $0xFFFFFFFE, s11;
	v14 =	vld.idx.msk [tilespmem:v11+s8+$0x0], $0xffff  }
0x2fb: {  	v4 =	vadd.f32 v5, v4;
	v5 =	vmul.f32 v8, v15;
	v8 =	vld.idx.msk [tilespmem:v11+s9+$0x0], $0xffff;
	v11 =	vor.u32 s0, v2  }
0x2fc: {  	s0 =	sadd.s32 $0xFFFFFFFF, s11;
	v15 =	vld.idx.msk [tilespmem:v10+s8+$0x0], $0xffff  }
0x2fd: {  	v4 =	vadd.f32 v5, v4;
	v5 =	vmul.f32 v7, v12;
	v7 =	vld.idx.msk [tilespmem:v10+s9+$0x0], $0xffff;
	v10 =	vor.u32 s0, v2  }
0x2fe: {  	v12 =	vld.idx.msk [tilespmem:v9+s8+$0x0], $0xffff  }
0x2ff: {  	v4 =	vadd.f32 v5, v4;
	v5 =	vmul.f32 v6, v13;
	v6 =	vld.idx.msk [tilespmem:v9+s9+$0x0], $0xffff;
	v9 =	vor.u32 s11, v2;
	s11 =	smov.u32 s14  }
0x300: {  	v13 =	vld.idx.msk [tilespmem:v11+s8+$0x0], $0xffff  }
0x301: {  	v4 =	vadd.f32 v5, v4;
	v5 =	vmul.f32 v8, v14;
	v8 =	vld.idx.msk [tilespmem:v11+s9+$0x0], $0xffff  }
0x302: {  	v11 =	vld.idx.msk [tilespmem:v10+s8+$0x0], $0xffff  }
0x303: {  	v4 =	vadd.f32 v5, v4;
	v5 =	vmul.f32 v7, v15;
	v7 =	vld.idx.msk [tilespmem:v10+s9+$0x0], $0xffff  }
0x304: {  	v10 =	vld.idx.msk [tilespmem:v9+s8+$0x0], $0xffff  }
0x305: {  	v4 =	vadd.f32 v5, v4;
	v5 =	vmul.f32 v6, v12;
	v6 =	vld.idx.msk [tilespmem:v9+s9+$0x0], $0xffff;
	_ =	sdelay $0x1  }
0x306: {  	v4 =	vadd.f32 v5, v4;
	v5 =	vmul.f32 v8, v13;
	_ =	sdelay $0x1  }
.Ltmp4:
0x307: {  	v7 =	vmul.f32 v7, v11;
	v5 =	vadd.f32 v5, v4;
	(pc) =	sbr.rel @p0 .LBB2_7-.Ltmp4, $4  }
0x308: {  	s0 =	sadd.s32 $0xFFFFFFE2, s14  }
0x309: {  	s5 =	sadd.s32 $0xFFFFFFE1, s14;
	v4 =	vor.u32 s0, v2;
	v6 =	vmul.f32 v6, v10;
	v7 =	vadd.f32 v7, v5  }
0x30a: {  	v5 =	vor.u32 s5, v2  }
0x30b: {  	s14 =	sadd.s32 $0x200, s14;
	v6 =	vadd.f32 v6, v7  }
0x30c: {  	_ =	sdelay $0x1  }
0x30d: {  	s3 =	sadd.s32 $0x10, s3  }
0x30e: {  	[tilespmem:s3+$0x0] =	vst v6  }
0x30f: {  	s0 =	sadd.s32 $0xFFFFFFE3, s11;
	s4 =	sadd.s32 $0x10, s4;
	v6 =	vld.idx.msk [tilespmem:v5+s8+$0x0], $0xffff  }
0x310: {  	v7 =	vor.u32 s0, v2;
	v8 =	vld [tilespmem:s4+$0x0]  }
0x311: {  	s17 =	sadd.s32 $0xFFFFFFE4, s11;
	s18 =	sadd.s32 $0x10, s6;
	v44 =	vld.idx.msk [tilespmem:v5+s9+$0x0], $0xffff  }
0x312: {  	v9 =	vor.u32 s17, v2;
	v10 =	vld [tilespmem:s18+$0x0]  }
0x313: {  	s19 =	sadd.s32 $0xFFFFFFE5, s11;
	v11 =	vld.idx.msk [tilespmem:v4+s8+$0x0], $0xffff  }
0x314: {  	v12 =	vor.u32 s19, v2;
	v45 =	vld.idx.msk [tilespmem:v4+s9+$0x0], $0xffff  }
0x315: {  	s20 =	sadd.s32 $0xFFFFFFE6, s11;
	v13 =	vld.idx.msk [tilespmem:v7+s8+$0x0], $0xffff;
	v3 =	vadd.f32 v8, v3  }
0x316: {  	v46 =	vor.u32 s20, v2;
	v7 =	vld.idx.msk [tilespmem:v7+s9+$0x0], $0xffff  }
0x317: {  	s21 =	sadd.s32 $0xFFFFFFE7, s11;
	v14 =	vld.idx.msk [tilespmem:v9+s8+$0x0], $0xffff;
	v5 =	vmul.f32 v44, v6;
	v3 =	vadd.f32 v10, v3  }
0x318: {  	v48 =	vor.u32 s21, v2;
	v47 =	vld.idx.msk [tilespmem:v9+s9+$0x0], $0xffff  }
0x319: {  	s22 =	sadd.s32 $0xFFFFFFE8, s11;
	v49 =	vld.idx.msk [tilespmem:v12+s8+$0x0], $0xffff;
	v4 =	vmul.f32 v45, v11;
	v3 =	vadd.f32 v5, v3  }
0x31a: {  	v51 =	vor.u32 s22, v2;
	v50 =	vld.idx.msk [tilespmem:v12+s9+$0x0], $0xffff  }
0x31b: {  	s23 =	sadd.s32 $0xFFFFFFE9, s11;
	v52 =	vld.idx.msk [tilespmem:v46+s8+$0x0], $0xffff;
	v53 =	vmul.f32 v7, v13;
	v3 =	vadd.f32 v4, v3  }
0x31c: {  	v55 =	vor.u32 s23, v2;
	v54 =	vld.idx.msk [tilespmem:v46+s9+$0x0], $0xffff  }
0x31d: {  	s24 =	sadd.s32 $0xFFFFFFEA, s11;
	v56 =	vld.idx.msk [tilespmem:v48+s8+$0x0], $0xffff;
	v57 =	vmul.f32 v47, v14;
	v3 =	vadd.f32 v53, v3  }
0x31e: {  	v59 =	vor.u32 s24, v2;
	v58 =	vld.idx.msk [tilespmem:v48+s9+$0x0], $0xffff  }
0x31f: {  	s25 =	sadd.s32 $0xFFFFFFEB, s11;
	v60 =	vld.idx.msk [tilespmem:v51+s8+$0x0], $0xffff;
	v61 =	vmul.f32 v50, v49;
	v3 =	vadd.f32 v57, v3  }
0x320: {  	v63 =	vor.u32 s25, v2;
	v62 =	vld.idx.msk [tilespmem:v51+s9+$0x0], $0xffff  }
0x321: {  	s28 =	sadd.s32 $0xFFFFFFEC, s11;
	v16 =	vld.idx.msk [tilespmem:v55+s8+$0x0], $0xffff;
	v17 =	vmul.f32 v54, v52;
	v3 =	vadd.f32 v61, v3  }
0x322: {  	v19 =	vor.u32 s28, v2;
	v18 =	vld.idx.msk [tilespmem:v55+s9+$0x0], $0xffff  }
0x323: {  	s30 =	sadd.s32 $0xFFFFFFED, s11;
	v20 =	vld.idx.msk [tilespmem:v59+s8+$0x0], $0xffff;
	v21 =	vmul.f32 v58, v56;
	v3 =	vadd.f32 v17, v3  }
0x324: {  	v23 =	vor.u32 s30, v2;
	v22 =	vld.idx.msk [tilespmem:v59+s9+$0x0], $0xffff  }
0x325: {  	s31 =	sadd.s32 $0xFFFFFFEE, s11;
	v24 =	vld.idx.msk [tilespmem:v63+s8+$0x0], $0xffff;
	v25 =	vmul.f32 v62, v60;
	v3 =	vadd.f32 v21, v3  }
0x326: {  	v27 =	vor.u32 s31, v2;
	v26 =	vld.idx.msk [tilespmem:v63+s9+$0x0], $0xffff  }
0x327: {  	s1 =	sadd.s32 $0xFFFFFFEF, s11;
	v28 =	vld.idx.msk [tilespmem:v19+s8+$0x0], $0xffff;
	v29 =	vmul.f32 v18, v16;
	v3 =	vadd.f32 v25, v3  }
0x328: {  	v31 =	vor.u32 s1, v2;
	v30 =	vld.idx.msk [tilespmem:v19+s9+$0x0], $0xffff  }
0x329: {  	s2 =	sadd.s32 $0xFFFFFFF0, s11;
	v32 =	vld.idx.msk [tilespmem:v23+s8+$0x0], $0xffff;
	v33 =	vmul.f32 v22, v20;
	v3 =	vadd.f32 v29, v3  }
0x32a: {  	v35 =	vor.u32 s2, v2;
	v34 =	vld.idx.msk [tilespmem:v23+s9+$0x0], $0xffff  }
0x32b: {  	s4 =	sadd.s32 $0xFFFFFFF1, s11;
	v36 =	vld.idx.msk [tilespmem:v27+s8+$0x0], $0xffff;
	v37 =	vmul.f32 v26, v24;
	v3 =	vadd.f32 v33, v3  }
0x32c: {  	v39 =	vor.u32 s4, v2;
	v38 =	vld.idx.msk [tilespmem:v27+s9+$0x0], $0xffff  }
0x32d: {  	s5 =	sadd.s32 $0xFFFFFFF2, s11;
	v40 =	vld.idx.msk [tilespmem:v31+s8+$0x0], $0xffff;
	v41 =	vmul.f32 v30, v28;
	v3 =	vadd.f32 v37, v3  }
0x32e: {  	v43 =	vor.u32 s5, v2;
	v42 =	vld.idx.msk [tilespmem:v31+s9+$0x0], $0xffff  }
0x32f: {  	s6 =	sadd.s32 $0xFFFFFFF3, s11;
	v46 =	vld.idx.msk [tilespmem:v35+s9+$0x0], $0xffff;
	v45 =	vmul.f32 v34, v32;
	v3 =	vadd.f32 v41, v3  }
0x330: {  	v44 =	vld.idx.msk [tilespmem:v35+s8+$0x0], $0xffff;
	v47 =	vor.u32 s6, v2  }
0x331: {  	s10 =	sadd.s32 $0xFFFFFFF4, s11;
	v48 =	vld.idx.msk [tilespmem:v39+s8+$0x0], $0xffff;
	v49 =	vmul.f32 v38, v36;
	v3 =	vadd.f32 v45, v3  }
0x332: {  	v51 =	vor.u32 s10, v2;
	v50 =	vld.idx.msk [tilespmem:v39+s9+$0x0], $0xffff  }
0x333: {  	s13 =	sadd.s32 $0xFFFFFFF5, s11;
	v52 =	vld.idx.msk [tilespmem:v43+s8+$0x0], $0xffff;
	v53 =	vmul.f32 v42, v40;
	v3 =	vadd.f32 v49, v3  }
0x334: {  	v55 =	vor.u32 s13, v2;
	v54 =	vld.idx.msk [tilespmem:v43+s9+$0x0], $0xffff  }
0x335: {  	s14 =	sadd.s32 $0xFFFFFFF6, s11;
	v56 =	vld.idx.msk [tilespmem:v47+s8+$0x0], $0xffff;
	v57 =	vmul.f32 v46, v44;
	v3 =	vadd.f32 v53, v3  }
0x336: {  	v59 =	vor.u32 s14, v2;
	v58 =	vld.idx.msk [tilespmem:v47+s9+$0x0], $0xffff  }
0x337: {  	s15 =	sadd.s32 $0xFFFFFFF7, s11;
	v60 =	vld.idx.msk [tilespmem:v51+s8+$0x0], $0xffff;
	v61 =	vmul.f32 v50, v48;
	v3 =	vadd.f32 v57, v3  }
0x338: {  	v63 =	vor.u32 s15, v2;
	v62 =	vld.idx.msk [tilespmem:v51+s9+$0x0], $0xffff  }
0x339: {  	s17 =	sadd.s32 $0xFFFFFFF8, s11;
	v16 =	vld.idx.msk [tilespmem:v55+s8+$0x0], $0xffff;
	v17 =	vmul.f32 v54, v52;
	v3 =	vadd.f32 v61, v3  }
0x33a: {  	v19 =	vor.u32 s17, v2;
	v18 =	vld.idx.msk [tilespmem:v55+s9+$0x0], $0xffff  }
0x33b: {  	s18 =	sadd.s32 $0xFFFFFFF9, s11;
	v20 =	vld.idx.msk [tilespmem:v59+s8+$0x0], $0xffff;
	v21 =	vmul.f32 v58, v56;
	v3 =	vadd.f32 v17, v3  }
0x33c: {  	v23 =	vor.u32 s18, v2;
	v22 =	vld.idx.msk [tilespmem:v59+s9+$0x0], $0xffff  }
0x33d: {  	s19 =	sadd.s32 $0xFFFFFFFA, s11;
	v24 =	vld.idx.msk [tilespmem:v63+s8+$0x0], $0xffff;
	v25 =	vmul.f32 v62, v60;
	v3 =	vadd.f32 v21, v3  }
0x33e: {  	v27 =	vor.u32 s19, v2;
	v26 =	vld.idx.msk [tilespmem:v63+s9+$0x0], $0xffff  }
0x33f: {  	s20 =	sadd.s32 $0xFFFFFFFB, s11;
	v28 =	vld.idx.msk [tilespmem:v19+s8+$0x0], $0xffff;
	v29 =	vmul.f32 v18, v16;
	v3 =	vadd.f32 v25, v3  }
0x340: {  	v31 =	vor.u32 s20, v2;
	v30 =	vld.idx.msk [tilespmem:v19+s9+$0x0], $0xffff  }
0x341: {  	s21 =	sadd.s32 $0xFFFFFFFC, s11;
	v32 =	vld.idx.msk [tilespmem:v23+s8+$0x0], $0xffff;
	v33 =	vmul.f32 v22, v20;
	v3 =	vadd.f32 v29, v3  }
0x342: {  	v35 =	vor.u32 s21, v2;
	v34 =	vld.idx.msk [tilespmem:v23+s9+$0x0], $0xffff  }
0x343: {  	s22 =	sadd.s32 $0xFFFFFFFD, s11;
	v36 =	vld.idx.msk [tilespmem:v27+s8+$0x0], $0xffff;
	v37 =	vmul.f32 v26, v24;
	v3 =	vadd.f32 v33, v3  }
0x344: {  	v38 =	vld.idx.msk [tilespmem:v27+s9+$0x0], $0xffff;
	v39 =	vor.u32 s22, v2  }
0x345: {  	s23 =	sadd.s32 $0xFFFFFFFE, s11;
	v40 =	vld.idx.msk [tilespmem:v31+s8+$0x0], $0xffff;
	v41 =	vmul.f32 v30, v28;
	v3 =	vadd.f32 v37, v3  }
0x346: {  	v43 =	vor.u32 s23, v2;
	v42 =	vld.idx.msk [tilespmem:v31+s9+$0x0], $0xffff  }
0x347: {  	s24 =	sadd.s32 $0xFFFFFFFF, s11;
	v44 =	vld.idx.msk [tilespmem:v35+s8+$0x0], $0xffff;
	v45 =	vmul.f32 v34, v32;
	v3 =	vadd.f32 v41, v3  }
0x348: {  	v47 =	vor.u32 s24, v2;
	v46 =	vld.idx.msk [tilespmem:v35+s9+$0x0], $0xffff  }
0x349: {  	v48 =	vld.idx.msk [tilespmem:v39+s8+$0x0], $0xffff;
	v49 =	vmul.f32 v38, v36;
	v3 =	vadd.f32 v45, v3  }
0x34a: {  	v51 =	vor.u32 s11, v2;
	v50 =	vld.idx.msk [tilespmem:v39+s9+$0x0], $0xffff  }
0x34b: {  	v52 =	vld.idx.msk [tilespmem:v43+s8+$0x0], $0xffff;
	v53 =	vmul.f32 v42, v40;
	v3 =	vadd.f32 v49, v3  }
0x34c: {  	v54 =	vld.idx.msk [tilespmem:v43+s9+$0x0], $0xffff  }
0x34d: {  	v55 =	vld.idx.msk [tilespmem:v47+s8+$0x0], $0xffff;
	v56 =	vmul.f32 v46, v44;
	v3 =	vadd.f32 v53, v3  }
0x34e: {  	v57 =	vld.idx.msk [tilespmem:v47+s9+$0x0], $0xffff  }
0x34f: {  	v58 =	vld.idx.msk [tilespmem:v51+s8+$0x0], $0xffff;
	v59 =	vmul.f32 v50, v48;
	v3 =	vadd.f32 v56, v3  }
0x350: {  	v60 =	vld.idx.msk [tilespmem:v51+s9+$0x0], $0xffff  }
0x351: {  	v61 =	vmul.f32 v54, v52;
	v3 =	vadd.f32 v59, v3;
	_ =	sdelay $0x1  }
0x352: {  	v62 =	vmul.f32 v57, v55;
	v3 =	vadd.f32 v61, v3;
	_ =	sdelay $0x1  }
0x353: {  	v63 =	vmul.f32 v60, v58;
	v3 =	vadd.f32 v62, v3;
	_ =	sdelay $0x1  }
0x354: {  	v3 =	vadd.f32 v63, v3  }
0x355: {  	s25 =	sadd.s32 $0x10, s3;
	s28 =	rddreg [dreg:$0xb]  }
0x356: {  	s1 =	simm.s32 $0x18880;
	s3 =	simm.s32 $0x4;
	s10 =	simm.s32 $0x0;
	[tilespmem:s25+$0x0] =	vst v3  }
0x357: {  	[hbm4b:s28+s10] =	stream.linear.scatter [tilespmem:s1], [sflag:$0x4], $0x200, $0x38;
	[tilespmem:$0x18A80] =	vst v63  }
0x358: {  	_ =	swait.ge [sflag:s3], $0x200  }
0x359: {  	s30 =	rddreg [dreg:$0xd]  }
0x35a: {  	s31 =	rddreg [dreg:$0xc];
	s1 =	sadd.s32 $0x1, s30  }
0x35b: {  	p0 =	sne.s32 s1, s31  }
.Ltmp5:
0x35c: {  	_ = 	snop;
	(pc) =	sbr.rel @p0 .LBB2_1-.Ltmp5, $3  }
0x35d: {  	_ =	sdelay $0x1  }
0x35e: {  	[sflag:s3] =	ssyncset.done $0x0  }
0x35f: {  	[sflag:s3] =	ssyncadd.s32 $0xFFFFFE00  }
0x360: {  	_ =	sfence.sel $0x180000  }
0x361: {  	[bflag:$0x0] =	sbarrier.arrive $0xFFFF  }
0x362: {  	_ =	strace $0x90000047  }
0x363: {  	s0 =	stileid.u32;
	[bflag:$0x2] =	sbarrier.arrive $0xFFFF  }
0x364: {  	p0 =	sne.s32 s0, $0x0;
	s0 =	rddreg [dreg:$0x6]  }
0x365: {  	s0 =	sadd.s32 @!p0 $0x100000, s0  }
0x366: {  	[sflag:s0] =	ssyncadd.tile.s32 @!p0 $0x1;
	_ =	shalt  }
.Lfunc_end2:
_tile_overlayer_lowered:
.L_overlay_start_2:
0x367: {  	(tag) =	ssettag $0x2  }
0x368: {  	s0 =	rddreg [dreg:$0x0];
	s2 =	stileid.u32  }
0x369: {  	s1 =	rddreg [dreg:$0x1];
	p0 =	sne.s32 s2, $0x0  }
0x36a: {  	s3 =	rddreg [dreg:$0x2];
	[bflag:$0x3] =	sbarrier.arrive $0xFFFF;
	s2 =	simm.s32 @!p0 $0x1C04  }
0x36b: {  	[timem:s3], [sflag:s2] =	dma.local @!p0 [hbm:s0], s1  }
0x36c: {  	s0 =	simm.s32 @!p0 $0x4  }
0x36d: {  	_ =	swait.ge @!p0 [sflag:s0], s1  }
0x36e: {  	s1 =	ssub.s32 @!p0 $0x0, s1;
	[sflag:s0] =	ssyncset.done @!p0 $0x0  }
0x36f: {  	[sflag:s0] =	ssyncadd.s32 @!p0 s1  }
0x370: {  	[bflag:$0x3] =	sbarrier.arrive $0xFFFF  }
0x371: {  	_ =	shalt  }

</sc_bundles>
